<compile_context>
chip_gen: v7x
topology: tpu7x:2x2x1
jax: 0.10.2.dev20260603
libtpu: 0.0.44.dev20260713+nightly
codegen_flags: <defaults>
</compile_context>

<pallas_src>
import functools

import jax
import jax.numpy as jnp
from jax import lax
from jax.experimental import pallas as pl
from jax.experimental.pallas import tpu as pltpu
from jax.experimental.pallas import tpu_sc as plsc

N = 10000
DEG = 32
D = 128
R = 8
OUT = 128

NC = 2
NS = 16
NW = NC * NS
NPW = 320
N_PAD = NW * NPW
E_PAD = N_PAD * DEG
CHUNK_E = 64
CN = CHUNK_E // DEG
NCH = (NPW * DEG) // CHUNK_E
NBUF = 2
NACC = NBUF
LANES = 16


def _scale_body(et_ref, sc_ref):
    et = et_ref[...]
    parts = []
    for r in range(R):
        m = (et == r).astype(jnp.float32)
        cnt = jnp.sum(m, axis=1, keepdims=True)
        parts.append(m / jnp.maximum(cnt, 1.0))
    sc_ref[...] = jnp.concatenate(parts, axis=1)


def _edge_meta(et2):
    BN = 2048
    return pl.pallas_call(
        _scale_body,
        grid=(N_PAD // BN,),
        in_specs=[pl.BlockSpec((BN, DEG), lambda i: (i, 0))],
        out_specs=pl.BlockSpec((BN, R * DEG), lambda i: (i, 0)),
        out_shape=jax.ShapeDtypeStruct((N_PAD, R * DEG), jnp.float32),
    )(et2)


_SC_MESH = plsc.VectorSubcoreMesh(core_axis_name="c", subcore_axis_name="s")


@functools.partial(
    pl.kernel,
    mesh=_SC_MESH,
    out_type=jax.ShapeDtypeStruct((N_PAD * R, OUT), jnp.float32),
    scratch_types=(
        [pltpu.VMEM((NPW * DEG,), jnp.int32)]
        + [pltpu.VMEM((CHUNK_E, OUT), jnp.float32) for _ in range(NBUF)]
        + [pltpu.VMEM((R, CHUNK_E), jnp.float32) for _ in range(NBUF)]
        + [pltpu.VMEM((CN * R, OUT), jnp.float32) for _ in range(NACC)]
        + [pltpu.VMEM_SHARED((N_PAD, OUT), jnp.float32)]
        + [pltpu.SemaphoreType.DMA for _ in range(NBUF)]
        + [pltpu.SemaphoreType.DMA for _ in range(NBUF)]
        + [pltpu.SemaphoreType.DMA for _ in range(NACC)]
    ),
)
def _sc_means(xt, colf, smat, out, colv, *rest):
    rows = rest[:NBUF]
    smv = rest[NBUF:2 * NBUF]
    accs = rest[2 * NBUF:2 * NBUF + NACC]
    xs = rest[2 * NBUF + NACC]
    sems = rest[2 * NBUF + NACC + 1:]
    gsems = sems[:NBUF]
    ssems = sems[NBUF:2 * NBUF]
    wsems = sems[2 * NBUF:]
    cid = lax.axis_index("c")
    sid = lax.axis_index("s")
    wid = sid * NC + cid
    nbase = wid * NPW
    ebase = nbase * DEG

    pltpu.sync_copy(xt.at[pl.ds(sid * (N_PAD // NS), N_PAD // NS)],
                    xs.at[pl.ds(sid * (N_PAD // NS), N_PAD // NS)])
    plsc.subcore_barrier()
    pltpu.sync_copy(colf.at[pl.ds(ebase, NPW * DEG)], colv)

    def gather(c, b):
        return pltpu.make_async_copy(
            xs.at[colv.at[pl.ds(c * CHUNK_E, CHUNK_E)]], rows[b], gsems[b])

    def sload(c, b):
        return pltpu.make_async_copy(
            smat.at[wid * NCH + c], smv[b], ssems[b])

    def mwrite(c, a):
        return pltpu.make_async_copy(
            accs[a],
            out.at[pl.ds((nbase + c * CN) * R, CN * R)], wsems[a])

    for b in range(NBUF):
        gather(b, b).start()
        sload(b, b).start()

    def chunk_group(g, carry):
        for b in range(NBUF):
            c = g * NBUF + b
            rows_b = rows[b]
            smv_b = smv[b]
            acc_b = accs[b]

            @pl.when(c >= NACC)
            def _():
                mwrite(c - NACC, b).wait()

            gather(c, b).wait()
            sload(c, b).wait()

            def node_body(n, carry2):
                for q in range(2):
                    accv = tuple(jnp.zeros((LANES,), jnp.float32)
                                 for _ in range(R * 4))
                    for h in range(DEG // LANES):
                        svecs = [smv_b[r, pl.ds(n * DEG + h * LANES, LANES)]
                                 for r in range(R)]

                        def edge_body(j, accv_in, h=h, svecs=svecs):
                            e = n * DEG + h * LANES + j
                            jv = jnp.full((LANES, 1), j, jnp.int32)
                            dn = lax.GatherDimensionNumbers(
                                offset_dims=(), collapsed_slice_dims=(0,),
                                start_index_map=(0,))
                            sb = [lax.gather(
                                svecs[r], jv, dimension_numbers=dn,
                                slice_sizes=(1,),
                                mode=lax.GatherScatterMode.PROMISE_IN_BOUNDS)
                                for r in range(R)]
                            rowk = [rows_b[e, pl.ds((q * 4 + k) * LANES,
                                                    LANES)]
                                    for k in range(4)]
                            return tuple(
                                accv_in[r * 4 + k] + sb[r] * rowk[k]
                                for r in range(R) for k in range(4)
                            )

                        accv = lax.fori_loop(0, LANES, edge_body, accv)
                    for r in range(R):
                        for k in range(4):
                            acc_b[n * R + r,
                                  pl.ds((q * 4 + k) * LANES, LANES)] = (
                                accv[r * 4 + k])
                return carry2

            lax.fori_loop(0, CN, node_body, 0)

            mwrite(c, b).start()

            @pl.when(c + NBUF < NCH)
            def _():
                gather(c + NBUF, b).start()
                sload(c + NBUF, b).start()
        return carry

    lax.fori_loop(0, NCH // NBUF, chunk_group, 0)
    for a_idx in range(NACC):
        c_tail = NCH - NACC + a_idx
        mwrite(c_tail, c_tail % NBUF).wait()


def _final_body(m_ref, x_ref, wr_ref, wroot_ref, b_ref, o_ref):
    o_ref[...] = (
        jnp.dot(m_ref[...], wr_ref[...], preferred_element_type=jnp.float32)
        + jnp.dot(x_ref[...], wroot_ref[...],
                  preferred_element_type=jnp.float32)
        + b_ref[...])


def _final_matmul(m2, x_pad, wr, wroot, bias):
    BN = 512
    return pl.pallas_call(
        _final_body,
        grid=(N_PAD // BN,),
        in_specs=[
            pl.BlockSpec((BN, R * D), lambda i: (i, 0)),
            pl.BlockSpec((BN, D), lambda i: (i, 0)),
            pl.BlockSpec((R * D, OUT), lambda i: (0, 0)),
            pl.BlockSpec((D, OUT), lambda i: (0, 0)),
            pl.BlockSpec((OUT,), lambda i: (0,)),
        ],
        out_specs=pl.BlockSpec((BN, OUT), lambda i: (i, 0)),
        out_shape=jax.ShapeDtypeStruct((N_PAD, OUT), jnp.float32),
    )(m2, x_pad, wr, wroot, bias)


def kernel(x_feat, csr_row_ptr, csr_col_ind, edge_type, weight, bias):
    del csr_row_ptr
    x_pad = jnp.zeros((N_PAD, D), jnp.float32).at[:N].set(x_feat)
    et2 = jnp.zeros((N_PAD, DEG), jnp.int32).at[:N].set(
        edge_type.reshape(N, DEG))
    col2 = jnp.zeros((N_PAD, DEG), jnp.int32).at[:N].set(
        csr_col_ind.reshape(N, DEG))

    sc2 = _edge_meta(et2)
    smat = (sc2.reshape(N_PAD // CN, CN, R, DEG)
            .transpose(0, 2, 1, 3)
            .reshape(N_PAD // CN, R, CHUNK_E))
    colf = col2.reshape(E_PAD)

    m = _sc_means(x_pad, colf, smat)
    m2 = m.reshape(N_PAD, R * D)
    wr = weight[:R].reshape(R * D, OUT)
    y_pad = _final_matmul(m2, x_pad, wr, weight[R], bias)
    return y_pad[:N]

# --- scband reference (transcript-rebuilt; emitter-appended) ---
"""Pipeline reference for scband-rgcnconv-38500086841697 (READ-ONLY COPY).

The authoritative reference and input builder live on the scoring server;
editing this copy changes nothing except your own understanding.
"""

import jax, jax.numpy as jnp
import numpy as np

N = 10000
DEG = 32
E = N * DEG
D = 128
R = 8
OUT = 128


def setup_inputs(seed: int = 0) -> dict:
    key = jax.random.key(seed)
    k1, k2, k3, k4 = jax.random.split(key, 4)
    # uniform-degree CSR row pointer: exact valid CSR (starts at 0, ends at E)
    csr_row_ptr = jnp.arange(N + 1, dtype=jnp.int32) * DEG
    csr_col_ind = jax.random.randint(k1, (E,), 0, N, dtype=jnp.int32)
    edge_type = jax.random.randint(k2, (E,), 0, R, dtype=jnp.int32)
    x_feat = jax.random.normal(k3, (N, D), dtype=jnp.float32)
    # weight: (num_relations + 1 root) x in x out, xavier-ish init
    weight = jax.random.normal(k4, (R + 1, D, OUT), dtype=jnp.float32) * (1.0 / np.sqrt(D))
    bias = jnp.zeros((OUT,), dtype=jnp.float32)
    return {
        "x_feat": x_feat,
        "csr_row_ptr": csr_row_ptr,
        "csr_col_ind": csr_col_ind,
        "edge_type": edge_type,
        "weight": weight,
        "bias": bias,
    }


def reference(x_feat, csr_row_ptr, csr_col_ind, edge_type, weight, bias):
    # Recover destination row of each edge from the CSR row pointer.
    rows = jnp.searchsorted(csr_row_ptr, jnp.arange(E, dtype=jnp.int32), side="right") - 1
    rows = rows.astype(jnp.int32)
    # Per-(node, relation) segment id for typed aggregation.
    seg = rows * R + edge_type
    # Gather neighbor features (memory-bound gather).
    gathered = jnp.take(x_feat, csr_col_ind, axis=0)  # [E, D]
    # Per-relation scatter-add (agg_hg_basis_n2n_post with basis=None).
    summed = jax.ops.segment_sum(gathered, seg, num_segments=N * R)  # [N*R, D]
    counts = jax.ops.segment_sum(jnp.ones((E,), jnp.float32), seg, num_segments=N * R)
    # aggr='mean': mean over neighbors within each relation (0 where empty).
    mean = summed / jnp.clip(counts, 1.0)[:, None]
    x_agg = mean.reshape(N, R * D)
    # root_weight=True: self features concatenated last (root weight at index -1).
    x_agg = jnp.concatenate([x_agg, x_feat], axis=1)  # [N, (R+1)*D]
    y = x_agg @ weight.reshape(-1, OUT)
    y = y + bias
    return y

if __name__ == "__main__":
    import jax
    _d = setup_inputs()
    print(jax.jit(kernel)(*tuple(_d.values())))

</pallas_src>

<mosaic_0001>
#map = affine_map<(d0, d1) -> (0, 0)>
#map1 = affine_map<(d0, d1) -> (0)>
#map2 = affine_map<(d0, d1) -> (0, 0, 0)>
module attributes {stable_mosaic.version = 14 : i64} {
  func.func @_sc_means(%arg0: i32, %arg1: i32, %arg2: memref<10240x128xf32, #tpu.memory_space<hbm>>, %arg3: memref<327680xi32, #tpu.memory_space<hbm>>, %arg4: memref<5120x8x64xf32, #tpu.memory_space<hbm>>, %arg5: memref<81920x128xf32, #tpu.memory_space<hbm>>, %arg6: memref<10240xi32, #tpu.memory_space<vmem>>, %arg7: memref<64x128xf32, #tpu.memory_space<vmem>>, %arg8: memref<64x128xf32, #tpu.memory_space<vmem>>, %arg9: memref<8x64xf32, #tpu.memory_space<vmem>>, %arg10: memref<8x64xf32, #tpu.memory_space<vmem>>, %arg11: memref<16x128xf32, #tpu.memory_space<vmem>>, %arg12: memref<16x128xf32, #tpu.memory_space<vmem>>, %arg13: memref<10240x128xf32, #tpu.memory_space<vmem_shared>>, %arg14: memref<!tpu.dma_semaphore, #tpu.memory_space<semaphore_mem>>, %arg15: memref<!tpu.dma_semaphore, #tpu.memory_space<semaphore_mem>>, %arg16: memref<!tpu.dma_semaphore, #tpu.memory_space<semaphore_mem>>, %arg17: memref<!tpu.dma_semaphore, #tpu.memory_space<semaphore_mem>>, %arg18: memref<!tpu.dma_semaphore, #tpu.memory_space<semaphore_mem>>, %arg19: memref<!tpu.dma_semaphore, #tpu.memory_space<semaphore_mem>>) attributes {dimension_semantics = [#tpu.dimension_semantics<core_parallel>, #tpu.dimension_semantics<subcore_parallel>], iteration_bounds = array<i64: 2, 16>, scalar_prefetch = 0 : i64, scratch_operands = 14 : i64, tpu.core_type = #tpu.core_type<sc_vector_subcore>, window_params = [{transform_indices = #map}, {transform_indices = #map1}, {transform_indices = #map2}, {transform_indices = #map}]} {
    %mul3A = arith.constant 2 : i32
    %mul3A_0 = arith.muli %arg1, %mul3A : i32
    %add3A = arith.addi %mul3A_0, %arg0 : i32
    %mul3A_1 = arith.constant 320 : i32
    %mul3A_2 = arith.muli %add3A, %mul3A_1 : i32
    %mul3A_3 = arith.constant 32 : i32
    %mul3A_4 = arith.muli %mul3A_2, %mul3A_3 : i32
    %mul3A_5 = arith.constant 640 : i32
    %mul3A_6 = arith.muli %arg1, %mul3A_5 : i32
    %mul3A_7 = arith.constant 640 : i32
    %mul3A_8 = arith.muli %arg1, %mul3A_7 : i32
    "tpu.region"() ({
      %run_scoped3A = tpu.sem_alloc : memref<!tpu.dma_semaphore, #tpu.memory_space<semaphore_mem>>
      %dma_start3A_62 = arith.constant 0 : i32
      %dma_start3A_63 = tpu.memref_slice %arg13[%mul3A_8, %dma_start3A_62] : memref<10240x128xf32, #tpu.memory_space<vmem_shared>> -> memref<640x128xf32, #tpu.memory_space<vmem_shared>>
      %dma_start3A_64 = arith.constant 0 : i32
      %dma_start3A_65 = tpu.memref_slice %arg2[%mul3A_6, %dma_start3A_64] : memref<10240x128xf32, #tpu.memory_space<hbm>> -> memref<640x128xf32, #tpu.memory_space<hbm>>
      tpu.enqueue_dma source(%dma_start3A_65 : memref<640x128xf32, #tpu.memory_space<hbm>>) target(%dma_start3A_63 : memref<640x128xf32, #tpu.memory_space<vmem_shared>>) target_semaphore(%run_scoped3A : memref<!tpu.dma_semaphore, #tpu.memory_space<semaphore_mem>>)
      %dma_wait3A_66 = arith.constant 0 : i32
      %dma_wait3A_67 = tpu.memref_slice %arg13[%mul3A_8, %dma_wait3A_66] : memref<10240x128xf32, #tpu.memory_space<vmem_shared>> -> memref<640x128xf32, #tpu.memory_space<vmem_shared>>
      %dma_wait3A_68 = arith.constant 0 : i32
      %dma_wait3A_69 = tpu.memref_slice %arg2[%mul3A_6, %dma_wait3A_68] : memref<10240x128xf32, #tpu.memory_space<hbm>> -> memref<640x128xf32, #tpu.memory_space<hbm>>
      tpu.wait_dma2 semaphore(%run_scoped3A : memref<!tpu.dma_semaphore, #tpu.memory_space<semaphore_mem>>) src(%dma_wait3A_69 : memref<640x128xf32, #tpu.memory_space<hbm>>) dst(%dma_wait3A_67 : memref<640x128xf32, #tpu.memory_space<vmem_shared>>)
      tpu.yield
    }) : () -> ()
    %barrier3A = arith.constant 0 : index
    tpu.barrier barrier_id(%barrier3A)
    "tpu.region"() ({
      %run_scoped3A = tpu.sem_alloc : memref<!tpu.dma_semaphore, #tpu.memory_space<semaphore_mem>>
      %dma_start3A_62 = tpu.memref_slice %arg3[%mul3A_4] : memref<327680xi32, #tpu.memory_space<hbm>> -> memref<10240xi32, #tpu.memory_space<hbm>>
      %dma_start3A_63 = tpu.memref_slice %arg3[%mul3A_4] : memref<327680xi32, #tpu.memory_space<hbm>> -> memref<10240xi32, #tpu.memory_space<hbm>>
      tpu.enqueue_dma source(%dma_start3A_63 : memref<10240xi32, #tpu.memory_space<hbm>>) target(%arg6 : memref<10240xi32, #tpu.memory_space<vmem>>) target_semaphore(%run_scoped3A : memref<!tpu.dma_semaphore, #tpu.memory_space<semaphore_mem>>)
      %dma_wait3A_64 = tpu.memref_slice %arg3[%mul3A_4] : memref<327680xi32, #tpu.memory_space<hbm>> -> memref<10240xi32, #tpu.memory_space<hbm>>
      %dma_wait3A_65 = tpu.memref_slice %arg3[%mul3A_4] : memref<327680xi32, #tpu.memory_space<hbm>> -> memref<10240xi32, #tpu.memory_space<hbm>>
      tpu.wait_dma2 semaphore(%run_scoped3A : memref<!tpu.dma_semaphore, #tpu.memory_space<semaphore_mem>>) src(%dma_wait3A_65 : memref<10240xi32, #tpu.memory_space<hbm>>) dst(%arg6 : memref<10240xi32, #tpu.memory_space<vmem>>)
      tpu.yield
    }) : () -> ()
    %dma_start3A = arith.constant 0 : i32
    %dma_start3A_9 = tpu.memref_slice %arg6[%dma_start3A] : memref<10240xi32, #tpu.memory_space<vmem>> -> memref<64xi32, #tpu.memory_space<vmem>>
    %dma_start3A_10 = arith.constant 0 : i32
    %dma_start3A_11 = arith.constant 0 : i32
    %dma_start3A_12 = tpu.memref_slice %arg13[%dma_start3A_10, %dma_start3A_11] : memref<10240x128xf32, #tpu.memory_space<vmem_shared>> -> memref<10240x128xf32, #tpu.memory_space<vmem_shared>>
    tpu.enqueue_indirect_dma source(%dma_start3A_12 : memref<10240x128xf32, #tpu.memory_space<vmem_shared>>) target(%arg7 : memref<64x128xf32, #tpu.memory_space<vmem>>) offsets(%dma_start3A_9 : memref<64xi32, #tpu.memory_space<vmem>>) semaphore(%arg14 : memref<!tpu.dma_semaphore, #tpu.memory_space<semaphore_mem>>)
    %mul3A_13 = arith.constant 160 : i32
    %mul3A_14 = arith.muli %add3A, %mul3A_13 : i32
    %add3A_15 = arith.constant 0 : i32
    %add3A_16 = arith.addi %mul3A_14, %add3A_15 : i32
    %dma_start3A_17 = arith.constant 0 : i32
    %dma_start3A_18 = arith.constant 0 : i32
    %dma_start3A_19 = tpu.memref_slice %arg4[%add3A_16, %dma_start3A_17, %dma_start3A_18] : memref<5120x8x64xf32, #tpu.memory_space<hbm>> -> memref<1x8x64xf32, #tpu.memory_space<hbm>>
    %dma_start3A_20 = tpu.memref_squeeze %dma_start3A_19 : memref<1x8x64xf32, #tpu.memory_space<hbm>> -> memref<8x64xf32, #tpu.memory_space<hbm>>
    %dma_start3A_21 = arith.constant 0 : i32
    %dma_start3A_22 = arith.constant 0 : i32
    %dma_start3A_23 = tpu.memref_slice %arg4[%add3A_16, %dma_start3A_21, %dma_start3A_22] : memref<5120x8x64xf32, #tpu.memory_space<hbm>> -> memref<1x8x64xf32, #tpu.memory_space<hbm>>
    %dma_start3A_24 = tpu.memref_squeeze %dma_start3A_23 : memref<1x8x64xf32, #tpu.memory_space<hbm>> -> memref<8x64xf32, #tpu.memory_space<hbm>>
    tpu.enqueue_dma source(%dma_start3A_24 : memref<8x64xf32, #tpu.memory_space<hbm>>) target(%arg9 : memref<8x64xf32, #tpu.memory_space<vmem>>) target_semaphore(%arg16 : memref<!tpu.dma_semaphore, #tpu.memory_space<semaphore_mem>>)
    %dma_start3A_25 = arith.constant 64 : i32
    %dma_start3A_26 = tpu.memref_slice %arg6[%dma_start3A_25] : memref<10240xi32, #tpu.memory_space<vmem>> -> memref<64xi32, #tpu.memory_space<vmem>>
    %dma_start3A_27 = arith.constant 0 : i32
    %dma_start3A_28 = arith.constant 0 : i32
    %dma_start3A_29 = tpu.memref_slice %arg13[%dma_start3A_27, %dma_start3A_28] : memref<10240x128xf32, #tpu.memory_space<vmem_shared>> -> memref<10240x128xf32, #tpu.memory_space<vmem_shared>>
    tpu.enqueue_indirect_dma source(%dma_start3A_29 : memref<10240x128xf32, #tpu.memory_space<vmem_shared>>) target(%arg8 : memref<64x128xf32, #tpu.memory_space<vmem>>) offsets(%dma_start3A_26 : memref<64xi32, #tpu.memory_space<vmem>>) semaphore(%arg15 : memref<!tpu.dma_semaphore, #tpu.memory_space<semaphore_mem>>)
    %mul3A_30 = arith.constant 160 : i32
    %mul3A_31 = arith.muli %add3A, %mul3A_30 : i32
    %add3A_32 = arith.constant 1 : i32
    %add3A_33 = arith.addi %mul3A_31, %add3A_32 : i32
    %dma_start3A_34 = arith.constant 0 : i32
    %dma_start3A_35 = arith.constant 0 : i32
    %dma_start3A_36 = tpu.memref_slice %arg4[%add3A_33, %dma_start3A_34, %dma_start3A_35] : memref<5120x8x64xf32, #tpu.memory_space<hbm>> -> memref<1x8x64xf32, #tpu.memory_space<hbm>>
    %dma_start3A_37 = tpu.memref_squeeze %dma_start3A_36 : memref<1x8x64xf32, #tpu.memory_space<hbm>> -> memref<8x64xf32, #tpu.memory_space<hbm>>
    %dma_start3A_38 = arith.constant 0 : i32
    %dma_start3A_39 = arith.constant 0 : i32
    %dma_start3A_40 = tpu.memref_slice %arg4[%add3A_33, %dma_start3A_38, %dma_start3A_39] : memref<5120x8x64xf32, #tpu.memory_space<hbm>> -> memref<1x8x64xf32, #tpu.memory_space<hbm>>
    %dma_start3A_41 = tpu.memref_squeeze %dma_start3A_40 : memref<1x8x64xf32, #tpu.memory_space<hbm>> -> memref<8x64xf32, #tpu.memory_space<hbm>>
    tpu.enqueue_dma source(%dma_start3A_41 : memref<8x64xf32, #tpu.memory_space<hbm>>) target(%arg10 : memref<8x64xf32, #tpu.memory_space<vmem>>) target_semaphore(%arg17 : memref<!tpu.dma_semaphore, #tpu.memory_space<semaphore_mem>>)
    %scan3A = arith.constant 0 : i32
    %scan3A_42 = arith.constant 0 : i32
    %scan3A_43 = arith.constant 80 : i32
    %scan3A_44 = arith.addi %scan3A_42, %scan3A_43 : i32
    %scan3A_45 = arith.constant 1 : i32
    scf.for %scan3A_62 = %scan3A_42 to %scan3A_44 step %scan3A_45  : i32 {
      %mul3A_63 = arith.constant 2 : i32
      %mul3A_64 = arith.muli %scan3A_62, %mul3A_63 : i32
      %add3A_65 = arith.constant 0 : i32
      %add3A_66 = arith.addi %mul3A_64, %add3A_65 : i32
      %ge3A = arith.constant 2 : i32
      %ge3A_67 = arith.cmpi sge, %add3A_66, %ge3A : i32
      %convert_element_type3A = arith.extui %ge3A_67 : i1 to i32
      %cond3A = arith.constant 0 : i32
      %cond3A_68 = arith.cmpi ne, %convert_element_type3A, %cond3A : i32
      scf.if %cond3A_68 {
        %sub3A = arith.constant 2 : i32
        %sub3A_155 = arith.subi %add3A_66, %sub3A : i32
        %mul3A_156 = arith.constant 2 : i32
        %mul3A_157 = arith.muli %sub3A_155, %mul3A_156 : i32
        %add3A_158 = arith.addi %mul3A_2, %mul3A_157 : i32
        %mul3A_159 = arith.constant 8 : i32
        %mul3A_160 = arith.muli %add3A_158, %mul3A_159 : i32
        %dma_wait3A_161 = arith.constant 0 : i32
        %dma_wait3A_162 = tpu.memref_slice %arg5[%mul3A_160, %dma_wait3A_161] : memref<81920x128xf32, #tpu.memory_space<hbm>> -> memref<16x128xf32, #tpu.memory_space<hbm>>
        %dma_wait3A_163 = arith.constant 0 : i32
        %dma_wait3A_164 = tpu.memref_slice %arg5[%mul3A_160, %dma_wait3A_163] : memref<81920x128xf32, #tpu.memory_space<hbm>> -> memref<16x128xf32, #tpu.memory_space<hbm>>
        tpu.wait_dma2 semaphore(%arg18 : memref<!tpu.dma_semaphore, #tpu.memory_space<semaphore_mem>>) src(%arg11 : memref<16x128xf32, #tpu.memory_space<vmem>>) dst(%dma_wait3A_164 : memref<16x128xf32, #tpu.memory_space<hbm>>)
      } else {
      }
      %mul3A_69 = arith.constant 64 : i32
      %mul3A_70 = arith.muli %add3A_66, %mul3A_69 : i32
      %dma_wait3A_71 = tpu.memref_slice %arg6[%mul3A_70] : memref<10240xi32, #tpu.memory_space<vmem>> -> memref<64xi32, #tpu.memory_space<vmem>>
      %dma_wait3A_72 = arith.constant 0 : i32
      %dma_wait3A_73 = arith.constant 0 : i32
      %dma_wait3A_74 = tpu.memref_slice %arg13[%dma_wait3A_72, %dma_wait3A_73] : memref<10240x128xf32, #tpu.memory_space<vmem_shared>> -> memref<10240x128xf32, #tpu.memory_space<vmem_shared>>
      tpu.wait_indirect_dma semaphore(%arg14 : memref<!tpu.dma_semaphore, #tpu.memory_space<semaphore_mem>>) src(%dma_wait3A_74 : memref<10240x128xf32, #tpu.memory_space<vmem_shared>>) dst(%arg7 : memref<64x128xf32, #tpu.memory_space<vmem>>)
      %mul3A_75 = arith.constant 160 : i32
      %mul3A_76 = arith.muli %add3A, %mul3A_75 : i32
      %add3A_77 = arith.addi %mul3A_76, %add3A_66 : i32
      %dma_wait3A_78 = arith.constant 0 : i32
      %dma_wait3A_79 = arith.constant 0 : i32
      %dma_wait3A_80 = tpu.memref_slice %arg4[%add3A_77, %dma_wait3A_78, %dma_wait3A_79] : memref<5120x8x64xf32, #tpu.memory_space<hbm>> -> memref<1x8x64xf32, #tpu.memory_space<hbm>>
      %dma_wait3A_81 = tpu.memref_squeeze %dma_wait3A_80 : memref<1x8x64xf32, #tpu.memory_space<hbm>> -> memref<8x64xf32, #tpu.memory_space<hbm>>
      %dma_wait3A_82 = arith.constant 0 : i32
      %dma_wait3A_83 = arith.constant 0 : i32
      %dma_wait3A_84 = tpu.memref_slice %arg4[%add3A_77, %dma_wait3A_82, %dma_wait3A_83] : memref<5120x8x64xf32, #tpu.memory_space<hbm>> -> memref<1x8x64xf32, #tpu.memory_space<hbm>>
      %dma_wait3A_85 = tpu.memref_squeeze %dma_wait3A_84 : memref<1x8x64xf32, #tpu.memory_space<hbm>> -> memref<8x64xf32, #tpu.memory_space<hbm>>
      tpu.wait_dma2 semaphore(%arg16 : memref<!tpu.dma_semaphore, #tpu.memory_space<semaphore_mem>>) src(%dma_wait3A_85 : memref<8x64xf32, #tpu.memory_space<hbm>>) dst(%arg9 : memref<8x64xf32, #tpu.memory_space<vmem>>)
      %scan3A_86 = arith.constant 0 : i32
      %scan3A_87 = arith.constant 0 : i32
      %scan3A_88 = arith.constant 2 : i32
      %scan3A_89 = arith.addi %scan3A_87, %scan3A_88 : i32
      %scan3A_90 = arith.constant 1 : i32
      scf.for %scan3A_155 = %scan3A_87 to %scan3A_89 step %scan3A_90  : i32 {
        %broadcast_in_dim3A = arith.constant 0.000000e+00 : f32
        %broadcast_in_dim3A_156 = vector.broadcast %broadcast_in_dim3A : f32 to vector<16xf32>
        %broadcast_in_dim3A_157 = arith.constant 0.000000e+00 : f32
        %broadcast_in_dim3A_158 = vector.broadcast %broadcast_in_dim3A_157 : f32 to vector<16xf32>
        %broadcast_in_dim3A_159 = arith.constant 0.000000e+00 : f32
        %broadcast_in_dim3A_160 = vector.broadcast %broadcast_in_dim3A_159 : f32 to vector<16xf32>
        %broadcast_in_dim3A_161 = arith.constant 0.000000e+00 : f32
        %broadcast_in_dim3A_162 = vector.broadcast %broadcast_in_dim3A_161 : f32 to vector<16xf32>
        %broadcast_in_dim3A_163 = arith.constant 0.000000e+00 : f32
        %broadcast_in_dim3A_164 = vector.broadcast %broadcast_in_dim3A_163 : f32 to vector<16xf32>
        %broadcast_in_dim3A_165 = arith.constant 0.000000e+00 : f32
        %broadcast_in_dim3A_166 = vector.broadcast %broadcast_in_dim3A_165 : f32 to vector<16xf32>
        %broadcast_in_dim3A_167 = arith.constant 0.000000e+00 : f32
        %broadcast_in_dim3A_168 = vector.broadcast %broadcast_in_dim3A_167 : f32 to vector<16xf32>
        %broadcast_in_dim3A_169 = arith.constant 0.000000e+00 : f32
        %broadcast_in_dim3A_170 = vector.broadcast %broadcast_in_dim3A_169 : f32 to vector<16xf32>
        %broadcast_in_dim3A_171 = arith.constant 0.000000e+00 : f32
        %broadcast_in_dim3A_172 = vector.broadcast %broadcast_in_dim3A_171 : f32 to vector<16xf32>
        %broadcast_in_dim3A_173 = arith.constant 0.000000e+00 : f32
        %broadcast_in_dim3A_174 = vector.broadcast %broadcast_in_dim3A_173 : f32 to vector<16xf32>
        %broadcast_in_dim3A_175 = arith.constant 0.000000e+00 : f32
        %broadcast_in_dim3A_176 = vector.broadcast %broadcast_in_dim3A_175 : f32 to vector<16xf32>
        %broadcast_in_dim3A_177 = arith.constant 0.000000e+00 : f32
        %broadcast_in_dim3A_178 = vector.broadcast %broadcast_in_dim3A_177 : f32 to vector<16xf32>
        %broadcast_in_dim3A_179 = arith.constant 0.000000e+00 : f32
        %broadcast_in_dim3A_180 = vector.broadcast %broadcast_in_dim3A_179 : f32 to vector<16xf32>
        %broadcast_in_dim3A_181 = arith.constant 0.000000e+00 : f32
        %broadcast_in_dim3A_182 = vector.broadcast %broadcast_in_dim3A_181 : f32 to vector<16xf32>
        %broadcast_in_dim3A_183 = arith.constant 0.000000e+00 : f32
        %broadcast_in_dim3A_184 = vector.broadcast %broadcast_in_dim3A_183 : f32 to vector<16xf32>
        %broadcast_in_dim3A_185 = arith.constant 0.000000e+00 : f32
        %broadcast_in_dim3A_186 = vector.broadcast %broadcast_in_dim3A_185 : f32 to vector<16xf32>
        %broadcast_in_dim3A_187 = arith.constant 0.000000e+00 : f32
        %broadcast_in_dim3A_188 = vector.broadcast %broadcast_in_dim3A_187 : f32 to vector<16xf32>
        %broadcast_in_dim3A_189 = arith.constant 0.000000e+00 : f32
        %broadcast_in_dim3A_190 = vector.broadcast %broadcast_in_dim3A_189 : f32 to vector<16xf32>
        %broadcast_in_dim3A_191 = arith.constant 0.000000e+00 : f32
        %broadcast_in_dim3A_192 = vector.broadcast %broadcast_in_dim3A_191 : f32 to vector<16xf32>
        %broadcast_in_dim3A_193 = arith.constant 0.000000e+00 : f32
        %broadcast_in_dim3A_194 = vector.broadcast %broadcast_in_dim3A_193 : f32 to vector<16xf32>
        %broadcast_in_dim3A_195 = arith.constant 0.000000e+00 : f32
        %broadcast_in_dim3A_196 = vector.broadcast %broadcast_in_dim3A_195 : f32 to vector<16xf32>
        %broadcast_in_dim3A_197 = arith.constant 0.000000e+00 : f32
        %broadcast_in_dim3A_198 = vector.broadcast %broadcast_in_dim3A_197 : f32 to vector<16xf32>
        %broadcast_in_dim3A_199 = arith.constant 0.000000e+00 : f32
        %broadcast_in_dim3A_200 = vector.broadcast %broadcast_in_dim3A_199 : f32 to vector<16xf32>
        %broadcast_in_dim3A_201 = arith.constant 0.000000e+00 : f32
        %broadcast_in_dim3A_202 = vector.broadcast %broadcast_in_dim3A_201 : f32 to vector<16xf32>
        %broadcast_in_dim3A_203 = arith.constant 0.000000e+00 : f32
        %broadcast_in_dim3A_204 = vector.broadcast %broadcast_in_dim3A_203 : f32 to vector<16xf32>
        %broadcast_in_dim3A_205 = arith.constant 0.000000e+00 : f32
        %broadcast_in_dim3A_206 = vector.broadcast %broadcast_in_dim3A_205 : f32 to vector<16xf32>
        %broadcast_in_dim3A_207 = arith.constant 0.000000e+00 : f32
        %broadcast_in_dim3A_208 = vector.broadcast %broadcast_in_dim3A_207 : f32 to vector<16xf32>
        %broadcast_in_dim3A_209 = arith.constant 0.000000e+00 : f32
        %broadcast_in_dim3A_210 = vector.broadcast %broadcast_in_dim3A_209 : f32 to vector<16xf32>
        %broadcast_in_dim3A_211 = arith.constant 0.000000e+00 : f32
        %broadcast_in_dim3A_212 = vector.broadcast %broadcast_in_dim3A_211 : f32 to vector<16xf32>
        %broadcast_in_dim3A_213 = arith.constant 0.000000e+00 : f32
        %broadcast_in_dim3A_214 = vector.broadcast %broadcast_in_dim3A_213 : f32 to vector<16xf32>
        %broadcast_in_dim3A_215 = arith.constant 0.000000e+00 : f32
        %broadcast_in_dim3A_216 = vector.broadcast %broadcast_in_dim3A_215 : f32 to vector<16xf32>
        %broadcast_in_dim3A_217 = arith.constant 0.000000e+00 : f32
        %broadcast_in_dim3A_218 = vector.broadcast %broadcast_in_dim3A_217 : f32 to vector<16xf32>
        %mul3A_219 = arith.constant 32 : i32
        %mul3A_220 = arith.muli %scan3A_155, %mul3A_219 : i32
        %add3A_221 = arith.constant 0 : i32
        %add3A_222 = arith.addi %mul3A_220, %add3A_221 : i32
        %get3A = arith.constant 0 : i32
        %get3A_223 = arith.index_cast %get3A : i32 to index
        %get3A_224 = arith.index_cast %add3A_222 : i32 to index
        %get3A_225 = tpu.vector_load %arg9[%get3A_223, %get3A_224] {strides = array<i32>} : memref<8x64xf32, #tpu.memory_space<vmem>>, vector<1x16xf32>,
        %get3A_226 = vector.shape_cast %get3A_225 : vector<1x16xf32> to vector<16xf32>
        %mul3A_227 = arith.constant 32 : i32
        %mul3A_228 = arith.muli %scan3A_155, %mul3A_227 : i32
        %add3A_229 = arith.constant 0 : i32
        %add3A_230 = arith.addi %mul3A_228, %add3A_229 : i32
        %get3A_231 = arith.constant 1 : i32
        %get3A_232 = arith.index_cast %get3A_231 : i32 to index
        %get3A_233 = arith.index_cast %add3A_230 : i32 to index
        %get3A_234 = tpu.vector_load %arg9[%get3A_232, %get3A_233] {strides = array<i32>} : memref<8x64xf32, #tpu.memory_space<vmem>>, vector<1x16xf32>,
        %get3A_235 = vector.shape_cast %get3A_234 : vector<1x16xf32> to vector<16xf32>
        %mul3A_236 = arith.constant 32 : i32
        %mul3A_237 = arith.muli %scan3A_155, %mul3A_236 : i32
        %add3A_238 = arith.constant 0 : i32
        %add3A_239 = arith.addi %mul3A_237, %add3A_238 : i32
        %get3A_240 = arith.constant 2 : i32
        %get3A_241 = arith.index_cast %get3A_240 : i32 to index
        %get3A_242 = arith.index_cast %add3A_239 : i32 to index
        %get3A_243 = tpu.vector_load %arg9[%get3A_241, %get3A_242] {strides = array<i32>} : memref<8x64xf32, #tpu.memory_space<vmem>>, vector<1x16xf32>,
        %get3A_244 = vector.shape_cast %get3A_243 : vector<1x16xf32> to vector<16xf32>
        %mul3A_245 = arith.constant 32 : i32
        %mul3A_246 = arith.muli %scan3A_155, %mul3A_245 : i32
        %add3A_247 = arith.constant 0 : i32
        %add3A_248 = arith.addi %mul3A_246, %add3A_247 : i32
        %get3A_249 = arith.constant 3 : i32
        %get3A_250 = arith.index_cast %get3A_249 : i32 to index
        %get3A_251 = arith.index_cast %add3A_248 : i32 to index
        %get3A_252 = tpu.vector_load %arg9[%get3A_250, %get3A_251] {strides = array<i32>} : memref<8x64xf32, #tpu.memory_space<vmem>>, vector<1x16xf32>,
        %get3A_253 = vector.shape_cast %get3A_252 : vector<1x16xf32> to vector<16xf32>
        %mul3A_254 = arith.constant 32 : i32
        %mul3A_255 = arith.muli %scan3A_155, %mul3A_254 : i32
        %add3A_256 = arith.constant 0 : i32
        %add3A_257 = arith.addi %mul3A_255, %add3A_256 : i32
        %get3A_258 = arith.constant 4 : i32
        %get3A_259 = arith.index_cast %get3A_258 : i32 to index
        %get3A_260 = arith.index_cast %add3A_257 : i32 to index
        %get3A_261 = tpu.vector_load %arg9[%get3A_259, %get3A_260] {strides = array<i32>} : memref<8x64xf32, #tpu.memory_space<vmem>>, vector<1x16xf32>,
        %get3A_262 = vector.shape_cast %get3A_261 : vector<1x16xf32> to vector<16xf32>
        %mul3A_263 = arith.constant 32 : i32
        %mul3A_264 = arith.muli %scan3A_155, %mul3A_263 : i32
        %add3A_265 = arith.constant 0 : i32
        %add3A_266 = arith.addi %mul3A_264, %add3A_265 : i32
        %get3A_267 = arith.constant 5 : i32
        %get3A_268 = arith.index_cast %get3A_267 : i32 to index
        %get3A_269 = arith.index_cast %add3A_266 : i32 to index
        %get3A_270 = tpu.vector_load %arg9[%get3A_268, %get3A_269] {strides = array<i32>} : memref<8x64xf32, #tpu.memory_space<vmem>>, vector<1x16xf32>,
        %get3A_271 = vector.shape_cast %get3A_270 : vector<1x16xf32> to vector<16xf32>
        %mul3A_272 = arith.constant 32 : i32
        %mul3A_273 = arith.muli %scan3A_155, %mul3A_272 : i32
        %add3A_274 = arith.constant 0 : i32
        %add3A_275 = arith.addi %mul3A_273, %add3A_274 : i32
        %get3A_276 = arith.constant 6 : i32
        %get3A_277 = arith.index_cast %get3A_276 : i32 to index
        %get3A_278 = arith.index_cast %add3A_275 : i32 to index
        %get3A_279 = tpu.vector_load %arg9[%get3A_277, %get3A_278] {strides = array<i32>} : memref<8x64xf32, #tpu.memory_space<vmem>>, vector<1x16xf32>,
        %get3A_280 = vector.shape_cast %get3A_279 : vector<1x16xf32> to vector<16xf32>
        %mul3A_281 = arith.constant 32 : i32
        %mul3A_282 = arith.muli %scan3A_155, %mul3A_281 : i32
        %add3A_283 = arith.constant 0 : i32
        %add3A_284 = arith.addi %mul3A_282, %add3A_283 : i32
        %get3A_285 = arith.constant 7 : i32
        %get3A_286 = arith.index_cast %get3A_285 : i32 to index
        %get3A_287 = arith.index_cast %add3A_284 : i32 to index
        %get3A_288 = tpu.vector_load %arg9[%get3A_286, %get3A_287] {strides = array<i32>} : memref<8x64xf32, #tpu.memory_space<vmem>>, vector<1x16xf32>,
        %get3A_289 = vector.shape_cast %get3A_288 : vector<1x16xf32> to vector<16xf32>
        %scan3A_290 = arith.constant 0 : i32
        %scan3A_291 = arith.constant 16 : i32
        %scan3A_292 = arith.addi %scan3A_290, %scan3A_291 : i32
        %scan3A_293 = arith.constant 1 : i32
        %scan3A_294:32 = scf.for %scan3A_1169 = %scan3A_290 to %scan3A_292 step %scan3A_293 iter_args(%scan3A_1170 = %broadcast_in_dim3A_156, %scan3A_1171 = %broadcast_in_dim3A_158, %scan3A_1172 = %broadcast_in_dim3A_160, %scan3A_1173 = %broadcast_in_dim3A_162, %scan3A_1174 = %broadcast_in_dim3A_164, %scan3A_1175 = %broadcast_in_dim3A_166, %scan3A_1176 = %broadcast_in_dim3A_168, %scan3A_1177 = %broadcast_in_dim3A_170, %scan3A_1178 = %broadcast_in_dim3A_172, %scan3A_1179 = %broadcast_in_dim3A_174, %scan3A_1180 = %broadcast_in_dim3A_176, %scan3A_1181 = %broadcast_in_dim3A_178, %scan3A_1182 = %broadcast_in_dim3A_180, %scan3A_1183 = %broadcast_in_dim3A_182, %scan3A_1184 = %broadcast_in_dim3A_184, %scan3A_1185 = %broadcast_in_dim3A_186, %scan3A_1186 = %broadcast_in_dim3A_188, %scan3A_1187 = %broadcast_in_dim3A_190, %scan3A_1188 = %broadcast_in_dim3A_192, %scan3A_1189 = %broadcast_in_dim3A_194, %scan3A_1190 = %broadcast_in_dim3A_196, %scan3A_1191 = %broadcast_in_dim3A_198, %scan3A_1192 = %broadcast_in_dim3A_200, %scan3A_1193 = %broadcast_in_dim3A_202, %scan3A_1194 = %broadcast_in_dim3A_204, %scan3A_1195 = %broadcast_in_dim3A_206, %scan3A_1196 = %broadcast_in_dim3A_208, %scan3A_1197 = %broadcast_in_dim3A_210, %scan3A_1198 = %broadcast_in_dim3A_212, %scan3A_1199 = %broadcast_in_dim3A_214, %scan3A_1200 = %broadcast_in_dim3A_216, %scan3A_1201 = %broadcast_in_dim3A_218) -> (vector<16xf32>, vector<16xf32>, vector<16xf32>, vector<16xf32>, vector<16xf32>, vector<16xf32>, vector<16xf32>, vector<16xf32>, vector<16xf32>, vector<16xf32>, vector<16xf32>, vector<16xf32>, vector<16xf32>, vector<16xf32>, vector<16xf32>, vector<16xf32>, vector<16xf32>, vector<16xf32>, vector<16xf32>, vector<16xf32>, vector<16xf32>, vector<16xf32>, vector<16xf32>, vector<16xf32>, vector<16xf32>, vector<16xf32>, vector<16xf32>, vector<16xf32>, vector<16xf32>, vector<16xf32>, vector<16xf32>, vector<16xf32>)  : i32 {
          %mul3A_1202 = arith.constant 32 : i32
          %mul3A_1203 = arith.muli %scan3A_155, %mul3A_1202 : i32
          %add3A_1204 = arith.constant 0 : i32
          %add3A_1205 = arith.addi %mul3A_1203, %add3A_1204 : i32
          %add3A_1206 = arith.addi %add3A_1205, %scan3A_1169 : i32
          %broadcast_in_dim3A_1207 = vector.broadcast %scan3A_1169 : i32 to vector<16x1xi32>
          %gather3A = vector.shape_cast %broadcast_in_dim3A_1207 : vector<16x1xi32> to vector<16xi32>
          %gather3A_1208 = tpu.dynamic_gather %get3A_226[%gather3A] in [0] : vector<16xf32>, vector<16xi32> -> vector<16xf32>
          %gather3A_1209 = vector.shape_cast %broadcast_in_dim3A_1207 : vector<16x1xi32> to vector<16xi32>
          %gather3A_1210 = tpu.dynamic_gather %get3A_235[%gather3A_1209] in [0] : vector<16xf32>, vector<16xi32> -> vector<16xf32>
          %gather3A_1211 = vector.shape_cast %broadcast_in_dim3A_1207 : vector<16x1xi32> to vector<16xi32>
          %gather3A_1212 = tpu.dynamic_gather %get3A_244[%gather3A_1211] in [0] : vector<16xf32>, vector<16xi32> -> vector<16xf32>
          %gather3A_1213 = vector.shape_cast %broadcast_in_dim3A_1207 : vector<16x1xi32> to vector<16xi32>
          %gather3A_1214 = tpu.dynamic_gather %get3A_253[%gather3A_1213] in [0] : vector<16xf32>, vector<16xi32> -> vector<16xf32>
          %gather3A_1215 = vector.shape_cast %broadcast_in_dim3A_1207 : vector<16x1xi32> to vector<16xi32>
          %gather3A_1216 = tpu.dynamic_gather %get3A_262[%gather3A_1215] in [0] : vector<16xf32>, vector<16xi32> -> vector<16xf32>
          %gather3A_1217 = vector.shape_cast %broadcast_in_dim3A_1207 : vector<16x1xi32> to vector<16xi32>
          %gather3A_1218 = tpu.dynamic_gather %get3A_271[%gather3A_1217] in [0] : vector<16xf32>, vector<16xi32> -> vector<16xf32>
          %gather3A_1219 = vector.shape_cast %broadcast_in_dim3A_1207 : vector<16x1xi32> to vector<16xi32>
          %gather3A_1220 = tpu.dynamic_gather %get3A_280[%gather3A_1219] in [0] : vector<16xf32>, vector<16xi32> -> vector<16xf32>
          %gather3A_1221 = vector.shape_cast %broadcast_in_dim3A_1207 : vector<16x1xi32> to vector<16xi32>
          %gather3A_1222 = tpu.dynamic_gather %get3A_289[%gather3A_1221] in [0] : vector<16xf32>, vector<16xi32> -> vector<16xf32>
          %get3A_1223 = arith.index_cast %add3A_1206 : i32 to index
          %get3A_1224 = arith.constant 0 : index
          %get3A_1225 = tpu.vector_load %arg7[%get3A_1223, %get3A_1224] {strides = array<i32>} : memref<64x128xf32, #tpu.memory_space<vmem>>, vector<1x16xf32>,
          %get3A_1226 = vector.shape_cast %get3A_1225 : vector<1x16xf32> to vector<16xf32>
          %get3A_1227 = arith.index_cast %add3A_1206 : i32 to index
          %get3A_1228 = arith.constant 16 : index
          %get3A_1229 = tpu.vector_load %arg7[%get3A_1227, %get3A_1228] {strides = array<i32>} : memref<64x128xf32, #tpu.memory_space<vmem>>, vector<1x16xf32>,
          %get3A_1230 = vector.shape_cast %get3A_1229 : vector<1x16xf32> to vector<16xf32>
          %get3A_1231 = arith.index_cast %add3A_1206 : i32 to index
          %get3A_1232 = arith.constant 32 : index
          %get3A_1233 = tpu.vector_load %arg7[%get3A_1231, %get3A_1232] {strides = array<i32>} : memref<64x128xf32, #tpu.memory_space<vmem>>, vector<1x16xf32>,
          %get3A_1234 = vector.shape_cast %get3A_1233 : vector<1x16xf32> to vector<16xf32>
          %get3A_1235 = arith.index_cast %add3A_1206 : i32 to index
          %get3A_1236 = arith.constant 48 : index
          %get3A_1237 = tpu.vector_load %arg7[%get3A_1235, %get3A_1236] {strides = array<i32>} : memref<64x128xf32, #tpu.memory_space<vmem>>, vector<1x16xf32>,
          %get3A_1238 = vector.shape_cast %get3A_1237 : vector<1x16xf32> to vector<16xf32>
          %mul3A_1239 = arith.mulf %gather3A_1208, %get3A_1226 : vector<16xf32>
          %add3A_1240 = arith.addf %scan3A_1170, %mul3A_1239 : vector<16xf32>
          %mul3A_1241 = arith.mulf %gather3A_1208, %get3A_1230 : vector<16xf32>
          %add3A_1242 = arith.addf %scan3A_1171, %mul3A_1241 : vector<16xf32>
          %mul3A_1243 = arith.mulf %gather3A_1208, %get3A_1234 : vector<16xf32>
          %add3A_1244 = arith.addf %scan3A_1172, %mul3A_1243 : vector<16xf32>
          %mul3A_1245 = arith.mulf %gather3A_1208, %get3A_1238 : vector<16xf32>
          %add3A_1246 = arith.addf %scan3A_1173, %mul3A_1245 : vector<16xf32>
          %mul3A_1247 = arith.mulf %gather3A_1210, %get3A_1226 : vector<16xf32>
          %add3A_1248 = arith.addf %scan3A_1174, %mul3A_1247 : vector<16xf32>
          %mul3A_1249 = arith.mulf %gather3A_1210, %get3A_1230 : vector<16xf32>
          %add3A_1250 = arith.addf %scan3A_1175, %mul3A_1249 : vector<16xf32>
          %mul3A_1251 = arith.mulf %gather3A_1210, %get3A_1234 : vector<16xf32>
          %add3A_1252 = arith.addf %scan3A_1176, %mul3A_1251 : vector<16xf32>
          %mul3A_1253 = arith.mulf %gather3A_1210, %get3A_1238 : vector<16xf32>
          %add3A_1254 = arith.addf %scan3A_1177, %mul3A_1253 : vector<16xf32>
          %mul3A_1255 = arith.mulf %gather3A_1212, %get3A_1226 : vector<16xf32>
          %add3A_1256 = arith.addf %scan3A_1178, %mul3A_1255 : vector<16xf32>
          %mul3A_1257 = arith.mulf %gather3A_1212, %get3A_1230 : vector<16xf32>
          %add3A_1258 = arith.addf %scan3A_1179, %mul3A_1257 : vector<16xf32>
          %mul3A_1259 = arith.mulf %gather3A_1212, %get3A_1234 : vector<16xf32>
          %add3A_1260 = arith.addf %scan3A_1180, %mul3A_1259 : vector<16xf32>
          %mul3A_1261 = arith.mulf %gather3A_1212, %get3A_1238 : vector<16xf32>
          %add3A_1262 = arith.addf %scan3A_1181, %mul3A_1261 : vector<16xf32>
          %mul3A_1263 = arith.mulf %gather3A_1214, %get3A_1226 : vector<16xf32>
          %add3A_1264 = arith.addf %scan3A_1182, %mul3A_1263 : vector<16xf32>
          %mul3A_1265 = arith.mulf %gather3A_1214, %get3A_1230 : vector<16xf32>
          %add3A_1266 = arith.addf %scan3A_1183, %mul3A_1265 : vector<16xf32>
          %mul3A_1267 = arith.mulf %gather3A_1214, %get3A_1234 : vector<16xf32>
          %add3A_1268 = arith.addf %scan3A_1184, %mul3A_1267 : vector<16xf32>
          %mul3A_1269 = arith.mulf %gather3A_1214, %get3A_1238 : vector<16xf32>
          %add3A_1270 = arith.addf %scan3A_1185, %mul3A_1269 : vector<16xf32>
          %mul3A_1271 = arith.mulf %gather3A_1216, %get3A_1226 : vector<16xf32>
          %add3A_1272 = arith.addf %scan3A_1186, %mul3A_1271 : vector<16xf32>
          %mul3A_1273 = arith.mulf %gather3A_1216, %get3A_1230 : vector<16xf32>
          %add3A_1274 = arith.addf %scan3A_1187, %mul3A_1273 : vector<16xf32>
          %mul3A_1275 = arith.mulf %gather3A_1216, %get3A_1234 : vector<16xf32>
          %add3A_1276 = arith.addf %scan3A_1188, %mul3A_1275 : vector<16xf32>
          %mul3A_1277 = arith.mulf %gather3A_1216, %get3A_1238 : vector<16xf32>
          %add3A_1278 = arith.addf %scan3A_1189, %mul3A_1277 : vector<16xf32>
          %mul3A_1279 = arith.mulf %gather3A_1218, %get3A_1226 : vector<16xf32>
          %add3A_1280 = arith.addf %scan3A_1190, %mul3A_1279 : vector<16xf32>
          %mul3A_1281 = arith.mulf %gather3A_1218, %get3A_1230 : vector<16xf32>
          %add3A_1282 = arith.addf %scan3A_1191, %mul3A_1281 : vector<16xf32>
          %mul3A_1283 = arith.mulf %gather3A_1218, %get3A_1234 : vector<16xf32>
          %add3A_1284 = arith.addf %scan3A_1192, %mul3A_1283 : vector<16xf32>
          %mul3A_1285 = arith.mulf %gather3A_1218, %get3A_1238 : vector<16xf32>
          %add3A_1286 = arith.addf %scan3A_1193, %mul3A_1285 : vector<16xf32>
          %mul3A_1287 = arith.mulf %gather3A_1220, %get3A_1226 : vector<16xf32>
          %add3A_1288 = arith.addf %scan3A_1194, %mul3A_1287 : vector<16xf32>
          %mul3A_1289 = arith.mulf %gather3A_1220, %get3A_1230 : vector<16xf32>
          %add3A_1290 = arith.addf %scan3A_1195, %mul3A_1289 : vector<16xf32>
          %mul3A_1291 = arith.mulf %gather3A_1220, %get3A_1234 : vector<16xf32>
          %add3A_1292 = arith.addf %scan3A_1196, %mul3A_1291 : vector<16xf32>
          %mul3A_1293 = arith.mulf %gather3A_1220, %get3A_1238 : vector<16xf32>
          %add3A_1294 = arith.addf %scan3A_1197, %mul3A_1293 : vector<16xf32>
          %mul3A_1295 = arith.mulf %gather3A_1222, %get3A_1226 : vector<16xf32>
          %add3A_1296 = arith.addf %scan3A_1198, %mul3A_1295 : vector<16xf32>
          %mul3A_1297 = arith.mulf %gather3A_1222, %get3A_1230 : vector<16xf32>
          %add3A_1298 = arith.addf %scan3A_1199, %mul3A_1297 : vector<16xf32>
          %mul3A_1299 = arith.mulf %gather3A_1222, %get3A_1234 : vector<16xf32>
          %add3A_1300 = arith.addf %scan3A_1200, %mul3A_1299 : vector<16xf32>
          %mul3A_1301 = arith.mulf %gather3A_1222, %get3A_1238 : vector<16xf32>
          %add3A_1302 = arith.addf %scan3A_1201, %mul3A_1301 : vector<16xf32>
          scf.yield %add3A_1240, %add3A_1242, %add3A_1244, %add3A_1246, %add3A_1248, %add3A_1250, %add3A_1252, %add3A_1254, %add3A_1256, %add3A_1258, %add3A_1260, %add3A_1262, %add3A_1264, %add3A_1266, %add3A_1268, %add3A_1270, %add3A_1272, %add3A_1274, %add3A_1276, %add3A_1278, %add3A_1280, %add3A_1282, %add3A_1284, %add3A_1286, %add3A_1288, %add3A_1290, %add3A_1292, %add3A_1294, %add3A_1296, %add3A_1298, %add3A_1300, %add3A_1302 : vector<16xf32>, vector<16xf32>, vector<16xf32>, vector<16xf32>, vector<16xf32>, vector<16xf32>, vector<16xf32>, vector<16xf32>, vector<16xf32>, vector<16xf32>, vector<16xf32>, vector<16xf32>, vector<16xf32>, vector<16xf32>, vector<16xf32>, vector<16xf32>, vector<16xf32>, vector<16xf32>, vector<16xf32>, vector<16xf32>, vector<16xf32>, vector<16xf32>, vector<16xf32>, vector<16xf32>, vector<16xf32>, vector<16xf32>, vector<16xf32>, vector<16xf32>, vector<16xf32>, vector<16xf32>, vector<16xf32>, vector<16xf32>
        }
        %scan3A_295 = arith.constant 16 : i32
        %mul3A_296 = arith.constant 32 : i32
        %mul3A_297 = arith.muli %scan3A_155, %mul3A_296 : i32
        %add3A_298 = arith.constant 16 : i32
        %add3A_299 = arith.addi %mul3A_297, %add3A_298 : i32
        %get3A_300 = arith.constant 0 : i32
        %get3A_301 = arith.index_cast %get3A_300 : i32 to index
        %get3A_302 = arith.index_cast %add3A_299 : i32 to index
        %get3A_303 = tpu.vector_load %arg9[%get3A_301, %get3A_302] {strides = array<i32>} : memref<8x64xf32, #tpu.memory_space<vmem>>, vector<1x16xf32>,
        %get3A_304 = vector.shape_cast %get3A_303 : vector<1x16xf32> to vector<16xf32>
        %mul3A_305 = arith.constant 32 : i32
        %mul3A_306 = arith.muli %scan3A_155, %mul3A_305 : i32
        %add3A_307 = arith.constant 16 : i32
        %add3A_308 = arith.addi %mul3A_306, %add3A_307 : i32
        %get3A_309 = arith.constant 1 : i32
        %get3A_310 = arith.index_cast %get3A_309 : i32 to index
        %get3A_311 = arith.index_cast %add3A_308 : i32 to index
        %get3A_312 = tpu.vector_load %arg9[%get3A_310, %get3A_311] {strides = array<i32>} : memref<8x64xf32, #tpu.memory_space<vmem>>, vector<1x16xf32>,
        %get3A_313 = vector.shape_cast %get3A_312 : vector<1x16xf32> to vector<16xf32>
        %mul3A_314 = arith.constant 32 : i32
        %mul3A_315 = arith.muli %scan3A_155, %mul3A_314 : i32
        %add3A_316 = arith.constant 16 : i32
        %add3A_317 = arith.addi %mul3A_315, %add3A_316 : i32
        %get3A_318 = arith.constant 2 : i32
        %get3A_319 = arith.index_cast %get3A_318 : i32 to index
        %get3A_320 = arith.index_cast %add3A_317 : i32 to index
        %get3A_321 = tpu.vector_load %arg9[%get3A_319, %get3A_320] {strides = array<i32>} : memref<8x64xf32, #tpu.memory_space<vmem>>, vector<1x16xf32>,
        %get3A_322 = vector.shape_cast %get3A_321 : vector<1x16xf32> to vector<16xf32>
        %mul3A_323 = arith.constant 32 : i32
        %mul3A_324 = arith.muli %scan3A_155, %mul3A_323 : i32
        %add3A_325 = arith.constant 16 : i32
        %add3A_326 = arith.addi %mul3A_324, %add3A_325 : i32
        %get3A_327 = arith.constant 3 : i32
        %get3A_328 = arith.index_cast %get3A_327 : i32 to index
        %get3A_329 = arith.index_cast %add3A_326 : i32 to index
        %get3A_330 = tpu.vector_load %arg9[%get3A_328, %get3A_329] {strides = array<i32>} : memref<8x64xf32, #tpu.memory_space<vmem>>, vector<1x16xf32>,
        %get3A_331 = vector.shape_cast %get3A_330 : vector<1x16xf32> to vector<16xf32>
        %mul3A_332 = arith.constant 32 : i32
        %mul3A_333 = arith.muli %scan3A_155, %mul3A_332 : i32
        %add3A_334 = arith.constant 16 : i32
        %add3A_335 = arith.addi %mul3A_333, %add3A_334 : i32
        %get3A_336 = arith.constant 4 : i32
        %get3A_337 = arith.index_cast %get3A_336 : i32 to index
        %get3A_338 = arith.index_cast %add3A_335 : i32 to index
        %get3A_339 = tpu.vector_load %arg9[%get3A_337, %get3A_338] {strides = array<i32>} : memref<8x64xf32, #tpu.memory_space<vmem>>, vector<1x16xf32>,
        %get3A_340 = vector.shape_cast %get3A_339 : vector<1x16xf32> to vector<16xf32>
        %mul3A_341 = arith.constant 32 : i32
        %mul3A_342 = arith.muli %scan3A_155, %mul3A_341 : i32
        %add3A_343 = arith.constant 16 : i32
        %add3A_344 = arith.addi %mul3A_342, %add3A_343 : i32
        %get3A_345 = arith.constant 5 : i32
        %get3A_346 = arith.index_cast %get3A_345 : i32 to index
        %get3A_347 = arith.index_cast %add3A_344 : i32 to index
        %get3A_348 = tpu.vector_load %arg9[%get3A_346, %get3A_347] {strides = array<i32>} : memref<8x64xf32, #tpu.memory_space<vmem>>, vector<1x16xf32>,
        %get3A_349 = vector.shape_cast %get3A_348 : vector<1x16xf32> to vector<16xf32>
        %mul3A_350 = arith.constant 32 : i32
        %mul3A_351 = arith.muli %scan3A_155, %mul3A_350 : i32
        %add3A_352 = arith.constant 16 : i32
        %add3A_353 = arith.addi %mul3A_351, %add3A_352 : i32
        %get3A_354 = arith.constant 6 : i32
        %get3A_355 = arith.index_cast %get3A_354 : i32 to index
        %get3A_356 = arith.index_cast %add3A_353 : i32 to index
        %get3A_357 = tpu.vector_load %arg9[%get3A_355, %get3A_356] {strides = array<i32>} : memref<8x64xf32, #tpu.memory_space<vmem>>, vector<1x16xf32>,
        %get3A_358 = vector.shape_cast %get3A_357 : vector<1x16xf32> to vector<16xf32>
        %mul3A_359 = arith.constant 32 : i32
        %mul3A_360 = arith.muli %scan3A_155, %mul3A_359 : i32
        %add3A_361 = arith.constant 16 : i32
        %add3A_362 = arith.addi %mul3A_360, %add3A_361 : i32
        %get3A_363 = arith.constant 7 : i32
        %get3A_364 = arith.index_cast %get3A_363 : i32 to index
        %get3A_365 = arith.index_cast %add3A_362 : i32 to index
        %get3A_366 = tpu.vector_load %arg9[%get3A_364, %get3A_365] {strides = array<i32>} : memref<8x64xf32, #tpu.memory_space<vmem>>, vector<1x16xf32>,
        %get3A_367 = vector.shape_cast %get3A_366 : vector<1x16xf32> to vector<16xf32>
        %scan3A_368 = arith.constant 0 : i32
        %scan3A_369 = arith.constant 16 : i32
        %scan3A_370 = arith.addi %scan3A_368, %scan3A_369 : i32
        %scan3A_371 = arith.constant 1 : i32
        %scan3A_372:32 = scf.for %scan3A_1169 = %scan3A_368 to %scan3A_370 step %scan3A_371 iter_args(%scan3A_1170 = %scan3A_294#0, %scan3A_1171 = %scan3A_294#1, %scan3A_1172 = %scan3A_294#2, %scan3A_1173 = %scan3A_294#3, %scan3A_1174 = %scan3A_294#4, %scan3A_1175 = %scan3A_294#5, %scan3A_1176 = %scan3A_294#6, %scan3A_1177 = %scan3A_294#7, %scan3A_1178 = %scan3A_294#8, %scan3A_1179 = %scan3A_294#9, %scan3A_1180 = %scan3A_294#10, %scan3A_1181 = %scan3A_294#11, %scan3A_1182 = %scan3A_294#12, %scan3A_1183 = %scan3A_294#13, %scan3A_1184 = %scan3A_294#14, %scan3A_1185 = %scan3A_294#15, %scan3A_1186 = %scan3A_294#16, %scan3A_1187 = %scan3A_294#17, %scan3A_1188 = %scan3A_294#18, %scan3A_1189 = %scan3A_294#19, %scan3A_1190 = %scan3A_294#20, %scan3A_1191 = %scan3A_294#21, %scan3A_1192 = %scan3A_294#22, %scan3A_1193 = %scan3A_294#23, %scan3A_1194 = %scan3A_294#24, %scan3A_1195 = %scan3A_294#25, %scan3A_1196 = %scan3A_294#26, %scan3A_1197 = %scan3A_294#27, %scan3A_1198 = %scan3A_294#28, %scan3A_1199 = %scan3A_294#29, %scan3A_1200 = %scan3A_294#30, %scan3A_1201 = %scan3A_294#31) -> (vector<16xf32>, vector<16xf32>, vector<16xf32>, vector<16xf32>, vector<16xf32>, vector<16xf32>, vector<16xf32>, vector<16xf32>, vector<16xf32>, vector<16xf32>, vector<16xf32>, vector<16xf32>, vector<16xf32>, vector<16xf32>, vector<16xf32>, vector<16xf32>, vector<16xf32>, vector<16xf32>, vector<16xf32>, vector<16xf32>, vector<16xf32>, vector<16xf32>, vector<16xf32>, vector<16xf32>, vector<16xf32>, vector<16xf32>, vector<16xf32>, vector<16xf32>, vector<16xf32>, vector<16xf32>, vector<16xf32>, vector<16xf32>)  : i32 {
          %mul3A_1202 = arith.constant 32 : i32
          %mul3A_1203 = arith.muli %scan3A_155, %mul3A_1202 : i32
          %add3A_1204 = arith.constant 16 : i32
          %add3A_1205 = arith.addi %mul3A_1203, %add3A_1204 : i32
          %add3A_1206 = arith.addi %add3A_1205, %scan3A_1169 : i32
          %broadcast_in_dim3A_1207 = vector.broadcast %scan3A_1169 : i32 to vector<16x1xi32>
          %gather3A = vector.shape_cast %broadcast_in_dim3A_1207 : vector<16x1xi32> to vector<16xi32>
          %gather3A_1208 = tpu.dynamic_gather %get3A_304[%gather3A] in [0] : vector<16xf32>, vector<16xi32> -> vector<16xf32>
          %gather3A_1209 = vector.shape_cast %broadcast_in_dim3A_1207 : vector<16x1xi32> to vector<16xi32>
          %gather3A_1210 = tpu.dynamic_gather %get3A_313[%gather3A_1209] in [0] : vector<16xf32>, vector<16xi32> -> vector<16xf32>
          %gather3A_1211 = vector.shape_cast %broadcast_in_dim3A_1207 : vector<16x1xi32> to vector<16xi32>
          %gather3A_1212 = tpu.dynamic_gather %get3A_322[%gather3A_1211] in [0] : vector<16xf32>, vector<16xi32> -> vector<16xf32>
          %gather3A_1213 = vector.shape_cast %broadcast_in_dim3A_1207 : vector<16x1xi32> to vector<16xi32>
          %gather3A_1214 = tpu.dynamic_gather %get3A_331[%gather3A_1213] in [0] : vector<16xf32>, vector<16xi32> -> vector<16xf32>
          %gather3A_1215 = vector.shape_cast %broadcast_in_dim3A_1207 : vector<16x1xi32> to vector<16xi32>
          %gather3A_1216 = tpu.dynamic_gather %get3A_340[%gather3A_1215] in [0] : vector<16xf32>, vector<16xi32> -> vector<16xf32>
          %gather3A_1217 = vector.shape_cast %broadcast_in_dim3A_1207 : vector<16x1xi32> to vector<16xi32>
          %gather3A_1218 = tpu.dynamic_gather %get3A_349[%gather3A_1217] in [0] : vector<16xf32>, vector<16xi32> -> vector<16xf32>
          %gather3A_1219 = vector.shape_cast %broadcast_in_dim3A_1207 : vector<16x1xi32> to vector<16xi32>
          %gather3A_1220 = tpu.dynamic_gather %get3A_358[%gather3A_1219] in [0] : vector<16xf32>, vector<16xi32> -> vector<16xf32>
          %gather3A_1221 = vector.shape_cast %broadcast_in_dim3A_1207 : vector<16x1xi32> to vector<16xi32>
          %gather3A_1222 = tpu.dynamic_gather %get3A_367[%gather3A_1221] in [0] : vector<16xf32>, vector<16xi32> -> vector<16xf32>
          %get3A_1223 = arith.index_cast %add3A_1206 : i32 to index
          %get3A_1224 = arith.constant 0 : index
          %get3A_1225 = tpu.vector_load %arg7[%get3A_1223, %get3A_1224] {strides = array<i32>} : memref<64x128xf32, #tpu.memory_space<vmem>>, vector<1x16xf32>,
          %get3A_1226 = vector.shape_cast %get3A_1225 : vector<1x16xf32> to vector<16xf32>
          %get3A_1227 = arith.index_cast %add3A_1206 : i32 to index
          %get3A_1228 = arith.constant 16 : index
          %get3A_1229 = tpu.vector_load %arg7[%get3A_1227, %get3A_1228] {strides = array<i32>} : memref<64x128xf32, #tpu.memory_space<vmem>>, vector<1x16xf32>,
          %get3A_1230 = vector.shape_cast %get3A_1229 : vector<1x16xf32> to vector<16xf32>
          %get3A_1231 = arith.index_cast %add3A_1206 : i32 to index
          %get3A_1232 = arith.constant 32 : index
          %get3A_1233 = tpu.vector_load %arg7[%get3A_1231, %get3A_1232] {strides = array<i32>} : memref<64x128xf32, #tpu.memory_space<vmem>>, vector<1x16xf32>,
          %get3A_1234 = vector.shape_cast %get3A_1233 : vector<1x16xf32> to vector<16xf32>
          %get3A_1235 = arith.index_cast %add3A_1206 : i32 to index
          %get3A_1236 = arith.constant 48 : index
          %get3A_1237 = tpu.vector_load %arg7[%get3A_1235, %get3A_1236] {strides = array<i32>} : memref<64x128xf32, #tpu.memory_space<vmem>>, vector<1x16xf32>,
          %get3A_1238 = vector.shape_cast %get3A_1237 : vector<1x16xf32> to vector<16xf32>
          %mul3A_1239 = arith.mulf %gather3A_1208, %get3A_1226 : vector<16xf32>
          %add3A_1240 = arith.addf %scan3A_1170, %mul3A_1239 : vector<16xf32>
          %mul3A_1241 = arith.mulf %gather3A_1208, %get3A_1230 : vector<16xf32>
          %add3A_1242 = arith.addf %scan3A_1171, %mul3A_1241 : vector<16xf32>
          %mul3A_1243 = arith.mulf %gather3A_1208, %get3A_1234 : vector<16xf32>
          %add3A_1244 = arith.addf %scan3A_1172, %mul3A_1243 : vector<16xf32>
          %mul3A_1245 = arith.mulf %gather3A_1208, %get3A_1238 : vector<16xf32>
          %add3A_1246 = arith.addf %scan3A_1173, %mul3A_1245 : vector<16xf32>
          %mul3A_1247 = arith.mulf %gather3A_1210, %get3A_1226 : vector<16xf32>
          %add3A_1248 = arith.addf %scan3A_1174, %mul3A_1247 : vector<16xf32>
          %mul3A_1249 = arith.mulf %gather3A_1210, %get3A_1230 : vector<16xf32>
          %add3A_1250 = arith.addf %scan3A_1175, %mul3A_1249 : vector<16xf32>
          %mul3A_1251 = arith.mulf %gather3A_1210, %get3A_1234 : vector<16xf32>
          %add3A_1252 = arith.addf %scan3A_1176, %mul3A_1251 : vector<16xf32>
          %mul3A_1253 = arith.mulf %gather3A_1210, %get3A_1238 : vector<16xf32>
          %add3A_1254 = arith.addf %scan3A_1177, %mul3A_1253 : vector<16xf32>
          %mul3A_1255 = arith.mulf %gather3A_1212, %get3A_1226 : vector<16xf32>
          %add3A_1256 = arith.addf %scan3A_1178, %mul3A_1255 : vector<16xf32>
          %mul3A_1257 = arith.mulf %gather3A_1212, %get3A_1230 : vector<16xf32>
          %add3A_1258 = arith.addf %scan3A_1179, %mul3A_1257 : vector<16xf32>
          %mul3A_1259 = arith.mulf %gather3A_1212, %get3A_1234 : vector<16xf32>
          %add3A_1260 = arith.addf %scan3A_1180, %mul3A_1259 : vector<16xf32>
          %mul3A_1261 = arith.mulf %gather3A_1212, %get3A_1238 : vector<16xf32>
          %add3A_1262 = arith.addf %scan3A_1181, %mul3A_1261 : vector<16xf32>
          %mul3A_1263 = arith.mulf %gather3A_1214, %get3A_1226 : vector<16xf32>
          %add3A_1264 = arith.addf %scan3A_1182, %mul3A_1263 : vector<16xf32>
          %mul3A_1265 = arith.mulf %gather3A_1214, %get3A_1230 : vector<16xf32>
          %add3A_1266 = arith.addf %scan3A_1183, %mul3A_1265 : vector<16xf32>
          %mul3A_1267 = arith.mulf %gather3A_1214, %get3A_1234 : vector<16xf32>
          %add3A_1268 = arith.addf %scan3A_1184, %mul3A_1267 : vector<16xf32>
          %mul3A_1269 = arith.mulf %gather3A_1214, %get3A_1238 : vector<16xf32>
          %add3A_1270 = arith.addf %scan3A_1185, %mul3A_1269 : vector<16xf32>
          %mul3A_1271 = arith.mulf %gather3A_1216, %get3A_1226 : vector<16xf32>
          %add3A_1272 = arith.addf %scan3A_1186, %mul3A_1271 : vector<16xf32>
          %mul3A_1273 = arith.mulf %gather3A_1216, %get3A_1230 : vector<16xf32>
          %add3A_1274 = arith.addf %scan3A_1187, %mul3A_1273 : vector<16xf32>
          %mul3A_1275 = arith.mulf %gather3A_1216, %get3A_1234 : vector<16xf32>
          %add3A_1276 = arith.addf %scan3A_1188, %mul3A_1275 : vector<16xf32>
          %mul3A_1277 = arith.mulf %gather3A_1216, %get3A_1238 : vector<16xf32>
          %add3A_1278 = arith.addf %scan3A_1189, %mul3A_1277 : vector<16xf32>
          %mul3A_1279 = arith.mulf %gather3A_1218, %get3A_1226 : vector<16xf32>
          %add3A_1280 = arith.addf %scan3A_1190, %mul3A_1279 : vector<16xf32>
          %mul3A_1281 = arith.mulf %gather3A_1218, %get3A_1230 : vector<16xf32>
          %add3A_1282 = arith.addf %scan3A_1191, %mul3A_1281 : vector<16xf32>
          %mul3A_1283 = arith.mulf %gather3A_1218, %get3A_1234 : vector<16xf32>
          %add3A_1284 = arith.addf %scan3A_1192, %mul3A_1283 : vector<16xf32>
          %mul3A_1285 = arith.mulf %gather3A_1218, %get3A_1238 : vector<16xf32>
          %add3A_1286 = arith.addf %scan3A_1193, %mul3A_1285 : vector<16xf32>
          %mul3A_1287 = arith.mulf %gather3A_1220, %get3A_1226 : vector<16xf32>
          %add3A_1288 = arith.addf %scan3A_1194, %mul3A_1287 : vector<16xf32>
          %mul3A_1289 = arith.mulf %gather3A_1220, %get3A_1230 : vector<16xf32>
          %add3A_1290 = arith.addf %scan3A_1195, %mul3A_1289 : vector<16xf32>
          %mul3A_1291 = arith.mulf %gather3A_1220, %get3A_1234 : vector<16xf32>
          %add3A_1292 = arith.addf %scan3A_1196, %mul3A_1291 : vector<16xf32>
          %mul3A_1293 = arith.mulf %gather3A_1220, %get3A_1238 : vector<16xf32>
          %add3A_1294 = arith.addf %scan3A_1197, %mul3A_1293 : vector<16xf32>
          %mul3A_1295 = arith.mulf %gather3A_1222, %get3A_1226 : vector<16xf32>
          %add3A_1296 = arith.addf %scan3A_1198, %mul3A_1295 : vector<16xf32>
          %mul3A_1297 = arith.mulf %gather3A_1222, %get3A_1230 : vector<16xf32>
          %add3A_1298 = arith.addf %scan3A_1199, %mul3A_1297 : vector<16xf32>
          %mul3A_1299 = arith.mulf %gather3A_1222, %get3A_1234 : vector<16xf32>
          %add3A_1300 = arith.addf %scan3A_1200, %mul3A_1299 : vector<16xf32>
          %mul3A_1301 = arith.mulf %gather3A_1222, %get3A_1238 : vector<16xf32>
          %add3A_1302 = arith.addf %scan3A_1201, %mul3A_1301 : vector<16xf32>
          scf.yield %add3A_1240, %add3A_1242, %add3A_1244, %add3A_1246, %add3A_1248, %add3A_1250, %add3A_1252, %add3A_1254, %add3A_1256, %add3A_1258, %add3A_1260, %add3A_1262, %add3A_1264, %add3A_1266, %add3A_1268, %add3A_1270, %add3A_1272, %add3A_1274, %add3A_1276, %add3A_1278, %add3A_1280, %add3A_1282, %add3A_1284, %add3A_1286, %add3A_1288, %add3A_1290, %add3A_1292, %add3A_1294, %add3A_1296, %add3A_1298, %add3A_1300, %add3A_1302 : vector<16xf32>, vector<16xf32>, vector<16xf32>, vector<16xf32>, vector<16xf32>, vector<16xf32>, vector<16xf32>, vector<16xf32>, vector<16xf32>, vector<16xf32>, vector<16xf32>, vector<16xf32>, vector<16xf32>, vector<16xf32>, vector<16xf32>, vector<16xf32>, vector<16xf32>, vector<16xf32>, vector<16xf32>, vector<16xf32>, vector<16xf32>, vector<16xf32>, vector<16xf32>, vector<16xf32>, vector<16xf32>, vector<16xf32>, vector<16xf32>, vector<16xf32>, vector<16xf32>, vector<16xf32>, vector<16xf32>, vector<16xf32>
        }
        %scan3A_373 = arith.constant 16 : i32
        %mul3A_374 = arith.constant 8 : i32
        %mul3A_375 = arith.muli %scan3A_155, %mul3A_374 : i32
        %add3A_376 = arith.constant 0 : i32
        %add3A_377 = arith.addi %mul3A_375, %add3A_376 : i32
        %swap3A = arith.index_cast %add3A_377 : i32 to index
        %swap3A_378 = arith.constant 0 : index
        %swap3A_379 = tpu.vector_load %arg11[%swap3A, %swap3A_378] {strides = array<i32>} : memref<16x128xf32, #tpu.memory_space<vmem>>, vector<1x16xf32>,
        %swap3A_380 = vector.shape_cast %swap3A_379 : vector<1x16xf32> to vector<16xf32>
        %swap3A_381 = vector.shape_cast %scan3A_372#0 : vector<16xf32> to vector<1x16xf32>
        tpu.vector_store %arg11[%swap3A, %swap3A_378], %swap3A_381 {strides = array<i32>} : memref<16x128xf32, #tpu.memory_space<vmem>>, vector<1x16xf32>,
        %mul3A_382 = arith.constant 8 : i32
        %mul3A_383 = arith.muli %scan3A_155, %mul3A_382 : i32
        %add3A_384 = arith.constant 0 : i32
        %add3A_385 = arith.addi %mul3A_383, %add3A_384 : i32
        %swap3A_386 = arith.index_cast %add3A_385 : i32 to index
        %swap3A_387 = arith.constant 16 : index
        %swap3A_388 = tpu.vector_load %arg11[%swap3A_386, %swap3A_387] {strides = array<i32>} : memref<16x128xf32, #tpu.memory_space<vmem>>, vector<1x16xf32>,
        %swap3A_389 = vector.shape_cast %swap3A_388 : vector<1x16xf32> to vector<16xf32>
        %swap3A_390 = vector.shape_cast %scan3A_372#1 : vector<16xf32> to vector<1x16xf32>
        tpu.vector_store %arg11[%swap3A_386, %swap3A_387], %swap3A_390 {strides = array<i32>} : memref<16x128xf32, #tpu.memory_space<vmem>>, vector<1x16xf32>,
        %mul3A_391 = arith.constant 8 : i32
        %mul3A_392 = arith.muli %scan3A_155, %mul3A_391 : i32
        %add3A_393 = arith.constant 0 : i32
        %add3A_394 = arith.addi %mul3A_392, %add3A_393 : i32
        %swap3A_395 = arith.index_cast %add3A_394 : i32 to index
        %swap3A_396 = arith.constant 32 : index
        %swap3A_397 = tpu.vector_load %arg11[%swap3A_395, %swap3A_396] {strides = array<i32>} : memref<16x128xf32, #tpu.memory_space<vmem>>, vector<1x16xf32>,
        %swap3A_398 = vector.shape_cast %swap3A_397 : vector<1x16xf32> to vector<16xf32>
        %swap3A_399 = vector.shape_cast %scan3A_372#2 : vector<16xf32> to vector<1x16xf32>
        tpu.vector_store %arg11[%swap3A_395, %swap3A_396], %swap3A_399 {strides = array<i32>} : memref<16x128xf32, #tpu.memory_space<vmem>>, vector<1x16xf32>,
        %mul3A_400 = arith.constant 8 : i32
        %mul3A_401 = arith.muli %scan3A_155, %mul3A_400 : i32
        %add3A_402 = arith.constant 0 : i32
        %add3A_403 = arith.addi %mul3A_401, %add3A_402 : i32
        %swap3A_404 = arith.index_cast %add3A_403 : i32 to index
        %swap3A_405 = arith.constant 48 : index
        %swap3A_406 = tpu.vector_load %arg11[%swap3A_404, %swap3A_405] {strides = array<i32>} : memref<16x128xf32, #tpu.memory_space<vmem>>, vector<1x16xf32>,
        %swap3A_407 = vector.shape_cast %swap3A_406 : vector<1x16xf32> to vector<16xf32>
        %swap3A_408 = vector.shape_cast %scan3A_372#3 : vector<16xf32> to vector<1x16xf32>
        tpu.vector_store %arg11[%swap3A_404, %swap3A_405], %swap3A_408 {strides = array<i32>} : memref<16x128xf32, #tpu.memory_space<vmem>>, vector<1x16xf32>,
        %mul3A_409 = arith.constant 8 : i32
        %mul3A_410 = arith.muli %scan3A_155, %mul3A_409 : i32
        %add3A_411 = arith.constant 1 : i32
        %add3A_412 = arith.addi %mul3A_410, %add3A_411 : i32
        %swap3A_413 = arith.index_cast %add3A_412 : i32 to index
        %swap3A_414 = arith.constant 0 : index
        %swap3A_415 = tpu.vector_load %arg11[%swap3A_413, %swap3A_414] {strides = array<i32>} : memref<16x128xf32, #tpu.memory_space<vmem>>, vector<1x16xf32>,
        %swap3A_416 = vector.shape_cast %swap3A_415 : vector<1x16xf32> to vector<16xf32>
        %swap3A_417 = vector.shape_cast %scan3A_372#4 : vector<16xf32> to vector<1x16xf32>
        tpu.vector_store %arg11[%swap3A_413, %swap3A_414], %swap3A_417 {strides = array<i32>} : memref<16x128xf32, #tpu.memory_space<vmem>>, vector<1x16xf32>,
        %mul3A_418 = arith.constant 8 : i32
        %mul3A_419 = arith.muli %scan3A_155, %mul3A_418 : i32
        %add3A_420 = arith.constant 1 : i32
        %add3A_421 = arith.addi %mul3A_419, %add3A_420 : i32
        %swap3A_422 = arith.index_cast %add3A_421 : i32 to index
        %swap3A_423 = arith.constant 16 : index
        %swap3A_424 = tpu.vector_load %arg11[%swap3A_422, %swap3A_423] {strides = array<i32>} : memref<16x128xf32, #tpu.memory_space<vmem>>, vector<1x16xf32>,
        %swap3A_425 = vector.shape_cast %swap3A_424 : vector<1x16xf32> to vector<16xf32>
        %swap3A_426 = vector.shape_cast %scan3A_372#5 : vector<16xf32> to vector<1x16xf32>
        tpu.vector_store %arg11[%swap3A_422, %swap3A_423], %swap3A_426 {strides = array<i32>} : memref<16x128xf32, #tpu.memory_space<vmem>>, vector<1x16xf32>,
        %mul3A_427 = arith.constant 8 : i32
        %mul3A_428 = arith.muli %scan3A_155, %mul3A_427 : i32
        %add3A_429 = arith.constant 1 : i32
        %add3A_430 = arith.addi %mul3A_428, %add3A_429 : i32
        %swap3A_431 = arith.index_cast %add3A_430 : i32 to index
        %swap3A_432 = arith.constant 32 : index
        %swap3A_433 = tpu.vector_load %arg11[%swap3A_431, %swap3A_432] {strides = array<i32>} : memref<16x128xf32, #tpu.memory_space<vmem>>, vector<1x16xf32>,
        %swap3A_434 = vector.shape_cast %swap3A_433 : vector<1x16xf32> to vector<16xf32>
        %swap3A_435 = vector.shape_cast %scan3A_372#6 : vector<16xf32> to vector<1x16xf32>
        tpu.vector_store %arg11[%swap3A_431, %swap3A_432], %swap3A_435 {strides = array<i32>} : memref<16x128xf32, #tpu.memory_space<vmem>>, vector<1x16xf32>,
        %mul3A_436 = arith.constant 8 : i32
        %mul3A_437 = arith.muli %scan3A_155, %mul3A_436 : i32
        %add3A_438 = arith.constant 1 : i32
        %add3A_439 = arith.addi %mul3A_437, %add3A_438 : i32
        %swap3A_440 = arith.index_cast %add3A_439 : i32 to index
        %swap3A_441 = arith.constant 48 : index
        %swap3A_442 = tpu.vector_load %arg11[%swap3A_440, %swap3A_441] {strides = array<i32>} : memref<16x128xf32, #tpu.memory_space<vmem>>, vector<1x16xf32>,
        %swap3A_443 = vector.shape_cast %swap3A_442 : vector<1x16xf32> to vector<16xf32>
        %swap3A_444 = vector.shape_cast %scan3A_372#7 : vector<16xf32> to vector<1x16xf32>
        tpu.vector_store %arg11[%swap3A_440, %swap3A_441], %swap3A_444 {strides = array<i32>} : memref<16x128xf32, #tpu.memory_space<vmem>>, vector<1x16xf32>,
        %mul3A_445 = arith.constant 8 : i32
        %mul3A_446 = arith.muli %scan3A_155, %mul3A_445 : i32
        %add3A_447 = arith.constant 2 : i32
        %add3A_448 = arith.addi %mul3A_446, %add3A_447 : i32
        %swap3A_449 = arith.index_cast %add3A_448 : i32 to index
        %swap3A_450 = arith.constant 0 : index
        %swap3A_451 = tpu.vector_load %arg11[%swap3A_449, %swap3A_450] {strides = array<i32>} : memref<16x128xf32, #tpu.memory_space<vmem>>, vector<1x16xf32>,
        %swap3A_452 = vector.shape_cast %swap3A_451 : vector<1x16xf32> to vector<16xf32>
        %swap3A_453 = vector.shape_cast %scan3A_372#8 : vector<16xf32> to vector<1x16xf32>
        tpu.vector_store %arg11[%swap3A_449, %swap3A_450], %swap3A_453 {strides = array<i32>} : memref<16x128xf32, #tpu.memory_space<vmem>>, vector<1x16xf32>,
        %mul3A_454 = arith.constant 8 : i32
        %mul3A_455 = arith.muli %scan3A_155, %mul3A_454 : i32
        %add3A_456 = arith.constant 2 : i32
        %add3A_457 = arith.addi %mul3A_455, %add3A_456 : i32
        %swap3A_458 = arith.index_cast %add3A_457 : i32 to index
        %swap3A_459 = arith.constant 16 : index
        %swap3A_460 = tpu.vector_load %arg11[%swap3A_458, %swap3A_459] {strides = array<i32>} : memref<16x128xf32, #tpu.memory_space<vmem>>, vector<1x16xf32>,
        %swap3A_461 = vector.shape_cast %swap3A_460 : vector<1x16xf32> to vector<16xf32>
        %swap3A_462 = vector.shape_cast %scan3A_372#9 : vector<16xf32> to vector<1x16xf32>
        tpu.vector_store %arg11[%swap3A_458, %swap3A_459], %swap3A_462 {strides = array<i32>} : memref<16x128xf32, #tpu.memory_space<vmem>>, vector<1x16xf32>,
        %mul3A_463 = arith.constant 8 : i32
        %mul3A_464 = arith.muli %scan3A_155, %mul3A_463 : i32
        %add3A_465 = arith.constant 2 : i32
        %add3A_466 = arith.addi %mul3A_464, %add3A_465 : i32
        %swap3A_467 = arith.index_cast %add3A_466 : i32 to index
        %swap3A_468 = arith.constant 32 : index
        %swap3A_469 = tpu.vector_load %arg11[%swap3A_467, %swap3A_468] {strides = array<i32>} : memref<16x128xf32, #tpu.memory_space<vmem>>, vector<1x16xf32>,
        %swap3A_470 = vector.shape_cast %swap3A_469 : vector<1x16xf32> to vector<16xf32>
        %swap3A_471 = vector.shape_cast %scan3A_372#10 : vector<16xf32> to vector<1x16xf32>
        tpu.vector_store %arg11[%swap3A_467, %swap3A_468], %swap3A_471 {strides = array<i32>} : memref<16x128xf32, #tpu.memory_space<vmem>>, vector<1x16xf32>,
        %mul3A_472 = arith.constant 8 : i32
        %mul3A_473 = arith.muli %scan3A_155, %mul3A_472 : i32
        %add3A_474 = arith.constant 2 : i32
        %add3A_475 = arith.addi %mul3A_473, %add3A_474 : i32
        %swap3A_476 = arith.index_cast %add3A_475 : i32 to index
        %swap3A_477 = arith.constant 48 : index
        %swap3A_478 = tpu.vector_load %arg11[%swap3A_476, %swap3A_477] {strides = array<i32>} : memref<16x128xf32, #tpu.memory_space<vmem>>, vector<1x16xf32>,
        %swap3A_479 = vector.shape_cast %swap3A_478 : vector<1x16xf32> to vector<16xf32>
        %swap3A_480 = vector.shape_cast %scan3A_372#11 : vector<16xf32> to vector<1x16xf32>
        tpu.vector_store %arg11[%swap3A_476, %swap3A_477], %swap3A_480 {strides = array<i32>} : memref<16x128xf32, #tpu.memory_space<vmem>>, vector<1x16xf32>,
        %mul3A_481 = arith.constant 8 : i32
        %mul3A_482 = arith.muli %scan3A_155, %mul3A_481 : i32
        %add3A_483 = arith.constant 3 : i32
        %add3A_484 = arith.addi %mul3A_482, %add3A_483 : i32
        %swap3A_485 = arith.index_cast %add3A_484 : i32 to index
        %swap3A_486 = arith.constant 0 : index
        %swap3A_487 = tpu.vector_load %arg11[%swap3A_485, %swap3A_486] {strides = array<i32>} : memref<16x128xf32, #tpu.memory_space<vmem>>, vector<1x16xf32>,
        %swap3A_488 = vector.shape_cast %swap3A_487 : vector<1x16xf32> to vector<16xf32>
        %swap3A_489 = vector.shape_cast %scan3A_372#12 : vector<16xf32> to vector<1x16xf32>
        tpu.vector_store %arg11[%swap3A_485, %swap3A_486], %swap3A_489 {strides = array<i32>} : memref<16x128xf32, #tpu.memory_space<vmem>>, vector<1x16xf32>,
        %mul3A_490 = arith.constant 8 : i32
        %mul3A_491 = arith.muli %scan3A_155, %mul3A_490 : i32
        %add3A_492 = arith.constant 3 : i32
        %add3A_493 = arith.addi %mul3A_491, %add3A_492 : i32
        %swap3A_494 = arith.index_cast %add3A_493 : i32 to index
        %swap3A_495 = arith.constant 16 : index
        %swap3A_496 = tpu.vector_load %arg11[%swap3A_494, %swap3A_495] {strides = array<i32>} : memref<16x128xf32, #tpu.memory_space<vmem>>, vector<1x16xf32>,
        %swap3A_497 = vector.shape_cast %swap3A_496 : vector<1x16xf32> to vector<16xf32>
        %swap3A_498 = vector.shape_cast %scan3A_372#13 : vector<16xf32> to vector<1x16xf32>
        tpu.vector_store %arg11[%swap3A_494, %swap3A_495], %swap3A_498 {strides = array<i32>} : memref<16x128xf32, #tpu.memory_space<vmem>>, vector<1x16xf32>,
        %mul3A_499 = arith.constant 8 : i32
        %mul3A_500 = arith.muli %scan3A_155, %mul3A_499 : i32
        %add3A_501 = arith.constant 3 : i32
        %add3A_502 = arith.addi %mul3A_500, %add3A_501 : i32
        %swap3A_503 = arith.index_cast %add3A_502 : i32 to index
        %swap3A_504 = arith.constant 32 : index
        %swap3A_505 = tpu.vector_load %arg11[%swap3A_503, %swap3A_504] {strides = array<i32>} : memref<16x128xf32, #tpu.memory_space<vmem>>, vector<1x16xf32>,
        %swap3A_506 = vector.shape_cast %swap3A_505 : vector<1x16xf32> to vector<16xf32>
        %swap3A_507 = vector.shape_cast %scan3A_372#14 : vector<16xf32> to vector<1x16xf32>
        tpu.vector_store %arg11[%swap3A_503, %swap3A_504], %swap3A_507 {strides = array<i32>} : memref<16x128xf32, #tpu.memory_space<vmem>>, vector<1x16xf32>,
        %mul3A_508 = arith.constant 8 : i32
        %mul3A_509 = arith.muli %scan3A_155, %mul3A_508 : i32
        %add3A_510 = arith.constant 3 : i32
        %add3A_511 = arith.addi %mul3A_509, %add3A_510 : i32
        %swap3A_512 = arith.index_cast %add3A_511 : i32 to index
        %swap3A_513 = arith.constant 48 : index
        %swap3A_514 = tpu.vector_load %arg11[%swap3A_512, %swap3A_513] {strides = array<i32>} : memref<16x128xf32, #tpu.memory_space<vmem>>, vector<1x16xf32>,
        %swap3A_515 = vector.shape_cast %swap3A_514 : vector<1x16xf32> to vector<16xf32>
        %swap3A_516 = vector.shape_cast %scan3A_372#15 : vector<16xf32> to vector<1x16xf32>
        tpu.vector_store %arg11[%swap3A_512, %swap3A_513], %swap3A_516 {strides = array<i32>} : memref<16x128xf32, #tpu.memory_space<vmem>>, vector<1x16xf32>,
        %mul3A_517 = arith.constant 8 : i32
        %mul3A_518 = arith.muli %scan3A_155, %mul3A_517 : i32
        %add3A_519 = arith.constant 4 : i32
        %add3A_520 = arith.addi %mul3A_518, %add3A_519 : i32
        %swap3A_521 = arith.index_cast %add3A_520 : i32 to index
        %swap3A_522 = arith.constant 0 : index
        %swap3A_523 = tpu.vector_load %arg11[%swap3A_521, %swap3A_522] {strides = array<i32>} : memref<16x128xf32, #tpu.memory_space<vmem>>, vector<1x16xf32>,
        %swap3A_524 = vector.shape_cast %swap3A_523 : vector<1x16xf32> to vector<16xf32>
        %swap3A_525 = vector.shape_cast %scan3A_372#16 : vector<16xf32> to vector<1x16xf32>
        tpu.vector_store %arg11[%swap3A_521, %swap3A_522], %swap3A_525 {strides = array<i32>} : memref<16x128xf32, #tpu.memory_space<vmem>>, vector<1x16xf32>,
        %mul3A_526 = arith.constant 8 : i32
        %mul3A_527 = arith.muli %scan3A_155, %mul3A_526 : i32
        %add3A_528 = arith.constant 4 : i32
        %add3A_529 = arith.addi %mul3A_527, %add3A_528 : i32
        %swap3A_530 = arith.index_cast %add3A_529 : i32 to index
        %swap3A_531 = arith.constant 16 : index
        %swap3A_532 = tpu.vector_load %arg11[%swap3A_530, %swap3A_531] {strides = array<i32>} : memref<16x128xf32, #tpu.memory_space<vmem>>, vector<1x16xf32>,
        %swap3A_533 = vector.shape_cast %swap3A_532 : vector<1x16xf32> to vector<16xf32>
        %swap3A_534 = vector.shape_cast %scan3A_372#17 : vector<16xf32> to vector<1x16xf32>
        tpu.vector_store %arg11[%swap3A_530, %swap3A_531], %swap3A_534 {strides = array<i32>} : memref<16x128xf32, #tpu.memory_space<vmem>>, vector<1x16xf32>,
        %mul3A_535 = arith.constant 8 : i32
        %mul3A_536 = arith.muli %scan3A_155, %mul3A_535 : i32
        %add3A_537 = arith.constant 4 : i32
        %add3A_538 = arith.addi %mul3A_536, %add3A_537 : i32
        %swap3A_539 = arith.index_cast %add3A_538 : i32 to index
        %swap3A_540 = arith.constant 32 : index
        %swap3A_541 = tpu.vector_load %arg11[%swap3A_539, %swap3A_540] {strides = array<i32>} : memref<16x128xf32, #tpu.memory_space<vmem>>, vector<1x16xf32>,
        %swap3A_542 = vector.shape_cast %swap3A_541 : vector<1x16xf32> to vector<16xf32>
        %swap3A_543 = vector.shape_cast %scan3A_372#18 : vector<16xf32> to vector<1x16xf32>
        tpu.vector_store %arg11[%swap3A_539, %swap3A_540], %swap3A_543 {strides = array<i32>} : memref<16x128xf32, #tpu.memory_space<vmem>>, vector<1x16xf32>,
        %mul3A_544 = arith.constant 8 : i32
        %mul3A_545 = arith.muli %scan3A_155, %mul3A_544 : i32
        %add3A_546 = arith.constant 4 : i32
        %add3A_547 = arith.addi %mul3A_545, %add3A_546 : i32
        %swap3A_548 = arith.index_cast %add3A_547 : i32 to index
        %swap3A_549 = arith.constant 48 : index
        %swap3A_550 = tpu.vector_load %arg11[%swap3A_548, %swap3A_549] {strides = array<i32>} : memref<16x128xf32, #tpu.memory_space<vmem>>, vector<1x16xf32>,
        %swap3A_551 = vector.shape_cast %swap3A_550 : vector<1x16xf32> to vector<16xf32>
        %swap3A_552 = vector.shape_cast %scan3A_372#19 : vector<16xf32> to vector<1x16xf32>
        tpu.vector_store %arg11[%swap3A_548, %swap3A_549], %swap3A_552 {strides = array<i32>} : memref<16x128xf32, #tpu.memory_space<vmem>>, vector<1x16xf32>,
        %mul3A_553 = arith.constant 8 : i32
        %mul3A_554 = arith.muli %scan3A_155, %mul3A_553 : i32
        %add3A_555 = arith.constant 5 : i32
        %add3A_556 = arith.addi %mul3A_554, %add3A_555 : i32
        %swap3A_557 = arith.index_cast %add3A_556 : i32 to index
        %swap3A_558 = arith.constant 0 : index
        %swap3A_559 = tpu.vector_load %arg11[%swap3A_557, %swap3A_558] {strides = array<i32>} : memref<16x128xf32, #tpu.memory_space<vmem>>, vector<1x16xf32>,
        %swap3A_560 = vector.shape_cast %swap3A_559 : vector<1x16xf32> to vector<16xf32>
        %swap3A_561 = vector.shape_cast %scan3A_372#20 : vector<16xf32> to vector<1x16xf32>
        tpu.vector_store %arg11[%swap3A_557, %swap3A_558], %swap3A_561 {strides = array<i32>} : memref<16x128xf32, #tpu.memory_space<vmem>>, vector<1x16xf32>,
        %mul3A_562 = arith.constant 8 : i32
        %mul3A_563 = arith.muli %scan3A_155, %mul3A_562 : i32
        %add3A_564 = arith.constant 5 : i32
        %add3A_565 = arith.addi %mul3A_563, %add3A_564 : i32
        %swap3A_566 = arith.index_cast %add3A_565 : i32 to index
        %swap3A_567 = arith.constant 16 : index
        %swap3A_568 = tpu.vector_load %arg11[%swap3A_566, %swap3A_567] {strides = array<i32>} : memref<16x128xf32, #tpu.memory_space<vmem>>, vector<1x16xf32>,
        %swap3A_569 = vector.shape_cast %swap3A_568 : vector<1x16xf32> to vector<16xf32>
        %swap3A_570 = vector.shape_cast %scan3A_372#21 : vector<16xf32> to vector<1x16xf32>
        tpu.vector_store %arg11[%swap3A_566, %swap3A_567], %swap3A_570 {strides = array<i32>} : memref<16x128xf32, #tpu.memory_space<vmem>>, vector<1x16xf32>,
        %mul3A_571 = arith.constant 8 : i32
        %mul3A_572 = arith.muli %scan3A_155, %mul3A_571 : i32
        %add3A_573 = arith.constant 5 : i32
        %add3A_574 = arith.addi %mul3A_572, %add3A_573 : i32
        %swap3A_575 = arith.index_cast %add3A_574 : i32 to index
        %swap3A_576 = arith.constant 32 : index
        %swap3A_577 = tpu.vector_load %arg11[%swap3A_575, %swap3A_576] {strides = array<i32>} : memref<16x128xf32, #tpu.memory_space<vmem>>, vector<1x16xf32>,
        %swap3A_578 = vector.shape_cast %swap3A_577 : vector<1x16xf32> to vector<16xf32>
        %swap3A_579 = vector.shape_cast %scan3A_372#22 : vector<16xf32> to vector<1x16xf32>
        tpu.vector_store %arg11[%swap3A_575, %swap3A_576], %swap3A_579 {strides = array<i32>} : memref<16x128xf32, #tpu.memory_space<vmem>>, vector<1x16xf32>,
        %mul3A_580 = arith.constant 8 : i32
        %mul3A_581 = arith.muli %scan3A_155, %mul3A_580 : i32
        %add3A_582 = arith.constant 5 : i32
        %add3A_583 = arith.addi %mul3A_581, %add3A_582 : i32
        %swap3A_584 = arith.index_cast %add3A_583 : i32 to index
        %swap3A_585 = arith.constant 48 : index
        %swap3A_586 = tpu.vector_load %arg11[%swap3A_584, %swap3A_585] {strides = array<i32>} : memref<16x128xf32, #tpu.memory_space<vmem>>, vector<1x16xf32>,
        %swap3A_587 = vector.shape_cast %swap3A_586 : vector<1x16xf32> to vector<16xf32>
        %swap3A_588 = vector.shape_cast %scan3A_372#23 : vector<16xf32> to vector<1x16xf32>
        tpu.vector_store %arg11[%swap3A_584, %swap3A_585], %swap3A_588 {strides = array<i32>} : memref<16x128xf32, #tpu.memory_space<vmem>>, vector<1x16xf32>,
        %mul3A_589 = arith.constant 8 : i32
        %mul3A_590 = arith.muli %scan3A_155, %mul3A_589 : i32
        %add3A_591 = arith.constant 6 : i32
        %add3A_592 = arith.addi %mul3A_590, %add3A_591 : i32
        %swap3A_593 = arith.index_cast %add3A_592 : i32 to index
        %swap3A_594 = arith.constant 0 : index
        %swap3A_595 = tpu.vector_load %arg11[%swap3A_593, %swap3A_594] {strides = array<i32>} : memref<16x128xf32, #tpu.memory_space<vmem>>, vector<1x16xf32>,
        %swap3A_596 = vector.shape_cast %swap3A_595 : vector<1x16xf32> to vector<16xf32>
        %swap3A_597 = vector.shape_cast %scan3A_372#24 : vector<16xf32> to vector<1x16xf32>
        tpu.vector_store %arg11[%swap3A_593, %swap3A_594], %swap3A_597 {strides = array<i32>} : memref<16x128xf32, #tpu.memory_space<vmem>>, vector<1x16xf32>,
        %mul3A_598 = arith.constant 8 : i32
        %mul3A_599 = arith.muli %scan3A_155, %mul3A_598 : i32
        %add3A_600 = arith.constant 6 : i32
        %add3A_601 = arith.addi %mul3A_599, %add3A_600 : i32
        %swap3A_602 = arith.index_cast %add3A_601 : i32 to index
        %swap3A_603 = arith.constant 16 : index
        %swap3A_604 = tpu.vector_load %arg11[%swap3A_602, %swap3A_603] {strides = array<i32>} : memref<16x128xf32, #tpu.memory_space<vmem>>, vector<1x16xf32>,
        %swap3A_605 = vector.shape_cast %swap3A_604 : vector<1x16xf32> to vector<16xf32>
        %swap3A_606 = vector.shape_cast %scan3A_372#25 : vector<16xf32> to vector<1x16xf32>
        tpu.vector_store %arg11[%swap3A_602, %swap3A_603], %swap3A_606 {strides = array<i32>} : memref<16x128xf32, #tpu.memory_space<vmem>>, vector<1x16xf32>,
        %mul3A_607 = arith.constant 8 : i32
        %mul3A_608 = arith.muli %scan3A_155, %mul3A_607 : i32
        %add3A_609 = arith.constant 6 : i32
        %add3A_610 = arith.addi %mul3A_608, %add3A_609 : i32
        %swap3A_611 = arith.index_cast %add3A_610 : i32 to index
        %swap3A_612 = arith.constant 32 : index
        %swap3A_613 = tpu.vector_load %arg11[%swap3A_611, %swap3A_612] {strides = array<i32>} : memref<16x128xf32, #tpu.memory_space<vmem>>, vector<1x16xf32>,
        %swap3A_614 = vector.shape_cast %swap3A_613 : vector<1x16xf32> to vector<16xf32>
        %swap3A_615 = vector.shape_cast %scan3A_372#26 : vector<16xf32> to vector<1x16xf32>
        tpu.vector_store %arg11[%swap3A_611, %swap3A_612], %swap3A_615 {strides = array<i32>} : memref<16x128xf32, #tpu.memory_space<vmem>>, vector<1x16xf32>,
        %mul3A_616 = arith.constant 8 : i32
        %mul3A_617 = arith.muli %scan3A_155, %mul3A_616 : i32
        %add3A_618 = arith.constant 6 : i32
        %add3A_619 = arith.addi %mul3A_617, %add3A_618 : i32
        %swap3A_620 = arith.index_cast %add3A_619 : i32 to index
        %swap3A_621 = arith.constant 48 : index
        %swap3A_622 = tpu.vector_load %arg11[%swap3A_620, %swap3A_621] {strides = array<i32>} : memref<16x128xf32, #tpu.memory_space<vmem>>, vector<1x16xf32>,
        %swap3A_623 = vector.shape_cast %swap3A_622 : vector<1x16xf32> to vector<16xf32>
        %swap3A_624 = vector.shape_cast %scan3A_372#27 : vector<16xf32> to vector<1x16xf32>
        tpu.vector_store %arg11[%swap3A_620, %swap3A_621], %swap3A_624 {strides = array<i32>} : memref<16x128xf32, #tpu.memory_space<vmem>>, vector<1x16xf32>,
        %mul3A_625 = arith.constant 8 : i32
        %mul3A_626 = arith.muli %scan3A_155, %mul3A_625 : i32
        %add3A_627 = arith.constant 7 : i32
        %add3A_628 = arith.addi %mul3A_626, %add3A_627 : i32
        %swap3A_629 = arith.index_cast %add3A_628 : i32 to index
        %swap3A_630 = arith.constant 0 : index
        %swap3A_631 = tpu.vector_load %arg11[%swap3A_629, %swap3A_630] {strides = array<i32>} : memref<16x128xf32, #tpu.memory_space<vmem>>, vector<1x16xf32>,
        %swap3A_632 = vector.shape_cast %swap3A_631 : vector<1x16xf32> to vector<16xf32>
        %swap3A_633 = vector.shape_cast %scan3A_372#28 : vector<16xf32> to vector<1x16xf32>
        tpu.vector_store %arg11[%swap3A_629, %swap3A_630], %swap3A_633 {strides = array<i32>} : memref<16x128xf32, #tpu.memory_space<vmem>>, vector<1x16xf32>,
        %mul3A_634 = arith.constant 8 : i32
        %mul3A_635 = arith.muli %scan3A_155, %mul3A_634 : i32
        %add3A_636 = arith.constant 7 : i32
        %add3A_637 = arith.addi %mul3A_635, %add3A_636 : i32
        %swap3A_638 = arith.index_cast %add3A_637 : i32 to index
        %swap3A_639 = arith.constant 16 : index
        %swap3A_640 = tpu.vector_load %arg11[%swap3A_638, %swap3A_639] {strides = array<i32>} : memref<16x128xf32, #tpu.memory_space<vmem>>, vector<1x16xf32>,
        %swap3A_641 = vector.shape_cast %swap3A_640 : vector<1x16xf32> to vector<16xf32>
        %swap3A_642 = vector.shape_cast %scan3A_372#29 : vector<16xf32> to vector<1x16xf32>
        tpu.vector_store %arg11[%swap3A_638, %swap3A_639], %swap3A_642 {strides = array<i32>} : memref<16x128xf32, #tpu.memory_space<vmem>>, vector<1x16xf32>,
        %mul3A_643 = arith.constant 8 : i32
        %mul3A_644 = arith.muli %scan3A_155, %mul3A_643 : i32
        %add3A_645 = arith.constant 7 : i32
        %add3A_646 = arith.addi %mul3A_644, %add3A_645 : i32
        %swap3A_647 = arith.index_cast %add3A_646 : i32 to index
        %swap3A_648 = arith.constant 32 : index
        %swap3A_649 = tpu.vector_load %arg11[%swap3A_647, %swap3A_648] {strides = array<i32>} : memref<16x128xf32, #tpu.memory_space<vmem>>, vector<1x16xf32>,
        %swap3A_650 = vector.shape_cast %swap3A_649 : vector<1x16xf32> to vector<16xf32>
        %swap3A_651 = vector.shape_cast %scan3A_372#30 : vector<16xf32> to vector<1x16xf32>
        tpu.vector_store %arg11[%swap3A_647, %swap3A_648], %swap3A_651 {strides = array<i32>} : memref<16x128xf32, #tpu.memory_space<vmem>>, vector<1x16xf32>,
        %mul3A_652 = arith.constant 8 : i32
        %mul3A_653 = arith.muli %scan3A_155, %mul3A_652 : i32
        %add3A_654 = arith.constant 7 : i32
        %add3A_655 = arith.addi %mul3A_653, %add3A_654 : i32
        %swap3A_656 = arith.index_cast %add3A_655 : i32 to index
        %swap3A_657 = arith.constant 48 : index
        %swap3A_658 = tpu.vector_load %arg11[%swap3A_656, %swap3A_657] {strides = array<i32>} : memref<16x128xf32, #tpu.memory_space<vmem>>, vector<1x16xf32>,
        %swap3A_659 = vector.shape_cast %swap3A_658 : vector<1x16xf32> to vector<16xf32>
        %swap3A_660 = vector.shape_cast %scan3A_372#31 : vector<16xf32> to vector<1x16xf32>
        tpu.vector_store %arg11[%swap3A_656, %swap3A_657], %swap3A_660 {strides = array<i32>} : memref<16x128xf32, #tpu.memory_space<vmem>>, vector<1x16xf32>,
        %broadcast_in_dim3A_661 = arith.constant 0.000000e+00 : f32
        %broadcast_in_dim3A_662 = vector.broadcast %broadcast_in_dim3A_661 : f32 to vector<16xf32>
        %broadcast_in_dim3A_663 = arith.constant 0.000000e+00 : f32
        %broadcast_in_dim3A_664 = vector.broadcast %broadcast_in_dim3A_663 : f32 to vector<16xf32>
        %broadcast_in_dim3A_665 = arith.constant 0.000000e+00 : f32
        %broadcast_in_dim3A_666 = vector.broadcast %broadcast_in_dim3A_665 : f32 to vector<16xf32>
        %broadcast_in_dim3A_667 = arith.constant 0.000000e+00 : f32
        %broadcast_in_dim3A_668 = vector.broadcast %broadcast_in_dim3A_667 : f32 to vector<16xf32>
        %broadcast_in_dim3A_669 = arith.constant 0.000000e+00 : f32
        %broadcast_in_dim3A_670 = vector.broadcast %broadcast_in_dim3A_669 : f32 to vector<16xf32>
        %broadcast_in_dim3A_671 = arith.constant 0.000000e+00 : f32
        %broadcast_in_dim3A_672 = vector.broadcast %broadcast_in_dim3A_671 : f32 to vector<16xf32>
        %broadcast_in_dim3A_673 = arith.constant 0.000000e+00 : f32
        %broadcast_in_dim3A_674 = vector.broadcast %broadcast_in_dim3A_673 : f32 to vector<16xf32>
        %broadcast_in_dim3A_675 = arith.constant 0.000000e+00 : f32
        %broadcast_in_dim3A_676 = vector.broadcast %broadcast_in_dim3A_675 : f32 to vector<16xf32>
        %broadcast_in_dim3A_677 = arith.constant 0.000000e+00 : f32
        %broadcast_in_dim3A_678 = vector.broadcast %broadcast_in_dim3A_677 : f32 to vector<16xf32>
        %broadcast_in_dim3A_679 = arith.constant 0.000000e+00 : f32
        %broadcast_in_dim3A_680 = vector.broadcast %broadcast_in_dim3A_679 : f32 to vector<16xf32>
        %broadcast_in_dim3A_681 = arith.constant 0.000000e+00 : f32
        %broadcast_in_dim3A_682 = vector.broadcast %broadcast_in_dim3A_681 : f32 to vector<16xf32>
        %broadcast_in_dim3A_683 = arith.constant 0.000000e+00 : f32
        %broadcast_in_dim3A_684 = vector.broadcast %broadcast_in_dim3A_683 : f32 to vector<16xf32>
        %broadcast_in_dim3A_685 = arith.constant 0.000000e+00 : f32
        %broadcast_in_dim3A_686 = vector.broadcast %broadcast_in_dim3A_685 : f32 to vector<16xf32>
        %broadcast_in_dim3A_687 = arith.constant 0.000000e+00 : f32
        %broadcast_in_dim3A_688 = vector.broadcast %broadcast_in_dim3A_687 : f32 to vector<16xf32>
        %broadcast_in_dim3A_689 = arith.constant 0.000000e+00 : f32
        %broadcast_in_dim3A_690 = vector.broadcast %broadcast_in_dim3A_689 : f32 to vector<16xf32>
        %broadcast_in_dim3A_691 = arith.constant 0.000000e+00 : f32
        %broadcast_in_dim3A_692 = vector.broadcast %broadcast_in_dim3A_691 : f32 to vector<16xf32>
        %broadcast_in_dim3A_693 = arith.constant 0.000000e+00 : f32
        %broadcast_in_dim3A_694 = vector.broadcast %broadcast_in_dim3A_693 : f32 to vector<16xf32>
        %broadcast_in_dim3A_695 = arith.constant 0.000000e+00 : f32
        %broadcast_in_dim3A_696 = vector.broadcast %broadcast_in_dim3A_695 : f32 to vector<16xf32>
        %broadcast_in_dim3A_697 = arith.constant 0.000000e+00 : f32
        %broadcast_in_dim3A_698 = vector.broadcast %broadcast_in_dim3A_697 : f32 to vector<16xf32>
        %broadcast_in_dim3A_699 = arith.constant 0.000000e+00 : f32
        %broadcast_in_dim3A_700 = vector.broadcast %broadcast_in_dim3A_699 : f32 to vector<16xf32>
        %broadcast_in_dim3A_701 = arith.constant 0.000000e+00 : f32
        %broadcast_in_dim3A_702 = vector.broadcast %broadcast_in_dim3A_701 : f32 to vector<16xf32>
        %broadcast_in_dim3A_703 = arith.constant 0.000000e+00 : f32
        %broadcast_in_dim3A_704 = vector.broadcast %broadcast_in_dim3A_703 : f32 to vector<16xf32>
        %broadcast_in_dim3A_705 = arith.constant 0.000000e+00 : f32
        %broadcast_in_dim3A_706 = vector.broadcast %broadcast_in_dim3A_705 : f32 to vector<16xf32>
        %broadcast_in_dim3A_707 = arith.constant 0.000000e+00 : f32
        %broadcast_in_dim3A_708 = vector.broadcast %broadcast_in_dim3A_707 : f32 to vector<16xf32>
        %broadcast_in_dim3A_709 = arith.constant 0.000000e+00 : f32
        %broadcast_in_dim3A_710 = vector.broadcast %broadcast_in_dim3A_709 : f32 to vector<16xf32>
        %broadcast_in_dim3A_711 = arith.constant 0.000000e+00 : f32
        %broadcast_in_dim3A_712 = vector.broadcast %broadcast_in_dim3A_711 : f32 to vector<16xf32>
        %broadcast_in_dim3A_713 = arith.constant 0.000000e+00 : f32
        %broadcast_in_dim3A_714 = vector.broadcast %broadcast_in_dim3A_713 : f32 to vector<16xf32>
        %broadcast_in_dim3A_715 = arith.constant 0.000000e+00 : f32
        %broadcast_in_dim3A_716 = vector.broadcast %broadcast_in_dim3A_715 : f32 to vector<16xf32>
        %broadcast_in_dim3A_717 = arith.constant 0.000000e+00 : f32
        %broadcast_in_dim3A_718 = vector.broadcast %broadcast_in_dim3A_717 : f32 to vector<16xf32>
        %broadcast_in_dim3A_719 = arith.constant 0.000000e+00 : f32
        %broadcast_in_dim3A_720 = vector.broadcast %broadcast_in_dim3A_719 : f32 to vector<16xf32>
        %broadcast_in_dim3A_721 = arith.constant 0.000000e+00 : f32
        %broadcast_in_dim3A_722 = vector.broadcast %broadcast_in_dim3A_721 : f32 to vector<16xf32>
        %broadcast_in_dim3A_723 = arith.constant 0.000000e+00 : f32
        %broadcast_in_dim3A_724 = vector.broadcast %broadcast_in_dim3A_723 : f32 to vector<16xf32>
        %mul3A_725 = arith.constant 32 : i32
        %mul3A_726 = arith.muli %scan3A_155, %mul3A_725 : i32
        %add3A_727 = arith.constant 0 : i32
        %add3A_728 = arith.addi %mul3A_726, %add3A_727 : i32
        %get3A_729 = arith.constant 0 : i32
        %get3A_730 = arith.index_cast %get3A_729 : i32 to index
        %get3A_731 = arith.index_cast %add3A_728 : i32 to index
        %get3A_732 = tpu.vector_load %arg9[%get3A_730, %get3A_731] {strides = array<i32>} : memref<8x64xf32, #tpu.memory_space<vmem>>, vector<1x16xf32>,
        %get3A_733 = vector.shape_cast %get3A_732 : vector<1x16xf32> to vector<16xf32>
        %mul3A_734 = arith.constant 32 : i32
        %mul3A_735 = arith.muli %scan3A_155, %mul3A_734 : i32
        %add3A_736 = arith.constant 0 : i32
        %add3A_737 = arith.addi %mul3A_735, %add3A_736 : i32
        %get3A_738 = arith.constant 1 : i32
        %get3A_739 = arith.index_cast %get3A_738 : i32 to index
        %get3A_740 = arith.index_cast %add3A_737 : i32 to index
        %get3A_741 = tpu.vector_load %arg9[%get3A_739, %get3A_740] {strides = array<i32>} : memref<8x64xf32, #tpu.memory_space<vmem>>, vector<1x16xf32>,
        %get3A_742 = vector.shape_cast %get3A_741 : vector<1x16xf32> to vector<16xf32>
        %mul3A_743 = arith.constant 32 : i32
        %mul3A_744 = arith.muli %scan3A_155, %mul3A_743 : i32
        %add3A_745 = arith.constant 0 : i32
        %add3A_746 = arith.addi %mul3A_744, %add3A_745 : i32
        %get3A_747 = arith.constant 2 : i32
        %get3A_748 = arith.index_cast %get3A_747 : i32 to index
        %get3A_749 = arith.index_cast %add3A_746 : i32 to index
        %get3A_750 = tpu.vector_load %arg9[%get3A_748, %get3A_749] {strides = array<i32>} : memref<8x64xf32, #tpu.memory_space<vmem>>, vector<1x16xf32>,
        %get3A_751 = vector.shape_cast %get3A_750 : vector<1x16xf32> to vector<16xf32>
        %mul3A_752 = arith.constant 32 : i32
        %mul3A_753 = arith.muli %scan3A_155, %mul3A_752 : i32
        %add3A_754 = arith.constant 0 : i32
        %add3A_755 = arith.addi %mul3A_753, %add3A_754 : i32
        %get3A_756 = arith.constant 3 : i32
        %get3A_757 = arith.index_cast %get3A_756 : i32 to index
        %get3A_758 = arith.index_cast %add3A_755 : i32 to index
        %get3A_759 = tpu.vector_load %arg9[%get3A_757, %get3A_758] {strides = array<i32>} : memref<8x64xf32, #tpu.memory_space<vmem>>, vector<1x16xf32>,
        %get3A_760 = vector.shape_cast %get3A_759 : vector<1x16xf32> to vector<16xf32>
        %mul3A_761 = arith.constant 32 : i32
        %mul3A_762 = arith.muli %scan3A_155, %mul3A_761 : i32
        %add3A_763 = arith.constant 0 : i32
        %add3A_764 = arith.addi %mul3A_762, %add3A_763 : i32
        %get3A_765 = arith.constant 4 : i32
        %get3A_766 = arith.index_cast %get3A_765 : i32 to index
        %get3A_767 = arith.index_cast %add3A_764 : i32 to index
        %get3A_768 = tpu.vector_load %arg9[%get3A_766, %get3A_767] {strides = array<i32>} : memref<8x64xf32, #tpu.memory_space<vmem>>, vector<1x16xf32>,
        %get3A_769 = vector.shape_cast %get3A_768 : vector<1x16xf32> to vector<16xf32>
        %mul3A_770 = arith.constant 32 : i32
        %mul3A_771 = arith.muli %scan3A_155, %mul3A_770 : i32
        %add3A_772 = arith.constant 0 : i32
        %add3A_773 = arith.addi %mul3A_771, %add3A_772 : i32
        %get3A_774 = arith.constant 5 : i32
        %get3A_775 = arith.index_cast %get3A_774 : i32 to index
        %get3A_776 = arith.index_cast %add3A_773 : i32 to index
        %get3A_777 = tpu.vector_load %arg9[%get3A_775, %get3A_776] {strides = array<i32>} : memref<8x64xf32, #tpu.memory_space<vmem>>, vector<1x16xf32>,
        %get3A_778 = vector.shape_cast %get3A_777 : vector<1x16xf32> to vector<16xf32>
        %mul3A_779 = arith.constant 32 : i32
        %mul3A_780 = arith.muli %scan3A_155, %mul3A_779 : i32
        %add3A_781 = arith.constant 0 : i32
        %add3A_782 = arith.addi %mul3A_780, %add3A_781 : i32
        %get3A_783 = arith.constant 6 : i32
        %get3A_784 = arith.index_cast %get3A_783 : i32 to index
        %get3A_785 = arith.index_cast %add3A_782 : i32 to index
        %get3A_786 = tpu.vector_load %arg9[%get3A_784, %get3A_785] {strides = array<i32>} : memref<8x64xf32, #tpu.memory_space<vmem>>, vector<1x16xf32>,
        %get3A_787 = vector.shape_cast %get3A_786 : vector<1x16xf32> to vector<16xf32>
        %mul3A_788 = arith.constant 32 : i32
        %mul3A_789 = arith.muli %scan3A_155, %mul3A_788 : i32
        %add3A_790 = arith.constant 0 : i32
        %add3A_791 = arith.addi %mul3A_789, %add3A_790 : i32
        %get3A_792 = arith.constant 7 : i32
        %get3A_793 = arith.index_cast %get3A_792 : i32 to index
        %get3A_794 = arith.index_cast %add3A_791 : i32 to index
        %get3A_795 = tpu.vector_load %arg9[%get3A_793, %get3A_794] {strides = array<i32>} : memref<8x64xf32, #tpu.memory_space<vmem>>, vector<1x16xf32>,
        %get3A_796 = vector.shape_cast %get3A_795 : vector<1x16xf32> to vector<16xf32>
        %scan3A_797 = arith.constant 0 : i32
        %scan3A_798 = arith.constant 16 : i32
        %scan3A_799 = arith.addi %scan3A_797, %scan3A_798 : i32
        %scan3A_800 = arith.constant 1 : i32
        %scan3A_801:32 = scf.for %scan3A_1169 = %scan3A_797 to %scan3A_799 step %scan3A_800 iter_args(%scan3A_1170 = %broadcast_in_dim3A_662, %scan3A_1171 = %broadcast_in_dim3A_664, %scan3A_1172 = %broadcast_in_dim3A_666, %scan3A_1173 = %broadcast_in_dim3A_668, %scan3A_1174 = %broadcast_in_dim3A_670, %scan3A_1175 = %broadcast_in_dim3A_672, %scan3A_1176 = %broadcast_in_dim3A_674, %scan3A_1177 = %broadcast_in_dim3A_676, %scan3A_1178 = %broadcast_in_dim3A_678, %scan3A_1179 = %broadcast_in_dim3A_680, %scan3A_1180 = %broadcast_in_dim3A_682, %scan3A_1181 = %broadcast_in_dim3A_684, %scan3A_1182 = %broadcast_in_dim3A_686, %scan3A_1183 = %broadcast_in_dim3A_688, %scan3A_1184 = %broadcast_in_dim3A_690, %scan3A_1185 = %broadcast_in_dim3A_692, %scan3A_1186 = %broadcast_in_dim3A_694, %scan3A_1187 = %broadcast_in_dim3A_696, %scan3A_1188 = %broadcast_in_dim3A_698, %scan3A_1189 = %broadcast_in_dim3A_700, %scan3A_1190 = %broadcast_in_dim3A_702, %scan3A_1191 = %broadcast_in_dim3A_704, %scan3A_1192 = %broadcast_in_dim3A_706, %scan3A_1193 = %broadcast_in_dim3A_708, %scan3A_1194 = %broadcast_in_dim3A_710, %scan3A_1195 = %broadcast_in_dim3A_712, %scan3A_1196 = %broadcast_in_dim3A_714, %scan3A_1197 = %broadcast_in_dim3A_716, %scan3A_1198 = %broadcast_in_dim3A_718, %scan3A_1199 = %broadcast_in_dim3A_720, %scan3A_1200 = %broadcast_in_dim3A_722, %scan3A_1201 = %broadcast_in_dim3A_724) -> (vector<16xf32>, vector<16xf32>, vector<16xf32>, vector<16xf32>, vector<16xf32>, vector<16xf32>, vector<16xf32>, vector<16xf32>, vector<16xf32>, vector<16xf32>, vector<16xf32>, vector<16xf32>, vector<16xf32>, vector<16xf32>, vector<16xf32>, vector<16xf32>, vector<16xf32>, vector<16xf32>, vector<16xf32>, vector<16xf32>, vector<16xf32>, vector<16xf32>, vector<16xf32>, vector<16xf32>, vector<16xf32>, vector<16xf32>, vector<16xf32>, vector<16xf32>, vector<16xf32>, vector<16xf32>, vector<16xf32>, vector<16xf32>)  : i32 {
          %mul3A_1202 = arith.constant 32 : i32
          %mul3A_1203 = arith.muli %scan3A_155, %mul3A_1202 : i32
          %add3A_1204 = arith.constant 0 : i32
          %add3A_1205 = arith.addi %mul3A_1203, %add3A_1204 : i32
          %add3A_1206 = arith.addi %add3A_1205, %scan3A_1169 : i32
          %broadcast_in_dim3A_1207 = vector.broadcast %scan3A_1169 : i32 to vector<16x1xi32>
          %gather3A = vector.shape_cast %broadcast_in_dim3A_1207 : vector<16x1xi32> to vector<16xi32>
          %gather3A_1208 = tpu.dynamic_gather %get3A_733[%gather3A] in [0] : vector<16xf32>, vector<16xi32> -> vector<16xf32>
          %gather3A_1209 = vector.shape_cast %broadcast_in_dim3A_1207 : vector<16x1xi32> to vector<16xi32>
          %gather3A_1210 = tpu.dynamic_gather %get3A_742[%gather3A_1209] in [0] : vector<16xf32>, vector<16xi32> -> vector<16xf32>
          %gather3A_1211 = vector.shape_cast %broadcast_in_dim3A_1207 : vector<16x1xi32> to vector<16xi32>
          %gather3A_1212 = tpu.dynamic_gather %get3A_751[%gather3A_1211] in [0] : vector<16xf32>, vector<16xi32> -> vector<16xf32>
          %gather3A_1213 = vector.shape_cast %broadcast_in_dim3A_1207 : vector<16x1xi32> to vector<16xi32>
          %gather3A_1214 = tpu.dynamic_gather %get3A_760[%gather3A_1213] in [0] : vector<16xf32>, vector<16xi32> -> vector<16xf32>
          %gather3A_1215 = vector.shape_cast %broadcast_in_dim3A_1207 : vector<16x1xi32> to vector<16xi32>
          %gather3A_1216 = tpu.dynamic_gather %get3A_769[%gather3A_1215] in [0] : vector<16xf32>, vector<16xi32> -> vector<16xf32>
          %gather3A_1217 = vector.shape_cast %broadcast_in_dim3A_1207 : vector<16x1xi32> to vector<16xi32>
          %gather3A_1218 = tpu.dynamic_gather %get3A_778[%gather3A_1217] in [0] : vector<16xf32>, vector<16xi32> -> vector<16xf32>
          %gather3A_1219 = vector.shape_cast %broadcast_in_dim3A_1207 : vector<16x1xi32> to vector<16xi32>
          %gather3A_1220 = tpu.dynamic_gather %get3A_787[%gather3A_1219] in [0] : vector<16xf32>, vector<16xi32> -> vector<16xf32>
          %gather3A_1221 = vector.shape_cast %broadcast_in_dim3A_1207 : vector<16x1xi32> to vector<16xi32>
          %gather3A_1222 = tpu.dynamic_gather %get3A_796[%gather3A_1221] in [0] : vector<16xf32>, vector<16xi32> -> vector<16xf32>
          %get3A_1223 = arith.index_cast %add3A_1206 : i32 to index
          %get3A_1224 = arith.constant 64 : index
          %get3A_1225 = tpu.vector_load %arg7[%get3A_1223, %get3A_1224] {strides = array<i32>} : memref<64x128xf32, #tpu.memory_space<vmem>>, vector<1x16xf32>,
          %get3A_1226 = vector.shape_cast %get3A_1225 : vector<1x16xf32> to vector<16xf32>
          %get3A_1227 = arith.index_cast %add3A_1206 : i32 to index
          %get3A_1228 = arith.constant 80 : index
          %get3A_1229 = tpu.vector_load %arg7[%get3A_1227, %get3A_1228] {strides = array<i32>} : memref<64x128xf32, #tpu.memory_space<vmem>>, vector<1x16xf32>,
          %get3A_1230 = vector.shape_cast %get3A_1229 : vector<1x16xf32> to vector<16xf32>
          %get3A_1231 = arith.index_cast %add3A_1206 : i32 to index
          %get3A_1232 = arith.constant 96 : index
          %get3A_1233 = tpu.vector_load %arg7[%get3A_1231, %get3A_1232] {strides = array<i32>} : memref<64x128xf32, #tpu.memory_space<vmem>>, vector<1x16xf32>,
          %get3A_1234 = vector.shape_cast %get3A_1233 : vector<1x16xf32> to vector<16xf32>
          %get3A_1235 = arith.index_cast %add3A_1206 : i32 to index
          %get3A_1236 = arith.constant 112 : index
          %get3A_1237 = tpu.vector_load %arg7[%get3A_1235, %get3A_1236] {strides = array<i32>} : memref<64x128xf32, #tpu.memory_space<vmem>>, vector<1x16xf32>,
          %get3A_1238 = vector.shape_cast %get3A_1237 : vector<1x16xf32> to vector<16xf32>
          %mul3A_1239 = arith.mulf %gather3A_1208, %get3A_1226 : vector<16xf32>
          %add3A_1240 = arith.addf %scan3A_1170, %mul3A_1239 : vector<16xf32>
          %mul3A_1241 = arith.mulf %gather3A_1208, %get3A_1230 : vector<16xf32>
          %add3A_1242 = arith.addf %scan3A_1171, %mul3A_1241 : vector<16xf32>
          %mul3A_1243 = arith.mulf %gather3A_1208, %get3A_1234 : vector<16xf32>
          %add3A_1244 = arith.addf %scan3A_1172, %mul3A_1243 : vector<16xf32>
          %mul3A_1245 = arith.mulf %gather3A_1208, %get3A_1238 : vector<16xf32>
          %add3A_1246 = arith.addf %scan3A_1173, %mul3A_1245 : vector<16xf32>
          %mul3A_1247 = arith.mulf %gather3A_1210, %get3A_1226 : vector<16xf32>
          %add3A_1248 = arith.addf %scan3A_1174, %mul3A_1247 : vector<16xf32>
          %mul3A_1249 = arith.mulf %gather3A_1210, %get3A_1230 : vector<16xf32>
          %add3A_1250 = arith.addf %scan3A_1175, %mul3A_1249 : vector<16xf32>
          %mul3A_1251 = arith.mulf %gather3A_1210, %get3A_1234 : vector<16xf32>
          %add3A_1252 = arith.addf %scan3A_1176, %mul3A_1251 : vector<16xf32>
          %mul3A_1253 = arith.mulf %gather3A_1210, %get3A_1238 : vector<16xf32>
          %add3A_1254 = arith.addf %scan3A_1177, %mul3A_1253 : vector<16xf32>
          %mul3A_1255 = arith.mulf %gather3A_1212, %get3A_1226 : vector<16xf32>
          %add3A_1256 = arith.addf %scan3A_1178, %mul3A_1255 : vector<16xf32>
          %mul3A_1257 = arith.mulf %gather3A_1212, %get3A_1230 : vector<16xf32>
          %add3A_1258 = arith.addf %scan3A_1179, %mul3A_1257 : vector<16xf32>
          %mul3A_1259 = arith.mulf %gather3A_1212, %get3A_1234 : vector<16xf32>
          %add3A_1260 = arith.addf %scan3A_1180, %mul3A_1259 : vector<16xf32>
          %mul3A_1261 = arith.mulf %gather3A_1212, %get3A_1238 : vector<16xf32>
          %add3A_1262 = arith.addf %scan3A_1181, %mul3A_1261 : vector<16xf32>
          %mul3A_1263 = arith.mulf %gather3A_1214, %get3A_1226 : vector<16xf32>
          %add3A_1264 = arith.addf %scan3A_1182, %mul3A_1263 : vector<16xf32>
          %mul3A_1265 = arith.mulf %gather3A_1214, %get3A_1230 : vector<16xf32>
          %add3A_1266 = arith.addf %scan3A_1183, %mul3A_1265 : vector<16xf32>
          %mul3A_1267 = arith.mulf %gather3A_1214, %get3A_1234 : vector<16xf32>
          %add3A_1268 = arith.addf %scan3A_1184, %mul3A_1267 : vector<16xf32>
          %mul3A_1269 = arith.mulf %gather3A_1214, %get3A_1238 : vector<16xf32>
          %add3A_1270 = arith.addf %scan3A_1185, %mul3A_1269 : vector<16xf32>
          %mul3A_1271 = arith.mulf %gather3A_1216, %get3A_1226 : vector<16xf32>
          %add3A_1272 = arith.addf %scan3A_1186, %mul3A_1271 : vector<16xf32>
          %mul3A_1273 = arith.mulf %gather3A_1216, %get3A_1230 : vector<16xf32>
          %add3A_1274 = arith.addf %scan3A_1187, %mul3A_1273 : vector<16xf32>
          %mul3A_1275 = arith.mulf %gather3A_1216, %get3A_1234 : vector<16xf32>
          %add3A_1276 = arith.addf %scan3A_1188, %mul3A_1275 : vector<16xf32>
          %mul3A_1277 = arith.mulf %gather3A_1216, %get3A_1238 : vector<16xf32>
          %add3A_1278 = arith.addf %scan3A_1189, %mul3A_1277 : vector<16xf32>
          %mul3A_1279 = arith.mulf %gather3A_1218, %get3A_1226 : vector<16xf32>
          %add3A_1280 = arith.addf %scan3A_1190, %mul3A_1279 : vector<16xf32>
          %mul3A_1281 = arith.mulf %gather3A_1218, %get3A_1230 : vector<16xf32>
          %add3A_1282 = arith.addf %scan3A_1191, %mul3A_1281 : vector<16xf32>
          %mul3A_1283 = arith.mulf %gather3A_1218, %get3A_1234 : vector<16xf32>
          %add3A_1284 = arith.addf %scan3A_1192, %mul3A_1283 : vector<16xf32>
          %mul3A_1285 = arith.mulf %gather3A_1218, %get3A_1238 : vector<16xf32>
          %add3A_1286 = arith.addf %scan3A_1193, %mul3A_1285 : vector<16xf32>
          %mul3A_1287 = arith.mulf %gather3A_1220, %get3A_1226 : vector<16xf32>
          %add3A_1288 = arith.addf %scan3A_1194, %mul3A_1287 : vector<16xf32>
          %mul3A_1289 = arith.mulf %gather3A_1220, %get3A_1230 : vector<16xf32>
          %add3A_1290 = arith.addf %scan3A_1195, %mul3A_1289 : vector<16xf32>
          %mul3A_1291 = arith.mulf %gather3A_1220, %get3A_1234 : vector<16xf32>
          %add3A_1292 = arith.addf %scan3A_1196, %mul3A_1291 : vector<16xf32>
          %mul3A_1293 = arith.mulf %gather3A_1220, %get3A_1238 : vector<16xf32>
          %add3A_1294 = arith.addf %scan3A_1197, %mul3A_1293 : vector<16xf32>
          %mul3A_1295 = arith.mulf %gather3A_1222, %get3A_1226 : vector<16xf32>
          %add3A_1296 = arith.addf %scan3A_1198, %mul3A_1295 : vector<16xf32>
          %mul3A_1297 = arith.mulf %gather3A_1222, %get3A_1230 : vector<16xf32>
          %add3A_1298 = arith.addf %scan3A_1199, %mul3A_1297 : vector<16xf32>
          %mul3A_1299 = arith.mulf %gather3A_1222, %get3A_1234 : vector<16xf32>
          %add3A_1300 = arith.addf %scan3A_1200, %mul3A_1299 : vector<16xf32>
          %mul3A_1301 = arith.mulf %gather3A_1222, %get3A_1238 : vector<16xf32>
          %add3A_1302 = arith.addf %scan3A_1201, %mul3A_1301 : vector<16xf32>
          scf.yield %add3A_1240, %add3A_1242, %add3A_1244, %add3A_1246, %add3A_1248, %add3A_1250, %add3A_1252, %add3A_1254, %add3A_1256, %add3A_1258, %add3A_1260, %add3A_1262, %add3A_1264, %add3A_1266, %add3A_1268, %add3A_1270, %add3A_1272, %add3A_1274, %add3A_1276, %add3A_1278, %add3A_1280, %add3A_1282, %add3A_1284, %add3A_1286, %add3A_1288, %add3A_1290, %add3A_1292, %add3A_1294, %add3A_1296, %add3A_1298, %add3A_1300, %add3A_1302 : vector<16xf32>, vector<16xf32>, vector<16xf32>, vector<16xf32>, vector<16xf32>, vector<16xf32>, vector<16xf32>, vector<16xf32>, vector<16xf32>, vector<16xf32>, vector<16xf32>, vector<16xf32>, vector<16xf32>, vector<16xf32>, vector<16xf32>, vector<16xf32>, vector<16xf32>, vector<16xf32>, vector<16xf32>, vector<16xf32>, vector<16xf32>, vector<16xf32>, vector<16xf32>, vector<16xf32>, vector<16xf32>, vector<16xf32>, vector<16xf32>, vector<16xf32>, vector<16xf32>, vector<16xf32>, vector<16xf32>, vector<16xf32>
        }
        %scan3A_802 = arith.constant 16 : i32
        %mul3A_803 = arith.constant 32 : i32
        %mul3A_804 = arith.muli %scan3A_155, %mul3A_803 : i32
        %add3A_805 = arith.constant 16 : i32
        %add3A_806 = arith.addi %mul3A_804, %add3A_805 : i32
        %get3A_807 = arith.constant 0 : i32
        %get3A_808 = arith.index_cast %get3A_807 : i32 to index
        %get3A_809 = arith.index_cast %add3A_806 : i32 to index
        %get3A_810 = tpu.vector_load %arg9[%get3A_808, %get3A_809] {strides = array<i32>} : memref<8x64xf32, #tpu.memory_space<vmem>>, vector<1x16xf32>,
        %get3A_811 = vector.shape_cast %get3A_810 : vector<1x16xf32> to vector<16xf32>
        %mul3A_812 = arith.constant 32 : i32
        %mul3A_813 = arith.muli %scan3A_155, %mul3A_812 : i32
        %add3A_814 = arith.constant 16 : i32
        %add3A_815 = arith.addi %mul3A_813, %add3A_814 : i32
        %get3A_816 = arith.constant 1 : i32
        %get3A_817 = arith.index_cast %get3A_816 : i32 to index
        %get3A_818 = arith.index_cast %add3A_815 : i32 to index
        %get3A_819 = tpu.vector_load %arg9[%get3A_817, %get3A_818] {strides = array<i32>} : memref<8x64xf32, #tpu.memory_space<vmem>>, vector<1x16xf32>,
        %get3A_820 = vector.shape_cast %get3A_819 : vector<1x16xf32> to vector<16xf32>
        %mul3A_821 = arith.constant 32 : i32
        %mul3A_822 = arith.muli %scan3A_155, %mul3A_821 : i32
        %add3A_823 = arith.constant 16 : i32
        %add3A_824 = arith.addi %mul3A_822, %add3A_823 : i32
        %get3A_825 = arith.constant 2 : i32
        %get3A_826 = arith.index_cast %get3A_825 : i32 to index
        %get3A_827 = arith.index_cast %add3A_824 : i32 to index
        %get3A_828 = tpu.vector_load %arg9[%get3A_826, %get3A_827] {strides = array<i32>} : memref<8x64xf32, #tpu.memory_space<vmem>>, vector<1x16xf32>,
        %get3A_829 = vector.shape_cast %get3A_828 : vector<1x16xf32> to vector<16xf32>
        %mul3A_830 = arith.constant 32 : i32
        %mul3A_831 = arith.muli %scan3A_155, %mul3A_830 : i32
        %add3A_832 = arith.constant 16 : i32
        %add3A_833 = arith.addi %mul3A_831, %add3A_832 : i32
        %get3A_834 = arith.constant 3 : i32
        %get3A_835 = arith.index_cast %get3A_834 : i32 to index
        %get3A_836 = arith.index_cast %add3A_833 : i32 to index
        %get3A_837 = tpu.vector_load %arg9[%get3A_835, %get3A_836] {strides = array<i32>} : memref<8x64xf32, #tpu.memory_space<vmem>>, vector<1x16xf32>,
        %get3A_838 = vector.shape_cast %get3A_837 : vector<1x16xf32> to vector<16xf32>
        %mul3A_839 = arith.constant 32 : i32
        %mul3A_840 = arith.muli %scan3A_155, %mul3A_839 : i32
        %add3A_841 = arith.constant 16 : i32
        %add3A_842 = arith.addi %mul3A_840, %add3A_841 : i32
        %get3A_843 = arith.constant 4 : i32
        %get3A_844 = arith.index_cast %get3A_843 : i32 to index
        %get3A_845 = arith.index_cast %add3A_842 : i32 to index
        %get3A_846 = tpu.vector_load %arg9[%get3A_844, %get3A_845] {strides = array<i32>} : memref<8x64xf32, #tpu.memory_space<vmem>>, vector<1x16xf32>,
        %get3A_847 = vector.shape_cast %get3A_846 : vector<1x16xf32> to vector<16xf32>
        %mul3A_848 = arith.constant 32 : i32
        %mul3A_849 = arith.muli %scan3A_155, %mul3A_848 : i32
        %add3A_850 = arith.constant 16 : i32
        %add3A_851 = arith.addi %mul3A_849, %add3A_850 : i32
        %get3A_852 = arith.constant 5 : i32
        %get3A_853 = arith.index_cast %get3A_852 : i32 to index
        %get3A_854 = arith.index_cast %add3A_851 : i32 to index
        %get3A_855 = tpu.vector_load %arg9[%get3A_853, %get3A_854] {strides = array<i32>} : memref<8x64xf32, #tpu.memory_space<vmem>>, vector<1x16xf32>,
        %get3A_856 = vector.shape_cast %get3A_855 : vector<1x16xf32> to vector<16xf32>
        %mul3A_857 = arith.constant 32 : i32
        %mul3A_858 = arith.muli %scan3A_155, %mul3A_857 : i32
        %add3A_859 = arith.constant 16 : i32
        %add3A_860 = arith.addi %mul3A_858, %add3A_859 : i32
        %get3A_861 = arith.constant 6 : i32
        %get3A_862 = arith.index_cast %get3A_861 : i32 to index
        %get3A_863 = arith.index_cast %add3A_860 : i32 to index
        %get3A_864 = tpu.vector_load %arg9[%get3A_862, %get3A_863] {strides = array<i32>} : memref<8x64xf32, #tpu.memory_space<vmem>>, vector<1x16xf32>,
        %get3A_865 = vector.shape_cast %get3A_864 : vector<1x16xf32> to vector<16xf32>
        %mul3A_866 = arith.constant 32 : i32
        %mul3A_867 = arith.muli %scan3A_155, %mul3A_866 : i32
        %add3A_868 = arith.constant 16 : i32
        %add3A_869 = arith.addi %mul3A_867, %add3A_868 : i32
        %get3A_870 = arith.constant 7 : i32
        %get3A_871 = arith.index_cast %get3A_870 : i32 to index
        %get3A_872 = arith.index_cast %add3A_869 : i32 to index
        %get3A_873 = tpu.vector_load %arg9[%get3A_871, %get3A_872] {strides = array<i32>} : memref<8x64xf32, #tpu.memory_space<vmem>>, vector<1x16xf32>,
        %get3A_874 = vector.shape_cast %get3A_873 : vector<1x16xf32> to vector<16xf32>
        %scan3A_875 = arith.constant 0 : i32
        %scan3A_876 = arith.constant 16 : i32
        %scan3A_877 = arith.addi %scan3A_875, %scan3A_876 : i32
        %scan3A_878 = arith.constant 1 : i32
        %scan3A_879:32 = scf.for %scan3A_1169 = %scan3A_875 to %scan3A_877 step %scan3A_878 iter_args(%scan3A_1170 = %scan3A_801#0, %scan3A_1171 = %scan3A_801#1, %scan3A_1172 = %scan3A_801#2, %scan3A_1173 = %scan3A_801#3, %scan3A_1174 = %scan3A_801#4, %scan3A_1175 = %scan3A_801#5, %scan3A_1176 = %scan3A_801#6, %scan3A_1177 = %scan3A_801#7, %scan3A_1178 = %scan3A_801#8, %scan3A_1179 = %scan3A_801#9, %scan3A_1180 = %scan3A_801#10, %scan3A_1181 = %scan3A_801#11, %scan3A_1182 = %scan3A_801#12, %scan3A_1183 = %scan3A_801#13, %scan3A_1184 = %scan3A_801#14, %scan3A_1185 = %scan3A_801#15, %scan3A_1186 = %scan3A_801#16, %scan3A_1187 = %scan3A_801#17, %scan3A_1188 = %scan3A_801#18, %scan3A_1189 = %scan3A_801#19, %scan3A_1190 = %scan3A_801#20, %scan3A_1191 = %scan3A_801#21, %scan3A_1192 = %scan3A_801#22, %scan3A_1193 = %scan3A_801#23, %scan3A_1194 = %scan3A_801#24, %scan3A_1195 = %scan3A_801#25, %scan3A_1196 = %scan3A_801#26, %scan3A_1197 = %scan3A_801#27, %scan3A_1198 = %scan3A_801#28, %scan3A_1199 = %scan3A_801#29, %scan3A_1200 = %scan3A_801#30, %scan3A_1201 = %scan3A_801#31) -> (vector<16xf32>, vector<16xf32>, vector<16xf32>, vector<16xf32>, vector<16xf32>, vector<16xf32>, vector<16xf32>, vector<16xf32>, vector<16xf32>, vector<16xf32>, vector<16xf32>, vector<16xf32>, vector<16xf32>, vector<16xf32>, vector<16xf32>, vector<16xf32>, vector<16xf32>, vector<16xf32>, vector<16xf32>, vector<16xf32>, vector<16xf32>, vector<16xf32>, vector<16xf32>, vector<16xf32>, vector<16xf32>, vector<16xf32>, vector<16xf32>, vector<16xf32>, vector<16xf32>, vector<16xf32>, vector<16xf32>, vector<16xf32>)  : i32 {
          %mul3A_1202 = arith.constant 32 : i32
          %mul3A_1203 = arith.muli %scan3A_155, %mul3A_1202 : i32
          %add3A_1204 = arith.constant 16 : i32
          %add3A_1205 = arith.addi %mul3A_1203, %add3A_1204 : i32
          %add3A_1206 = arith.addi %add3A_1205, %scan3A_1169 : i32
          %broadcast_in_dim3A_1207 = vector.broadcast %scan3A_1169 : i32 to vector<16x1xi32>
          %gather3A = vector.shape_cast %broadcast_in_dim3A_1207 : vector<16x1xi32> to vector<16xi32>
          %gather3A_1208 = tpu.dynamic_gather %get3A_811[%gather3A] in [0] : vector<16xf32>, vector<16xi32> -> vector<16xf32>
          %gather3A_1209 = vector.shape_cast %broadcast_in_dim3A_1207 : vector<16x1xi32> to vector<16xi32>
          %gather3A_1210 = tpu.dynamic_gather %get3A_820[%gather3A_1209] in [0] : vector<16xf32>, vector<16xi32> -> vector<16xf32>
          %gather3A_1211 = vector.shape_cast %broadcast_in_dim3A_1207 : vector<16x1xi32> to vector<16xi32>
          %gather3A_1212 = tpu.dynamic_gather %get3A_829[%gather3A_1211] in [0] : vector<16xf32>, vector<16xi32> -> vector<16xf32>
          %gather3A_1213 = vector.shape_cast %broadcast_in_dim3A_1207 : vector<16x1xi32> to vector<16xi32>
          %gather3A_1214 = tpu.dynamic_gather %get3A_838[%gather3A_1213] in [0] : vector<16xf32>, vector<16xi32> -> vector<16xf32>
          %gather3A_1215 = vector.shape_cast %broadcast_in_dim3A_1207 : vector<16x1xi32> to vector<16xi32>
          %gather3A_1216 = tpu.dynamic_gather %get3A_847[%gather3A_1215] in [0] : vector<16xf32>, vector<16xi32> -> vector<16xf32>
          %gather3A_1217 = vector.shape_cast %broadcast_in_dim3A_1207 : vector<16x1xi32> to vector<16xi32>
          %gather3A_1218 = tpu.dynamic_gather %get3A_856[%gather3A_1217] in [0] : vector<16xf32>, vector<16xi32> -> vector<16xf32>
          %gather3A_1219 = vector.shape_cast %broadcast_in_dim3A_1207 : vector<16x1xi32> to vector<16xi32>
          %gather3A_1220 = tpu.dynamic_gather %get3A_865[%gather3A_1219] in [0] : vector<16xf32>, vector<16xi32> -> vector<16xf32>
          %gather3A_1221 = vector.shape_cast %broadcast_in_dim3A_1207 : vector<16x1xi32> to vector<16xi32>
          %gather3A_1222 = tpu.dynamic_gather %get3A_874[%gather3A_1221] in [0] : vector<16xf32>, vector<16xi32> -> vector<16xf32>
          %get3A_1223 = arith.index_cast %add3A_1206 : i32 to index
          %get3A_1224 = arith.constant 64 : index
          %get3A_1225 = tpu.vector_load %arg7[%get3A_1223, %get3A_1224] {strides = array<i32>} : memref<64x128xf32, #tpu.memory_space<vmem>>, vector<1x16xf32>,
          %get3A_1226 = vector.shape_cast %get3A_1225 : vector<1x16xf32> to vector<16xf32>
          %get3A_1227 = arith.index_cast %add3A_1206 : i32 to index
          %get3A_1228 = arith.constant 80 : index
          %get3A_1229 = tpu.vector_load %arg7[%get3A_1227, %get3A_1228] {strides = array<i32>} : memref<64x128xf32, #tpu.memory_space<vmem>>, vector<1x16xf32>,
          %get3A_1230 = vector.shape_cast %get3A_1229 : vector<1x16xf32> to vector<16xf32>
          %get3A_1231 = arith.index_cast %add3A_1206 : i32 to index
          %get3A_1232 = arith.constant 96 : index
          %get3A_1233 = tpu.vector_load %arg7[%get3A_1231, %get3A_1232] {strides = array<i32>} : memref<64x128xf32, #tpu.memory_space<vmem>>, vector<1x16xf32>,
          %get3A_1234 = vector.shape_cast %get3A_1233 : vector<1x16xf32> to vector<16xf32>
          %get3A_1235 = arith.index_cast %add3A_1206 : i32 to index
          %get3A_1236 = arith.constant 112 : index
          %get3A_1237 = tpu.vector_load %arg7[%get3A_1235, %get3A_1236] {strides = array<i32>} : memref<64x128xf32, #tpu.memory_space<vmem>>, vector<1x16xf32>,
          %get3A_1238 = vector.shape_cast %get3A_1237 : vector<1x16xf32> to vector<16xf32>
          %mul3A_1239 = arith.mulf %gather3A_1208, %get3A_1226 : vector<16xf32>
          %add3A_1240 = arith.addf %scan3A_1170, %mul3A_1239 : vector<16xf32>
          %mul3A_1241 = arith.mulf %gather3A_1208, %get3A_1230 : vector<16xf32>
          %add3A_1242 = arith.addf %scan3A_1171, %mul3A_1241 : vector<16xf32>
          %mul3A_1243 = arith.mulf %gather3A_1208, %get3A_1234 : vector<16xf32>
          %add3A_1244 = arith.addf %scan3A_1172, %mul3A_1243 : vector<16xf32>
          %mul3A_1245 = arith.mulf %gather3A_1208, %get3A_1238 : vector<16xf32>
          %add3A_1246 = arith.addf %scan3A_1173, %mul3A_1245 : vector<16xf32>
          %mul3A_1247 = arith.mulf %gather3A_1210, %get3A_1226 : vector<16xf32>
          %add3A_1248 = arith.addf %scan3A_1174, %mul3A_1247 : vector<16xf32>
          %mul3A_1249 = arith.mulf %gather3A_1210, %get3A_1230 : vector<16xf32>
          %add3A_1250 = arith.addf %scan3A_1175, %mul3A_1249 : vector<16xf32>
          %mul3A_1251 = arith.mulf %gather3A_1210, %get3A_1234 : vector<16xf32>
          %add3A_1252 = arith.addf %scan3A_1176, %mul3A_1251 : vector<16xf32>
          %mul3A_1253 = arith.mulf %gather3A_1210, %get3A_1238 : vector<16xf32>
          %add3A_1254 = arith.addf %scan3A_1177, %mul3A_1253 : vector<16xf32>
          %mul3A_1255 = arith.mulf %gather3A_1212, %get3A_1226 : vector<16xf32>
          %add3A_1256 = arith.addf %scan3A_1178, %mul3A_1255 : vector<16xf32>
          %mul3A_1257 = arith.mulf %gather3A_1212, %get3A_1230 : vector<16xf32>
          %add3A_1258 = arith.addf %scan3A_1179, %mul3A_1257 : vector<16xf32>
          %mul3A_1259 = arith.mulf %gather3A_1212, %get3A_1234 : vector<16xf32>
          %add3A_1260 = arith.addf %scan3A_1180, %mul3A_1259 : vector<16xf32>
          %mul3A_1261 = arith.mulf %gather3A_1212, %get3A_1238 : vector<16xf32>
          %add3A_1262 = arith.addf %scan3A_1181, %mul3A_1261 : vector<16xf32>
          %mul3A_1263 = arith.mulf %gather3A_1214, %get3A_1226 : vector<16xf32>
          %add3A_1264 = arith.addf %scan3A_1182, %mul3A_1263 : vector<16xf32>
          %mul3A_1265 = arith.mulf %gather3A_1214, %get3A_1230 : vector<16xf32>
          %add3A_1266 = arith.addf %scan3A_1183, %mul3A_1265 : vector<16xf32>
          %mul3A_1267 = arith.mulf %gather3A_1214, %get3A_1234 : vector<16xf32>
          %add3A_1268 = arith.addf %scan3A_1184, %mul3A_1267 : vector<16xf32>
          %mul3A_1269 = arith.mulf %gather3A_1214, %get3A_1238 : vector<16xf32>
          %add3A_1270 = arith.addf %scan3A_1185, %mul3A_1269 : vector<16xf32>
          %mul3A_1271 = arith.mulf %gather3A_1216, %get3A_1226 : vector<16xf32>
          %add3A_1272 = arith.addf %scan3A_1186, %mul3A_1271 : vector<16xf32>
          %mul3A_1273 = arith.mulf %gather3A_1216, %get3A_1230 : vector<16xf32>
          %add3A_1274 = arith.addf %scan3A_1187, %mul3A_1273 : vector<16xf32>
          %mul3A_1275 = arith.mulf %gather3A_1216, %get3A_1234 : vector<16xf32>
          %add3A_1276 = arith.addf %scan3A_1188, %mul3A_1275 : vector<16xf32>
          %mul3A_1277 = arith.mulf %gather3A_1216, %get3A_1238 : vector<16xf32>
          %add3A_1278 = arith.addf %scan3A_1189, %mul3A_1277 : vector<16xf32>
          %mul3A_1279 = arith.mulf %gather3A_1218, %get3A_1226 : vector<16xf32>
          %add3A_1280 = arith.addf %scan3A_1190, %mul3A_1279 : vector<16xf32>
          %mul3A_1281 = arith.mulf %gather3A_1218, %get3A_1230 : vector<16xf32>
          %add3A_1282 = arith.addf %scan3A_1191, %mul3A_1281 : vector<16xf32>
          %mul3A_1283 = arith.mulf %gather3A_1218, %get3A_1234 : vector<16xf32>
          %add3A_1284 = arith.addf %scan3A_1192, %mul3A_1283 : vector<16xf32>
          %mul3A_1285 = arith.mulf %gather3A_1218, %get3A_1238 : vector<16xf32>
          %add3A_1286 = arith.addf %scan3A_1193, %mul3A_1285 : vector<16xf32>
          %mul3A_1287 = arith.mulf %gather3A_1220, %get3A_1226 : vector<16xf32>
          %add3A_1288 = arith.addf %scan3A_1194, %mul3A_1287 : vector<16xf32>
          %mul3A_1289 = arith.mulf %gather3A_1220, %get3A_1230 : vector<16xf32>
          %add3A_1290 = arith.addf %scan3A_1195, %mul3A_1289 : vector<16xf32>
          %mul3A_1291 = arith.mulf %gather3A_1220, %get3A_1234 : vector<16xf32>
          %add3A_1292 = arith.addf %scan3A_1196, %mul3A_1291 : vector<16xf32>
          %mul3A_1293 = arith.mulf %gather3A_1220, %get3A_1238 : vector<16xf32>
          %add3A_1294 = arith.addf %scan3A_1197, %mul3A_1293 : vector<16xf32>
          %mul3A_1295 = arith.mulf %gather3A_1222, %get3A_1226 : vector<16xf32>
          %add3A_1296 = arith.addf %scan3A_1198, %mul3A_1295 : vector<16xf32>
          %mul3A_1297 = arith.mulf %gather3A_1222, %get3A_1230 : vector<16xf32>
          %add3A_1298 = arith.addf %scan3A_1199, %mul3A_1297 : vector<16xf32>
          %mul3A_1299 = arith.mulf %gather3A_1222, %get3A_1234 : vector<16xf32>
          %add3A_1300 = arith.addf %scan3A_1200, %mul3A_1299 : vector<16xf32>
          %mul3A_1301 = arith.mulf %gather3A_1222, %get3A_1238 : vector<16xf32>
          %add3A_1302 = arith.addf %scan3A_1201, %mul3A_1301 : vector<16xf32>
          scf.yield %add3A_1240, %add3A_1242, %add3A_1244, %add3A_1246, %add3A_1248, %add3A_1250, %add3A_1252, %add3A_1254, %add3A_1256, %add3A_1258, %add3A_1260, %add3A_1262, %add3A_1264, %add3A_1266, %add3A_1268, %add3A_1270, %add3A_1272, %add3A_1274, %add3A_1276, %add3A_1278, %add3A_1280, %add3A_1282, %add3A_1284, %add3A_1286, %add3A_1288, %add3A_1290, %add3A_1292, %add3A_1294, %add3A_1296, %add3A_1298, %add3A_1300, %add3A_1302 : vector<16xf32>, vector<16xf32>, vector<16xf32>, vector<16xf32>, vector<16xf32>, vector<16xf32>, vector<16xf32>, vector<16xf32>, vector<16xf32>, vector<16xf32>, vector<16xf32>, vector<16xf32>, vector<16xf32>, vector<16xf32>, vector<16xf32>, vector<16xf32>, vector<16xf32>, vector<16xf32>, vector<16xf32>, vector<16xf32>, vector<16xf32>, vector<16xf32>, vector<16xf32>, vector<16xf32>, vector<16xf32>, vector<16xf32>, vector<16xf32>, vector<16xf32>, vector<16xf32>, vector<16xf32>, vector<16xf32>, vector<16xf32>
        }
        %scan3A_880 = arith.constant 16 : i32
        %mul3A_881 = arith.constant 8 : i32
        %mul3A_882 = arith.muli %scan3A_155, %mul3A_881 : i32
        %add3A_883 = arith.constant 0 : i32
        %add3A_884 = arith.addi %mul3A_882, %add3A_883 : i32
        %swap3A_885 = arith.index_cast %add3A_884 : i32 to index
        %swap3A_886 = arith.constant 64 : index
        %swap3A_887 = tpu.vector_load %arg11[%swap3A_885, %swap3A_886] {strides = array<i32>} : memref<16x128xf32, #tpu.memory_space<vmem>>, vector<1x16xf32>,
        %swap3A_888 = vector.shape_cast %swap3A_887 : vector<1x16xf32> to vector<16xf32>
        %swap3A_889 = vector.shape_cast %scan3A_879#0 : vector<16xf32> to vector<1x16xf32>
        tpu.vector_store %arg11[%swap3A_885, %swap3A_886], %swap3A_889 {strides = array<i32>} : memref<16x128xf32, #tpu.memory_space<vmem>>, vector<1x16xf32>,
        %mul3A_890 = arith.constant 8 : i32
        %mul3A_891 = arith.muli %scan3A_155, %mul3A_890 : i32
        %add3A_892 = arith.constant 0 : i32
        %add3A_893 = arith.addi %mul3A_891, %add3A_892 : i32
        %swap3A_894 = arith.index_cast %add3A_893 : i32 to index
        %swap3A_895 = arith.constant 80 : index
        %swap3A_896 = tpu.vector_load %arg11[%swap3A_894, %swap3A_895] {strides = array<i32>} : memref<16x128xf32, #tpu.memory_space<vmem>>, vector<1x16xf32>,
        %swap3A_897 = vector.shape_cast %swap3A_896 : vector<1x16xf32> to vector<16xf32>
        %swap3A_898 = vector.shape_cast %scan3A_879#1 : vector<16xf32> to vector<1x16xf32>
        tpu.vector_store %arg11[%swap3A_894, %swap3A_895], %swap3A_898 {strides = array<i32>} : memref<16x128xf32, #tpu.memory_space<vmem>>, vector<1x16xf32>,
        %mul3A_899 = arith.constant 8 : i32
        %mul3A_900 = arith.muli %scan3A_155, %mul3A_899 : i32
        %add3A_901 = arith.constant 0 : i32
        %add3A_902 = arith.addi %mul3A_900, %add3A_901 : i32
        %swap3A_903 = arith.index_cast %add3A_902 : i32 to index
        %swap3A_904 = arith.constant 96 : index
        %swap3A_905 = tpu.vector_load %arg11[%swap3A_903, %swap3A_904] {strides = array<i32>} : memref<16x128xf32, #tpu.memory_space<vmem>>, vector<1x16xf32>,
        %swap3A_906 = vector.shape_cast %swap3A_905 : vector<1x16xf32> to vector<16xf32>
        %swap3A_907 = vector.shape_cast %scan3A_879#2 : vector<16xf32> to vector<1x16xf32>
        tpu.vector_store %arg11[%swap3A_903, %swap3A_904], %swap3A_907 {strides = array<i32>} : memref<16x128xf32, #tpu.memory_space<vmem>>, vector<1x16xf32>,
        %mul3A_908 = arith.constant 8 : i32
        %mul3A_909 = arith.muli %scan3A_155, %mul3A_908 : i32
        %add3A_910 = arith.constant 0 : i32
        %add3A_911 = arith.addi %mul3A_909, %add3A_910 : i32
        %swap3A_912 = arith.index_cast %add3A_911 : i32 to index
        %swap3A_913 = arith.constant 112 : index
        %swap3A_914 = tpu.vector_load %arg11[%swap3A_912, %swap3A_913] {strides = array<i32>} : memref<16x128xf32, #tpu.memory_space<vmem>>, vector<1x16xf32>,
        %swap3A_915 = vector.shape_cast %swap3A_914 : vector<1x16xf32> to vector<16xf32>
        %swap3A_916 = vector.shape_cast %scan3A_879#3 : vector<16xf32> to vector<1x16xf32>
        tpu.vector_store %arg11[%swap3A_912, %swap3A_913], %swap3A_916 {strides = array<i32>} : memref<16x128xf32, #tpu.memory_space<vmem>>, vector<1x16xf32>,
        %mul3A_917 = arith.constant 8 : i32
        %mul3A_918 = arith.muli %scan3A_155, %mul3A_917 : i32
        %add3A_919 = arith.constant 1 : i32
        %add3A_920 = arith.addi %mul3A_918, %add3A_919 : i32
        %swap3A_921 = arith.index_cast %add3A_920 : i32 to index
        %swap3A_922 = arith.constant 64 : index
        %swap3A_923 = tpu.vector_load %arg11[%swap3A_921, %swap3A_922] {strides = array<i32>} : memref<16x128xf32, #tpu.memory_space<vmem>>, vector<1x16xf32>,
        %swap3A_924 = vector.shape_cast %swap3A_923 : vector<1x16xf32> to vector<16xf32>
        %swap3A_925 = vector.shape_cast %scan3A_879#4 : vector<16xf32> to vector<1x16xf32>
        tpu.vector_store %arg11[%swap3A_921, %swap3A_922], %swap3A_925 {strides = array<i32>} : memref<16x128xf32, #tpu.memory_space<vmem>>, vector<1x16xf32>,
        %mul3A_926 = arith.constant 8 : i32
        %mul3A_927 = arith.muli %scan3A_155, %mul3A_926 : i32
        %add3A_928 = arith.constant 1 : i32
        %add3A_929 = arith.addi %mul3A_927, %add3A_928 : i32
        %swap3A_930 = arith.index_cast %add3A_929 : i32 to index
        %swap3A_931 = arith.constant 80 : index
        %swap3A_932 = tpu.vector_load %arg11[%swap3A_930, %swap3A_931] {strides = array<i32>} : memref<16x128xf32, #tpu.memory_space<vmem>>, vector<1x16xf32>,
        %swap3A_933 = vector.shape_cast %swap3A_932 : vector<1x16xf32> to vector<16xf32>
        %swap3A_934 = vector.shape_cast %scan3A_879#5 : vector<16xf32> to vector<1x16xf32>
        tpu.vector_store %arg11[%swap3A_930, %swap3A_931], %swap3A_934 {strides = array<i32>} : memref<16x128xf32, #tpu.memory_space<vmem>>, vector<1x16xf32>,
        %mul3A_935 = arith.constant 8 : i32
        %mul3A_936 = arith.muli %scan3A_155, %mul3A_935 : i32
        %add3A_937 = arith.constant 1 : i32
        %add3A_938 = arith.addi %mul3A_936, %add3A_937 : i32
        %swap3A_939 = arith.index_cast %add3A_938 : i32 to index
        %swap3A_940 = arith.constant 96 : index
        %swap3A_941 = tpu.vector_load %arg11[%swap3A_939, %swap3A_940] {strides = array<i32>} : memref<16x128xf32, #tpu.memory_space<vmem>>, vector<1x16xf32>,
        %swap3A_942 = vector.shape_cast %swap3A_941 : vector<1x16xf32> to vector<16xf32>
        %swap3A_943 = vector.shape_cast %scan3A_879#6 : vector<16xf32> to vector<1x16xf32>
        tpu.vector_store %arg11[%swap3A_939, %swap3A_940], %swap3A_943 {strides = array<i32>} : memref<16x128xf32, #tpu.memory_space<vmem>>, vector<1x16xf32>,
        %mul3A_944 = arith.constant 8 : i32
        %mul3A_945 = arith.muli %scan3A_155, %mul3A_944 : i32
        %add3A_946 = arith.constant 1 : i32
        %add3A_947 = arith.addi %mul3A_945, %add3A_946 : i32
        %swap3A_948 = arith.index_cast %add3A_947 : i32 to index
        %swap3A_949 = arith.constant 112 : index
        %swap3A_950 = tpu.vector_load %arg11[%swap3A_948, %swap3A_949] {strides = array<i32>} : memref<16x128xf32, #tpu.memory_space<vmem>>, vector<1x16xf32>,
        %swap3A_951 = vector.shape_cast %swap3A_950 : vector<1x16xf32> to vector<16xf32>
        %swap3A_952 = vector.shape_cast %scan3A_879#7 : vector<16xf32> to vector<1x16xf32>
        tpu.vector_store %arg11[%swap3A_948, %swap3A_949], %swap3A_952 {strides = array<i32>} : memref<16x128xf32, #tpu.memory_space<vmem>>, vector<1x16xf32>,
        %mul3A_953 = arith.constant 8 : i32
        %mul3A_954 = arith.muli %scan3A_155, %mul3A_953 : i32
        %add3A_955 = arith.constant 2 : i32
        %add3A_956 = arith.addi %mul3A_954, %add3A_955 : i32
        %swap3A_957 = arith.index_cast %add3A_956 : i32 to index
        %swap3A_958 = arith.constant 64 : index
        %swap3A_959 = tpu.vector_load %arg11[%swap3A_957, %swap3A_958] {strides = array<i32>} : memref<16x128xf32, #tpu.memory_space<vmem>>, vector<1x16xf32>,
        %swap3A_960 = vector.shape_cast %swap3A_959 : vector<1x16xf32> to vector<16xf32>
        %swap3A_961 = vector.shape_cast %scan3A_879#8 : vector<16xf32> to vector<1x16xf32>
        tpu.vector_store %arg11[%swap3A_957, %swap3A_958], %swap3A_961 {strides = array<i32>} : memref<16x128xf32, #tpu.memory_space<vmem>>, vector<1x16xf32>,
        %mul3A_962 = arith.constant 8 : i32
        %mul3A_963 = arith.muli %scan3A_155, %mul3A_962 : i32
        %add3A_964 = arith.constant 2 : i32
        %add3A_965 = arith.addi %mul3A_963, %add3A_964 : i32
        %swap3A_966 = arith.index_cast %add3A_965 : i32 to index
        %swap3A_967 = arith.constant 80 : index
        %swap3A_968 = tpu.vector_load %arg11[%swap3A_966, %swap3A_967] {strides = array<i32>} : memref<16x128xf32, #tpu.memory_space<vmem>>, vector<1x16xf32>,
        %swap3A_969 = vector.shape_cast %swap3A_968 : vector<1x16xf32> to vector<16xf32>
        %swap3A_970 = vector.shape_cast %scan3A_879#9 : vector<16xf32> to vector<1x16xf32>
        tpu.vector_store %arg11[%swap3A_966, %swap3A_967], %swap3A_970 {strides = array<i32>} : memref<16x128xf32, #tpu.memory_space<vmem>>, vector<1x16xf32>,
        %mul3A_971 = arith.constant 8 : i32
        %mul3A_972 = arith.muli %scan3A_155, %mul3A_971 : i32
        %add3A_973 = arith.constant 2 : i32
        %add3A_974 = arith.addi %mul3A_972, %add3A_973 : i32
        %swap3A_975 = arith.index_cast %add3A_974 : i32 to index
        %swap3A_976 = arith.constant 96 : index
        %swap3A_977 = tpu.vector_load %arg11[%swap3A_975, %swap3A_976] {strides = array<i32>} : memref<16x128xf32, #tpu.memory_space<vmem>>, vector<1x16xf32>,
        %swap3A_978 = vector.shape_cast %swap3A_977 : vector<1x16xf32> to vector<16xf32>
        %swap3A_979 = vector.shape_cast %scan3A_879#10 : vector<16xf32> to vector<1x16xf32>
        tpu.vector_store %arg11[%swap3A_975, %swap3A_976], %swap3A_979 {strides = array<i32>} : memref<16x128xf32, #tpu.memory_space<vmem>>, vector<1x16xf32>,
        %mul3A_980 = arith.constant 8 : i32
        %mul3A_981 = arith.muli %scan3A_155, %mul3A_980 : i32
        %add3A_982 = arith.constant 2 : i32
        %add3A_983 = arith.addi %mul3A_981, %add3A_982 : i32
        %swap3A_984 = arith.index_cast %add3A_983 : i32 to index
        %swap3A_985 = arith.constant 112 : index
        %swap3A_986 = tpu.vector_load %arg11[%swap3A_984, %swap3A_985] {strides = array<i32>} : memref<16x128xf32, #tpu.memory_space<vmem>>, vector<1x16xf32>,
        %swap3A_987 = vector.shape_cast %swap3A_986 : vector<1x16xf32> to vector<16xf32>
        %swap3A_988 = vector.shape_cast %scan3A_879#11 : vector<16xf32> to vector<1x16xf32>
        tpu.vector_store %arg11[%swap3A_984, %swap3A_985], %swap3A_988 {strides = array<i32>} : memref<16x128xf32, #tpu.memory_space<vmem>>, vector<1x16xf32>,
        %mul3A_989 = arith.constant 8 : i32
        %mul3A_990 = arith.muli %scan3A_155, %mul3A_989 : i32
        %add3A_991 = arith.constant 3 : i32
        %add3A_992 = arith.addi %mul3A_990, %add3A_991 : i32
        %swap3A_993 = arith.index_cast %add3A_992 : i32 to index
        %swap3A_994 = arith.constant 64 : index
        %swap3A_995 = tpu.vector_load %arg11[%swap3A_993, %swap3A_994] {strides = array<i32>} : memref<16x128xf32, #tpu.memory_space<vmem>>, vector<1x16xf32>,
        %swap3A_996 = vector.shape_cast %swap3A_995 : vector<1x16xf32> to vector<16xf32>
        %swap3A_997 = vector.shape_cast %scan3A_879#12 : vector<16xf32> to vector<1x16xf32>
        tpu.vector_store %arg11[%swap3A_993, %swap3A_994], %swap3A_997 {strides = array<i32>} : memref<16x128xf32, #tpu.memory_space<vmem>>, vector<1x16xf32>,
        %mul3A_998 = arith.constant 8 : i32
        %mul3A_999 = arith.muli %scan3A_155, %mul3A_998 : i32
        %add3A_1000 = arith.constant 3 : i32
        %add3A_1001 = arith.addi %mul3A_999, %add3A_1000 : i32
        %swap3A_1002 = arith.index_cast %add3A_1001 : i32 to index
        %swap3A_1003 = arith.constant 80 : index
        %swap3A_1004 = tpu.vector_load %arg11[%swap3A_1002, %swap3A_1003] {strides = array<i32>} : memref<16x128xf32, #tpu.memory_space<vmem>>, vector<1x16xf32>,
        %swap3A_1005 = vector.shape_cast %swap3A_1004 : vector<1x16xf32> to vector<16xf32>
        %swap3A_1006 = vector.shape_cast %scan3A_879#13 : vector<16xf32> to vector<1x16xf32>
        tpu.vector_store %arg11[%swap3A_1002, %swap3A_1003], %swap3A_1006 {strides = array<i32>} : memref<16x128xf32, #tpu.memory_space<vmem>>, vector<1x16xf32>,
        %mul3A_1007 = arith.constant 8 : i32
        %mul3A_1008 = arith.muli %scan3A_155, %mul3A_1007 : i32
        %add3A_1009 = arith.constant 3 : i32
        %add3A_1010 = arith.addi %mul3A_1008, %add3A_1009 : i32
        %swap3A_1011 = arith.index_cast %add3A_1010 : i32 to index
        %swap3A_1012 = arith.constant 96 : index
        %swap3A_1013 = tpu.vector_load %arg11[%swap3A_1011, %swap3A_1012] {strides = array<i32>} : memref<16x128xf32, #tpu.memory_space<vmem>>, vector<1x16xf32>,
        %swap3A_1014 = vector.shape_cast %swap3A_1013 : vector<1x16xf32> to vector<16xf32>
        %swap3A_1015 = vector.shape_cast %scan3A_879#14 : vector<16xf32> to vector<1x16xf32>
        tpu.vector_store %arg11[%swap3A_1011, %swap3A_1012], %swap3A_1015 {strides = array<i32>} : memref<16x128xf32, #tpu.memory_space<vmem>>, vector<1x16xf32>,
        %mul3A_1016 = arith.constant 8 : i32
        %mul3A_1017 = arith.muli %scan3A_155, %mul3A_1016 : i32
        %add3A_1018 = arith.constant 3 : i32
        %add3A_1019 = arith.addi %mul3A_1017, %add3A_1018 : i32
        %swap3A_1020 = arith.index_cast %add3A_1019 : i32 to index
        %swap3A_1021 = arith.constant 112 : index
        %swap3A_1022 = tpu.vector_load %arg11[%swap3A_1020, %swap3A_1021] {strides = array<i32>} : memref<16x128xf32, #tpu.memory_space<vmem>>, vector<1x16xf32>,
        %swap3A_1023 = vector.shape_cast %swap3A_1022 : vector<1x16xf32> to vector<16xf32>
        %swap3A_1024 = vector.shape_cast %scan3A_879#15 : vector<16xf32> to vector<1x16xf32>
        tpu.vector_store %arg11[%swap3A_1020, %swap3A_1021], %swap3A_1024 {strides = array<i32>} : memref<16x128xf32, #tpu.memory_space<vmem>>, vector<1x16xf32>,
        %mul3A_1025 = arith.constant 8 : i32
        %mul3A_1026 = arith.muli %scan3A_155, %mul3A_1025 : i32
        %add3A_1027 = arith.constant 4 : i32
        %add3A_1028 = arith.addi %mul3A_1026, %add3A_1027 : i32
        %swap3A_1029 = arith.index_cast %add3A_1028 : i32 to index
        %swap3A_1030 = arith.constant 64 : index
        %swap3A_1031 = tpu.vector_load %arg11[%swap3A_1029, %swap3A_1030] {strides = array<i32>} : memref<16x128xf32, #tpu.memory_space<vmem>>, vector<1x16xf32>,
        %swap3A_1032 = vector.shape_cast %swap3A_1031 : vector<1x16xf32> to vector<16xf32>
        %swap3A_1033 = vector.shape_cast %scan3A_879#16 : vector<16xf32> to vector<1x16xf32>
        tpu.vector_store %arg11[%swap3A_1029, %swap3A_1030], %swap3A_1033 {strides = array<i32>} : memref<16x128xf32, #tpu.memory_space<vmem>>, vector<1x16xf32>,
        %mul3A_1034 = arith.constant 8 : i32
        %mul3A_1035 = arith.muli %scan3A_155, %mul3A_1034 : i32
        %add3A_1036 = arith.constant 4 : i32
        %add3A_1037 = arith.addi %mul3A_1035, %add3A_1036 : i32
        %swap3A_1038 = arith.index_cast %add3A_1037 : i32 to index
        %swap3A_1039 = arith.constant 80 : index
        %swap3A_1040 = tpu.vector_load %arg11[%swap3A_1038, %swap3A_1039] {strides = array<i32>} : memref<16x128xf32, #tpu.memory_space<vmem>>, vector<1x16xf32>,
        %swap3A_1041 = vector.shape_cast %swap3A_1040 : vector<1x16xf32> to vector<16xf32>
        %swap3A_1042 = vector.shape_cast %scan3A_879#17 : vector<16xf32> to vector<1x16xf32>
        tpu.vector_store %arg11[%swap3A_1038, %swap3A_1039], %swap3A_1042 {strides = array<i32>} : memref<16x128xf32, #tpu.memory_space<vmem>>, vector<1x16xf32>,
        %mul3A_1043 = arith.constant 8 : i32
        %mul3A_1044 = arith.muli %scan3A_155, %mul3A_1043 : i32
        %add3A_1045 = arith.constant 4 : i32
        %add3A_1046 = arith.addi %mul3A_1044, %add3A_1045 : i32
        %swap3A_1047 = arith.index_cast %add3A_1046 : i32 to index
        %swap3A_1048 = arith.constant 96 : index
        %swap3A_1049 = tpu.vector_load %arg11[%swap3A_1047, %swap3A_1048] {strides = array<i32>} : memref<16x128xf32, #tpu.memory_space<vmem>>, vector<1x16xf32>,
        %swap3A_1050 = vector.shape_cast %swap3A_1049 : vector<1x16xf32> to vector<16xf32>
        %swap3A_1051 = vector.shape_cast %scan3A_879#18 : vector<16xf32> to vector<1x16xf32>
        tpu.vector_store %arg11[%swap3A_1047, %swap3A_1048], %swap3A_1051 {strides = array<i32>} : memref<16x128xf32, #tpu.memory_space<vmem>>, vector<1x16xf32>,
        %mul3A_1052 = arith.constant 8 : i32
        %mul3A_1053 = arith.muli %scan3A_155, %mul3A_1052 : i32
        %add3A_1054 = arith.constant 4 : i32
        %add3A_1055 = arith.addi %mul3A_1053, %add3A_1054 : i32
        %swap3A_1056 = arith.index_cast %add3A_1055 : i32 to index
        %swap3A_1057 = arith.constant 112 : index
        %swap3A_1058 = tpu.vector_load %arg11[%swap3A_1056, %swap3A_1057] {strides = array<i32>} : memref<16x128xf32, #tpu.memory_space<vmem>>, vector<1x16xf32>,
        %swap3A_1059 = vector.shape_cast %swap3A_1058 : vector<1x16xf32> to vector<16xf32>
        %swap3A_1060 = vector.shape_cast %scan3A_879#19 : vector<16xf32> to vector<1x16xf32>
        tpu.vector_store %arg11[%swap3A_1056, %swap3A_1057], %swap3A_1060 {strides = array<i32>} : memref<16x128xf32, #tpu.memory_space<vmem>>, vector<1x16xf32>,
        %mul3A_1061 = arith.constant 8 : i32
        %mul3A_1062 = arith.muli %scan3A_155, %mul3A_1061 : i32
        %add3A_1063 = arith.constant 5 : i32
        %add3A_1064 = arith.addi %mul3A_1062, %add3A_1063 : i32
        %swap3A_1065 = arith.index_cast %add3A_1064 : i32 to index
        %swap3A_1066 = arith.constant 64 : index
        %swap3A_1067 = tpu.vector_load %arg11[%swap3A_1065, %swap3A_1066] {strides = array<i32>} : memref<16x128xf32, #tpu.memory_space<vmem>>, vector<1x16xf32>,
        %swap3A_1068 = vector.shape_cast %swap3A_1067 : vector<1x16xf32> to vector<16xf32>
        %swap3A_1069 = vector.shape_cast %scan3A_879#20 : vector<16xf32> to vector<1x16xf32>
        tpu.vector_store %arg11[%swap3A_1065, %swap3A_1066], %swap3A_1069 {strides = array<i32>} : memref<16x128xf32, #tpu.memory_space<vmem>>, vector<1x16xf32>,
        %mul3A_1070 = arith.constant 8 : i32
        %mul3A_1071 = arith.muli %scan3A_155, %mul3A_1070 : i32
        %add3A_1072 = arith.constant 5 : i32
        %add3A_1073 = arith.addi %mul3A_1071, %add3A_1072 : i32
        %swap3A_1074 = arith.index_cast %add3A_1073 : i32 to index
        %swap3A_1075 = arith.constant 80 : index
        %swap3A_1076 = tpu.vector_load %arg11[%swap3A_1074, %swap3A_1075] {strides = array<i32>} : memref<16x128xf32, #tpu.memory_space<vmem>>, vector<1x16xf32>,
        %swap3A_1077 = vector.shape_cast %swap3A_1076 : vector<1x16xf32> to vector<16xf32>
        %swap3A_1078 = vector.shape_cast %scan3A_879#21 : vector<16xf32> to vector<1x16xf32>
        tpu.vector_store %arg11[%swap3A_1074, %swap3A_1075], %swap3A_1078 {strides = array<i32>} : memref<16x128xf32, #tpu.memory_space<vmem>>, vector<1x16xf32>,
        %mul3A_1079 = arith.constant 8 : i32
        %mul3A_1080 = arith.muli %scan3A_155, %mul3A_1079 : i32
        %add3A_1081 = arith.constant 5 : i32
        %add3A_1082 = arith.addi %mul3A_1080, %add3A_1081 : i32
        %swap3A_1083 = arith.index_cast %add3A_1082 : i32 to index
        %swap3A_1084 = arith.constant 96 : index
        %swap3A_1085 = tpu.vector_load %arg11[%swap3A_1083, %swap3A_1084] {strides = array<i32>} : memref<16x128xf32, #tpu.memory_space<vmem>>, vector<1x16xf32>,
        %swap3A_1086 = vector.shape_cast %swap3A_1085 : vector<1x16xf32> to vector<16xf32>
        %swap3A_1087 = vector.shape_cast %scan3A_879#22 : vector<16xf32> to vector<1x16xf32>
        tpu.vector_store %arg11[%swap3A_1083, %swap3A_1084], %swap3A_1087 {strides = array<i32>} : memref<16x128xf32, #tpu.memory_space<vmem>>, vector<1x16xf32>,
        %mul3A_1088 = arith.constant 8 : i32
        %mul3A_1089 = arith.muli %scan3A_155, %mul3A_1088 : i32
        %add3A_1090 = arith.constant 5 : i32
        %add3A_1091 = arith.addi %mul3A_1089, %add3A_1090 : i32
        %swap3A_1092 = arith.index_cast %add3A_1091 : i32 to index
        %swap3A_1093 = arith.constant 112 : index
        %swap3A_1094 = tpu.vector_load %arg11[%swap3A_1092, %swap3A_1093] {strides = array<i32>} : memref<16x128xf32, #tpu.memory_space<vmem>>, vector<1x16xf32>,
        %swap3A_1095 = vector.shape_cast %swap3A_1094 : vector<1x16xf32> to vector<16xf32>
        %swap3A_1096 = vector.shape_cast %scan3A_879#23 : vector<16xf32> to vector<1x16xf32>
        tpu.vector_store %arg11[%swap3A_1092, %swap3A_1093], %swap3A_1096 {strides = array<i32>} : memref<16x128xf32, #tpu.memory_space<vmem>>, vector<1x16xf32>,
        %mul3A_1097 = arith.constant 8 : i32
        %mul3A_1098 = arith.muli %scan3A_155, %mul3A_1097 : i32
        %add3A_1099 = arith.constant 6 : i32
        %add3A_1100 = arith.addi %mul3A_1098, %add3A_1099 : i32
        %swap3A_1101 = arith.index_cast %add3A_1100 : i32 to index
        %swap3A_1102 = arith.constant 64 : index
        %swap3A_1103 = tpu.vector_load %arg11[%swap3A_1101, %swap3A_1102] {strides = array<i32>} : memref<16x128xf32, #tpu.memory_space<vmem>>, vector<1x16xf32>,
        %swap3A_1104 = vector.shape_cast %swap3A_1103 : vector<1x16xf32> to vector<16xf32>
        %swap3A_1105 = vector.shape_cast %scan3A_879#24 : vector<16xf32> to vector<1x16xf32>
        tpu.vector_store %arg11[%swap3A_1101, %swap3A_1102], %swap3A_1105 {strides = array<i32>} : memref<16x128xf32, #tpu.memory_space<vmem>>, vector<1x16xf32>,
        %mul3A_1106 = arith.constant 8 : i32
        %mul3A_1107 = arith.muli %scan3A_155, %mul3A_1106 : i32
        %add3A_1108 = arith.constant 6 : i32
        %add3A_1109 = arith.addi %mul3A_1107, %add3A_1108 : i32
        %swap3A_1110 = arith.index_cast %add3A_1109 : i32 to index
        %swap3A_1111 = arith.constant 80 : index
        %swap3A_1112 = tpu.vector_load %arg11[%swap3A_1110, %swap3A_1111] {strides = array<i32>} : memref<16x128xf32, #tpu.memory_space<vmem>>, vector<1x16xf32>,
        %swap3A_1113 = vector.shape_cast %swap3A_1112 : vector<1x16xf32> to vector<16xf32>
        %swap3A_1114 = vector.shape_cast %scan3A_879#25 : vector<16xf32> to vector<1x16xf32>
        tpu.vector_store %arg11[%swap3A_1110, %swap3A_1111], %swap3A_1114 {strides = array<i32>} : memref<16x128xf32, #tpu.memory_space<vmem>>, vector<1x16xf32>,
        %mul3A_1115 = arith.constant 8 : i32
        %mul3A_1116 = arith.muli %scan3A_155, %mul3A_1115 : i32
        %add3A_1117 = arith.constant 6 : i32
        %add3A_1118 = arith.addi %mul3A_1116, %add3A_1117 : i32
        %swap3A_1119 = arith.index_cast %add3A_1118 : i32 to index
        %swap3A_1120 = arith.constant 96 : index
        %swap3A_1121 = tpu.vector_load %arg11[%swap3A_1119, %swap3A_1120] {strides = array<i32>} : memref<16x128xf32, #tpu.memory_space<vmem>>, vector<1x16xf32>,
        %swap3A_1122 = vector.shape_cast %swap3A_1121 : vector<1x16xf32> to vector<16xf32>
        %swap3A_1123 = vector.shape_cast %scan3A_879#26 : vector<16xf32> to vector<1x16xf32>
        tpu.vector_store %arg11[%swap3A_1119, %swap3A_1120], %swap3A_1123 {strides = array<i32>} : memref<16x128xf32, #tpu.memory_space<vmem>>, vector<1x16xf32>,
        %mul3A_1124 = arith.constant 8 : i32
        %mul3A_1125 = arith.muli %scan3A_155, %mul3A_1124 : i32
        %add3A_1126 = arith.constant 6 : i32
        %add3A_1127 = arith.addi %mul3A_1125, %add3A_1126 : i32
        %swap3A_1128 = arith.index_cast %add3A_1127 : i32 to index
        %swap3A_1129 = arith.constant 112 : index
        %swap3A_1130 = tpu.vector_load %arg11[%swap3A_1128, %swap3A_1129] {strides = array<i32>} : memref<16x128xf32, #tpu.memory_space<vmem>>, vector<1x16xf32>,
        %swap3A_1131 = vector.shape_cast %swap3A_1130 : vector<1x16xf32> to vector<16xf32>
        %swap3A_1132 = vector.shape_cast %scan3A_879#27 : vector<16xf32> to vector<1x16xf32>
        tpu.vector_store %arg11[%swap3A_1128, %swap3A_1129], %swap3A_1132 {strides = array<i32>} : memref<16x128xf32, #tpu.memory_space<vmem>>, vector<1x16xf32>,
        %mul3A_1133 = arith.constant 8 : i32
        %mul3A_1134 = arith.muli %scan3A_155, %mul3A_1133 : i32
        %add3A_1135 = arith.constant 7 : i32
        %add3A_1136 = arith.addi %mul3A_1134, %add3A_1135 : i32
        %swap3A_1137 = arith.index_cast %add3A_1136 : i32 to index
        %swap3A_1138 = arith.constant 64 : index
        %swap3A_1139 = tpu.vector_load %arg11[%swap3A_1137, %swap3A_1138] {strides = array<i32>} : memref<16x128xf32, #tpu.memory_space<vmem>>, vector<1x16xf32>,
        %swap3A_1140 = vector.shape_cast %swap3A_1139 : vector<1x16xf32> to vector<16xf32>
        %swap3A_1141 = vector.shape_cast %scan3A_879#28 : vector<16xf32> to vector<1x16xf32>
        tpu.vector_store %arg11[%swap3A_1137, %swap3A_1138], %swap3A_1141 {strides = array<i32>} : memref<16x128xf32, #tpu.memory_space<vmem>>, vector<1x16xf32>,
        %mul3A_1142 = arith.constant 8 : i32
        %mul3A_1143 = arith.muli %scan3A_155, %mul3A_1142 : i32
        %add3A_1144 = arith.constant 7 : i32
        %add3A_1145 = arith.addi %mul3A_1143, %add3A_1144 : i32
        %swap3A_1146 = arith.index_cast %add3A_1145 : i32 to index
        %swap3A_1147 = arith.constant 80 : index
        %swap3A_1148 = tpu.vector_load %arg11[%swap3A_1146, %swap3A_1147] {strides = array<i32>} : memref<16x128xf32, #tpu.memory_space<vmem>>, vector<1x16xf32>,
        %swap3A_1149 = vector.shape_cast %swap3A_1148 : vector<1x16xf32> to vector<16xf32>
        %swap3A_1150 = vector.shape_cast %scan3A_879#29 : vector<16xf32> to vector<1x16xf32>
        tpu.vector_store %arg11[%swap3A_1146, %swap3A_1147], %swap3A_1150 {strides = array<i32>} : memref<16x128xf32, #tpu.memory_space<vmem>>, vector<1x16xf32>,
        %mul3A_1151 = arith.constant 8 : i32
        %mul3A_1152 = arith.muli %scan3A_155, %mul3A_1151 : i32
        %add3A_1153 = arith.constant 7 : i32
        %add3A_1154 = arith.addi %mul3A_1152, %add3A_1153 : i32
        %swap3A_1155 = arith.index_cast %add3A_1154 : i32 to index
        %swap3A_1156 = arith.constant 96 : index
        %swap3A_1157 = tpu.vector_load %arg11[%swap3A_1155, %swap3A_1156] {strides = array<i32>} : memref<16x128xf32, #tpu.memory_space<vmem>>, vector<1x16xf32>,
        %swap3A_1158 = vector.shape_cast %swap3A_1157 : vector<1x16xf32> to vector<16xf32>
        %swap3A_1159 = vector.shape_cast %scan3A_879#30 : vector<16xf32> to vector<1x16xf32>
        tpu.vector_store %arg11[%swap3A_1155, %swap3A_1156], %swap3A_1159 {strides = array<i32>} : memref<16x128xf32, #tpu.memory_space<vmem>>, vector<1x16xf32>,
        %mul3A_1160 = arith.constant 8 : i32
        %mul3A_1161 = arith.muli %scan3A_155, %mul3A_1160 : i32
        %add3A_1162 = arith.constant 7 : i32
        %add3A_1163 = arith.addi %mul3A_1161, %add3A_1162 : i32
        %swap3A_1164 = arith.index_cast %add3A_1163 : i32 to index
        %swap3A_1165 = arith.constant 112 : index
        %swap3A_1166 = tpu.vector_load %arg11[%swap3A_1164, %swap3A_1165] {strides = array<i32>} : memref<16x128xf32, #tpu.memory_space<vmem>>, vector<1x16xf32>,
        %swap3A_1167 = vector.shape_cast %swap3A_1166 : vector<1x16xf32> to vector<16xf32>
        %swap3A_1168 = vector.shape_cast %scan3A_879#31 : vector<16xf32> to vector<1x16xf32>
        tpu.vector_store %arg11[%swap3A_1164, %swap3A_1165], %swap3A_1168 {strides = array<i32>} : memref<16x128xf32, #tpu.memory_space<vmem>>, vector<1x16xf32>,
      }
      %scan3A_91 = arith.constant 2 : i32
      %mul3A_92 = arith.constant 2 : i32
      %mul3A_93 = arith.muli %add3A_66, %mul3A_92 : i32
      %add3A_94 = arith.addi %mul3A_2, %mul3A_93 : i32
      %mul3A_95 = arith.constant 8 : i32
      %mul3A_96 = arith.muli %add3A_94, %mul3A_95 : i32
      %dma_start3A_97 = arith.constant 0 : i32
      %dma_start3A_98 = tpu.memref_slice %arg5[%mul3A_96, %dma_start3A_97] : memref<81920x128xf32, #tpu.memory_space<hbm>> -> memref<16x128xf32, #tpu.memory_space<hbm>>
      %dma_start3A_99 = arith.constant 0 : i32
      %dma_start3A_100 = tpu.memref_slice %arg5[%mul3A_96, %dma_start3A_99] : memref<81920x128xf32, #tpu.memory_space<hbm>> -> memref<16x128xf32, #tpu.memory_space<hbm>>
      tpu.enqueue_dma source(%arg11 : memref<16x128xf32, #tpu.memory_space<vmem>>) target(%dma_start3A_100 : memref<16x128xf32, #tpu.memory_space<hbm>>) target_semaphore(%arg18 : memref<!tpu.dma_semaphore, #tpu.memory_space<semaphore_mem>>)
      %add3A_101 = arith.constant 2 : i32
      %add3A_102 = arith.addi %add3A_66, %add3A_101 : i32
      %lt3A = arith.constant 160 : i32
      %lt3A_103 = arith.cmpi slt, %add3A_102, %lt3A : i32
      %convert_element_type3A_104 = arith.extui %lt3A_103 : i1 to i32
      %cond3A_105 = arith.constant 0 : i32
      %cond3A_106 = arith.cmpi ne, %convert_element_type3A_104, %cond3A_105 : i32
      scf.if %cond3A_106 {
        %add3A_155 = arith.constant 2 : i32
        %add3A_156 = arith.addi %add3A_66, %add3A_155 : i32
        %mul3A_157 = arith.constant 64 : i32
        %mul3A_158 = arith.muli %add3A_156, %mul3A_157 : i32
        %dma_start3A_159 = tpu.memref_slice %arg6[%mul3A_158] : memref<10240xi32, #tpu.memory_space<vmem>> -> memref<64xi32, #tpu.memory_space<vmem>>
        %dma_start3A_160 = arith.constant 0 : i32
        %dma_start3A_161 = arith.constant 0 : i32
        %dma_start3A_162 = tpu.memref_slice %arg13[%dma_start3A_160, %dma_start3A_161] : memref<10240x128xf32, #tpu.memory_space<vmem_shared>> -> memref<10240x128xf32, #tpu.memory_space<vmem_shared>>
        tpu.enqueue_indirect_dma source(%dma_start3A_162 : memref<10240x128xf32, #tpu.memory_space<vmem_shared>>) target(%arg7 : memref<64x128xf32, #tpu.memory_space<vmem>>) offsets(%dma_start3A_159 : memref<64xi32, #tpu.memory_space<vmem>>) semaphore(%arg14 : memref<!tpu.dma_semaphore, #tpu.memory_space<semaphore_mem>>)
        %add3A_163 = arith.constant 2 : i32
        %add3A_164 = arith.addi %add3A_66, %add3A_163 : i32
        %mul3A_165 = arith.constant 160 : i32
        %mul3A_166 = arith.muli %add3A, %mul3A_165 : i32
        %add3A_167 = arith.addi %mul3A_166, %add3A_164 : i32
        %dma_start3A_168 = arith.constant 0 : i32
        %dma_start3A_169 = arith.constant 0 : i32
        %dma_start3A_170 = tpu.memref_slice %arg4[%add3A_167, %dma_start3A_168, %dma_start3A_169] : memref<5120x8x64xf32, #tpu.memory_space<hbm>> -> memref<1x8x64xf32, #tpu.memory_space<hbm>>
        %dma_start3A_171 = tpu.memref_squeeze %dma_start3A_170 : memref<1x8x64xf32, #tpu.memory_space<hbm>> -> memref<8x64xf32, #tpu.memory_space<hbm>>
        %dma_start3A_172 = arith.constant 0 : i32
        %dma_start3A_173 = arith.constant 0 : i32
        %dma_start3A_174 = tpu.memref_slice %arg4[%add3A_167, %dma_start3A_172, %dma_start3A_173] : memref<5120x8x64xf32, #tpu.memory_space<hbm>> -> memref<1x8x64xf32, #tpu.memory_space<hbm>>
        %dma_start3A_175 = tpu.memref_squeeze %dma_start3A_174 : memref<1x8x64xf32, #tpu.memory_space<hbm>> -> memref<8x64xf32, #tpu.memory_space<hbm>>
        tpu.enqueue_dma source(%dma_start3A_175 : memref<8x64xf32, #tpu.memory_space<hbm>>) target(%arg9 : memref<8x64xf32, #tpu.memory_space<vmem>>) target_semaphore(%arg16 : memref<!tpu.dma_semaphore, #tpu.memory_space<semaphore_mem>>)
      } else {
      }
      %mul3A_107 = arith.constant 2 : i32
      %mul3A_108 = arith.muli %scan3A_62, %mul3A_107 : i32
      %add3A_109 = arith.constant 1 : i32
      %add3A_110 = arith.addi %mul3A_108, %add3A_109 : i32
      %ge3A_111 = arith.constant 2 : i32
      %ge3A_112 = arith.cmpi sge, %add3A_110, %ge3A_111 : i32
      %convert_element_type3A_113 = arith.extui %ge3A_112 : i1 to i32
      %cond3A_114 = arith.constant 0 : i32
      %cond3A_115 = arith.cmpi ne, %convert_element_type3A_113, %cond3A_114 : i32
      scf.if %cond3A_115 {
        %sub3A = arith.constant 2 : i32
        %sub3A_155 = arith.subi %add3A_110, %sub3A : i32
        %mul3A_156 = arith.constant 2 : i32
        %mul3A_157 = arith.muli %sub3A_155, %mul3A_156 : i32
        %add3A_158 = arith.addi %mul3A_2, %mul3A_157 : i32
        %mul3A_159 = arith.constant 8 : i32
        %mul3A_160 = arith.muli %add3A_158, %mul3A_159 : i32
        %dma_wait3A_161 = arith.constant 0 : i32
        %dma_wait3A_162 = tpu.memref_slice %arg5[%mul3A_160, %dma_wait3A_161] : memref<81920x128xf32, #tpu.memory_space<hbm>> -> memref<16x128xf32, #tpu.memory_space<hbm>>
        %dma_wait3A_163 = arith.constant 0 : i32
        %dma_wait3A_164 = tpu.memref_slice %arg5[%mul3A_160, %dma_wait3A_163] : memref<81920x128xf32, #tpu.memory_space<hbm>> -> memref<16x128xf32, #tpu.memory_space<hbm>>
        tpu.wait_dma2 semaphore(%arg19 : memref<!tpu.dma_semaphore, #tpu.memory_space<semaphore_mem>>) src(%arg12 : memref<16x128xf32, #tpu.memory_space<vmem>>) dst(%dma_wait3A_164 : memref<16x128xf32, #tpu.memory_space<hbm>>)
      } else {
      }
      %mul3A_116 = arith.constant 64 : i32
      %mul3A_117 = arith.muli %add3A_110, %mul3A_116 : i32
      %dma_wait3A_118 = tpu.memref_slice %arg6[%mul3A_117] : memref<10240xi32, #tpu.memory_space<vmem>> -> memref<64xi32, #tpu.memory_space<vmem>>
      %dma_wait3A_119 = arith.constant 0 : i32
      %dma_wait3A_120 = arith.constant 0 : i32
      %dma_wait3A_121 = tpu.memref_slice %arg13[%dma_wait3A_119, %dma_wait3A_120] : memref<10240x128xf32, #tpu.memory_space<vmem_shared>> -> memref<10240x128xf32, #tpu.memory_space<vmem_shared>>
      tpu.wait_indirect_dma semaphore(%arg15 : memref<!tpu.dma_semaphore, #tpu.memory_space<semaphore_mem>>) src(%dma_wait3A_121 : memref<10240x128xf32, #tpu.memory_space<vmem_shared>>) dst(%arg8 : memref<64x128xf32, #tpu.memory_space<vmem>>)
      %mul3A_122 = arith.constant 160 : i32
      %mul3A_123 = arith.muli %add3A, %mul3A_122 : i32
      %add3A_124 = arith.addi %mul3A_123, %add3A_110 : i32
      %dma_wait3A_125 = arith.constant 0 : i32
      %dma_wait3A_126 = arith.constant 0 : i32
      %dma_wait3A_127 = tpu.memref_slice %arg4[%add3A_124, %dma_wait3A_125, %dma_wait3A_126] : memref<5120x8x64xf32, #tpu.memory_space<hbm>> -> memref<1x8x64xf32, #tpu.memory_space<hbm>>
      %dma_wait3A_128 = tpu.memref_squeeze %dma_wait3A_127 : memref<1x8x64xf32, #tpu.memory_space<hbm>> -> memref<8x64xf32, #tpu.memory_space<hbm>>
      %dma_wait3A_129 = arith.constant 0 : i32
      %dma_wait3A_130 = arith.constant 0 : i32
      %dma_wait3A_131 = tpu.memref_slice %arg4[%add3A_124, %dma_wait3A_129, %dma_wait3A_130] : memref<5120x8x64xf32, #tpu.memory_space<hbm>> -> memref<1x8x64xf32, #tpu.memory_space<hbm>>
      %dma_wait3A_132 = tpu.memref_squeeze %dma_wait3A_131 : memref<1x8x64xf32, #tpu.memory_space<hbm>> -> memref<8x64xf32, #tpu.memory_space<hbm>>
      tpu.wait_dma2 semaphore(%arg17 : memref<!tpu.dma_semaphore, #tpu.memory_space<semaphore_mem>>) src(%dma_wait3A_132 : memref<8x64xf32, #tpu.memory_space<hbm>>) dst(%arg10 : memref<8x64xf32, #tpu.memory_space<vmem>>)
      %scan3A_133 = arith.constant 0 : i32
      %scan3A_134 = arith.constant 0 : i32
      %scan3A_135 = arith.constant 2 : i32
      %scan3A_136 = arith.addi %scan3A_134, %scan3A_135 : i32
      %scan3A_137 = arith.constant 1 : i32
      scf.for %scan3A_155 = %scan3A_134 to %scan3A_136 step %scan3A_137  : i32 {
        %broadcast_in_dim3A = arith.constant 0.000000e+00 : f32
        %broadcast_in_dim3A_156 = vector.broadcast %broadcast_in_dim3A : f32 to vector<16xf32>
        %broadcast_in_dim3A_157 = arith.constant 0.000000e+00 : f32
        %broadcast_in_dim3A_158 = vector.broadcast %broadcast_in_dim3A_157 : f32 to vector<16xf32>
        %broadcast_in_dim3A_159 = arith.constant 0.000000e+00 : f32
        %broadcast_in_dim3A_160 = vector.broadcast %broadcast_in_dim3A_159 : f32 to vector<16xf32>
        %broadcast_in_dim3A_161 = arith.constant 0.000000e+00 : f32
        %broadcast_in_dim3A_162 = vector.broadcast %broadcast_in_dim3A_161 : f32 to vector<16xf32>
        %broadcast_in_dim3A_163 = arith.constant 0.000000e+00 : f32
        %broadcast_in_dim3A_164 = vector.broadcast %broadcast_in_dim3A_163 : f32 to vector<16xf32>
        %broadcast_in_dim3A_165 = arith.constant 0.000000e+00 : f32
        %broadcast_in_dim3A_166 = vector.broadcast %broadcast_in_dim3A_165 : f32 to vector<16xf32>
        %broadcast_in_dim3A_167 = arith.constant 0.000000e+00 : f32
        %broadcast_in_dim3A_168 = vector.broadcast %broadcast_in_dim3A_167 : f32 to vector<16xf32>
        %broadcast_in_dim3A_169 = arith.constant 0.000000e+00 : f32
        %broadcast_in_dim3A_170 = vector.broadcast %broadcast_in_dim3A_169 : f32 to vector<16xf32>
        %broadcast_in_dim3A_171 = arith.constant 0.000000e+00 : f32
        %broadcast_in_dim3A_172 = vector.broadcast %broadcast_in_dim3A_171 : f32 to vector<16xf32>
        %broadcast_in_dim3A_173 = arith.constant 0.000000e+00 : f32
        %broadcast_in_dim3A_174 = vector.broadcast %broadcast_in_dim3A_173 : f32 to vector<16xf32>
        %broadcast_in_dim3A_175 = arith.constant 0.000000e+00 : f32
        %broadcast_in_dim3A_176 = vector.broadcast %broadcast_in_dim3A_175 : f32 to vector<16xf32>
        %broadcast_in_dim3A_177 = arith.constant 0.000000e+00 : f32
        %broadcast_in_dim3A_178 = vector.broadcast %broadcast_in_dim3A_177 : f32 to vector<16xf32>
        %broadcast_in_dim3A_179 = arith.constant 0.000000e+00 : f32
        %broadcast_in_dim3A_180 = vector.broadcast %broadcast_in_dim3A_179 : f32 to vector<16xf32>
        %broadcast_in_dim3A_181 = arith.constant 0.000000e+00 : f32
        %broadcast_in_dim3A_182 = vector.broadcast %broadcast_in_dim3A_181 : f32 to vector<16xf32>
        %broadcast_in_dim3A_183 = arith.constant 0.000000e+00 : f32
        %broadcast_in_dim3A_184 = vector.broadcast %broadcast_in_dim3A_183 : f32 to vector<16xf32>
        %broadcast_in_dim3A_185 = arith.constant 0.000000e+00 : f32
        %broadcast_in_dim3A_186 = vector.broadcast %broadcast_in_dim3A_185 : f32 to vector<16xf32>
        %broadcast_in_dim3A_187 = arith.constant 0.000000e+00 : f32
        %broadcast_in_dim3A_188 = vector.broadcast %broadcast_in_dim3A_187 : f32 to vector<16xf32>
        %broadcast_in_dim3A_189 = arith.constant 0.000000e+00 : f32
        %broadcast_in_dim3A_190 = vector.broadcast %broadcast_in_dim3A_189 : f32 to vector<16xf32>
        %broadcast_in_dim3A_191 = arith.constant 0.000000e+00 : f32
        %broadcast_in_dim3A_192 = vector.broadcast %broadcast_in_dim3A_191 : f32 to vector<16xf32>
        %broadcast_in_dim3A_193 = arith.constant 0.000000e+00 : f32
        %broadcast_in_dim3A_194 = vector.broadcast %broadcast_in_dim3A_193 : f32 to vector<16xf32>
        %broadcast_in_dim3A_195 = arith.constant 0.000000e+00 : f32
        %broadcast_in_dim3A_196 = vector.broadcast %broadcast_in_dim3A_195 : f32 to vector<16xf32>
        %broadcast_in_dim3A_197 = arith.constant 0.000000e+00 : f32
        %broadcast_in_dim3A_198 = vector.broadcast %broadcast_in_dim3A_197 : f32 to vector<16xf32>
        %broadcast_in_dim3A_199 = arith.constant 0.000000e+00 : f32
        %broadcast_in_dim3A_200 = vector.broadcast %broadcast_in_dim3A_199 : f32 to vector<16xf32>
        %broadcast_in_dim3A_201 = arith.constant 0.000000e+00 : f32
        %broadcast_in_dim3A_202 = vector.broadcast %broadcast_in_dim3A_201 : f32 to vector<16xf32>
        %broadcast_in_dim3A_203 = arith.constant 0.000000e+00 : f32
        %broadcast_in_dim3A_204 = vector.broadcast %broadcast_in_dim3A_203 : f32 to vector<16xf32>
        %broadcast_in_dim3A_205 = arith.constant 0.000000e+00 : f32
        %broadcast_in_dim3A_206 = vector.broadcast %broadcast_in_dim3A_205 : f32 to vector<16xf32>
        %broadcast_in_dim3A_207 = arith.constant 0.000000e+00 : f32
        %broadcast_in_dim3A_208 = vector.broadcast %broadcast_in_dim3A_207 : f32 to vector<16xf32>
        %broadcast_in_dim3A_209 = arith.constant 0.000000e+00 : f32
        %broadcast_in_dim3A_210 = vector.broadcast %broadcast_in_dim3A_209 : f32 to vector<16xf32>
        %broadcast_in_dim3A_211 = arith.constant 0.000000e+00 : f32
        %broadcast_in_dim3A_212 = vector.broadcast %broadcast_in_dim3A_211 : f32 to vector<16xf32>
        %broadcast_in_dim3A_213 = arith.constant 0.000000e+00 : f32
        %broadcast_in_dim3A_214 = vector.broadcast %broadcast_in_dim3A_213 : f32 to vector<16xf32>
        %broadcast_in_dim3A_215 = arith.constant 0.000000e+00 : f32
        %broadcast_in_dim3A_216 = vector.broadcast %broadcast_in_dim3A_215 : f32 to vector<16xf32>
        %broadcast_in_dim3A_217 = arith.constant 0.000000e+00 : f32
        %broadcast_in_dim3A_218 = vector.broadcast %broadcast_in_dim3A_217 : f32 to vector<16xf32>
        %mul3A_219 = arith.constant 32 : i32
        %mul3A_220 = arith.muli %scan3A_155, %mul3A_219 : i32
        %add3A_221 = arith.constant 0 : i32
        %add3A_222 = arith.addi %mul3A_220, %add3A_221 : i32
        %get3A = arith.constant 0 : i32
        %get3A_223 = arith.index_cast %get3A : i32 to index
        %get3A_224 = arith.index_cast %add3A_222 : i32 to index
        %get3A_225 = tpu.vector_load %arg10[%get3A_223, %get3A_224] {strides = array<i32>} : memref<8x64xf32, #tpu.memory_space<vmem>>, vector<1x16xf32>,
        %get3A_226 = vector.shape_cast %get3A_225 : vector<1x16xf32> to vector<16xf32>
        %mul3A_227 = arith.constant 32 : i32
        %mul3A_228 = arith.muli %scan3A_155, %mul3A_227 : i32
        %add3A_229 = arith.constant 0 : i32
        %add3A_230 = arith.addi %mul3A_228, %add3A_229 : i32
        %get3A_231 = arith.constant 1 : i32
        %get3A_232 = arith.index_cast %get3A_231 : i32 to index
        %get3A_233 = arith.index_cast %add3A_230 : i32 to index
        %get3A_234 = tpu.vector_load %arg10[%get3A_232, %get3A_233] {strides = array<i32>} : memref<8x64xf32, #tpu.memory_space<vmem>>, vector<1x16xf32>,
        %get3A_235 = vector.shape_cast %get3A_234 : vector<1x16xf32> to vector<16xf32>
        %mul3A_236 = arith.constant 32 : i32
        %mul3A_237 = arith.muli %scan3A_155, %mul3A_236 : i32
        %add3A_238 = arith.constant 0 : i32
        %add3A_239 = arith.addi %mul3A_237, %add3A_238 : i32
        %get3A_240 = arith.constant 2 : i32
        %get3A_241 = arith.index_cast %get3A_240 : i32 to index
        %get3A_242 = arith.index_cast %add3A_239 : i32 to index
        %get3A_243 = tpu.vector_load %arg10[%get3A_241, %get3A_242] {strides = array<i32>} : memref<8x64xf32, #tpu.memory_space<vmem>>, vector<1x16xf32>,
        %get3A_244 = vector.shape_cast %get3A_243 : vector<1x16xf32> to vector<16xf32>
        %mul3A_245 = arith.constant 32 : i32
        %mul3A_246 = arith.muli %scan3A_155, %mul3A_245 : i32
        %add3A_247 = arith.constant 0 : i32
        %add3A_248 = arith.addi %mul3A_246, %add3A_247 : i32
        %get3A_249 = arith.constant 3 : i32
        %get3A_250 = arith.index_cast %get3A_249 : i32 to index
        %get3A_251 = arith.index_cast %add3A_248 : i32 to index
        %get3A_252 = tpu.vector_load %arg10[%get3A_250, %get3A_251] {strides = array<i32>} : memref<8x64xf32, #tpu.memory_space<vmem>>, vector<1x16xf32>,
        %get3A_253 = vector.shape_cast %get3A_252 : vector<1x16xf32> to vector<16xf32>
        %mul3A_254 = arith.constant 32 : i32
        %mul3A_255 = arith.muli %scan3A_155, %mul3A_254 : i32
        %add3A_256 = arith.constant 0 : i32
        %add3A_257 = arith.addi %mul3A_255, %add3A_256 : i32
        %get3A_258 = arith.constant 4 : i32
        %get3A_259 = arith.index_cast %get3A_258 : i32 to index
        %get3A_260 = arith.index_cast %add3A_257 : i32 to index
        %get3A_261 = tpu.vector_load %arg10[%get3A_259, %get3A_260] {strides = array<i32>} : memref<8x64xf32, #tpu.memory_space<vmem>>, vector<1x16xf32>,
        %get3A_262 = vector.shape_cast %get3A_261 : vector<1x16xf32> to vector<16xf32>
        %mul3A_263 = arith.constant 32 : i32
        %mul3A_264 = arith.muli %scan3A_155, %mul3A_263 : i32
        %add3A_265 = arith.constant 0 : i32
        %add3A_266 = arith.addi %mul3A_264, %add3A_265 : i32
        %get3A_267 = arith.constant 5 : i32
        %get3A_268 = arith.index_cast %get3A_267 : i32 to index
        %get3A_269 = arith.index_cast %add3A_266 : i32 to index
        %get3A_270 = tpu.vector_load %arg10[%get3A_268, %get3A_269] {strides = array<i32>} : memref<8x64xf32, #tpu.memory_space<vmem>>, vector<1x16xf32>,
        %get3A_271 = vector.shape_cast %get3A_270 : vector<1x16xf32> to vector<16xf32>
        %mul3A_272 = arith.constant 32 : i32
        %mul3A_273 = arith.muli %scan3A_155, %mul3A_272 : i32
        %add3A_274 = arith.constant 0 : i32
        %add3A_275 = arith.addi %mul3A_273, %add3A_274 : i32
        %get3A_276 = arith.constant 6 : i32
        %get3A_277 = arith.index_cast %get3A_276 : i32 to index
        %get3A_278 = arith.index_cast %add3A_275 : i32 to index
        %get3A_279 = tpu.vector_load %arg10[%get3A_277, %get3A_278] {strides = array<i32>} : memref<8x64xf32, #tpu.memory_space<vmem>>, vector<1x16xf32>,
        %get3A_280 = vector.shape_cast %get3A_279 : vector<1x16xf32> to vector<16xf32>
        %mul3A_281 = arith.constant 32 : i32
        %mul3A_282 = arith.muli %scan3A_155, %mul3A_281 : i32
        %add3A_283 = arith.constant 0 : i32
        %add3A_284 = arith.addi %mul3A_282, %add3A_283 : i32
        %get3A_285 = arith.constant 7 : i32
        %get3A_286 = arith.index_cast %get3A_285 : i32 to index
        %get3A_287 = arith.index_cast %add3A_284 : i32 to index
        %get3A_288 = tpu.vector_load %arg10[%get3A_286, %get3A_287] {strides = array<i32>} : memref<8x64xf32, #tpu.memory_space<vmem>>, vector<1x16xf32>,
        %get3A_289 = vector.shape_cast %get3A_288 : vector<1x16xf32> to vector<16xf32>
        %scan3A_290 = arith.constant 0 : i32
        %scan3A_291 = arith.constant 16 : i32
        %scan3A_292 = arith.addi %scan3A_290, %scan3A_291 : i32
        %scan3A_293 = arith.constant 1 : i32
        %scan3A_294:32 = scf.for %scan3A_1169 = %scan3A_290 to %scan3A_292 step %scan3A_293 iter_args(%scan3A_1170 = %broadcast_in_dim3A_156, %scan3A_1171 = %broadcast_in_dim3A_158, %scan3A_1172 = %broadcast_in_dim3A_160, %scan3A_1173 = %broadcast_in_dim3A_162, %scan3A_1174 = %broadcast_in_dim3A_164, %scan3A_1175 = %broadcast_in_dim3A_166, %scan3A_1176 = %broadcast_in_dim3A_168, %scan3A_1177 = %broadcast_in_dim3A_170, %scan3A_1178 = %broadcast_in_dim3A_172, %scan3A_1179 = %broadcast_in_dim3A_174, %scan3A_1180 = %broadcast_in_dim3A_176, %scan3A_1181 = %broadcast_in_dim3A_178, %scan3A_1182 = %broadcast_in_dim3A_180, %scan3A_1183 = %broadcast_in_dim3A_182, %scan3A_1184 = %broadcast_in_dim3A_184, %scan3A_1185 = %broadcast_in_dim3A_186, %scan3A_1186 = %broadcast_in_dim3A_188, %scan3A_1187 = %broadcast_in_dim3A_190, %scan3A_1188 = %broadcast_in_dim3A_192, %scan3A_1189 = %broadcast_in_dim3A_194, %scan3A_1190 = %broadcast_in_dim3A_196, %scan3A_1191 = %broadcast_in_dim3A_198, %scan3A_1192 = %broadcast_in_dim3A_200, %scan3A_1193 = %broadcast_in_dim3A_202, %scan3A_1194 = %broadcast_in_dim3A_204, %scan3A_1195 = %broadcast_in_dim3A_206, %scan3A_1196 = %broadcast_in_dim3A_208, %scan3A_1197 = %broadcast_in_dim3A_210, %scan3A_1198 = %broadcast_in_dim3A_212, %scan3A_1199 = %broadcast_in_dim3A_214, %scan3A_1200 = %broadcast_in_dim3A_216, %scan3A_1201 = %broadcast_in_dim3A_218) -> (vector<16xf32>, vector<16xf32>, vector<16xf32>, vector<16xf32>, vector<16xf32>, vector<16xf32>, vector<16xf32>, vector<16xf32>, vector<16xf32>, vector<16xf32>, vector<16xf32>, vector<16xf32>, vector<16xf32>, vector<16xf32>, vector<16xf32>, vector<16xf32>, vector<16xf32>, vector<16xf32>, vector<16xf32>, vector<16xf32>, vector<16xf32>, vector<16xf32>, vector<16xf32>, vector<16xf32>, vector<16xf32>, vector<16xf32>, vector<16xf32>, vector<16xf32>, vector<16xf32>, vector<16xf32>, vector<16xf32>, vector<16xf32>)  : i32 {
          %mul3A_1202 = arith.constant 32 : i32
          %mul3A_1203 = arith.muli %scan3A_155, %mul3A_1202 : i32
          %add3A_1204 = arith.constant 0 : i32
          %add3A_1205 = arith.addi %mul3A_1203, %add3A_1204 : i32
          %add3A_1206 = arith.addi %add3A_1205, %scan3A_1169 : i32
          %broadcast_in_dim3A_1207 = vector.broadcast %scan3A_1169 : i32 to vector<16x1xi32>
          %gather3A = vector.shape_cast %broadcast_in_dim3A_1207 : vector<16x1xi32> to vector<16xi32>
          %gather3A_1208 = tpu.dynamic_gather %get3A_226[%gather3A] in [0] : vector<16xf32>, vector<16xi32> -> vector<16xf32>
          %gather3A_1209 = vector.shape_cast %broadcast_in_dim3A_1207 : vector<16x1xi32> to vector<16xi32>
          %gather3A_1210 = tpu.dynamic_gather %get3A_235[%gather3A_1209] in [0] : vector<16xf32>, vector<16xi32> -> vector<16xf32>
          %gather3A_1211 = vector.shape_cast %broadcast_in_dim3A_1207 : vector<16x1xi32> to vector<16xi32>
          %gather3A_1212 = tpu.dynamic_gather %get3A_244[%gather3A_1211] in [0] : vector<16xf32>, vector<16xi32> -> vector<16xf32>
          %gather3A_1213 = vector.shape_cast %broadcast_in_dim3A_1207 : vector<16x1xi32> to vector<16xi32>
          %gather3A_1214 = tpu.dynamic_gather %get3A_253[%gather3A_1213] in [0] : vector<16xf32>, vector<16xi32> -> vector<16xf32>
          %gather3A_1215 = vector.shape_cast %broadcast_in_dim3A_1207 : vector<16x1xi32> to vector<16xi32>
          %gather3A_1216 = tpu.dynamic_gather %get3A_262[%gather3A_1215] in [0] : vector<16xf32>, vector<16xi32> -> vector<16xf32>
          %gather3A_1217 = vector.shape_cast %broadcast_in_dim3A_1207 : vector<16x1xi32> to vector<16xi32>
          %gather3A_1218 = tpu.dynamic_gather %get3A_271[%gather3A_1217] in [0] : vector<16xf32>, vector<16xi32> -> vector<16xf32>
          %gather3A_1219 = vector.shape_cast %broadcast_in_dim3A_1207 : vector<16x1xi32> to vector<16xi32>
          %gather3A_1220 = tpu.dynamic_gather %get3A_280[%gather3A_1219] in [0] : vector<16xf32>, vector<16xi32> -> vector<16xf32>
          %gather3A_1221 = vector.shape_cast %broadcast_in_dim3A_1207 : vector<16x1xi32> to vector<16xi32>
          %gather3A_1222 = tpu.dynamic_gather %get3A_289[%gather3A_1221] in [0] : vector<16xf32>, vector<16xi32> -> vector<16xf32>
          %get3A_1223 = arith.index_cast %add3A_1206 : i32 to index
          %get3A_1224 = arith.constant 0 : index
          %get3A_1225 = tpu.vector_load %arg8[%get3A_1223, %get3A_1224] {strides = array<i32>} : memref<64x128xf32, #tpu.memory_space<vmem>>, vector<1x16xf32>,
          %get3A_1226 = vector.shape_cast %get3A_1225 : vector<1x16xf32> to vector<16xf32>
          %get3A_1227 = arith.index_cast %add3A_1206 : i32 to index
          %get3A_1228 = arith.constant 16 : index
          %get3A_1229 = tpu.vector_load %arg8[%get3A_1227, %get3A_1228] {strides = array<i32>} : memref<64x128xf32, #tpu.memory_space<vmem>>, vector<1x16xf32>,
          %get3A_1230 = vector.shape_cast %get3A_1229 : vector<1x16xf32> to vector<16xf32>
          %get3A_1231 = arith.index_cast %add3A_1206 : i32 to index
          %get3A_1232 = arith.constant 32 : index
          %get3A_1233 = tpu.vector_load %arg8[%get3A_1231, %get3A_1232] {strides = array<i32>} : memref<64x128xf32, #tpu.memory_space<vmem>>, vector<1x16xf32>,
          %get3A_1234 = vector.shape_cast %get3A_1233 : vector<1x16xf32> to vector<16xf32>
          %get3A_1235 = arith.index_cast %add3A_1206 : i32 to index
          %get3A_1236 = arith.constant 48 : index
          %get3A_1237 = tpu.vector_load %arg8[%get3A_1235, %get3A_1236] {strides = array<i32>} : memref<64x128xf32, #tpu.memory_space<vmem>>, vector<1x16xf32>,
          %get3A_1238 = vector.shape_cast %get3A_1237 : vector<1x16xf32> to vector<16xf32>
          %mul3A_1239 = arith.mulf %gather3A_1208, %get3A_1226 : vector<16xf32>
          %add3A_1240 = arith.addf %scan3A_1170, %mul3A_1239 : vector<16xf32>
          %mul3A_1241 = arith.mulf %gather3A_1208, %get3A_1230 : vector<16xf32>
          %add3A_1242 = arith.addf %scan3A_1171, %mul3A_1241 : vector<16xf32>
          %mul3A_1243 = arith.mulf %gather3A_1208, %get3A_1234 : vector<16xf32>
          %add3A_1244 = arith.addf %scan3A_1172, %mul3A_1243 : vector<16xf32>
          %mul3A_1245 = arith.mulf %gather3A_1208, %get3A_1238 : vector<16xf32>
          %add3A_1246 = arith.addf %scan3A_1173, %mul3A_1245 : vector<16xf32>
          %mul3A_1247 = arith.mulf %gather3A_1210, %get3A_1226 : vector<16xf32>
          %add3A_1248 = arith.addf %scan3A_1174, %mul3A_1247 : vector<16xf32>
          %mul3A_1249 = arith.mulf %gather3A_1210, %get3A_1230 : vector<16xf32>
          %add3A_1250 = arith.addf %scan3A_1175, %mul3A_1249 : vector<16xf32>
          %mul3A_1251 = arith.mulf %gather3A_1210, %get3A_1234 : vector<16xf32>
          %add3A_1252 = arith.addf %scan3A_1176, %mul3A_1251 : vector<16xf32>
          %mul3A_1253 = arith.mulf %gather3A_1210, %get3A_1238 : vector<16xf32>
          %add3A_1254 = arith.addf %scan3A_1177, %mul3A_1253 : vector<16xf32>
          %mul3A_1255 = arith.mulf %gather3A_1212, %get3A_1226 : vector<16xf32>
          %add3A_1256 = arith.addf %scan3A_1178, %mul3A_1255 : vector<16xf32>
          %mul3A_1257 = arith.mulf %gather3A_1212, %get3A_1230 : vector<16xf32>
          %add3A_1258 = arith.addf %scan3A_1179, %mul3A_1257 : vector<16xf32>
          %mul3A_1259 = arith.mulf %gather3A_1212, %get3A_1234 : vector<16xf32>
          %add3A_1260 = arith.addf %scan3A_1180, %mul3A_1259 : vector<16xf32>
          %mul3A_1261 = arith.mulf %gather3A_1212, %get3A_1238 : vector<16xf32>
          %add3A_1262 = arith.addf %scan3A_1181, %mul3A_1261 : vector<16xf32>
          %mul3A_1263 = arith.mulf %gather3A_1214, %get3A_1226 : vector<16xf32>
          %add3A_1264 = arith.addf %scan3A_1182, %mul3A_1263 : vector<16xf32>
          %mul3A_1265 = arith.mulf %gather3A_1214, %get3A_1230 : vector<16xf32>
          %add3A_1266 = arith.addf %scan3A_1183, %mul3A_1265 : vector<16xf32>
          %mul3A_1267 = arith.mulf %gather3A_1214, %get3A_1234 : vector<16xf32>
          %add3A_1268 = arith.addf %scan3A_1184, %mul3A_1267 : vector<16xf32>
          %mul3A_1269 = arith.mulf %gather3A_1214, %get3A_1238 : vector<16xf32>
          %add3A_1270 = arith.addf %scan3A_1185, %mul3A_1269 : vector<16xf32>
          %mul3A_1271 = arith.mulf %gather3A_1216, %get3A_1226 : vector<16xf32>
          %add3A_1272 = arith.addf %scan3A_1186, %mul3A_1271 : vector<16xf32>
          %mul3A_1273 = arith.mulf %gather3A_1216, %get3A_1230 : vector<16xf32>
          %add3A_1274 = arith.addf %scan3A_1187, %mul3A_1273 : vector<16xf32>
          %mul3A_1275 = arith.mulf %gather3A_1216, %get3A_1234 : vector<16xf32>
          %add3A_1276 = arith.addf %scan3A_1188, %mul3A_1275 : vector<16xf32>
          %mul3A_1277 = arith.mulf %gather3A_1216, %get3A_1238 : vector<16xf32>
          %add3A_1278 = arith.addf %scan3A_1189, %mul3A_1277 : vector<16xf32>
          %mul3A_1279 = arith.mulf %gather3A_1218, %get3A_1226 : vector<16xf32>
          %add3A_1280 = arith.addf %scan3A_1190, %mul3A_1279 : vector<16xf32>
          %mul3A_1281 = arith.mulf %gather3A_1218, %get3A_1230 : vector<16xf32>
          %add3A_1282 = arith.addf %scan3A_1191, %mul3A_1281 : vector<16xf32>
          %mul3A_1283 = arith.mulf %gather3A_1218, %get3A_1234 : vector<16xf32>
          %add3A_1284 = arith.addf %scan3A_1192, %mul3A_1283 : vector<16xf32>
          %mul3A_1285 = arith.mulf %gather3A_1218, %get3A_1238 : vector<16xf32>
          %add3A_1286 = arith.addf %scan3A_1193, %mul3A_1285 : vector<16xf32>
          %mul3A_1287 = arith.mulf %gather3A_1220, %get3A_1226 : vector<16xf32>
          %add3A_1288 = arith.addf %scan3A_1194, %mul3A_1287 : vector<16xf32>
          %mul3A_1289 = arith.mulf %gather3A_1220, %get3A_1230 : vector<16xf32>
          %add3A_1290 = arith.addf %scan3A_1195, %mul3A_1289 : vector<16xf32>
          %mul3A_1291 = arith.mulf %gather3A_1220, %get3A_1234 : vector<16xf32>
          %add3A_1292 = arith.addf %scan3A_1196, %mul3A_1291 : vector<16xf32>
          %mul3A_1293 = arith.mulf %gather3A_1220, %get3A_1238 : vector<16xf32>
          %add3A_1294 = arith.addf %scan3A_1197, %mul3A_1293 : vector<16xf32>
          %mul3A_1295 = arith.mulf %gather3A_1222, %get3A_1226 : vector<16xf32>
          %add3A_1296 = arith.addf %scan3A_1198, %mul3A_1295 : vector<16xf32>
          %mul3A_1297 = arith.mulf %gather3A_1222, %get3A_1230 : vector<16xf32>
          %add3A_1298 = arith.addf %scan3A_1199, %mul3A_1297 : vector<16xf32>
          %mul3A_1299 = arith.mulf %gather3A_1222, %get3A_1234 : vector<16xf32>
          %add3A_1300 = arith.addf %scan3A_1200, %mul3A_1299 : vector<16xf32>
          %mul3A_1301 = arith.mulf %gather3A_1222, %get3A_1238 : vector<16xf32>
          %add3A_1302 = arith.addf %scan3A_1201, %mul3A_1301 : vector<16xf32>
          scf.yield %add3A_1240, %add3A_1242, %add3A_1244, %add3A_1246, %add3A_1248, %add3A_1250, %add3A_1252, %add3A_1254, %add3A_1256, %add3A_1258, %add3A_1260, %add3A_1262, %add3A_1264, %add3A_1266, %add3A_1268, %add3A_1270, %add3A_1272, %add3A_1274, %add3A_1276, %add3A_1278, %add3A_1280, %add3A_1282, %add3A_1284, %add3A_1286, %add3A_1288, %add3A_1290, %add3A_1292, %add3A_1294, %add3A_1296, %add3A_1298, %add3A_1300, %add3A_1302 : vector<16xf32>, vector<16xf32>, vector<16xf32>, vector<16xf32>, vector<16xf32>, vector<16xf32>, vector<16xf32>, vector<16xf32>, vector<16xf32>, vector<16xf32>, vector<16xf32>, vector<16xf32>, vector<16xf32>, vector<16xf32>, vector<16xf32>, vector<16xf32>, vector<16xf32>, vector<16xf32>, vector<16xf32>, vector<16xf32>, vector<16xf32>, vector<16xf32>, vector<16xf32>, vector<16xf32>, vector<16xf32>, vector<16xf32>, vector<16xf32>, vector<16xf32>, vector<16xf32>, vector<16xf32>, vector<16xf32>, vector<16xf32>
        }
        %scan3A_295 = arith.constant 16 : i32
        %mul3A_296 = arith.constant 32 : i32
        %mul3A_297 = arith.muli %scan3A_155, %mul3A_296 : i32
        %add3A_298 = arith.constant 16 : i32
        %add3A_299 = arith.addi %mul3A_297, %add3A_298 : i32
        %get3A_300 = arith.constant 0 : i32
        %get3A_301 = arith.index_cast %get3A_300 : i32 to index
        %get3A_302 = arith.index_cast %add3A_299 : i32 to index
        %get3A_303 = tpu.vector_load %arg10[%get3A_301, %get3A_302] {strides = array<i32>} : memref<8x64xf32, #tpu.memory_space<vmem>>, vector<1x16xf32>,
        %get3A_304 = vector.shape_cast %get3A_303 : vector<1x16xf32> to vector<16xf32>
        %mul3A_305 = arith.constant 32 : i32
        %mul3A_306 = arith.muli %scan3A_155, %mul3A_305 : i32
        %add3A_307 = arith.constant 16 : i32
        %add3A_308 = arith.addi %mul3A_306, %add3A_307 : i32
        %get3A_309 = arith.constant 1 : i32
        %get3A_310 = arith.index_cast %get3A_309 : i32 to index
        %get3A_311 = arith.index_cast %add3A_308 : i32 to index
        %get3A_312 = tpu.vector_load %arg10[%get3A_310, %get3A_311] {strides = array<i32>} : memref<8x64xf32, #tpu.memory_space<vmem>>, vector<1x16xf32>,
        %get3A_313 = vector.shape_cast %get3A_312 : vector<1x16xf32> to vector<16xf32>
        %mul3A_314 = arith.constant 32 : i32
        %mul3A_315 = arith.muli %scan3A_155, %mul3A_314 : i32
        %add3A_316 = arith.constant 16 : i32
        %add3A_317 = arith.addi %mul3A_315, %add3A_316 : i32
        %get3A_318 = arith.constant 2 : i32
        %get3A_319 = arith.index_cast %get3A_318 : i32 to index
        %get3A_320 = arith.index_cast %add3A_317 : i32 to index
        %get3A_321 = tpu.vector_load %arg10[%get3A_319, %get3A_320] {strides = array<i32>} : memref<8x64xf32, #tpu.memory_space<vmem>>, vector<1x16xf32>,
        %get3A_322 = vector.shape_cast %get3A_321 : vector<1x16xf32> to vector<16xf32>
        %mul3A_323 = arith.constant 32 : i32
        %mul3A_324 = arith.muli %scan3A_155, %mul3A_323 : i32
        %add3A_325 = arith.constant 16 : i32
        %add3A_326 = arith.addi %mul3A_324, %add3A_325 : i32
        %get3A_327 = arith.constant 3 : i32
        %get3A_328 = arith.index_cast %get3A_327 : i32 to index
        %get3A_329 = arith.index_cast %add3A_326 : i32 to index
        %get3A_330 = tpu.vector_load %arg10[%get3A_328, %get3A_329] {strides = array<i32>} : memref<8x64xf32, #tpu.memory_space<vmem>>, vector<1x16xf32>,
        %get3A_331 = vector.shape_cast %get3A_330 : vector<1x16xf32> to vector<16xf32>
        %mul3A_332 = arith.constant 32 : i32
        %mul3A_333 = arith.muli %scan3A_155, %mul3A_332 : i32
        %add3A_334 = arith.constant 16 : i32
        %add3A_335 = arith.addi %mul3A_333, %add3A_334 : i32
        %get3A_336 = arith.constant 4 : i32
        %get3A_337 = arith.index_cast %get3A_336 : i32 to index
        %get3A_338 = arith.index_cast %add3A_335 : i32 to index
        %get3A_339 = tpu.vector_load %arg10[%get3A_337, %get3A_338] {strides = array<i32>} : memref<8x64xf32, #tpu.memory_space<vmem>>, vector<1x16xf32>,
        %get3A_340 = vector.shape_cast %get3A_339 : vector<1x16xf32> to vector<16xf32>
        %mul3A_341 = arith.constant 32 : i32
        %mul3A_342 = arith.muli %scan3A_155, %mul3A_341 : i32
        %add3A_343 = arith.constant 16 : i32
        %add3A_344 = arith.addi %mul3A_342, %add3A_343 : i32
        %get3A_345 = arith.constant 5 : i32
        %get3A_346 = arith.index_cast %get3A_345 : i32 to index
        %get3A_347 = arith.index_cast %add3A_344 : i32 to index
        %get3A_348 = tpu.vector_load %arg10[%get3A_346, %get3A_347] {strides = array<i32>} : memref<8x64xf32, #tpu.memory_space<vmem>>, vector<1x16xf32>,
        %get3A_349 = vector.shape_cast %get3A_348 : vector<1x16xf32> to vector<16xf32>
        %mul3A_350 = arith.constant 32 : i32
        %mul3A_351 = arith.muli %scan3A_155, %mul3A_350 : i32
        %add3A_352 = arith.constant 16 : i32
        %add3A_353 = arith.addi %mul3A_351, %add3A_352 : i32
        %get3A_354 = arith.constant 6 : i32
        %get3A_355 = arith.index_cast %get3A_354 : i32 to index
        %get3A_356 = arith.index_cast %add3A_353 : i32 to index
        %get3A_357 = tpu.vector_load %arg10[%get3A_355, %get3A_356] {strides = array<i32>} : memref<8x64xf32, #tpu.memory_space<vmem>>, vector<1x16xf32>,
        %get3A_358 = vector.shape_cast %get3A_357 : vector<1x16xf32> to vector<16xf32>
        %mul3A_359 = arith.constant 32 : i32
        %mul3A_360 = arith.muli %scan3A_155, %mul3A_359 : i32
        %add3A_361 = arith.constant 16 : i32
        %add3A_362 = arith.addi %mul3A_360, %add3A_361 : i32
        %get3A_363 = arith.constant 7 : i32
        %get3A_364 = arith.index_cast %get3A_363 : i32 to index
        %get3A_365 = arith.index_cast %add3A_362 : i32 to index
        %get3A_366 = tpu.vector_load %arg10[%get3A_364, %get3A_365] {strides = array<i32>} : memref<8x64xf32, #tpu.memory_space<vmem>>, vector<1x16xf32>,
        %get3A_367 = vector.shape_cast %get3A_366 : vector<1x16xf32> to vector<16xf32>
        %scan3A_368 = arith.constant 0 : i32
        %scan3A_369 = arith.constant 16 : i32
        %scan3A_370 = arith.addi %scan3A_368, %scan3A_369 : i32
        %scan3A_371 = arith.constant 1 : i32
        %scan3A_372:32 = scf.for %scan3A_1169 = %scan3A_368 to %scan3A_370 step %scan3A_371 iter_args(%scan3A_1170 = %scan3A_294#0, %scan3A_1171 = %scan3A_294#1, %scan3A_1172 = %scan3A_294#2, %scan3A_1173 = %scan3A_294#3, %scan3A_1174 = %scan3A_294#4, %scan3A_1175 = %scan3A_294#5, %scan3A_1176 = %scan3A_294#6, %scan3A_1177 = %scan3A_294#7, %scan3A_1178 = %scan3A_294#8, %scan3A_1179 = %scan3A_294#9, %scan3A_1180 = %scan3A_294#10, %scan3A_1181 = %scan3A_294#11, %scan3A_1182 = %scan3A_294#12, %scan3A_1183 = %scan3A_294#13, %scan3A_1184 = %scan3A_294#14, %scan3A_1185 = %scan3A_294#15, %scan3A_1186 = %scan3A_294#16, %scan3A_1187 = %scan3A_294#17, %scan3A_1188 = %scan3A_294#18, %scan3A_1189 = %scan3A_294#19, %scan3A_1190 = %scan3A_294#20, %scan3A_1191 = %scan3A_294#21, %scan3A_1192 = %scan3A_294#22, %scan3A_1193 = %scan3A_294#23, %scan3A_1194 = %scan3A_294#24, %scan3A_1195 = %scan3A_294#25, %scan3A_1196 = %scan3A_294#26, %scan3A_1197 = %scan3A_294#27, %scan3A_1198 = %scan3A_294#28, %scan3A_1199 = %scan3A_294#29, %scan3A_1200 = %scan3A_294#30, %scan3A_1201 = %scan3A_294#31) -> (vector<16xf32>, vector<16xf32>, vector<16xf32>, vector<16xf32>, vector<16xf32>, vector<16xf32>, vector<16xf32>, vector<16xf32>, vector<16xf32>, vector<16xf32>, vector<16xf32>, vector<16xf32>, vector<16xf32>, vector<16xf32>, vector<16xf32>, vector<16xf32>, vector<16xf32>, vector<16xf32>, vector<16xf32>, vector<16xf32>, vector<16xf32>, vector<16xf32>, vector<16xf32>, vector<16xf32>, vector<16xf32>, vector<16xf32>, vector<16xf32>, vector<16xf32>, vector<16xf32>, vector<16xf32>, vector<16xf32>, vector<16xf32>)  : i32 {
          %mul3A_1202 = arith.constant 32 : i32
          %mul3A_1203 = arith.muli %scan3A_155, %mul3A_1202 : i32
          %add3A_1204 = arith.constant 16 : i32
          %add3A_1205 = arith.addi %mul3A_1203, %add3A_1204 : i32
          %add3A_1206 = arith.addi %add3A_1205, %scan3A_1169 : i32
          %broadcast_in_dim3A_1207 = vector.broadcast %scan3A_1169 : i32 to vector<16x1xi32>
          %gather3A = vector.shape_cast %broadcast_in_dim3A_1207 : vector<16x1xi32> to vector<16xi32>
          %gather3A_1208 = tpu.dynamic_gather %get3A_304[%gather3A] in [0] : vector<16xf32>, vector<16xi32> -> vector<16xf32>
          %gather3A_1209 = vector.shape_cast %broadcast_in_dim3A_1207 : vector<16x1xi32> to vector<16xi32>
          %gather3A_1210 = tpu.dynamic_gather %get3A_313[%gather3A_1209] in [0] : vector<16xf32>, vector<16xi32> -> vector<16xf32>
          %gather3A_1211 = vector.shape_cast %broadcast_in_dim3A_1207 : vector<16x1xi32> to vector<16xi32>
          %gather3A_1212 = tpu.dynamic_gather %get3A_322[%gather3A_1211] in [0] : vector<16xf32>, vector<16xi32> -> vector<16xf32>
          %gather3A_1213 = vector.shape_cast %broadcast_in_dim3A_1207 : vector<16x1xi32> to vector<16xi32>
          %gather3A_1214 = tpu.dynamic_gather %get3A_331[%gather3A_1213] in [0] : vector<16xf32>, vector<16xi32> -> vector<16xf32>
          %gather3A_1215 = vector.shape_cast %broadcast_in_dim3A_1207 : vector<16x1xi32> to vector<16xi32>
          %gather3A_1216 = tpu.dynamic_gather %get3A_340[%gather3A_1215] in [0] : vector<16xf32>, vector<16xi32> -> vector<16xf32>
          %gather3A_1217 = vector.shape_cast %broadcast_in_dim3A_1207 : vector<16x1xi32> to vector<16xi32>
          %gather3A_1218 = tpu.dynamic_gather %get3A_349[%gather3A_1217] in [0] : vector<16xf32>, vector<16xi32> -> vector<16xf32>
          %gather3A_1219 = vector.shape_cast %broadcast_in_dim3A_1207 : vector<16x1xi32> to vector<16xi32>
          %gather3A_1220 = tpu.dynamic_gather %get3A_358[%gather3A_1219] in [0] : vector<16xf32>, vector<16xi32> -> vector<16xf32>
          %gather3A_1221 = vector.shape_cast %broadcast_in_dim3A_1207 : vector<16x1xi32> to vector<16xi32>
          %gather3A_1222 = tpu.dynamic_gather %get3A_367[%gather3A_1221] in [0] : vector<16xf32>, vector<16xi32> -> vector<16xf32>
          %get3A_1223 = arith.index_cast %add3A_1206 : i32 to index
          %get3A_1224 = arith.constant 0 : index
          %get3A_1225 = tpu.vector_load %arg8[%get3A_1223, %get3A_1224] {strides = array<i32>} : memref<64x128xf32, #tpu.memory_space<vmem>>, vector<1x16xf32>,
          %get3A_1226 = vector.shape_cast %get3A_1225 : vector<1x16xf32> to vector<16xf32>
          %get3A_1227 = arith.index_cast %add3A_1206 : i32 to index
          %get3A_1228 = arith.constant 16 : index
          %get3A_1229 = tpu.vector_load %arg8[%get3A_1227, %get3A_1228] {strides = array<i32>} : memref<64x128xf32, #tpu.memory_space<vmem>>, vector<1x16xf32>,
          %get3A_1230 = vector.shape_cast %get3A_1229 : vector<1x16xf32> to vector<16xf32>
          %get3A_1231 = arith.index_cast %add3A_1206 : i32 to index
          %get3A_1232 = arith.constant 32 : index
          %get3A_1233 = tpu.vector_load %arg8[%get3A_1231, %get3A_1232] {strides = array<i32>} : memref<64x128xf32, #tpu.memory_space<vmem>>, vector<1x16xf32>,
          %get3A_1234 = vector.shape_cast %get3A_1233 : vector<1x16xf32> to vector<16xf32>
          %get3A_1235 = arith.index_cast %add3A_1206 : i32 to index
          %get3A_1236 = arith.constant 48 : index
          %get3A_1237 = tpu.vector_load %arg8[%get3A_1235, %get3A_1236] {strides = array<i32>} : memref<64x128xf32, #tpu.memory_space<vmem>>, vector<1x16xf32>,
          %get3A_1238 = vector.shape_cast %get3A_1237 : vector<1x16xf32> to vector<16xf32>
          %mul3A_1239 = arith.mulf %gather3A_1208, %get3A_1226 : vector<16xf32>
          %add3A_1240 = arith.addf %scan3A_1170, %mul3A_1239 : vector<16xf32>
          %mul3A_1241 = arith.mulf %gather3A_1208, %get3A_1230 : vector<16xf32>
          %add3A_1242 = arith.addf %scan3A_1171, %mul3A_1241 : vector<16xf32>
          %mul3A_1243 = arith.mulf %gather3A_1208, %get3A_1234 : vector<16xf32>
          %add3A_1244 = arith.addf %scan3A_1172, %mul3A_1243 : vector<16xf32>
          %mul3A_1245 = arith.mulf %gather3A_1208, %get3A_1238 : vector<16xf32>
          %add3A_1246 = arith.addf %scan3A_1173, %mul3A_1245 : vector<16xf32>
          %mul3A_1247 = arith.mulf %gather3A_1210, %get3A_1226 : vector<16xf32>
          %add3A_1248 = arith.addf %scan3A_1174, %mul3A_1247 : vector<16xf32>
          %mul3A_1249 = arith.mulf %gather3A_1210, %get3A_1230 : vector<16xf32>
          %add3A_1250 = arith.addf %scan3A_1175, %mul3A_1249 : vector<16xf32>
          %mul3A_1251 = arith.mulf %gather3A_1210, %get3A_1234 : vector<16xf32>
          %add3A_1252 = arith.addf %scan3A_1176, %mul3A_1251 : vector<16xf32>
          %mul3A_1253 = arith.mulf %gather3A_1210, %get3A_1238 : vector<16xf32>
          %add3A_1254 = arith.addf %scan3A_1177, %mul3A_1253 : vector<16xf32>
          %mul3A_1255 = arith.mulf %gather3A_1212, %get3A_1226 : vector<16xf32>
          %add3A_1256 = arith.addf %scan3A_1178, %mul3A_1255 : vector<16xf32>
          %mul3A_1257 = arith.mulf %gather3A_1212, %get3A_1230 : vector<16xf32>
          %add3A_1258 = arith.addf %scan3A_1179, %mul3A_1257 : vector<16xf32>
          %mul3A_1259 = arith.mulf %gather3A_1212, %get3A_1234 : vector<16xf32>
          %add3A_1260 = arith.addf %scan3A_1180, %mul3A_1259 : vector<16xf32>
          %mul3A_1261 = arith.mulf %gather3A_1212, %get3A_1238 : vector<16xf32>
          %add3A_1262 = arith.addf %scan3A_1181, %mul3A_1261 : vector<16xf32>
          %mul3A_1263 = arith.mulf %gather3A_1214, %get3A_1226 : vector<16xf32>
          %add3A_1264 = arith.addf %scan3A_1182, %mul3A_1263 : vector<16xf32>
          %mul3A_1265 = arith.mulf %gather3A_1214, %get3A_1230 : vector<16xf32>
          %add3A_1266 = arith.addf %scan3A_1183, %mul3A_1265 : vector<16xf32>
          %mul3A_1267 = arith.mulf %gather3A_1214, %get3A_1234 : vector<16xf32>
          %add3A_1268 = arith.addf %scan3A_1184, %mul3A_1267 : vector<16xf32>
          %mul3A_1269 = arith.mulf %gather3A_1214, %get3A_1238 : vector<16xf32>
          %add3A_1270 = arith.addf %scan3A_1185, %mul3A_1269 : vector<16xf32>
          %mul3A_1271 = arith.mulf %gather3A_1216, %get3A_1226 : vector<16xf32>
          %add3A_1272 = arith.addf %scan3A_1186, %mul3A_1271 : vector<16xf32>
          %mul3A_1273 = arith.mulf %gather3A_1216, %get3A_1230 : vector<16xf32>
          %add3A_1274 = arith.addf %scan3A_1187, %mul3A_1273 : vector<16xf32>
          %mul3A_1275 = arith.mulf %gather3A_1216, %get3A_1234 : vector<16xf32>
          %add3A_1276 = arith.addf %scan3A_1188, %mul3A_1275 : vector<16xf32>
          %mul3A_1277 = arith.mulf %gather3A_1216, %get3A_1238 : vector<16xf32>
          %add3A_1278 = arith.addf %scan3A_1189, %mul3A_1277 : vector<16xf32>
          %mul3A_1279 = arith.mulf %gather3A_1218, %get3A_1226 : vector<16xf32>
          %add3A_1280 = arith.addf %scan3A_1190, %mul3A_1279 : vector<16xf32>
          %mul3A_1281 = arith.mulf %gather3A_1218, %get3A_1230 : vector<16xf32>
          %add3A_1282 = arith.addf %scan3A_1191, %mul3A_1281 : vector<16xf32>
          %mul3A_1283 = arith.mulf %gather3A_1218, %get3A_1234 : vector<16xf32>
          %add3A_1284 = arith.addf %scan3A_1192, %mul3A_1283 : vector<16xf32>
          %mul3A_1285 = arith.mulf %gather3A_1218, %get3A_1238 : vector<16xf32>
          %add3A_1286 = arith.addf %scan3A_1193, %mul3A_1285 : vector<16xf32>
          %mul3A_1287 = arith.mulf %gather3A_1220, %get3A_1226 : vector<16xf32>
          %add3A_1288 = arith.addf %scan3A_1194, %mul3A_1287 : vector<16xf32>
          %mul3A_1289 = arith.mulf %gather3A_1220, %get3A_1230 : vector<16xf32>
          %add3A_1290 = arith.addf %scan3A_1195, %mul3A_1289 : vector<16xf32>
          %mul3A_1291 = arith.mulf %gather3A_1220, %get3A_1234 : vector<16xf32>
          %add3A_1292 = arith.addf %scan3A_1196, %mul3A_1291 : vector<16xf32>
          %mul3A_1293 = arith.mulf %gather3A_1220, %get3A_1238 : vector<16xf32>
          %add3A_1294 = arith.addf %scan3A_1197, %mul3A_1293 : vector<16xf32>
          %mul3A_1295 = arith.mulf %gather3A_1222, %get3A_1226 : vector<16xf32>
          %add3A_1296 = arith.addf %scan3A_1198, %mul3A_1295 : vector<16xf32>
          %mul3A_1297 = arith.mulf %gather3A_1222, %get3A_1230 : vector<16xf32>
          %add3A_1298 = arith.addf %scan3A_1199, %mul3A_1297 : vector<16xf32>
          %mul3A_1299 = arith.mulf %gather3A_1222, %get3A_1234 : vector<16xf32>
          %add3A_1300 = arith.addf %scan3A_1200, %mul3A_1299 : vector<16xf32>
          %mul3A_1301 = arith.mulf %gather3A_1222, %get3A_1238 : vector<16xf32>
          %add3A_1302 = arith.addf %scan3A_1201, %mul3A_1301 : vector<16xf32>
          scf.yield %add3A_1240, %add3A_1242, %add3A_1244, %add3A_1246, %add3A_1248, %add3A_1250, %add3A_1252, %add3A_1254, %add3A_1256, %add3A_1258, %add3A_1260, %add3A_1262, %add3A_1264, %add3A_1266, %add3A_1268, %add3A_1270, %add3A_1272, %add3A_1274, %add3A_1276, %add3A_1278, %add3A_1280, %add3A_1282, %add3A_1284, %add3A_1286, %add3A_1288, %add3A_1290, %add3A_1292, %add3A_1294, %add3A_1296, %add3A_1298, %add3A_1300, %add3A_1302 : vector<16xf32>, vector<16xf32>, vector<16xf32>, vector<16xf32>, vector<16xf32>, vector<16xf32>, vector<16xf32>, vector<16xf32>, vector<16xf32>, vector<16xf32>, vector<16xf32>, vector<16xf32>, vector<16xf32>, vector<16xf32>, vector<16xf32>, vector<16xf32>, vector<16xf32>, vector<16xf32>, vector<16xf32>, vector<16xf32>, vector<16xf32>, vector<16xf32>, vector<16xf32>, vector<16xf32>, vector<16xf32>, vector<16xf32>, vector<16xf32>, vector<16xf32>, vector<16xf32>, vector<16xf32>, vector<16xf32>, vector<16xf32>
        }
        %scan3A_373 = arith.constant 16 : i32
        %mul3A_374 = arith.constant 8 : i32
        %mul3A_375 = arith.muli %scan3A_155, %mul3A_374 : i32
        %add3A_376 = arith.constant 0 : i32
        %add3A_377 = arith.addi %mul3A_375, %add3A_376 : i32
        %swap3A = arith.index_cast %add3A_377 : i32 to index
        %swap3A_378 = arith.constant 0 : index
        %swap3A_379 = tpu.vector_load %arg12[%swap3A, %swap3A_378] {strides = array<i32>} : memref<16x128xf32, #tpu.memory_space<vmem>>, vector<1x16xf32>,
        %swap3A_380 = vector.shape_cast %swap3A_379 : vector<1x16xf32> to vector<16xf32>
        %swap3A_381 = vector.shape_cast %scan3A_372#0 : vector<16xf32> to vector<1x16xf32>
        tpu.vector_store %arg12[%swap3A, %swap3A_378], %swap3A_381 {strides = array<i32>} : memref<16x128xf32, #tpu.memory_space<vmem>>, vector<1x16xf32>,
        %mul3A_382 = arith.constant 8 : i32
        %mul3A_383 = arith.muli %scan3A_155, %mul3A_382 : i32
        %add3A_384 = arith.constant 0 : i32
        %add3A_385 = arith.addi %mul3A_383, %add3A_384 : i32
        %swap3A_386 = arith.index_cast %add3A_385 : i32 to index
        %swap3A_387 = arith.constant 16 : index
        %swap3A_388 = tpu.vector_load %arg12[%swap3A_386, %swap3A_387] {strides = array<i32>} : memref<16x128xf32, #tpu.memory_space<vmem>>, vector<1x16xf32>,
        %swap3A_389 = vector.shape_cast %swap3A_388 : vector<1x16xf32> to vector<16xf32>
        %swap3A_390 = vector.shape_cast %scan3A_372#1 : vector<16xf32> to vector<1x16xf32>
        tpu.vector_store %arg12[%swap3A_386, %swap3A_387], %swap3A_390 {strides = array<i32>} : memref<16x128xf32, #tpu.memory_space<vmem>>, vector<1x16xf32>,
        %mul3A_391 = arith.constant 8 : i32
        %mul3A_392 = arith.muli %scan3A_155, %mul3A_391 : i32
        %add3A_393 = arith.constant 0 : i32
        %add3A_394 = arith.addi %mul3A_392, %add3A_393 : i32
        %swap3A_395 = arith.index_cast %add3A_394 : i32 to index
        %swap3A_396 = arith.constant 32 : index
        %swap3A_397 = tpu.vector_load %arg12[%swap3A_395, %swap3A_396] {strides = array<i32>} : memref<16x128xf32, #tpu.memory_space<vmem>>, vector<1x16xf32>,
        %swap3A_398 = vector.shape_cast %swap3A_397 : vector<1x16xf32> to vector<16xf32>
        %swap3A_399 = vector.shape_cast %scan3A_372#2 : vector<16xf32> to vector<1x16xf32>
        tpu.vector_store %arg12[%swap3A_395, %swap3A_396], %swap3A_399 {strides = array<i32>} : memref<16x128xf32, #tpu.memory_space<vmem>>, vector<1x16xf32>,
        %mul3A_400 = arith.constant 8 : i32
        %mul3A_401 = arith.muli %scan3A_155, %mul3A_400 : i32
        %add3A_402 = arith.constant 0 : i32
        %add3A_403 = arith.addi %mul3A_401, %add3A_402 : i32
        %swap3A_404 = arith.index_cast %add3A_403 : i32 to index
        %swap3A_405 = arith.constant 48 : index
        %swap3A_406 = tpu.vector_load %arg12[%swap3A_404, %swap3A_405] {strides = array<i32>} : memref<16x128xf32, #tpu.memory_space<vmem>>, vector<1x16xf32>,
        %swap3A_407 = vector.shape_cast %swap3A_406 : vector<1x16xf32> to vector<16xf32>
        %swap3A_408 = vector.shape_cast %scan3A_372#3 : vector<16xf32> to vector<1x16xf32>
        tpu.vector_store %arg12[%swap3A_404, %swap3A_405], %swap3A_408 {strides = array<i32>} : memref<16x128xf32, #tpu.memory_space<vmem>>, vector<1x16xf32>,
        %mul3A_409 = arith.constant 8 : i32
        %mul3A_410 = arith.muli %scan3A_155, %mul3A_409 : i32
        %add3A_411 = arith.constant 1 : i32
        %add3A_412 = arith.addi %mul3A_410, %add3A_411 : i32
        %swap3A_413 = arith.index_cast %add3A_412 : i32 to index
        %swap3A_414 = arith.constant 0 : index
        %swap3A_415 = tpu.vector_load %arg12[%swap3A_413, %swap3A_414] {strides = array<i32>} : memref<16x128xf32, #tpu.memory_space<vmem>>, vector<1x16xf32>,
        %swap3A_416 = vector.shape_cast %swap3A_415 : vector<1x16xf32> to vector<16xf32>
        %swap3A_417 = vector.shape_cast %scan3A_372#4 : vector<16xf32> to vector<1x16xf32>
        tpu.vector_store %arg12[%swap3A_413, %swap3A_414], %swap3A_417 {strides = array<i32>} : memref<16x128xf32, #tpu.memory_space<vmem>>, vector<1x16xf32>,
        %mul3A_418 = arith.constant 8 : i32
        %mul3A_419 = arith.muli %scan3A_155, %mul3A_418 : i32
        %add3A_420 = arith.constant 1 : i32
        %add3A_421 = arith.addi %mul3A_419, %add3A_420 : i32
        %swap3A_422 = arith.index_cast %add3A_421 : i32 to index
        %swap3A_423 = arith.constant 16 : index
        %swap3A_424 = tpu.vector_load %arg12[%swap3A_422, %swap3A_423] {strides = array<i32>} : memref<16x128xf32, #tpu.memory_space<vmem>>, vector<1x16xf32>,
        %swap3A_425 = vector.shape_cast %swap3A_424 : vector<1x16xf32> to vector<16xf32>
        %swap3A_426 = vector.shape_cast %scan3A_372#5 : vector<16xf32> to vector<1x16xf32>
        tpu.vector_store %arg12[%swap3A_422, %swap3A_423], %swap3A_426 {strides = array<i32>} : memref<16x128xf32, #tpu.memory_space<vmem>>, vector<1x16xf32>,
        %mul3A_427 = arith.constant 8 : i32
        %mul3A_428 = arith.muli %scan3A_155, %mul3A_427 : i32
        %add3A_429 = arith.constant 1 : i32
        %add3A_430 = arith.addi %mul3A_428, %add3A_429 : i32
        %swap3A_431 = arith.index_cast %add3A_430 : i32 to index
        %swap3A_432 = arith.constant 32 : index
        %swap3A_433 = tpu.vector_load %arg12[%swap3A_431, %swap3A_432] {strides = array<i32>} : memref<16x128xf32, #tpu.memory_space<vmem>>, vector<1x16xf32>,
        %swap3A_434 = vector.shape_cast %swap3A_433 : vector<1x16xf32> to vector<16xf32>
        %swap3A_435 = vector.shape_cast %scan3A_372#6 : vector<16xf32> to vector<1x16xf32>
        tpu.vector_store %arg12[%swap3A_431, %swap3A_432], %swap3A_435 {strides = array<i32>} : memref<16x128xf32, #tpu.memory_space<vmem>>, vector<1x16xf32>,
        %mul3A_436 = arith.constant 8 : i32
        %mul3A_437 = arith.muli %scan3A_155, %mul3A_436 : i32
        %add3A_438 = arith.constant 1 : i32
        %add3A_439 = arith.addi %mul3A_437, %add3A_438 : i32
        %swap3A_440 = arith.index_cast %add3A_439 : i32 to index
        %swap3A_441 = arith.constant 48 : index
        %swap3A_442 = tpu.vector_load %arg12[%swap3A_440, %swap3A_441] {strides = array<i32>} : memref<16x128xf32, #tpu.memory_space<vmem>>, vector<1x16xf32>,
        %swap3A_443 = vector.shape_cast %swap3A_442 : vector<1x16xf32> to vector<16xf32>
        %swap3A_444 = vector.shape_cast %scan3A_372#7 : vector<16xf32> to vector<1x16xf32>
        tpu.vector_store %arg12[%swap3A_440, %swap3A_441], %swap3A_444 {strides = array<i32>} : memref<16x128xf32, #tpu.memory_space<vmem>>, vector<1x16xf32>,
        %mul3A_445 = arith.constant 8 : i32
        %mul3A_446 = arith.muli %scan3A_155, %mul3A_445 : i32
        %add3A_447 = arith.constant 2 : i32
        %add3A_448 = arith.addi %mul3A_446, %add3A_447 : i32
        %swap3A_449 = arith.index_cast %add3A_448 : i32 to index
        %swap3A_450 = arith.constant 0 : index
        %swap3A_451 = tpu.vector_load %arg12[%swap3A_449, %swap3A_450] {strides = array<i32>} : memref<16x128xf32, #tpu.memory_space<vmem>>, vector<1x16xf32>,
        %swap3A_452 = vector.shape_cast %swap3A_451 : vector<1x16xf32> to vector<16xf32>
        %swap3A_453 = vector.shape_cast %scan3A_372#8 : vector<16xf32> to vector<1x16xf32>
        tpu.vector_store %arg12[%swap3A_449, %swap3A_450], %swap3A_453 {strides = array<i32>} : memref<16x128xf32, #tpu.memory_space<vmem>>, vector<1x16xf32>,
        %mul3A_454 = arith.constant 8 : i32
        %mul3A_455 = arith.muli %scan3A_155, %mul3A_454 : i32
        %add3A_456 = arith.constant 2 : i32
        %add3A_457 = arith.addi %mul3A_455, %add3A_456 : i32
        %swap3A_458 = arith.index_cast %add3A_457 : i32 to index
        %swap3A_459 = arith.constant 16 : index
        %swap3A_460 = tpu.vector_load %arg12[%swap3A_458, %swap3A_459] {strides = array<i32>} : memref<16x128xf32, #tpu.memory_space<vmem>>, vector<1x16xf32>,
        %swap3A_461 = vector.shape_cast %swap3A_460 : vector<1x16xf32> to vector<16xf32>
        %swap3A_462 = vector.shape_cast %scan3A_372#9 : vector<16xf32> to vector<1x16xf32>
        tpu.vector_store %arg12[%swap3A_458, %swap3A_459], %swap3A_462 {strides = array<i32>} : memref<16x128xf32, #tpu.memory_space<vmem>>, vector<1x16xf32>,
        %mul3A_463 = arith.constant 8 : i32
        %mul3A_464 = arith.muli %scan3A_155, %mul3A_463 : i32
        %add3A_465 = arith.constant 2 : i32
        %add3A_466 = arith.addi %mul3A_464, %add3A_465 : i32
        %swap3A_467 = arith.index_cast %add3A_466 : i32 to index
        %swap3A_468 = arith.constant 32 : index
        %swap3A_469 = tpu.vector_load %arg12[%swap3A_467, %swap3A_468] {strides = array<i32>} : memref<16x128xf32, #tpu.memory_space<vmem>>, vector<1x16xf32>,
        %swap3A_470 = vector.shape_cast %swap3A_469 : vector<1x16xf32> to vector<16xf32>
        %swap3A_471 = vector.shape_cast %scan3A_372#10 : vector<16xf32> to vector<1x16xf32>
        tpu.vector_store %arg12[%swap3A_467, %swap3A_468], %swap3A_471 {strides = array<i32>} : memref<16x128xf32, #tpu.memory_space<vmem>>, vector<1x16xf32>,
        %mul3A_472 = arith.constant 8 : i32
        %mul3A_473 = arith.muli %scan3A_155, %mul3A_472 : i32
        %add3A_474 = arith.constant 2 : i32
        %add3A_475 = arith.addi %mul3A_473, %add3A_474 : i32
        %swap3A_476 = arith.index_cast %add3A_475 : i32 to index
        %swap3A_477 = arith.constant 48 : index
        %swap3A_478 = tpu.vector_load %arg12[%swap3A_476, %swap3A_477] {strides = array<i32>} : memref<16x128xf32, #tpu.memory_space<vmem>>, vector<1x16xf32>,
        %swap3A_479 = vector.shape_cast %swap3A_478 : vector<1x16xf32> to vector<16xf32>
        %swap3A_480 = vector.shape_cast %scan3A_372#11 : vector<16xf32> to vector<1x16xf32>
        tpu.vector_store %arg12[%swap3A_476, %swap3A_477], %swap3A_480 {strides = array<i32>} : memref<16x128xf32, #tpu.memory_space<vmem>>, vector<1x16xf32>,
        %mul3A_481 = arith.constant 8 : i32
        %mul3A_482 = arith.muli %scan3A_155, %mul3A_481 : i32
        %add3A_483 = arith.constant 3 : i32
        %add3A_484 = arith.addi %mul3A_482, %add3A_483 : i32
        %swap3A_485 = arith.index_cast %add3A_484 : i32 to index
        %swap3A_486 = arith.constant 0 : index
        %swap3A_487 = tpu.vector_load %arg12[%swap3A_485, %swap3A_486] {strides = array<i32>} : memref<16x128xf32, #tpu.memory_space<vmem>>, vector<1x16xf32>,
        %swap3A_488 = vector.shape_cast %swap3A_487 : vector<1x16xf32> to vector<16xf32>
        %swap3A_489 = vector.shape_cast %scan3A_372#12 : vector<16xf32> to vector<1x16xf32>
        tpu.vector_store %arg12[%swap3A_485, %swap3A_486], %swap3A_489 {strides = array<i32>} : memref<16x128xf32, #tpu.memory_space<vmem>>, vector<1x16xf32>,
        %mul3A_490 = arith.constant 8 : i32
        %mul3A_491 = arith.muli %scan3A_155, %mul3A_490 : i32
        %add3A_492 = arith.constant 3 : i32
        %add3A_493 = arith.addi %mul3A_491, %add3A_492 : i32
        %swap3A_494 = arith.index_cast %add3A_493 : i32 to index
        %swap3A_495 = arith.constant 16 : index
        %swap3A_496 = tpu.vector_load %arg12[%swap3A_494, %swap3A_495] {strides = array<i32>} : memref<16x128xf32, #tpu.memory_space<vmem>>, vector<1x16xf32>,
        %swap3A_497 = vector.shape_cast %swap3A_496 : vector<1x16xf32> to vector<16xf32>
        %swap3A_498 = vector.shape_cast %scan3A_372#13 : vector<16xf32> to vector<1x16xf32>
        tpu.vector_store %arg12[%swap3A_494, %swap3A_495], %swap3A_498 {strides = array<i32>} : memref<16x128xf32, #tpu.memory_space<vmem>>, vector<1x16xf32>,
        %mul3A_499 = arith.constant 8 : i32
        %mul3A_500 = arith.muli %scan3A_155, %mul3A_499 : i32
        %add3A_501 = arith.constant 3 : i32
        %add3A_502 = arith.addi %mul3A_500, %add3A_501 : i32
        %swap3A_503 = arith.index_cast %add3A_502 : i32 to index
        %swap3A_504 = arith.constant 32 : index
        %swap3A_505 = tpu.vector_load %arg12[%swap3A_503, %swap3A_504] {strides = array<i32>} : memref<16x128xf32, #tpu.memory_space<vmem>>, vector<1x16xf32>,
        %swap3A_506 = vector.shape_cast %swap3A_505 : vector<1x16xf32> to vector<16xf32>
        %swap3A_507 = vector.shape_cast %scan3A_372#14 : vector<16xf32> to vector<1x16xf32>
        tpu.vector_store %arg12[%swap3A_503, %swap3A_504], %swap3A_507 {strides = array<i32>} : memref<16x128xf32, #tpu.memory_space<vmem>>, vector<1x16xf32>,
        %mul3A_508 = arith.constant 8 : i32
        %mul3A_509 = arith.muli %scan3A_155, %mul3A_508 : i32
        %add3A_510 = arith.constant 3 : i32
        %add3A_511 = arith.addi %mul3A_509, %add3A_510 : i32
        %swap3A_512 = arith.index_cast %add3A_511 : i32 to index
        %swap3A_513 = arith.constant 48 : index
        %swap3A_514 = tpu.vector_load %arg12[%swap3A_512, %swap3A_513] {strides = array<i32>} : memref<16x128xf32, #tpu.memory_space<vmem>>, vector<1x16xf32>,
        %swap3A_515 = vector.shape_cast %swap3A_514 : vector<1x16xf32> to vector<16xf32>
        %swap3A_516 = vector.shape_cast %scan3A_372#15 : vector<16xf32> to vector<1x16xf32>
        tpu.vector_store %arg12[%swap3A_512, %swap3A_513], %swap3A_516 {strides = array<i32>} : memref<16x128xf32, #tpu.memory_space<vmem>>, vector<1x16xf32>,
        %mul3A_517 = arith.constant 8 : i32
        %mul3A_518 = arith.muli %scan3A_155, %mul3A_517 : i32
        %add3A_519 = arith.constant 4 : i32
        %add3A_520 = arith.addi %mul3A_518, %add3A_519 : i32
        %swap3A_521 = arith.index_cast %add3A_520 : i32 to index
        %swap3A_522 = arith.constant 0 : index
        %swap3A_523 = tpu.vector_load %arg12[%swap3A_521, %swap3A_522] {strides = array<i32>} : memref<16x128xf32, #tpu.memory_space<vmem>>, vector<1x16xf32>,
        %swap3A_524 = vector.shape_cast %swap3A_523 : vector<1x16xf32> to vector<16xf32>
        %swap3A_525 = vector.shape_cast %scan3A_372#16 : vector<16xf32> to vector<1x16xf32>
        tpu.vector_store %arg12[%swap3A_521, %swap3A_522], %swap3A_525 {strides = array<i32>} : memref<16x128xf32, #tpu.memory_space<vmem>>, vector<1x16xf32>,
        %mul3A_526 = arith.constant 8 : i32
        %mul3A_527 = arith.muli %scan3A_155, %mul3A_526 : i32
        %add3A_528 = arith.constant 4 : i32
        %add3A_529 = arith.addi %mul3A_527, %add3A_528 : i32
        %swap3A_530 = arith.index_cast %add3A_529 : i32 to index
        %swap3A_531 = arith.constant 16 : index
        %swap3A_532 = tpu.vector_load %arg12[%swap3A_530, %swap3A_531] {strides = array<i32>} : memref<16x128xf32, #tpu.memory_space<vmem>>, vector<1x16xf32>,
        %swap3A_533 = vector.shape_cast %swap3A_532 : vector<1x16xf32> to vector<16xf32>
        %swap3A_534 = vector.shape_cast %scan3A_372#17 : vector<16xf32> to vector<1x16xf32>
        tpu.vector_store %arg12[%swap3A_530, %swap3A_531], %swap3A_534 {strides = array<i32>} : memref<16x128xf32, #tpu.memory_space<vmem>>, vector<1x16xf32>,
        %mul3A_535 = arith.constant 8 : i32
        %mul3A_536 = arith.muli %scan3A_155, %mul3A_535 : i32
        %add3A_537 = arith.constant 4 : i32
        %add3A_538 = arith.addi %mul3A_536, %add3A_537 : i32
        %swap3A_539 = arith.index_cast %add3A_538 : i32 to index
        %swap3A_540 = arith.constant 32 : index
        %swap3A_541 = tpu.vector_load %arg12[%swap3A_539, %swap3A_540] {strides = array<i32>} : memref<16x128xf32, #tpu.memory_space<vmem>>, vector<1x16xf32>,
        %swap3A_542 = vector.shape_cast %swap3A_541 : vector<1x16xf32> to vector<16xf32>
        %swap3A_543 = vector.shape_cast %scan3A_372#18 : vector<16xf32> to vector<1x16xf32>
        tpu.vector_store %arg12[%swap3A_539, %swap3A_540], %swap3A_543 {strides = array<i32>} : memref<16x128xf32, #tpu.memory_space<vmem>>, vector<1x16xf32>,
        %mul3A_544 = arith.constant 8 : i32
        %mul3A_545 = arith.muli %scan3A_155, %mul3A_544 : i32
        %add3A_546 = arith.constant 4 : i32
        %add3A_547 = arith.addi %mul3A_545, %add3A_546 : i32
        %swap3A_548 = arith.index_cast %add3A_547 : i32 to index
        %swap3A_549 = arith.constant 48 : index
        %swap3A_550 = tpu.vector_load %arg12[%swap3A_548, %swap3A_549] {strides = array<i32>} : memref<16x128xf32, #tpu.memory_space<vmem>>, vector<1x16xf32>,
        %swap3A_551 = vector.shape_cast %swap3A_550 : vector<1x16xf32> to vector<16xf32>
        %swap3A_552 = vector.shape_cast %scan3A_372#19 : vector<16xf32> to vector<1x16xf32>
        tpu.vector_store %arg12[%swap3A_548, %swap3A_549], %swap3A_552 {strides = array<i32>} : memref<16x128xf32, #tpu.memory_space<vmem>>, vector<1x16xf32>,
        %mul3A_553 = arith.constant 8 : i32
        %mul3A_554 = arith.muli %scan3A_155, %mul3A_553 : i32
        %add3A_555 = arith.constant 5 : i32
        %add3A_556 = arith.addi %mul3A_554, %add3A_555 : i32
        %swap3A_557 = arith.index_cast %add3A_556 : i32 to index
        %swap3A_558 = arith.constant 0 : index
        %swap3A_559 = tpu.vector_load %arg12[%swap3A_557, %swap3A_558] {strides = array<i32>} : memref<16x128xf32, #tpu.memory_space<vmem>>, vector<1x16xf32>,
        %swap3A_560 = vector.shape_cast %swap3A_559 : vector<1x16xf32> to vector<16xf32>
        %swap3A_561 = vector.shape_cast %scan3A_372#20 : vector<16xf32> to vector<1x16xf32>
        tpu.vector_store %arg12[%swap3A_557, %swap3A_558], %swap3A_561 {strides = array<i32>} : memref<16x128xf32, #tpu.memory_space<vmem>>, vector<1x16xf32>,
        %mul3A_562 = arith.constant 8 : i32
        %mul3A_563 = arith.muli %scan3A_155, %mul3A_562 : i32
        %add3A_564 = arith.constant 5 : i32
        %add3A_565 = arith.addi %mul3A_563, %add3A_564 : i32
        %swap3A_566 = arith.index_cast %add3A_565 : i32 to index
        %swap3A_567 = arith.constant 16 : index
        %swap3A_568 = tpu.vector_load %arg12[%swap3A_566, %swap3A_567] {strides = array<i32>} : memref<16x128xf32, #tpu.memory_space<vmem>>, vector<1x16xf32>,
        %swap3A_569 = vector.shape_cast %swap3A_568 : vector<1x16xf32> to vector<16xf32>
        %swap3A_570 = vector.shape_cast %scan3A_372#21 : vector<16xf32> to vector<1x16xf32>
        tpu.vector_store %arg12[%swap3A_566, %swap3A_567], %swap3A_570 {strides = array<i32>} : memref<16x128xf32, #tpu.memory_space<vmem>>, vector<1x16xf32>,
        %mul3A_571 = arith.constant 8 : i32
        %mul3A_572 = arith.muli %scan3A_155, %mul3A_571 : i32
        %add3A_573 = arith.constant 5 : i32
        %add3A_574 = arith.addi %mul3A_572, %add3A_573 : i32
        %swap3A_575 = arith.index_cast %add3A_574 : i32 to index
        %swap3A_576 = arith.constant 32 : index
        %swap3A_577 = tpu.vector_load %arg12[%swap3A_575, %swap3A_576] {strides = array<i32>} : memref<16x128xf32, #tpu.memory_space<vmem>>, vector<1x16xf32>,
        %swap3A_578 = vector.shape_cast %swap3A_577 : vector<1x16xf32> to vector<16xf32>
        %swap3A_579 = vector.shape_cast %scan3A_372#22 : vector<16xf32> to vector<1x16xf32>
        tpu.vector_store %arg12[%swap3A_575, %swap3A_576], %swap3A_579 {strides = array<i32>} : memref<16x128xf32, #tpu.memory_space<vmem>>, vector<1x16xf32>,
        %mul3A_580 = arith.constant 8 : i32
        %mul3A_581 = arith.muli %scan3A_155, %mul3A_580 : i32
        %add3A_582 = arith.constant 5 : i32
        %add3A_583 = arith.addi %mul3A_581, %add3A_582 : i32
        %swap3A_584 = arith.index_cast %add3A_583 : i32 to index
        %swap3A_585 = arith.constant 48 : index
        %swap3A_586 = tpu.vector_load %arg12[%swap3A_584, %swap3A_585] {strides = array<i32>} : memref<16x128xf32, #tpu.memory_space<vmem>>, vector<1x16xf32>,
        %swap3A_587 = vector.shape_cast %swap3A_586 : vector<1x16xf32> to vector<16xf32>
        %swap3A_588 = vector.shape_cast %scan3A_372#23 : vector<16xf32> to vector<1x16xf32>
        tpu.vector_store %arg12[%swap3A_584, %swap3A_585], %swap3A_588 {strides = array<i32>} : memref<16x128xf32, #tpu.memory_space<vmem>>, vector<1x16xf32>,
        %mul3A_589 = arith.constant 8 : i32
        %mul3A_590 = arith.muli %scan3A_155, %mul3A_589 : i32
        %add3A_591 = arith.constant 6 : i32
        %add3A_592 = arith.addi %mul3A_590, %add3A_591 : i32
        %swap3A_593 = arith.index_cast %add3A_592 : i32 to index
        %swap3A_594 = arith.constant 0 : index
        %swap3A_595 = tpu.vector_load %arg12[%swap3A_593, %swap3A_594] {strides = array<i32>} : memref<16x128xf32, #tpu.memory_space<vmem>>, vector<1x16xf32>,
        %swap3A_596 = vector.shape_cast %swap3A_595 : vector<1x16xf32> to vector<16xf32>
        %swap3A_597 = vector.shape_cast %scan3A_372#24 : vector<16xf32> to vector<1x16xf32>
        tpu.vector_store %arg12[%swap3A_593, %swap3A_594], %swap3A_597 {strides = array<i32>} : memref<16x128xf32, #tpu.memory_space<vmem>>, vector<1x16xf32>,
        %mul3A_598 = arith.constant 8 : i32
        %mul3A_599 = arith.muli %scan3A_155, %mul3A_598 : i32
        %add3A_600 = arith.constant 6 : i32
        %add3A_601 = arith.addi %mul3A_599, %add3A_600 : i32
        %swap3A_602 = arith.index_cast %add3A_601 : i32 to index
        %swap3A_603 = arith.constant 16 : index
        %swap3A_604 = tpu.vector_load %arg12[%swap3A_602, %swap3A_603] {strides = array<i32>} : memref<16x128xf32, #tpu.memory_space<vmem>>, vector<1x16xf32>,
        %swap3A_605 = vector.shape_cast %swap3A_604 : vector<1x16xf32> to vector<16xf32>
        %swap3A_606 = vector.shape_cast %scan3A_372#25 : vector<16xf32> to vector<1x16xf32>
        tpu.vector_store %arg12[%swap3A_602, %swap3A_603], %swap3A_606 {strides = array<i32>} : memref<16x128xf32, #tpu.memory_space<vmem>>, vector<1x16xf32>,
        %mul3A_607 = arith.constant 8 : i32
        %mul3A_608 = arith.muli %scan3A_155, %mul3A_607 : i32
        %add3A_609 = arith.constant 6 : i32
        %add3A_610 = arith.addi %mul3A_608, %add3A_609 : i32
        %swap3A_611 = arith.index_cast %add3A_610 : i32 to index
        %swap3A_612 = arith.constant 32 : index
        %swap3A_613 = tpu.vector_load %arg12[%swap3A_611, %swap3A_612] {strides = array<i32>} : memref<16x128xf32, #tpu.memory_space<vmem>>, vector<1x16xf32>,
        %swap3A_614 = vector.shape_cast %swap3A_613 : vector<1x16xf32> to vector<16xf32>
        %swap3A_615 = vector.shape_cast %scan3A_372#26 : vector<16xf32> to vector<1x16xf32>
        tpu.vector_store %arg12[%swap3A_611, %swap3A_612], %swap3A_615 {strides = array<i32>} : memref<16x128xf32, #tpu.memory_space<vmem>>, vector<1x16xf32>,
        %mul3A_616 = arith.constant 8 : i32
        %mul3A_617 = arith.muli %scan3A_155, %mul3A_616 : i32
        %add3A_618 = arith.constant 6 : i32
        %add3A_619 = arith.addi %mul3A_617, %add3A_618 : i32
        %swap3A_620 = arith.index_cast %add3A_619 : i32 to index
        %swap3A_621 = arith.constant 48 : index
        %swap3A_622 = tpu.vector_load %arg12[%swap3A_620, %swap3A_621] {strides = array<i32>} : memref<16x128xf32, #tpu.memory_space<vmem>>, vector<1x16xf32>,
        %swap3A_623 = vector.shape_cast %swap3A_622 : vector<1x16xf32> to vector<16xf32>
        %swap3A_624 = vector.shape_cast %scan3A_372#27 : vector<16xf32> to vector<1x16xf32>
        tpu.vector_store %arg12[%swap3A_620, %swap3A_621], %swap3A_624 {strides = array<i32>} : memref<16x128xf32, #tpu.memory_space<vmem>>, vector<1x16xf32>,
        %mul3A_625 = arith.constant 8 : i32
        %mul3A_626 = arith.muli %scan3A_155, %mul3A_625 : i32
        %add3A_627 = arith.constant 7 : i32
        %add3A_628 = arith.addi %mul3A_626, %add3A_627 : i32
        %swap3A_629 = arith.index_cast %add3A_628 : i32 to index
        %swap3A_630 = arith.constant 0 : index
        %swap3A_631 = tpu.vector_load %arg12[%swap3A_629, %swap3A_630] {strides = array<i32>} : memref<16x128xf32, #tpu.memory_space<vmem>>, vector<1x16xf32>,
        %swap3A_632 = vector.shape_cast %swap3A_631 : vector<1x16xf32> to vector<16xf32>
        %swap3A_633 = vector.shape_cast %scan3A_372#28 : vector<16xf32> to vector<1x16xf32>
        tpu.vector_store %arg12[%swap3A_629, %swap3A_630], %swap3A_633 {strides = array<i32>} : memref<16x128xf32, #tpu.memory_space<vmem>>, vector<1x16xf32>,
        %mul3A_634 = arith.constant 8 : i32
        %mul3A_635 = arith.muli %scan3A_155, %mul3A_634 : i32
        %add3A_636 = arith.constant 7 : i32
        %add3A_637 = arith.addi %mul3A_635, %add3A_636 : i32
        %swap3A_638 = arith.index_cast %add3A_637 : i32 to index
        %swap3A_639 = arith.constant 16 : index
        %swap3A_640 = tpu.vector_load %arg12[%swap3A_638, %swap3A_639] {strides = array<i32>} : memref<16x128xf32, #tpu.memory_space<vmem>>, vector<1x16xf32>,
        %swap3A_641 = vector.shape_cast %swap3A_640 : vector<1x16xf32> to vector<16xf32>
        %swap3A_642 = vector.shape_cast %scan3A_372#29 : vector<16xf32> to vector<1x16xf32>
        tpu.vector_store %arg12[%swap3A_638, %swap3A_639], %swap3A_642 {strides = array<i32>} : memref<16x128xf32, #tpu.memory_space<vmem>>, vector<1x16xf32>,
        %mul3A_643 = arith.constant 8 : i32
        %mul3A_644 = arith.muli %scan3A_155, %mul3A_643 : i32
        %add3A_645 = arith.constant 7 : i32
        %add3A_646 = arith.addi %mul3A_644, %add3A_645 : i32
        %swap3A_647 = arith.index_cast %add3A_646 : i32 to index
        %swap3A_648 = arith.constant 32 : index
        %swap3A_649 = tpu.vector_load %arg12[%swap3A_647, %swap3A_648] {strides = array<i32>} : memref<16x128xf32, #tpu.memory_space<vmem>>, vector<1x16xf32>,
        %swap3A_650 = vector.shape_cast %swap3A_649 : vector<1x16xf32> to vector<16xf32>
        %swap3A_651 = vector.shape_cast %scan3A_372#30 : vector<16xf32> to vector<1x16xf32>
        tpu.vector_store %arg12[%swap3A_647, %swap3A_648], %swap3A_651 {strides = array<i32>} : memref<16x128xf32, #tpu.memory_space<vmem>>, vector<1x16xf32>,
        %mul3A_652 = arith.constant 8 : i32
        %mul3A_653 = arith.muli %scan3A_155, %mul3A_652 : i32
        %add3A_654 = arith.constant 7 : i32
        %add3A_655 = arith.addi %mul3A_653, %add3A_654 : i32
        %swap3A_656 = arith.index_cast %add3A_655 : i32 to index
        %swap3A_657 = arith.constant 48 : index
        %swap3A_658 = tpu.vector_load %arg12[%swap3A_656, %swap3A_657] {strides = array<i32>} : memref<16x128xf32, #tpu.memory_space<vmem>>, vector<1x16xf32>,
        %swap3A_659 = vector.shape_cast %swap3A_658 : vector<1x16xf32> to vector<16xf32>
        %swap3A_660 = vector.shape_cast %scan3A_372#31 : vector<16xf32> to vector<1x16xf32>
        tpu.vector_store %arg12[%swap3A_656, %swap3A_657], %swap3A_660 {strides = array<i32>} : memref<16x128xf32, #tpu.memory_space<vmem>>, vector<1x16xf32>,
        %broadcast_in_dim3A_661 = arith.constant 0.000000e+00 : f32
        %broadcast_in_dim3A_662 = vector.broadcast %broadcast_in_dim3A_661 : f32 to vector<16xf32>
        %broadcast_in_dim3A_663 = arith.constant 0.000000e+00 : f32
        %broadcast_in_dim3A_664 = vector.broadcast %broadcast_in_dim3A_663 : f32 to vector<16xf32>
        %broadcast_in_dim3A_665 = arith.constant 0.000000e+00 : f32
        %broadcast_in_dim3A_666 = vector.broadcast %broadcast_in_dim3A_665 : f32 to vector<16xf32>
        %broadcast_in_dim3A_667 = arith.constant 0.000000e+00 : f32
        %broadcast_in_dim3A_668 = vector.broadcast %broadcast_in_dim3A_667 : f32 to vector<16xf32>
        %broadcast_in_dim3A_669 = arith.constant 0.000000e+00 : f32
        %broadcast_in_dim3A_670 = vector.broadcast %broadcast_in_dim3A_669 : f32 to vector<16xf32>
        %broadcast_in_dim3A_671 = arith.constant 0.000000e+00 : f32
        %broadcast_in_dim3A_672 = vector.broadcast %broadcast_in_dim3A_671 : f32 to vector<16xf32>
        %broadcast_in_dim3A_673 = arith.constant 0.000000e+00 : f32
        %broadcast_in_dim3A_674 = vector.broadcast %broadcast_in_dim3A_673 : f32 to vector<16xf32>
        %broadcast_in_dim3A_675 = arith.constant 0.000000e+00 : f32
        %broadcast_in_dim3A_676 = vector.broadcast %broadcast_in_dim3A_675 : f32 to vector<16xf32>
        %broadcast_in_dim3A_677 = arith.constant 0.000000e+00 : f32
        %broadcast_in_dim3A_678 = vector.broadcast %broadcast_in_dim3A_677 : f32 to vector<16xf32>
        %broadcast_in_dim3A_679 = arith.constant 0.000000e+00 : f32
        %broadcast_in_dim3A_680 = vector.broadcast %broadcast_in_dim3A_679 : f32 to vector<16xf32>
        %broadcast_in_dim3A_681 = arith.constant 0.000000e+00 : f32
        %broadcast_in_dim3A_682 = vector.broadcast %broadcast_in_dim3A_681 : f32 to vector<16xf32>
        %broadcast_in_dim3A_683 = arith.constant 0.000000e+00 : f32
        %broadcast_in_dim3A_684 = vector.broadcast %broadcast_in_dim3A_683 : f32 to vector<16xf32>
        %broadcast_in_dim3A_685 = arith.constant 0.000000e+00 : f32
        %broadcast_in_dim3A_686 = vector.broadcast %broadcast_in_dim3A_685 : f32 to vector<16xf32>
        %broadcast_in_dim3A_687 = arith.constant 0.000000e+00 : f32
        %broadcast_in_dim3A_688 = vector.broadcast %broadcast_in_dim3A_687 : f32 to vector<16xf32>
        %broadcast_in_dim3A_689 = arith.constant 0.000000e+00 : f32
        %broadcast_in_dim3A_690 = vector.broadcast %broadcast_in_dim3A_689 : f32 to vector<16xf32>
        %broadcast_in_dim3A_691 = arith.constant 0.000000e+00 : f32
        %broadcast_in_dim3A_692 = vector.broadcast %broadcast_in_dim3A_691 : f32 to vector<16xf32>
        %broadcast_in_dim3A_693 = arith.constant 0.000000e+00 : f32
        %broadcast_in_dim3A_694 = vector.broadcast %broadcast_in_dim3A_693 : f32 to vector<16xf32>
        %broadcast_in_dim3A_695 = arith.constant 0.000000e+00 : f32
        %broadcast_in_dim3A_696 = vector.broadcast %broadcast_in_dim3A_695 : f32 to vector<16xf32>
        %broadcast_in_dim3A_697 = arith.constant 0.000000e+00 : f32
        %broadcast_in_dim3A_698 = vector.broadcast %broadcast_in_dim3A_697 : f32 to vector<16xf32>
        %broadcast_in_dim3A_699 = arith.constant 0.000000e+00 : f32
        %broadcast_in_dim3A_700 = vector.broadcast %broadcast_in_dim3A_699 : f32 to vector<16xf32>
        %broadcast_in_dim3A_701 = arith.constant 0.000000e+00 : f32
        %broadcast_in_dim3A_702 = vector.broadcast %broadcast_in_dim3A_701 : f32 to vector<16xf32>
        %broadcast_in_dim3A_703 = arith.constant 0.000000e+00 : f32
        %broadcast_in_dim3A_704 = vector.broadcast %broadcast_in_dim3A_703 : f32 to vector<16xf32>
        %broadcast_in_dim3A_705 = arith.constant 0.000000e+00 : f32
        %broadcast_in_dim3A_706 = vector.broadcast %broadcast_in_dim3A_705 : f32 to vector<16xf32>
        %broadcast_in_dim3A_707 = arith.constant 0.000000e+00 : f32
        %broadcast_in_dim3A_708 = vector.broadcast %broadcast_in_dim3A_707 : f32 to vector<16xf32>
        %broadcast_in_dim3A_709 = arith.constant 0.000000e+00 : f32
        %broadcast_in_dim3A_710 = vector.broadcast %broadcast_in_dim3A_709 : f32 to vector<16xf32>
        %broadcast_in_dim3A_711 = arith.constant 0.000000e+00 : f32
        %broadcast_in_dim3A_712 = vector.broadcast %broadcast_in_dim3A_711 : f32 to vector<16xf32>
        %broadcast_in_dim3A_713 = arith.constant 0.000000e+00 : f32
        %broadcast_in_dim3A_714 = vector.broadcast %broadcast_in_dim3A_713 : f32 to vector<16xf32>
        %broadcast_in_dim3A_715 = arith.constant 0.000000e+00 : f32
        %broadcast_in_dim3A_716 = vector.broadcast %broadcast_in_dim3A_715 : f32 to vector<16xf32>
        %broadcast_in_dim3A_717 = arith.constant 0.000000e+00 : f32
        %broadcast_in_dim3A_718 = vector.broadcast %broadcast_in_dim3A_717 : f32 to vector<16xf32>
        %broadcast_in_dim3A_719 = arith.constant 0.000000e+00 : f32
        %broadcast_in_dim3A_720 = vector.broadcast %broadcast_in_dim3A_719 : f32 to vector<16xf32>
        %broadcast_in_dim3A_721 = arith.constant 0.000000e+00 : f32
        %broadcast_in_dim3A_722 = vector.broadcast %broadcast_in_dim3A_721 : f32 to vector<16xf32>
        %broadcast_in_dim3A_723 = arith.constant 0.000000e+00 : f32
        %broadcast_in_dim3A_724 = vector.broadcast %broadcast_in_dim3A_723 : f32 to vector<16xf32>
        %mul3A_725 = arith.constant 32 : i32
        %mul3A_726 = arith.muli %scan3A_155, %mul3A_725 : i32
        %add3A_727 = arith.constant 0 : i32
        %add3A_728 = arith.addi %mul3A_726, %add3A_727 : i32
        %get3A_729 = arith.constant 0 : i32
        %get3A_730 = arith.index_cast %get3A_729 : i32 to index
        %get3A_731 = arith.index_cast %add3A_728 : i32 to index
        %get3A_732 = tpu.vector_load %arg10[%get3A_730, %get3A_731] {strides = array<i32>} : memref<8x64xf32, #tpu.memory_space<vmem>>, vector<1x16xf32>,
        %get3A_733 = vector.shape_cast %get3A_732 : vector<1x16xf32> to vector<16xf32>
        %mul3A_734 = arith.constant 32 : i32
        %mul3A_735 = arith.muli %scan3A_155, %mul3A_734 : i32
        %add3A_736 = arith.constant 0 : i32
        %add3A_737 = arith.addi %mul3A_735, %add3A_736 : i32
        %get3A_738 = arith.constant 1 : i32
        %get3A_739 = arith.index_cast %get3A_738 : i32 to index
        %get3A_740 = arith.index_cast %add3A_737 : i32 to index
        %get3A_741 = tpu.vector_load %arg10[%get3A_739, %get3A_740] {strides = array<i32>} : memref<8x64xf32, #tpu.memory_space<vmem>>, vector<1x16xf32>,
        %get3A_742 = vector.shape_cast %get3A_741 : vector<1x16xf32> to vector<16xf32>
        %mul3A_743 = arith.constant 32 : i32
        %mul3A_744 = arith.muli %scan3A_155, %mul3A_743 : i32
        %add3A_745 = arith.constant 0 : i32
        %add3A_746 = arith.addi %mul3A_744, %add3A_745 : i32
        %get3A_747 = arith.constant 2 : i32
        %get3A_748 = arith.index_cast %get3A_747 : i32 to index
        %get3A_749 = arith.index_cast %add3A_746 : i32 to index
        %get3A_750 = tpu.vector_load %arg10[%get3A_748, %get3A_749] {strides = array<i32>} : memref<8x64xf32, #tpu.memory_space<vmem>>, vector<1x16xf32>,
        %get3A_751 = vector.shape_cast %get3A_750 : vector<1x16xf32> to vector<16xf32>
        %mul3A_752 = arith.constant 32 : i32
        %mul3A_753 = arith.muli %scan3A_155, %mul3A_752 : i32
        %add3A_754 = arith.constant 0 : i32
        %add3A_755 = arith.addi %mul3A_753, %add3A_754 : i32
        %get3A_756 = arith.constant 3 : i32
        %get3A_757 = arith.index_cast %get3A_756 : i32 to index
        %get3A_758 = arith.index_cast %add3A_755 : i32 to index
        %get3A_759 = tpu.vector_load %arg10[%get3A_757, %get3A_758] {strides = array<i32>} : memref<8x64xf32, #tpu.memory_space<vmem>>, vector<1x16xf32>,
        %get3A_760 = vector.shape_cast %get3A_759 : vector<1x16xf32> to vector<16xf32>
        %mul3A_761 = arith.constant 32 : i32
        %mul3A_762 = arith.muli %scan3A_155, %mul3A_761 : i32
        %add3A_763 = arith.constant 0 : i32
        %add3A_764 = arith.addi %mul3A_762, %add3A_763 : i32
        %get3A_765 = arith.constant 4 : i32
        %get3A_766 = arith.index_cast %get3A_765 : i32 to index
        %get3A_767 = arith.index_cast %add3A_764 : i32 to index
        %get3A_768 = tpu.vector_load %arg10[%get3A_766, %get3A_767] {strides = array<i32>} : memref<8x64xf32, #tpu.memory_space<vmem>>, vector<1x16xf32>,
        %get3A_769 = vector.shape_cast %get3A_768 : vector<1x16xf32> to vector<16xf32>
        %mul3A_770 = arith.constant 32 : i32
        %mul3A_771 = arith.muli %scan3A_155, %mul3A_770 : i32
        %add3A_772 = arith.constant 0 : i32
        %add3A_773 = arith.addi %mul3A_771, %add3A_772 : i32
        %get3A_774 = arith.constant 5 : i32
        %get3A_775 = arith.index_cast %get3A_774 : i32 to index
        %get3A_776 = arith.index_cast %add3A_773 : i32 to index
        %get3A_777 = tpu.vector_load %arg10[%get3A_775, %get3A_776] {strides = array<i32>} : memref<8x64xf32, #tpu.memory_space<vmem>>, vector<1x16xf32>,
        %get3A_778 = vector.shape_cast %get3A_777 : vector<1x16xf32> to vector<16xf32>
        %mul3A_779 = arith.constant 32 : i32
        %mul3A_780 = arith.muli %scan3A_155, %mul3A_779 : i32
        %add3A_781 = arith.constant 0 : i32
        %add3A_782 = arith.addi %mul3A_780, %add3A_781 : i32
        %get3A_783 = arith.constant 6 : i32
        %get3A_784 = arith.index_cast %get3A_783 : i32 to index
        %get3A_785 = arith.index_cast %add3A_782 : i32 to index
        %get3A_786 = tpu.vector_load %arg10[%get3A_784, %get3A_785] {strides = array<i32>} : memref<8x64xf32, #tpu.memory_space<vmem>>, vector<1x16xf32>,
        %get3A_787 = vector.shape_cast %get3A_786 : vector<1x16xf32> to vector<16xf32>
        %mul3A_788 = arith.constant 32 : i32
        %mul3A_789 = arith.muli %scan3A_155, %mul3A_788 : i32
        %add3A_790 = arith.constant 0 : i32
        %add3A_791 = arith.addi %mul3A_789, %add3A_790 : i32
        %get3A_792 = arith.constant 7 : i32
        %get3A_793 = arith.index_cast %get3A_792 : i32 to index
        %get3A_794 = arith.index_cast %add3A_791 : i32 to index
        %get3A_795 = tpu.vector_load %arg10[%get3A_793, %get3A_794] {strides = array<i32>} : memref<8x64xf32, #tpu.memory_space<vmem>>, vector<1x16xf32>,
        %get3A_796 = vector.shape_cast %get3A_795 : vector<1x16xf32> to vector<16xf32>
        %scan3A_797 = arith.constant 0 : i32
        %scan3A_798 = arith.constant 16 : i32
        %scan3A_799 = arith.addi %scan3A_797, %scan3A_798 : i32
        %scan3A_800 = arith.constant 1 : i32
        %scan3A_801:32 = scf.for %scan3A_1169 = %scan3A_797 to %scan3A_799 step %scan3A_800 iter_args(%scan3A_1170 = %broadcast_in_dim3A_662, %scan3A_1171 = %broadcast_in_dim3A_664, %scan3A_1172 = %broadcast_in_dim3A_666, %scan3A_1173 = %broadcast_in_dim3A_668, %scan3A_1174 = %broadcast_in_dim3A_670, %scan3A_1175 = %broadcast_in_dim3A_672, %scan3A_1176 = %broadcast_in_dim3A_674, %scan3A_1177 = %broadcast_in_dim3A_676, %scan3A_1178 = %broadcast_in_dim3A_678, %scan3A_1179 = %broadcast_in_dim3A_680, %scan3A_1180 = %broadcast_in_dim3A_682, %scan3A_1181 = %broadcast_in_dim3A_684, %scan3A_1182 = %broadcast_in_dim3A_686, %scan3A_1183 = %broadcast_in_dim3A_688, %scan3A_1184 = %broadcast_in_dim3A_690, %scan3A_1185 = %broadcast_in_dim3A_692, %scan3A_1186 = %broadcast_in_dim3A_694, %scan3A_1187 = %broadcast_in_dim3A_696, %scan3A_1188 = %broadcast_in_dim3A_698, %scan3A_1189 = %broadcast_in_dim3A_700, %scan3A_1190 = %broadcast_in_dim3A_702, %scan3A_1191 = %broadcast_in_dim3A_704, %scan3A_1192 = %broadcast_in_dim3A_706, %scan3A_1193 = %broadcast_in_dim3A_708, %scan3A_1194 = %broadcast_in_dim3A_710, %scan3A_1195 = %broadcast_in_dim3A_712, %scan3A_1196 = %broadcast_in_dim3A_714, %scan3A_1197 = %broadcast_in_dim3A_716, %scan3A_1198 = %broadcast_in_dim3A_718, %scan3A_1199 = %broadcast_in_dim3A_720, %scan3A_1200 = %broadcast_in_dim3A_722, %scan3A_1201 = %broadcast_in_dim3A_724) -> (vector<16xf32>, vector<16xf32>, vector<16xf32>, vector<16xf32>, vector<16xf32>, vector<16xf32>, vector<16xf32>, vector<16xf32>, vector<16xf32>, vector<16xf32>, vector<16xf32>, vector<16xf32>, vector<16xf32>, vector<16xf32>, vector<16xf32>, vector<16xf32>, vector<16xf32>, vector<16xf32>, vector<16xf32>, vector<16xf32>, vector<16xf32>, vector<16xf32>, vector<16xf32>, vector<16xf32>, vector<16xf32>, vector<16xf32>, vector<16xf32>, vector<16xf32>, vector<16xf32>, vector<16xf32>, vector<16xf32>, vector<16xf32>)  : i32 {
          %mul3A_1202 = arith.constant 32 : i32
          %mul3A_1203 = arith.muli %scan3A_155, %mul3A_1202 : i32
          %add3A_1204 = arith.constant 0 : i32
          %add3A_1205 = arith.addi %mul3A_1203, %add3A_1204 : i32
          %add3A_1206 = arith.addi %add3A_1205, %scan3A_1169 : i32
          %broadcast_in_dim3A_1207 = vector.broadcast %scan3A_1169 : i32 to vector<16x1xi32>
          %gather3A = vector.shape_cast %broadcast_in_dim3A_1207 : vector<16x1xi32> to vector<16xi32>
          %gather3A_1208 = tpu.dynamic_gather %get3A_733[%gather3A] in [0] : vector<16xf32>, vector<16xi32> -> vector<16xf32>
          %gather3A_1209 = vector.shape_cast %broadcast_in_dim3A_1207 : vector<16x1xi32> to vector<16xi32>
          %gather3A_1210 = tpu.dynamic_gather %get3A_742[%gather3A_1209] in [0] : vector<16xf32>, vector<16xi32> -> vector<16xf32>
          %gather3A_1211 = vector.shape_cast %broadcast_in_dim3A_1207 : vector<16x1xi32> to vector<16xi32>
          %gather3A_1212 = tpu.dynamic_gather %get3A_751[%gather3A_1211] in [0] : vector<16xf32>, vector<16xi32> -> vector<16xf32>
          %gather3A_1213 = vector.shape_cast %broadcast_in_dim3A_1207 : vector<16x1xi32> to vector<16xi32>
          %gather3A_1214 = tpu.dynamic_gather %get3A_760[%gather3A_1213] in [0] : vector<16xf32>, vector<16xi32> -> vector<16xf32>
          %gather3A_1215 = vector.shape_cast %broadcast_in_dim3A_1207 : vector<16x1xi32> to vector<16xi32>
          %gather3A_1216 = tpu.dynamic_gather %get3A_769[%gather3A_1215] in [0] : vector<16xf32>, vector<16xi32> -> vector<16xf32>
          %gather3A_1217 = vector.shape_cast %broadcast_in_dim3A_1207 : vector<16x1xi32> to vector<16xi32>
          %gather3A_1218 = tpu.dynamic_gather %get3A_778[%gather3A_1217] in [0] : vector<16xf32>, vector<16xi32> -> vector<16xf32>
          %gather3A_1219 = vector.shape_cast %broadcast_in_dim3A_1207 : vector<16x1xi32> to vector<16xi32>
          %gather3A_1220 = tpu.dynamic_gather %get3A_787[%gather3A_1219] in [0] : vector<16xf32>, vector<16xi32> -> vector<16xf32>
          %gather3A_1221 = vector.shape_cast %broadcast_in_dim3A_1207 : vector<16x1xi32> to vector<16xi32>
          %gather3A_1222 = tpu.dynamic_gather %get3A_796[%gather3A_1221] in [0] : vector<16xf32>, vector<16xi32> -> vector<16xf32>
          %get3A_1223 = arith.index_cast %add3A_1206 : i32 to index
          %get3A_1224 = arith.constant 64 : index
          %get3A_1225 = tpu.vector_load %arg8[%get3A_1223, %get3A_1224] {strides = array<i32>} : memref<64x128xf32, #tpu.memory_space<vmem>>, vector<1x16xf32>,
          %get3A_1226 = vector.shape_cast %get3A_1225 : vector<1x16xf32> to vector<16xf32>
          %get3A_1227 = arith.index_cast %add3A_1206 : i32 to index
          %get3A_1228 = arith.constant 80 : index
          %get3A_1229 = tpu.vector_load %arg8[%get3A_1227, %get3A_1228] {strides = array<i32>} : memref<64x128xf32, #tpu.memory_space<vmem>>, vector<1x16xf32>,
          %get3A_1230 = vector.shape_cast %get3A_1229 : vector<1x16xf32> to vector<16xf32>
          %get3A_1231 = arith.index_cast %add3A_1206 : i32 to index
          %get3A_1232 = arith.constant 96 : index
          %get3A_1233 = tpu.vector_load %arg8[%get3A_1231, %get3A_1232] {strides = array<i32>} : memref<64x128xf32, #tpu.memory_space<vmem>>, vector<1x16xf32>,
          %get3A_1234 = vector.shape_cast %get3A_1233 : vector<1x16xf32> to vector<16xf32>
          %get3A_1235 = arith.index_cast %add3A_1206 : i32 to index
          %get3A_1236 = arith.constant 112 : index
          %get3A_1237 = tpu.vector_load %arg8[%get3A_1235, %get3A_1236] {strides = array<i32>} : memref<64x128xf32, #tpu.memory_space<vmem>>, vector<1x16xf32>,
          %get3A_1238 = vector.shape_cast %get3A_1237 : vector<1x16xf32> to vector<16xf32>
          %mul3A_1239 = arith.mulf %gather3A_1208, %get3A_1226 : vector<16xf32>
          %add3A_1240 = arith.addf %scan3A_1170, %mul3A_1239 : vector<16xf32>
          %mul3A_1241 = arith.mulf %gather3A_1208, %get3A_1230 : vector<16xf32>
          %add3A_1242 = arith.addf %scan3A_1171, %mul3A_1241 : vector<16xf32>
          %mul3A_1243 = arith.mulf %gather3A_1208, %get3A_1234 : vector<16xf32>
          %add3A_1244 = arith.addf %scan3A_1172, %mul3A_1243 : vector<16xf32>
          %mul3A_1245 = arith.mulf %gather3A_1208, %get3A_1238 : vector<16xf32>
          %add3A_1246 = arith.addf %scan3A_1173, %mul3A_1245 : vector<16xf32>
          %mul3A_1247 = arith.mulf %gather3A_1210, %get3A_1226 : vector<16xf32>
          %add3A_1248 = arith.addf %scan3A_1174, %mul3A_1247 : vector<16xf32>
          %mul3A_1249 = arith.mulf %gather3A_1210, %get3A_1230 : vector<16xf32>
          %add3A_1250 = arith.addf %scan3A_1175, %mul3A_1249 : vector<16xf32>
          %mul3A_1251 = arith.mulf %gather3A_1210, %get3A_1234 : vector<16xf32>
          %add3A_1252 = arith.addf %scan3A_1176, %mul3A_1251 : vector<16xf32>
          %mul3A_1253 = arith.mulf %gather3A_1210, %get3A_1238 : vector<16xf32>
          %add3A_1254 = arith.addf %scan3A_1177, %mul3A_1253 : vector<16xf32>
          %mul3A_1255 = arith.mulf %gather3A_1212, %get3A_1226 : vector<16xf32>
          %add3A_1256 = arith.addf %scan3A_1178, %mul3A_1255 : vector<16xf32>
          %mul3A_1257 = arith.mulf %gather3A_1212, %get3A_1230 : vector<16xf32>
          %add3A_1258 = arith.addf %scan3A_1179, %mul3A_1257 : vector<16xf32>
          %mul3A_1259 = arith.mulf %gather3A_1212, %get3A_1234 : vector<16xf32>
          %add3A_1260 = arith.addf %scan3A_1180, %mul3A_1259 : vector<16xf32>
          %mul3A_1261 = arith.mulf %gather3A_1212, %get3A_1238 : vector<16xf32>
          %add3A_1262 = arith.addf %scan3A_1181, %mul3A_1261 : vector<16xf32>
          %mul3A_1263 = arith.mulf %gather3A_1214, %get3A_1226 : vector<16xf32>
          %add3A_1264 = arith.addf %scan3A_1182, %mul3A_1263 : vector<16xf32>
          %mul3A_1265 = arith.mulf %gather3A_1214, %get3A_1230 : vector<16xf32>
          %add3A_1266 = arith.addf %scan3A_1183, %mul3A_1265 : vector<16xf32>
          %mul3A_1267 = arith.mulf %gather3A_1214, %get3A_1234 : vector<16xf32>
          %add3A_1268 = arith.addf %scan3A_1184, %mul3A_1267 : vector<16xf32>
          %mul3A_1269 = arith.mulf %gather3A_1214, %get3A_1238 : vector<16xf32>
          %add3A_1270 = arith.addf %scan3A_1185, %mul3A_1269 : vector<16xf32>
          %mul3A_1271 = arith.mulf %gather3A_1216, %get3A_1226 : vector<16xf32>
          %add3A_1272 = arith.addf %scan3A_1186, %mul3A_1271 : vector<16xf32>
          %mul3A_1273 = arith.mulf %gather3A_1216, %get3A_1230 : vector<16xf32>
          %add3A_1274 = arith.addf %scan3A_1187, %mul3A_1273 : vector<16xf32>
          %mul3A_1275 = arith.mulf %gather3A_1216, %get3A_1234 : vector<16xf32>
          %add3A_1276 = arith.addf %scan3A_1188, %mul3A_1275 : vector<16xf32>
          %mul3A_1277 = arith.mulf %gather3A_1216, %get3A_1238 : vector<16xf32>
          %add3A_1278 = arith.addf %scan3A_1189, %mul3A_1277 : vector<16xf32>
          %mul3A_1279 = arith.mulf %gather3A_1218, %get3A_1226 : vector<16xf32>
          %add3A_1280 = arith.addf %scan3A_1190, %mul3A_1279 : vector<16xf32>
          %mul3A_1281 = arith.mulf %gather3A_1218, %get3A_1230 : vector<16xf32>
          %add3A_1282 = arith.addf %scan3A_1191, %mul3A_1281 : vector<16xf32>
          %mul3A_1283 = arith.mulf %gather3A_1218, %get3A_1234 : vector<16xf32>
          %add3A_1284 = arith.addf %scan3A_1192, %mul3A_1283 : vector<16xf32>
          %mul3A_1285 = arith.mulf %gather3A_1218, %get3A_1238 : vector<16xf32>
          %add3A_1286 = arith.addf %scan3A_1193, %mul3A_1285 : vector<16xf32>
          %mul3A_1287 = arith.mulf %gather3A_1220, %get3A_1226 : vector<16xf32>
          %add3A_1288 = arith.addf %scan3A_1194, %mul3A_1287 : vector<16xf32>
          %mul3A_1289 = arith.mulf %gather3A_1220, %get3A_1230 : vector<16xf32>
          %add3A_1290 = arith.addf %scan3A_1195, %mul3A_1289 : vector<16xf32>
          %mul3A_1291 = arith.mulf %gather3A_1220, %get3A_1234 : vector<16xf32>
          %add3A_1292 = arith.addf %scan3A_1196, %mul3A_1291 : vector<16xf32>
          %mul3A_1293 = arith.mulf %gather3A_1220, %get3A_1238 : vector<16xf32>
          %add3A_1294 = arith.addf %scan3A_1197, %mul3A_1293 : vector<16xf32>
          %mul3A_1295 = arith.mulf %gather3A_1222, %get3A_1226 : vector<16xf32>
          %add3A_1296 = arith.addf %scan3A_1198, %mul3A_1295 : vector<16xf32>
          %mul3A_1297 = arith.mulf %gather3A_1222, %get3A_1230 : vector<16xf32>
          %add3A_1298 = arith.addf %scan3A_1199, %mul3A_1297 : vector<16xf32>
          %mul3A_1299 = arith.mulf %gather3A_1222, %get3A_1234 : vector<16xf32>
          %add3A_1300 = arith.addf %scan3A_1200, %mul3A_1299 : vector<16xf32>
          %mul3A_1301 = arith.mulf %gather3A_1222, %get3A_1238 : vector<16xf32>
          %add3A_1302 = arith.addf %scan3A_1201, %mul3A_1301 : vector<16xf32>
          scf.yield %add3A_1240, %add3A_1242, %add3A_1244, %add3A_1246, %add3A_1248, %add3A_1250, %add3A_1252, %add3A_1254, %add3A_1256, %add3A_1258, %add3A_1260, %add3A_1262, %add3A_1264, %add3A_1266, %add3A_1268, %add3A_1270, %add3A_1272, %add3A_1274, %add3A_1276, %add3A_1278, %add3A_1280, %add3A_1282, %add3A_1284, %add3A_1286, %add3A_1288, %add3A_1290, %add3A_1292, %add3A_1294, %add3A_1296, %add3A_1298, %add3A_1300, %add3A_1302 : vector<16xf32>, vector<16xf32>, vector<16xf32>, vector<16xf32>, vector<16xf32>, vector<16xf32>, vector<16xf32>, vector<16xf32>, vector<16xf32>, vector<16xf32>, vector<16xf32>, vector<16xf32>, vector<16xf32>, vector<16xf32>, vector<16xf32>, vector<16xf32>, vector<16xf32>, vector<16xf32>, vector<16xf32>, vector<16xf32>, vector<16xf32>, vector<16xf32>, vector<16xf32>, vector<16xf32>, vector<16xf32>, vector<16xf32>, vector<16xf32>, vector<16xf32>, vector<16xf32>, vector<16xf32>, vector<16xf32>, vector<16xf32>
        }
        %scan3A_802 = arith.constant 16 : i32
        %mul3A_803 = arith.constant 32 : i32
        %mul3A_804 = arith.muli %scan3A_155, %mul3A_803 : i32
        %add3A_805 = arith.constant 16 : i32
        %add3A_806 = arith.addi %mul3A_804, %add3A_805 : i32
        %get3A_807 = arith.constant 0 : i32
        %get3A_808 = arith.index_cast %get3A_807 : i32 to index
        %get3A_809 = arith.index_cast %add3A_806 : i32 to index
        %get3A_810 = tpu.vector_load %arg10[%get3A_808, %get3A_809] {strides = array<i32>} : memref<8x64xf32, #tpu.memory_space<vmem>>, vector<1x16xf32>,
        %get3A_811 = vector.shape_cast %get3A_810 : vector<1x16xf32> to vector<16xf32>
        %mul3A_812 = arith.constant 32 : i32
        %mul3A_813 = arith.muli %scan3A_155, %mul3A_812 : i32
        %add3A_814 = arith.constant 16 : i32
        %add3A_815 = arith.addi %mul3A_813, %add3A_814 : i32
        %get3A_816 = arith.constant 1 : i32
        %get3A_817 = arith.index_cast %get3A_816 : i32 to index
        %get3A_818 = arith.index_cast %add3A_815 : i32 to index
        %get3A_819 = tpu.vector_load %arg10[%get3A_817, %get3A_818] {strides = array<i32>} : memref<8x64xf32, #tpu.memory_space<vmem>>, vector<1x16xf32>,
        %get3A_820 = vector.shape_cast %get3A_819 : vector<1x16xf32> to vector<16xf32>
        %mul3A_821 = arith.constant 32 : i32
        %mul3A_822 = arith.muli %scan3A_155, %mul3A_821 : i32
        %add3A_823 = arith.constant 16 : i32
        %add3A_824 = arith.addi %mul3A_822, %add3A_823 : i32
        %get3A_825 = arith.constant 2 : i32
        %get3A_826 = arith.index_cast %get3A_825 : i32 to index
        %get3A_827 = arith.index_cast %add3A_824 : i32 to index
        %get3A_828 = tpu.vector_load %arg10[%get3A_826, %get3A_827] {strides = array<i32>} : memref<8x64xf32, #tpu.memory_space<vmem>>, vector<1x16xf32>,
        %get3A_829 = vector.shape_cast %get3A_828 : vector<1x16xf32> to vector<16xf32>
        %mul3A_830 = arith.constant 32 : i32
        %mul3A_831 = arith.muli %scan3A_155, %mul3A_830 : i32
        %add3A_832 = arith.constant 16 : i32
        %add3A_833 = arith.addi %mul3A_831, %add3A_832 : i32
        %get3A_834 = arith.constant 3 : i32
        %get3A_835 = arith.index_cast %get3A_834 : i32 to index
        %get3A_836 = arith.index_cast %add3A_833 : i32 to index
        %get3A_837 = tpu.vector_load %arg10[%get3A_835, %get3A_836] {strides = array<i32>} : memref<8x64xf32, #tpu.memory_space<vmem>>, vector<1x16xf32>,
        %get3A_838 = vector.shape_cast %get3A_837 : vector<1x16xf32> to vector<16xf32>
        %mul3A_839 = arith.constant 32 : i32
        %mul3A_840 = arith.muli %scan3A_155, %mul3A_839 : i32
        %add3A_841 = arith.constant 16 : i32
        %add3A_842 = arith.addi %mul3A_840, %add3A_841 : i32
        %get3A_843 = arith.constant 4 : i32
        %get3A_844 = arith.index_cast %get3A_843 : i32 to index
        %get3A_845 = arith.index_cast %add3A_842 : i32 to index
        %get3A_846 = tpu.vector_load %arg10[%get3A_844, %get3A_845] {strides = array<i32>} : memref<8x64xf32, #tpu.memory_space<vmem>>, vector<1x16xf32>,
        %get3A_847 = vector.shape_cast %get3A_846 : vector<1x16xf32> to vector<16xf32>
        %mul3A_848 = arith.constant 32 : i32
        %mul3A_849 = arith.muli %scan3A_155, %mul3A_848 : i32
        %add3A_850 = arith.constant 16 : i32
        %add3A_851 = arith.addi %mul3A_849, %add3A_850 : i32
        %get3A_852 = arith.constant 5 : i32
        %get3A_853 = arith.index_cast %get3A_852 : i32 to index
        %get3A_854 = arith.index_cast %add3A_851 : i32 to index
        %get3A_855 = tpu.vector_load %arg10[%get3A_853, %get3A_854] {strides = array<i32>} : memref<8x64xf32, #tpu.memory_space<vmem>>, vector<1x16xf32>,
        %get3A_856 = vector.shape_cast %get3A_855 : vector<1x16xf32> to vector<16xf32>
        %mul3A_857 = arith.constant 32 : i32
        %mul3A_858 = arith.muli %scan3A_155, %mul3A_857 : i32
        %add3A_859 = arith.constant 16 : i32
        %add3A_860 = arith.addi %mul3A_858, %add3A_859 : i32
        %get3A_861 = arith.constant 6 : i32
        %get3A_862 = arith.index_cast %get3A_861 : i32 to index
        %get3A_863 = arith.index_cast %add3A_860 : i32 to index
        %get3A_864 = tpu.vector_load %arg10[%get3A_862, %get3A_863] {strides = array<i32>} : memref<8x64xf32, #tpu.memory_space<vmem>>, vector<1x16xf32>,
        %get3A_865 = vector.shape_cast %get3A_864 : vector<1x16xf32> to vector<16xf32>
        %mul3A_866 = arith.constant 32 : i32
        %mul3A_867 = arith.muli %scan3A_155, %mul3A_866 : i32
        %add3A_868 = arith.constant 16 : i32
        %add3A_869 = arith.addi %mul3A_867, %add3A_868 : i32
        %get3A_870 = arith.constant 7 : i32
        %get3A_871 = arith.index_cast %get3A_870 : i32 to index
        %get3A_872 = arith.index_cast %add3A_869 : i32 to index
        %get3A_873 = tpu.vector_load %arg10[%get3A_871, %get3A_872] {strides = array<i32>} : memref<8x64xf32, #tpu.memory_space<vmem>>, vector<1x16xf32>,
        %get3A_874 = vector.shape_cast %get3A_873 : vector<1x16xf32> to vector<16xf32>
        %scan3A_875 = arith.constant 0 : i32
        %scan3A_876 = arith.constant 16 : i32
        %scan3A_877 = arith.addi %scan3A_875, %scan3A_876 : i32
        %scan3A_878 = arith.constant 1 : i32
        %scan3A_879:32 = scf.for %scan3A_1169 = %scan3A_875 to %scan3A_877 step %scan3A_878 iter_args(%scan3A_1170 = %scan3A_801#0, %scan3A_1171 = %scan3A_801#1, %scan3A_1172 = %scan3A_801#2, %scan3A_1173 = %scan3A_801#3, %scan3A_1174 = %scan3A_801#4, %scan3A_1175 = %scan3A_801#5, %scan3A_1176 = %scan3A_801#6, %scan3A_1177 = %scan3A_801#7, %scan3A_1178 = %scan3A_801#8, %scan3A_1179 = %scan3A_801#9, %scan3A_1180 = %scan3A_801#10, %scan3A_1181 = %scan3A_801#11, %scan3A_1182 = %scan3A_801#12, %scan3A_1183 = %scan3A_801#13, %scan3A_1184 = %scan3A_801#14, %scan3A_1185 = %scan3A_801#15, %scan3A_1186 = %scan3A_801#16, %scan3A_1187 = %scan3A_801#17, %scan3A_1188 = %scan3A_801#18, %scan3A_1189 = %scan3A_801#19, %scan3A_1190 = %scan3A_801#20, %scan3A_1191 = %scan3A_801#21, %scan3A_1192 = %scan3A_801#22, %scan3A_1193 = %scan3A_801#23, %scan3A_1194 = %scan3A_801#24, %scan3A_1195 = %scan3A_801#25, %scan3A_1196 = %scan3A_801#26, %scan3A_1197 = %scan3A_801#27, %scan3A_1198 = %scan3A_801#28, %scan3A_1199 = %scan3A_801#29, %scan3A_1200 = %scan3A_801#30, %scan3A_1201 = %scan3A_801#31) -> (vector<16xf32>, vector<16xf32>, vector<16xf32>, vector<16xf32>, vector<16xf32>, vector<16xf32>, vector<16xf32>, vector<16xf32>, vector<16xf32>, vector<16xf32>, vector<16xf32>, vector<16xf32>, vector<16xf32>, vector<16xf32>, vector<16xf32>, vector<16xf32>, vector<16xf32>, vector<16xf32>, vector<16xf32>, vector<16xf32>, vector<16xf32>, vector<16xf32>, vector<16xf32>, vector<16xf32>, vector<16xf32>, vector<16xf32>, vector<16xf32>, vector<16xf32>, vector<16xf32>, vector<16xf32>, vector<16xf32>, vector<16xf32>)  : i32 {
          %mul3A_1202 = arith.constant 32 : i32
          %mul3A_1203 = arith.muli %scan3A_155, %mul3A_1202 : i32
          %add3A_1204 = arith.constant 16 : i32
          %add3A_1205 = arith.addi %mul3A_1203, %add3A_1204 : i32
          %add3A_1206 = arith.addi %add3A_1205, %scan3A_1169 : i32
          %broadcast_in_dim3A_1207 = vector.broadcast %scan3A_1169 : i32 to vector<16x1xi32>
          %gather3A = vector.shape_cast %broadcast_in_dim3A_1207 : vector<16x1xi32> to vector<16xi32>
          %gather3A_1208 = tpu.dynamic_gather %get3A_811[%gather3A] in [0] : vector<16xf32>, vector<16xi32> -> vector<16xf32>
          %gather3A_1209 = vector.shape_cast %broadcast_in_dim3A_1207 : vector<16x1xi32> to vector<16xi32>
          %gather3A_1210 = tpu.dynamic_gather %get3A_820[%gather3A_1209] in [0] : vector<16xf32>, vector<16xi32> -> vector<16xf32>
          %gather3A_1211 = vector.shape_cast %broadcast_in_dim3A_1207 : vector<16x1xi32> to vector<16xi32>
          %gather3A_1212 = tpu.dynamic_gather %get3A_829[%gather3A_1211] in [0] : vector<16xf32>, vector<16xi32> -> vector<16xf32>
          %gather3A_1213 = vector.shape_cast %broadcast_in_dim3A_1207 : vector<16x1xi32> to vector<16xi32>
          %gather3A_1214 = tpu.dynamic_gather %get3A_838[%gather3A_1213] in [0] : vector<16xf32>, vector<16xi32> -> vector<16xf32>
          %gather3A_1215 = vector.shape_cast %broadcast_in_dim3A_1207 : vector<16x1xi32> to vector<16xi32>
          %gather3A_1216 = tpu.dynamic_gather %get3A_847[%gather3A_1215] in [0] : vector<16xf32>, vector<16xi32> -> vector<16xf32>
          %gather3A_1217 = vector.shape_cast %broadcast_in_dim3A_1207 : vector<16x1xi32> to vector<16xi32>
          %gather3A_1218 = tpu.dynamic_gather %get3A_856[%gather3A_1217] in [0] : vector<16xf32>, vector<16xi32> -> vector<16xf32>
          %gather3A_1219 = vector.shape_cast %broadcast_in_dim3A_1207 : vector<16x1xi32> to vector<16xi32>
          %gather3A_1220 = tpu.dynamic_gather %get3A_865[%gather3A_1219] in [0] : vector<16xf32>, vector<16xi32> -> vector<16xf32>
          %gather3A_1221 = vector.shape_cast %broadcast_in_dim3A_1207 : vector<16x1xi32> to vector<16xi32>
          %gather3A_1222 = tpu.dynamic_gather %get3A_874[%gather3A_1221] in [0] : vector<16xf32>, vector<16xi32> -> vector<16xf32>
          %get3A_1223 = arith.index_cast %add3A_1206 : i32 to index
          %get3A_1224 = arith.constant 64 : index
          %get3A_1225 = tpu.vector_load %arg8[%get3A_1223, %get3A_1224] {strides = array<i32>} : memref<64x128xf32, #tpu.memory_space<vmem>>, vector<1x16xf32>,
          %get3A_1226 = vector.shape_cast %get3A_1225 : vector<1x16xf32> to vector<16xf32>
          %get3A_1227 = arith.index_cast %add3A_1206 : i32 to index
          %get3A_1228 = arith.constant 80 : index
          %get3A_1229 = tpu.vector_load %arg8[%get3A_1227, %get3A_1228] {strides = array<i32>} : memref<64x128xf32, #tpu.memory_space<vmem>>, vector<1x16xf32>,
          %get3A_1230 = vector.shape_cast %get3A_1229 : vector<1x16xf32> to vector<16xf32>
          %get3A_1231 = arith.index_cast %add3A_1206 : i32 to index
          %get3A_1232 = arith.constant 96 : index
          %get3A_1233 = tpu.vector_load %arg8[%get3A_1231, %get3A_1232] {strides = array<i32>} : memref<64x128xf32, #tpu.memory_space<vmem>>, vector<1x16xf32>,
          %get3A_1234 = vector.shape_cast %get3A_1233 : vector<1x16xf32> to vector<16xf32>
          %get3A_1235 = arith.index_cast %add3A_1206 : i32 to index
          %get3A_1236 = arith.constant 112 : index
          %get3A_1237 = tpu.vector_load %arg8[%get3A_1235, %get3A_1236] {strides = array<i32>} : memref<64x128xf32, #tpu.memory_space<vmem>>, vector<1x16xf32>,
          %get3A_1238 = vector.shape_cast %get3A_1237 : vector<1x16xf32> to vector<16xf32>
          %mul3A_1239 = arith.mulf %gather3A_1208, %get3A_1226 : vector<16xf32>
          %add3A_1240 = arith.addf %scan3A_1170, %mul3A_1239 : vector<16xf32>
          %mul3A_1241 = arith.mulf %gather3A_1208, %get3A_1230 : vector<16xf32>
          %add3A_1242 = arith.addf %scan3A_1171, %mul3A_1241 : vector<16xf32>
          %mul3A_1243 = arith.mulf %gather3A_1208, %get3A_1234 : vector<16xf32>
          %add3A_1244 = arith.addf %scan3A_1172, %mul3A_1243 : vector<16xf32>
          %mul3A_1245 = arith.mulf %gather3A_1208, %get3A_1238 : vector<16xf32>
          %add3A_1246 = arith.addf %scan3A_1173, %mul3A_1245 : vector<16xf32>
          %mul3A_1247 = arith.mulf %gather3A_1210, %get3A_1226 : vector<16xf32>
          %add3A_1248 = arith.addf %scan3A_1174, %mul3A_1247 : vector<16xf32>
          %mul3A_1249 = arith.mulf %gather3A_1210, %get3A_1230 : vector<16xf32>
          %add3A_1250 = arith.addf %scan3A_1175, %mul3A_1249 : vector<16xf32>
          %mul3A_1251 = arith.mulf %gather3A_1210, %get3A_1234 : vector<16xf32>
          %add3A_1252 = arith.addf %scan3A_1176, %mul3A_1251 : vector<16xf32>
          %mul3A_1253 = arith.mulf %gather3A_1210, %get3A_1238 : vector<16xf32>
          %add3A_1254 = arith.addf %scan3A_1177, %mul3A_1253 : vector<16xf32>
          %mul3A_1255 = arith.mulf %gather3A_1212, %get3A_1226 : vector<16xf32>
          %add3A_1256 = arith.addf %scan3A_1178, %mul3A_1255 : vector<16xf32>
          %mul3A_1257 = arith.mulf %gather3A_1212, %get3A_1230 : vector<16xf32>
          %add3A_1258 = arith.addf %scan3A_1179, %mul3A_1257 : vector<16xf32>
          %mul3A_1259 = arith.mulf %gather3A_1212, %get3A_1234 : vector<16xf32>
          %add3A_1260 = arith.addf %scan3A_1180, %mul3A_1259 : vector<16xf32>
          %mul3A_1261 = arith.mulf %gather3A_1212, %get3A_1238 : vector<16xf32>
          %add3A_1262 = arith.addf %scan3A_1181, %mul3A_1261 : vector<16xf32>
          %mul3A_1263 = arith.mulf %gather3A_1214, %get3A_1226 : vector<16xf32>
          %add3A_1264 = arith.addf %scan3A_1182, %mul3A_1263 : vector<16xf32>
          %mul3A_1265 = arith.mulf %gather3A_1214, %get3A_1230 : vector<16xf32>
          %add3A_1266 = arith.addf %scan3A_1183, %mul3A_1265 : vector<16xf32>
          %mul3A_1267 = arith.mulf %gather3A_1214, %get3A_1234 : vector<16xf32>
          %add3A_1268 = arith.addf %scan3A_1184, %mul3A_1267 : vector<16xf32>
          %mul3A_1269 = arith.mulf %gather3A_1214, %get3A_1238 : vector<16xf32>
          %add3A_1270 = arith.addf %scan3A_1185, %mul3A_1269 : vector<16xf32>
          %mul3A_1271 = arith.mulf %gather3A_1216, %get3A_1226 : vector<16xf32>
          %add3A_1272 = arith.addf %scan3A_1186, %mul3A_1271 : vector<16xf32>
          %mul3A_1273 = arith.mulf %gather3A_1216, %get3A_1230 : vector<16xf32>
          %add3A_1274 = arith.addf %scan3A_1187, %mul3A_1273 : vector<16xf32>
          %mul3A_1275 = arith.mulf %gather3A_1216, %get3A_1234 : vector<16xf32>
          %add3A_1276 = arith.addf %scan3A_1188, %mul3A_1275 : vector<16xf32>
          %mul3A_1277 = arith.mulf %gather3A_1216, %get3A_1238 : vector<16xf32>
          %add3A_1278 = arith.addf %scan3A_1189, %mul3A_1277 : vector<16xf32>
          %mul3A_1279 = arith.mulf %gather3A_1218, %get3A_1226 : vector<16xf32>
          %add3A_1280 = arith.addf %scan3A_1190, %mul3A_1279 : vector<16xf32>
          %mul3A_1281 = arith.mulf %gather3A_1218, %get3A_1230 : vector<16xf32>
          %add3A_1282 = arith.addf %scan3A_1191, %mul3A_1281 : vector<16xf32>
          %mul3A_1283 = arith.mulf %gather3A_1218, %get3A_1234 : vector<16xf32>
          %add3A_1284 = arith.addf %scan3A_1192, %mul3A_1283 : vector<16xf32>
          %mul3A_1285 = arith.mulf %gather3A_1218, %get3A_1238 : vector<16xf32>
          %add3A_1286 = arith.addf %scan3A_1193, %mul3A_1285 : vector<16xf32>
          %mul3A_1287 = arith.mulf %gather3A_1220, %get3A_1226 : vector<16xf32>
          %add3A_1288 = arith.addf %scan3A_1194, %mul3A_1287 : vector<16xf32>
          %mul3A_1289 = arith.mulf %gather3A_1220, %get3A_1230 : vector<16xf32>
          %add3A_1290 = arith.addf %scan3A_1195, %mul3A_1289 : vector<16xf32>
          %mul3A_1291 = arith.mulf %gather3A_1220, %get3A_1234 : vector<16xf32>
          %add3A_1292 = arith.addf %scan3A_1196, %mul3A_1291 : vector<16xf32>
          %mul3A_1293 = arith.mulf %gather3A_1220, %get3A_1238 : vector<16xf32>
          %add3A_1294 = arith.addf %scan3A_1197, %mul3A_1293 : vector<16xf32>
          %mul3A_1295 = arith.mulf %gather3A_1222, %get3A_1226 : vector<16xf32>
          %add3A_1296 = arith.addf %scan3A_1198, %mul3A_1295 : vector<16xf32>
          %mul3A_1297 = arith.mulf %gather3A_1222, %get3A_1230 : vector<16xf32>
          %add3A_1298 = arith.addf %scan3A_1199, %mul3A_1297 : vector<16xf32>
          %mul3A_1299 = arith.mulf %gather3A_1222, %get3A_1234 : vector<16xf32>
          %add3A_1300 = arith.addf %scan3A_1200, %mul3A_1299 : vector<16xf32>
          %mul3A_1301 = arith.mulf %gather3A_1222, %get3A_1238 : vector<16xf32>
          %add3A_1302 = arith.addf %scan3A_1201, %mul3A_1301 : vector<16xf32>
          scf.yield %add3A_1240, %add3A_1242, %add3A_1244, %add3A_1246, %add3A_1248, %add3A_1250, %add3A_1252, %add3A_1254, %add3A_1256, %add3A_1258, %add3A_1260, %add3A_1262, %add3A_1264, %add3A_1266, %add3A_1268, %add3A_1270, %add3A_1272, %add3A_1274, %add3A_1276, %add3A_1278, %add3A_1280, %add3A_1282, %add3A_1284, %add3A_1286, %add3A_1288, %add3A_1290, %add3A_1292, %add3A_1294, %add3A_1296, %add3A_1298, %add3A_1300, %add3A_1302 : vector<16xf32>, vector<16xf32>, vector<16xf32>, vector<16xf32>, vector<16xf32>, vector<16xf32>, vector<16xf32>, vector<16xf32>, vector<16xf32>, vector<16xf32>, vector<16xf32>, vector<16xf32>, vector<16xf32>, vector<16xf32>, vector<16xf32>, vector<16xf32>, vector<16xf32>, vector<16xf32>, vector<16xf32>, vector<16xf32>, vector<16xf32>, vector<16xf32>, vector<16xf32>, vector<16xf32>, vector<16xf32>, vector<16xf32>, vector<16xf32>, vector<16xf32>, vector<16xf32>, vector<16xf32>, vector<16xf32>, vector<16xf32>
        }
        %scan3A_880 = arith.constant 16 : i32
        %mul3A_881 = arith.constant 8 : i32
        %mul3A_882 = arith.muli %scan3A_155, %mul3A_881 : i32
        %add3A_883 = arith.constant 0 : i32
        %add3A_884 = arith.addi %mul3A_882, %add3A_883 : i32
        %swap3A_885 = arith.index_cast %add3A_884 : i32 to index
        %swap3A_886 = arith.constant 64 : index
        %swap3A_887 = tpu.vector_load %arg12[%swap3A_885, %swap3A_886] {strides = array<i32>} : memref<16x128xf32, #tpu.memory_space<vmem>>, vector<1x16xf32>,
        %swap3A_888 = vector.shape_cast %swap3A_887 : vector<1x16xf32> to vector<16xf32>
        %swap3A_889 = vector.shape_cast %scan3A_879#0 : vector<16xf32> to vector<1x16xf32>
        tpu.vector_store %arg12[%swap3A_885, %swap3A_886], %swap3A_889 {strides = array<i32>} : memref<16x128xf32, #tpu.memory_space<vmem>>, vector<1x16xf32>,
        %mul3A_890 = arith.constant 8 : i32
        %mul3A_891 = arith.muli %scan3A_155, %mul3A_890 : i32
        %add3A_892 = arith.constant 0 : i32
        %add3A_893 = arith.addi %mul3A_891, %add3A_892 : i32
        %swap3A_894 = arith.index_cast %add3A_893 : i32 to index
        %swap3A_895 = arith.constant 80 : index
        %swap3A_896 = tpu.vector_load %arg12[%swap3A_894, %swap3A_895] {strides = array<i32>} : memref<16x128xf32, #tpu.memory_space<vmem>>, vector<1x16xf32>,
        %swap3A_897 = vector.shape_cast %swap3A_896 : vector<1x16xf32> to vector<16xf32>
        %swap3A_898 = vector.shape_cast %scan3A_879#1 : vector<16xf32> to vector<1x16xf32>
        tpu.vector_store %arg12[%swap3A_894, %swap3A_895], %swap3A_898 {strides = array<i32>} : memref<16x128xf32, #tpu.memory_space<vmem>>, vector<1x16xf32>,
        %mul3A_899 = arith.constant 8 : i32
        %mul3A_900 = arith.muli %scan3A_155, %mul3A_899 : i32
        %add3A_901 = arith.constant 0 : i32
        %add3A_902 = arith.addi %mul3A_900, %add3A_901 : i32
        %swap3A_903 = arith.index_cast %add3A_902 : i32 to index
        %swap3A_904 = arith.constant 96 : index
        %swap3A_905 = tpu.vector_load %arg12[%swap3A_903, %swap3A_904] {strides = array<i32>} : memref<16x128xf32, #tpu.memory_space<vmem>>, vector<1x16xf32>,
        %swap3A_906 = vector.shape_cast %swap3A_905 : vector<1x16xf32> to vector<16xf32>
        %swap3A_907 = vector.shape_cast %scan3A_879#2 : vector<16xf32> to vector<1x16xf32>
        tpu.vector_store %arg12[%swap3A_903, %swap3A_904], %swap3A_907 {strides = array<i32>} : memref<16x128xf32, #tpu.memory_space<vmem>>, vector<1x16xf32>,
        %mul3A_908 = arith.constant 8 : i32
        %mul3A_909 = arith.muli %scan3A_155, %mul3A_908 : i32
        %add3A_910 = arith.constant 0 : i32
        %add3A_911 = arith.addi %mul3A_909, %add3A_910 : i32
        %swap3A_912 = arith.index_cast %add3A_911 : i32 to index
        %swap3A_913 = arith.constant 112 : index
        %swap3A_914 = tpu.vector_load %arg12[%swap3A_912, %swap3A_913] {strides = array<i32>} : memref<16x128xf32, #tpu.memory_space<vmem>>, vector<1x16xf32>,
        %swap3A_915 = vector.shape_cast %swap3A_914 : vector<1x16xf32> to vector<16xf32>
        %swap3A_916 = vector.shape_cast %scan3A_879#3 : vector<16xf32> to vector<1x16xf32>
        tpu.vector_store %arg12[%swap3A_912, %swap3A_913], %swap3A_916 {strides = array<i32>} : memref<16x128xf32, #tpu.memory_space<vmem>>, vector<1x16xf32>,
        %mul3A_917 = arith.constant 8 : i32
        %mul3A_918 = arith.muli %scan3A_155, %mul3A_917 : i32
        %add3A_919 = arith.constant 1 : i32
        %add3A_920 = arith.addi %mul3A_918, %add3A_919 : i32
        %swap3A_921 = arith.index_cast %add3A_920 : i32 to index
        %swap3A_922 = arith.constant 64 : index
        %swap3A_923 = tpu.vector_load %arg12[%swap3A_921, %swap3A_922] {strides = array<i32>} : memref<16x128xf32, #tpu.memory_space<vmem>>, vector<1x16xf32>,
        %swap3A_924 = vector.shape_cast %swap3A_923 : vector<1x16xf32> to vector<16xf32>
        %swap3A_925 = vector.shape_cast %scan3A_879#4 : vector<16xf32> to vector<1x16xf32>
        tpu.vector_store %arg12[%swap3A_921, %swap3A_922], %swap3A_925 {strides = array<i32>} : memref<16x128xf32, #tpu.memory_space<vmem>>, vector<1x16xf32>,
        %mul3A_926 = arith.constant 8 : i32
        %mul3A_927 = arith.muli %scan3A_155, %mul3A_926 : i32
        %add3A_928 = arith.constant 1 : i32
        %add3A_929 = arith.addi %mul3A_927, %add3A_928 : i32
        %swap3A_930 = arith.index_cast %add3A_929 : i32 to index
        %swap3A_931 = arith.constant 80 : index
        %swap3A_932 = tpu.vector_load %arg12[%swap3A_930, %swap3A_931] {strides = array<i32>} : memref<16x128xf32, #tpu.memory_space<vmem>>, vector<1x16xf32>,
        %swap3A_933 = vector.shape_cast %swap3A_932 : vector<1x16xf32> to vector<16xf32>
        %swap3A_934 = vector.shape_cast %scan3A_879#5 : vector<16xf32> to vector<1x16xf32>
        tpu.vector_store %arg12[%swap3A_930, %swap3A_931], %swap3A_934 {strides = array<i32>} : memref<16x128xf32, #tpu.memory_space<vmem>>, vector<1x16xf32>,
        %mul3A_935 = arith.constant 8 : i32
        %mul3A_936 = arith.muli %scan3A_155, %mul3A_935 : i32
        %add3A_937 = arith.constant 1 : i32
        %add3A_938 = arith.addi %mul3A_936, %add3A_937 : i32
        %swap3A_939 = arith.index_cast %add3A_938 : i32 to index
        %swap3A_940 = arith.constant 96 : index
        %swap3A_941 = tpu.vector_load %arg12[%swap3A_939, %swap3A_940] {strides = array<i32>} : memref<16x128xf32, #tpu.memory_space<vmem>>, vector<1x16xf32>,
        %swap3A_942 = vector.shape_cast %swap3A_941 : vector<1x16xf32> to vector<16xf32>
        %swap3A_943 = vector.shape_cast %scan3A_879#6 : vector<16xf32> to vector<1x16xf32>
        tpu.vector_store %arg12[%swap3A_939, %swap3A_940], %swap3A_943 {strides = array<i32>} : memref<16x128xf32, #tpu.memory_space<vmem>>, vector<1x16xf32>,
        %mul3A_944 = arith.constant 8 : i32
        %mul3A_945 = arith.muli %scan3A_155, %mul3A_944 : i32
        %add3A_946 = arith.constant 1 : i32
        %add3A_947 = arith.addi %mul3A_945, %add3A_946 : i32
        %swap3A_948 = arith.index_cast %add3A_947 : i32 to index
        %swap3A_949 = arith.constant 112 : index
        %swap3A_950 = tpu.vector_load %arg12[%swap3A_948, %swap3A_949] {strides = array<i32>} : memref<16x128xf32, #tpu.memory_space<vmem>>, vector<1x16xf32>,
        %swap3A_951 = vector.shape_cast %swap3A_950 : vector<1x16xf32> to vector<16xf32>
        %swap3A_952 = vector.shape_cast %scan3A_879#7 : vector<16xf32> to vector<1x16xf32>
        tpu.vector_store %arg12[%swap3A_948, %swap3A_949], %swap3A_952 {strides = array<i32>} : memref<16x128xf32, #tpu.memory_space<vmem>>, vector<1x16xf32>,
        %mul3A_953 = arith.constant 8 : i32
        %mul3A_954 = arith.muli %scan3A_155, %mul3A_953 : i32
        %add3A_955 = arith.constant 2 : i32
        %add3A_956 = arith.addi %mul3A_954, %add3A_955 : i32
        %swap3A_957 = arith.index_cast %add3A_956 : i32 to index
        %swap3A_958 = arith.constant 64 : index
        %swap3A_959 = tpu.vector_load %arg12[%swap3A_957, %swap3A_958] {strides = array<i32>} : memref<16x128xf32, #tpu.memory_space<vmem>>, vector<1x16xf32>,
        %swap3A_960 = vector.shape_cast %swap3A_959 : vector<1x16xf32> to vector<16xf32>
        %swap3A_961 = vector.shape_cast %scan3A_879#8 : vector<16xf32> to vector<1x16xf32>
        tpu.vector_store %arg12[%swap3A_957, %swap3A_958], %swap3A_961 {strides = array<i32>} : memref<16x128xf32, #tpu.memory_space<vmem>>, vector<1x16xf32>,
        %mul3A_962 = arith.constant 8 : i32
        %mul3A_963 = arith.muli %scan3A_155, %mul3A_962 : i32
        %add3A_964 = arith.constant 2 : i32
        %add3A_965 = arith.addi %mul3A_963, %add3A_964 : i32
        %swap3A_966 = arith.index_cast %add3A_965 : i32 to index
        %swap3A_967 = arith.constant 80 : index
        %swap3A_968 = tpu.vector_load %arg12[%swap3A_966, %swap3A_967] {strides = array<i32>} : memref<16x128xf32, #tpu.memory_space<vmem>>, vector<1x16xf32>,
        %swap3A_969 = vector.shape_cast %swap3A_968 : vector<1x16xf32> to vector<16xf32>
        %swap3A_970 = vector.shape_cast %scan3A_879#9 : vector<16xf32> to vector<1x16xf32>
        tpu.vector_store %arg12[%swap3A_966, %swap3A_967], %swap3A_970 {strides = array<i32>} : memref<16x128xf32, #tpu.memory_space<vmem>>, vector<1x16xf32>,
        %mul3A_971 = arith.constant 8 : i32
        %mul3A_972 = arith.muli %scan3A_155, %mul3A_971 : i32
        %add3A_973 = arith.constant 2 : i32
        %add3A_974 = arith.addi %mul3A_972, %add3A_973 : i32
        %swap3A_975 = arith.index_cast %add3A_974 : i32 to index
        %swap3A_976 = arith.constant 96 : index
        %swap3A_977 = tpu.vector_load %arg12[%swap3A_975, %swap3A_976] {strides = array<i32>} : memref<16x128xf32, #tpu.memory_space<vmem>>, vector<1x16xf32>,
        %swap3A_978 = vector.shape_cast %swap3A_977 : vector<1x16xf32> to vector<16xf32>
        %swap3A_979 = vector.shape_cast %scan3A_879#10 : vector<16xf32> to vector<1x16xf32>
        tpu.vector_store %arg12[%swap3A_975, %swap3A_976], %swap3A_979 {strides = array<i32>} : memref<16x128xf32, #tpu.memory_space<vmem>>, vector<1x16xf32>,
        %mul3A_980 = arith.constant 8 : i32
        %mul3A_981 = arith.muli %scan3A_155, %mul3A_980 : i32
        %add3A_982 = arith.constant 2 : i32
        %add3A_983 = arith.addi %mul3A_981, %add3A_982 : i32
        %swap3A_984 = arith.index_cast %add3A_983 : i32 to index
        %swap3A_985 = arith.constant 112 : index
        %swap3A_986 = tpu.vector_load %arg12[%swap3A_984, %swap3A_985] {strides = array<i32>} : memref<16x128xf32, #tpu.memory_space<vmem>>, vector<1x16xf32>,
        %swap3A_987 = vector.shape_cast %swap3A_986 : vector<1x16xf32> to vector<16xf32>
        %swap3A_988 = vector.shape_cast %scan3A_879#11 : vector<16xf32> to vector<1x16xf32>
        tpu.vector_store %arg12[%swap3A_984, %swap3A_985], %swap3A_988 {strides = array<i32>} : memref<16x128xf32, #tpu.memory_space<vmem>>, vector<1x16xf32>,
        %mul3A_989 = arith.constant 8 : i32
        %mul3A_990 = arith.muli %scan3A_155, %mul3A_989 : i32
        %add3A_991 = arith.constant 3 : i32
        %add3A_992 = arith.addi %mul3A_990, %add3A_991 : i32
        %swap3A_993 = arith.index_cast %add3A_992 : i32 to index
        %swap3A_994 = arith.constant 64 : index
        %swap3A_995 = tpu.vector_load %arg12[%swap3A_993, %swap3A_994] {strides = array<i32>} : memref<16x128xf32, #tpu.memory_space<vmem>>, vector<1x16xf32>,
        %swap3A_996 = vector.shape_cast %swap3A_995 : vector<1x16xf32> to vector<16xf32>
        %swap3A_997 = vector.shape_cast %scan3A_879#12 : vector<16xf32> to vector<1x16xf32>
        tpu.vector_store %arg12[%swap3A_993, %swap3A_994], %swap3A_997 {strides = array<i32>} : memref<16x128xf32, #tpu.memory_space<vmem>>, vector<1x16xf32>,
        %mul3A_998 = arith.constant 8 : i32
        %mul3A_999 = arith.muli %scan3A_155, %mul3A_998 : i32
        %add3A_1000 = arith.constant 3 : i32
        %add3A_1001 = arith.addi %mul3A_999, %add3A_1000 : i32
        %swap3A_1002 = arith.index_cast %add3A_1001 : i32 to index
        %swap3A_1003 = arith.constant 80 : index
        %swap3A_1004 = tpu.vector_load %arg12[%swap3A_1002, %swap3A_1003] {strides = array<i32>} : memref<16x128xf32, #tpu.memory_space<vmem>>, vector<1x16xf32>,
        %swap3A_1005 = vector.shape_cast %swap3A_1004 : vector<1x16xf32> to vector<16xf32>
        %swap3A_1006 = vector.shape_cast %scan3A_879#13 : vector<16xf32> to vector<1x16xf32>
        tpu.vector_store %arg12[%swap3A_1002, %swap3A_1003], %swap3A_1006 {strides = array<i32>} : memref<16x128xf32, #tpu.memory_space<vmem>>, vector<1x16xf32>,
        %mul3A_1007 = arith.constant 8 : i32
        %mul3A_1008 = arith.muli %scan3A_155, %mul3A_1007 : i32
        %add3A_1009 = arith.constant 3 : i32
        %add3A_1010 = arith.addi %mul3A_1008, %add3A_1009 : i32
        %swap3A_1011 = arith.index_cast %add3A_1010 : i32 to index
        %swap3A_1012 = arith.constant 96 : index
        %swap3A_1013 = tpu.vector_load %arg12[%swap3A_1011, %swap3A_1012] {strides = array<i32>} : memref<16x128xf32, #tpu.memory_space<vmem>>, vector<1x16xf32>,
        %swap3A_1014 = vector.shape_cast %swap3A_1013 : vector<1x16xf32> to vector<16xf32>
        %swap3A_1015 = vector.shape_cast %scan3A_879#14 : vector<16xf32> to vector<1x16xf32>
        tpu.vector_store %arg12[%swap3A_1011, %swap3A_1012], %swap3A_1015 {strides = array<i32>} : memref<16x128xf32, #tpu.memory_space<vmem>>, vector<1x16xf32>,
        %mul3A_1016 = arith.constant 8 : i32
        %mul3A_1017 = arith.muli %scan3A_155, %mul3A_1016 : i32
        %add3A_1018 = arith.constant 3 : i32
        %add3A_1019 = arith.addi %mul3A_1017, %add3A_1018 : i32
        %swap3A_1020 = arith.index_cast %add3A_1019 : i32 to index
        %swap3A_1021 = arith.constant 112 : index
        %swap3A_1022 = tpu.vector_load %arg12[%swap3A_1020, %swap3A_1021] {strides = array<i32>} : memref<16x128xf32, #tpu.memory_space<vmem>>, vector<1x16xf32>,
        %swap3A_1023 = vector.shape_cast %swap3A_1022 : vector<1x16xf32> to vector<16xf32>
        %swap3A_1024 = vector.shape_cast %scan3A_879#15 : vector<16xf32> to vector<1x16xf32>
        tpu.vector_store %arg12[%swap3A_1020, %swap3A_1021], %swap3A_1024 {strides = array<i32>} : memref<16x128xf32, #tpu.memory_space<vmem>>, vector<1x16xf32>,
        %mul3A_1025 = arith.constant 8 : i32
        %mul3A_1026 = arith.muli %scan3A_155, %mul3A_1025 : i32
        %add3A_1027 = arith.constant 4 : i32
        %add3A_1028 = arith.addi %mul3A_1026, %add3A_1027 : i32
        %swap3A_1029 = arith.index_cast %add3A_1028 : i32 to index
        %swap3A_1030 = arith.constant 64 : index
        %swap3A_1031 = tpu.vector_load %arg12[%swap3A_1029, %swap3A_1030] {strides = array<i32>} : memref<16x128xf32, #tpu.memory_space<vmem>>, vector<1x16xf32>,
        %swap3A_1032 = vector.shape_cast %swap3A_1031 : vector<1x16xf32> to vector<16xf32>
        %swap3A_1033 = vector.shape_cast %scan3A_879#16 : vector<16xf32> to vector<1x16xf32>
        tpu.vector_store %arg12[%swap3A_1029, %swap3A_1030], %swap3A_1033 {strides = array<i32>} : memref<16x128xf32, #tpu.memory_space<vmem>>, vector<1x16xf32>,
        %mul3A_1034 = arith.constant 8 : i32
        %mul3A_1035 = arith.muli %scan3A_155, %mul3A_1034 : i32
        %add3A_1036 = arith.constant 4 : i32
        %add3A_1037 = arith.addi %mul3A_1035, %add3A_1036 : i32
        %swap3A_1038 = arith.index_cast %add3A_1037 : i32 to index
        %swap3A_1039 = arith.constant 80 : index
        %swap3A_1040 = tpu.vector_load %arg12[%swap3A_1038, %swap3A_1039] {strides = array<i32>} : memref<16x128xf32, #tpu.memory_space<vmem>>, vector<1x16xf32>,
        %swap3A_1041 = vector.shape_cast %swap3A_1040 : vector<1x16xf32> to vector<16xf32>
        %swap3A_1042 = vector.shape_cast %scan3A_879#17 : vector<16xf32> to vector<1x16xf32>
        tpu.vector_store %arg12[%swap3A_1038, %swap3A_1039], %swap3A_1042 {strides = array<i32>} : memref<16x128xf32, #tpu.memory_space<vmem>>, vector<1x16xf32>,
        %mul3A_1043 = arith.constant 8 : i32
        %mul3A_1044 = arith.muli %scan3A_155, %mul3A_1043 : i32
        %add3A_1045 = arith.constant 4 : i32
        %add3A_1046 = arith.addi %mul3A_1044, %add3A_1045 : i32
        %swap3A_1047 = arith.index_cast %add3A_1046 : i32 to index
        %swap3A_1048 = arith.constant 96 : index
        %swap3A_1049 = tpu.vector_load %arg12[%swap3A_1047, %swap3A_1048] {strides = array<i32>} : memref<16x128xf32, #tpu.memory_space<vmem>>, vector<1x16xf32>,
        %swap3A_1050 = vector.shape_cast %swap3A_1049 : vector<1x16xf32> to vector<16xf32>
        %swap3A_1051 = vector.shape_cast %scan3A_879#18 : vector<16xf32> to vector<1x16xf32>
        tpu.vector_store %arg12[%swap3A_1047, %swap3A_1048], %swap3A_1051 {strides = array<i32>} : memref<16x128xf32, #tpu.memory_space<vmem>>, vector<1x16xf32>,
        %mul3A_1052 = arith.constant 8 : i32
        %mul3A_1053 = arith.muli %scan3A_155, %mul3A_1052 : i32
        %add3A_1054 = arith.constant 4 : i32
        %add3A_1055 = arith.addi %mul3A_1053, %add3A_1054 : i32
        %swap3A_1056 = arith.index_cast %add3A_1055 : i32 to index
        %swap3A_1057 = arith.constant 112 : index
        %swap3A_1058 = tpu.vector_load %arg12[%swap3A_1056, %swap3A_1057] {strides = array<i32>} : memref<16x128xf32, #tpu.memory_space<vmem>>, vector<1x16xf32>,
        %swap3A_1059 = vector.shape_cast %swap3A_1058 : vector<1x16xf32> to vector<16xf32>
        %swap3A_1060 = vector.shape_cast %scan3A_879#19 : vector<16xf32> to vector<1x16xf32>
        tpu.vector_store %arg12[%swap3A_1056, %swap3A_1057], %swap3A_1060 {strides = array<i32>} : memref<16x128xf32, #tpu.memory_space<vmem>>, vector<1x16xf32>,
        %mul3A_1061 = arith.constant 8 : i32
        %mul3A_1062 = arith.muli %scan3A_155, %mul3A_1061 : i32
        %add3A_1063 = arith.constant 5 : i32
        %add3A_1064 = arith.addi %mul3A_1062, %add3A_1063 : i32
        %swap3A_1065 = arith.index_cast %add3A_1064 : i32 to index
        %swap3A_1066 = arith.constant 64 : index
        %swap3A_1067 = tpu.vector_load %arg12[%swap3A_1065, %swap3A_1066] {strides = array<i32>} : memref<16x128xf32, #tpu.memory_space<vmem>>, vector<1x16xf32>,
        %swap3A_1068 = vector.shape_cast %swap3A_1067 : vector<1x16xf32> to vector<16xf32>
        %swap3A_1069 = vector.shape_cast %scan3A_879#20 : vector<16xf32> to vector<1x16xf32>
        tpu.vector_store %arg12[%swap3A_1065, %swap3A_1066], %swap3A_1069 {strides = array<i32>} : memref<16x128xf32, #tpu.memory_space<vmem>>, vector<1x16xf32>,
        %mul3A_1070 = arith.constant 8 : i32
        %mul3A_1071 = arith.muli %scan3A_155, %mul3A_1070 : i32
        %add3A_1072 = arith.constant 5 : i32
        %add3A_1073 = arith.addi %mul3A_1071, %add3A_1072 : i32
        %swap3A_1074 = arith.index_cast %add3A_1073 : i32 to index
        %swap3A_1075 = arith.constant 80 : index
        %swap3A_1076 = tpu.vector_load %arg12[%swap3A_1074, %swap3A_1075] {strides = array<i32>} : memref<16x128xf32, #tpu.memory_space<vmem>>, vector<1x16xf32>,
        %swap3A_1077 = vector.shape_cast %swap3A_1076 : vector<1x16xf32> to vector<16xf32>
        %swap3A_1078 = vector.shape_cast %scan3A_879#21 : vector<16xf32> to vector<1x16xf32>
        tpu.vector_store %arg12[%swap3A_1074, %swap3A_1075], %swap3A_1078 {strides = array<i32>} : memref<16x128xf32, #tpu.memory_space<vmem>>, vector<1x16xf32>,
        %mul3A_1079 = arith.constant 8 : i32
        %mul3A_1080 = arith.muli %scan3A_155, %mul3A_1079 : i32
        %add3A_1081 = arith.constant 5 : i32
        %add3A_1082 = arith.addi %mul3A_1080, %add3A_1081 : i32
        %swap3A_1083 = arith.index_cast %add3A_1082 : i32 to index
        %swap3A_1084 = arith.constant 96 : index
        %swap3A_1085 = tpu.vector_load %arg12[%swap3A_1083, %swap3A_1084] {strides = array<i32>} : memref<16x128xf32, #tpu.memory_space<vmem>>, vector<1x16xf32>,
        %swap3A_1086 = vector.shape_cast %swap3A_1085 : vector<1x16xf32> to vector<16xf32>
        %swap3A_1087 = vector.shape_cast %scan3A_879#22 : vector<16xf32> to vector<1x16xf32>
        tpu.vector_store %arg12[%swap3A_1083, %swap3A_1084], %swap3A_1087 {strides = array<i32>} : memref<16x128xf32, #tpu.memory_space<vmem>>, vector<1x16xf32>,
        %mul3A_1088 = arith.constant 8 : i32
        %mul3A_1089 = arith.muli %scan3A_155, %mul3A_1088 : i32
        %add3A_1090 = arith.constant 5 : i32
        %add3A_1091 = arith.addi %mul3A_1089, %add3A_1090 : i32
        %swap3A_1092 = arith.index_cast %add3A_1091 : i32 to index
        %swap3A_1093 = arith.constant 112 : index
        %swap3A_1094 = tpu.vector_load %arg12[%swap3A_1092, %swap3A_1093] {strides = array<i32>} : memref<16x128xf32, #tpu.memory_space<vmem>>, vector<1x16xf32>,
        %swap3A_1095 = vector.shape_cast %swap3A_1094 : vector<1x16xf32> to vector<16xf32>
        %swap3A_1096 = vector.shape_cast %scan3A_879#23 : vector<16xf32> to vector<1x16xf32>
        tpu.vector_store %arg12[%swap3A_1092, %swap3A_1093], %swap3A_1096 {strides = array<i32>} : memref<16x128xf32, #tpu.memory_space<vmem>>, vector<1x16xf32>,
        %mul3A_1097 = arith.constant 8 : i32
        %mul3A_1098 = arith.muli %scan3A_155, %mul3A_1097 : i32
        %add3A_1099 = arith.constant 6 : i32
        %add3A_1100 = arith.addi %mul3A_1098, %add3A_1099 : i32
        %swap3A_1101 = arith.index_cast %add3A_1100 : i32 to index
        %swap3A_1102 = arith.constant 64 : index
        %swap3A_1103 = tpu.vector_load %arg12[%swap3A_1101, %swap3A_1102] {strides = array<i32>} : memref<16x128xf32, #tpu.memory_space<vmem>>, vector<1x16xf32>,
        %swap3A_1104 = vector.shape_cast %swap3A_1103 : vector<1x16xf32> to vector<16xf32>
        %swap3A_1105 = vector.shape_cast %scan3A_879#24 : vector<16xf32> to vector<1x16xf32>
        tpu.vector_store %arg12[%swap3A_1101, %swap3A_1102], %swap3A_1105 {strides = array<i32>} : memref<16x128xf32, #tpu.memory_space<vmem>>, vector<1x16xf32>,
        %mul3A_1106 = arith.constant 8 : i32
        %mul3A_1107 = arith.muli %scan3A_155, %mul3A_1106 : i32
        %add3A_1108 = arith.constant 6 : i32
        %add3A_1109 = arith.addi %mul3A_1107, %add3A_1108 : i32
        %swap3A_1110 = arith.index_cast %add3A_1109 : i32 to index
        %swap3A_1111 = arith.constant 80 : index
        %swap3A_1112 = tpu.vector_load %arg12[%swap3A_1110, %swap3A_1111] {strides = array<i32>} : memref<16x128xf32, #tpu.memory_space<vmem>>, vector<1x16xf32>,
        %swap3A_1113 = vector.shape_cast %swap3A_1112 : vector<1x16xf32> to vector<16xf32>
        %swap3A_1114 = vector.shape_cast %scan3A_879#25 : vector<16xf32> to vector<1x16xf32>
        tpu.vector_store %arg12[%swap3A_1110, %swap3A_1111], %swap3A_1114 {strides = array<i32>} : memref<16x128xf32, #tpu.memory_space<vmem>>, vector<1x16xf32>,
        %mul3A_1115 = arith.constant 8 : i32
        %mul3A_1116 = arith.muli %scan3A_155, %mul3A_1115 : i32
        %add3A_1117 = arith.constant 6 : i32
        %add3A_1118 = arith.addi %mul3A_1116, %add3A_1117 : i32
        %swap3A_1119 = arith.index_cast %add3A_1118 : i32 to index
        %swap3A_1120 = arith.constant 96 : index
        %swap3A_1121 = tpu.vector_load %arg12[%swap3A_1119, %swap3A_1120] {strides = array<i32>} : memref<16x128xf32, #tpu.memory_space<vmem>>, vector<1x16xf32>,
        %swap3A_1122 = vector.shape_cast %swap3A_1121 : vector<1x16xf32> to vector<16xf32>
        %swap3A_1123 = vector.shape_cast %scan3A_879#26 : vector<16xf32> to vector<1x16xf32>
        tpu.vector_store %arg12[%swap3A_1119, %swap3A_1120], %swap3A_1123 {strides = array<i32>} : memref<16x128xf32, #tpu.memory_space<vmem>>, vector<1x16xf32>,
        %mul3A_1124 = arith.constant 8 : i32
        %mul3A_1125 = arith.muli %scan3A_155, %mul3A_1124 : i32
        %add3A_1126 = arith.constant 6 : i32
        %add3A_1127 = arith.addi %mul3A_1125, %add3A_1126 : i32
        %swap3A_1128 = arith.index_cast %add3A_1127 : i32 to index
        %swap3A_1129 = arith.constant 112 : index
        %swap3A_1130 = tpu.vector_load %arg12[%swap3A_1128, %swap3A_1129] {strides = array<i32>} : memref<16x128xf32, #tpu.memory_space<vmem>>, vector<1x16xf32>,
        %swap3A_1131 = vector.shape_cast %swap3A_1130 : vector<1x16xf32> to vector<16xf32>
        %swap3A_1132 = vector.shape_cast %scan3A_879#27 : vector<16xf32> to vector<1x16xf32>
        tpu.vector_store %arg12[%swap3A_1128, %swap3A_1129], %swap3A_1132 {strides = array<i32>} : memref<16x128xf32, #tpu.memory_space<vmem>>, vector<1x16xf32>,
        %mul3A_1133 = arith.constant 8 : i32
        %mul3A_1134 = arith.muli %scan3A_155, %mul3A_1133 : i32
        %add3A_1135 = arith.constant 7 : i32
        %add3A_1136 = arith.addi %mul3A_1134, %add3A_1135 : i32
        %swap3A_1137 = arith.index_cast %add3A_1136 : i32 to index
        %swap3A_1138 = arith.constant 64 : index
        %swap3A_1139 = tpu.vector_load %arg12[%swap3A_1137, %swap3A_1138] {strides = array<i32>} : memref<16x128xf32, #tpu.memory_space<vmem>>, vector<1x16xf32>,
        %swap3A_1140 = vector.shape_cast %swap3A_1139 : vector<1x16xf32> to vector<16xf32>
        %swap3A_1141 = vector.shape_cast %scan3A_879#28 : vector<16xf32> to vector<1x16xf32>
        tpu.vector_store %arg12[%swap3A_1137, %swap3A_1138], %swap3A_1141 {strides = array<i32>} : memref<16x128xf32, #tpu.memory_space<vmem>>, vector<1x16xf32>,
        %mul3A_1142 = arith.constant 8 : i32
        %mul3A_1143 = arith.muli %scan3A_155, %mul3A_1142 : i32
        %add3A_1144 = arith.constant 7 : i32
        %add3A_1145 = arith.addi %mul3A_1143, %add3A_1144 : i32
        %swap3A_1146 = arith.index_cast %add3A_1145 : i32 to index
        %swap3A_1147 = arith.constant 80 : index
        %swap3A_1148 = tpu.vector_load %arg12[%swap3A_1146, %swap3A_1147] {strides = array<i32>} : memref<16x128xf32, #tpu.memory_space<vmem>>, vector<1x16xf32>,
        %swap3A_1149 = vector.shape_cast %swap3A_1148 : vector<1x16xf32> to vector<16xf32>
        %swap3A_1150 = vector.shape_cast %scan3A_879#29 : vector<16xf32> to vector<1x16xf32>
        tpu.vector_store %arg12[%swap3A_1146, %swap3A_1147], %swap3A_1150 {strides = array<i32>} : memref<16x128xf32, #tpu.memory_space<vmem>>, vector<1x16xf32>,
        %mul3A_1151 = arith.constant 8 : i32
        %mul3A_1152 = arith.muli %scan3A_155, %mul3A_1151 : i32
        %add3A_1153 = arith.constant 7 : i32
        %add3A_1154 = arith.addi %mul3A_1152, %add3A_1153 : i32
        %swap3A_1155 = arith.index_cast %add3A_1154 : i32 to index
        %swap3A_1156 = arith.constant 96 : index
        %swap3A_1157 = tpu.vector_load %arg12[%swap3A_1155, %swap3A_1156] {strides = array<i32>} : memref<16x128xf32, #tpu.memory_space<vmem>>, vector<1x16xf32>,
        %swap3A_1158 = vector.shape_cast %swap3A_1157 : vector<1x16xf32> to vector<16xf32>
        %swap3A_1159 = vector.shape_cast %scan3A_879#30 : vector<16xf32> to vector<1x16xf32>
        tpu.vector_store %arg12[%swap3A_1155, %swap3A_1156], %swap3A_1159 {strides = array<i32>} : memref<16x128xf32, #tpu.memory_space<vmem>>, vector<1x16xf32>,
        %mul3A_1160 = arith.constant 8 : i32
        %mul3A_1161 = arith.muli %scan3A_155, %mul3A_1160 : i32
        %add3A_1162 = arith.constant 7 : i32
        %add3A_1163 = arith.addi %mul3A_1161, %add3A_1162 : i32
        %swap3A_1164 = arith.index_cast %add3A_1163 : i32 to index
        %swap3A_1165 = arith.constant 112 : index
        %swap3A_1166 = tpu.vector_load %arg12[%swap3A_1164, %swap3A_1165] {strides = array<i32>} : memref<16x128xf32, #tpu.memory_space<vmem>>, vector<1x16xf32>,
        %swap3A_1167 = vector.shape_cast %swap3A_1166 : vector<1x16xf32> to vector<16xf32>
        %swap3A_1168 = vector.shape_cast %scan3A_879#31 : vector<16xf32> to vector<1x16xf32>
        tpu.vector_store %arg12[%swap3A_1164, %swap3A_1165], %swap3A_1168 {strides = array<i32>} : memref<16x128xf32, #tpu.memory_space<vmem>>, vector<1x16xf32>,
      }
      %scan3A_138 = arith.constant 2 : i32
      %mul3A_139 = arith.constant 2 : i32
      %mul3A_140 = arith.muli %add3A_110, %mul3A_139 : i32
      %add3A_141 = arith.addi %mul3A_2, %mul3A_140 : i32
      %mul3A_142 = arith.constant 8 : i32
      %mul3A_143 = arith.muli %add3A_141, %mul3A_142 : i32
      %dma_start3A_144 = arith.constant 0 : i32
      %dma_start3A_145 = tpu.memref_slice %arg5[%mul3A_143, %dma_start3A_144] : memref<81920x128xf32, #tpu.memory_space<hbm>> -> memref<16x128xf32, #tpu.memory_space<hbm>>
      %dma_start3A_146 = arith.constant 0 : i32
      %dma_start3A_147 = tpu.memref_slice %arg5[%mul3A_143, %dma_start3A_146] : memref<81920x128xf32, #tpu.memory_space<hbm>> -> memref<16x128xf32, #tpu.memory_space<hbm>>
      tpu.enqueue_dma source(%arg12 : memref<16x128xf32, #tpu.memory_space<vmem>>) target(%dma_start3A_147 : memref<16x128xf32, #tpu.memory_space<hbm>>) target_semaphore(%arg19 : memref<!tpu.dma_semaphore, #tpu.memory_space<semaphore_mem>>)
      %add3A_148 = arith.constant 2 : i32
      %add3A_149 = arith.addi %add3A_110, %add3A_148 : i32
      %lt3A_150 = arith.constant 160 : i32
      %lt3A_151 = arith.cmpi slt, %add3A_149, %lt3A_150 : i32
      %convert_element_type3A_152 = arith.extui %lt3A_151 : i1 to i32
      %cond3A_153 = arith.constant 0 : i32
      %cond3A_154 = arith.cmpi ne, %convert_element_type3A_152, %cond3A_153 : i32
      scf.if %cond3A_154 {
        %add3A_155 = arith.constant 2 : i32
        %add3A_156 = arith.addi %add3A_110, %add3A_155 : i32
        %mul3A_157 = arith.constant 64 : i32
        %mul3A_158 = arith.muli %add3A_156, %mul3A_157 : i32
        %dma_start3A_159 = tpu.memref_slice %arg6[%mul3A_158] : memref<10240xi32, #tpu.memory_space<vmem>> -> memref<64xi32, #tpu.memory_space<vmem>>
        %dma_start3A_160 = arith.constant 0 : i32
        %dma_start3A_161 = arith.constant 0 : i32
        %dma_start3A_162 = tpu.memref_slice %arg13[%dma_start3A_160, %dma_start3A_161] : memref<10240x128xf32, #tpu.memory_space<vmem_shared>> -> memref<10240x128xf32, #tpu.memory_space<vmem_shared>>
        tpu.enqueue_indirect_dma source(%dma_start3A_162 : memref<10240x128xf32, #tpu.memory_space<vmem_shared>>) target(%arg8 : memref<64x128xf32, #tpu.memory_space<vmem>>) offsets(%dma_start3A_159 : memref<64xi32, #tpu.memory_space<vmem>>) semaphore(%arg15 : memref<!tpu.dma_semaphore, #tpu.memory_space<semaphore_mem>>)
        %add3A_163 = arith.constant 2 : i32
        %add3A_164 = arith.addi %add3A_110, %add3A_163 : i32
        %mul3A_165 = arith.constant 160 : i32
        %mul3A_166 = arith.muli %add3A, %mul3A_165 : i32
        %add3A_167 = arith.addi %mul3A_166, %add3A_164 : i32
        %dma_start3A_168 = arith.constant 0 : i32
        %dma_start3A_169 = arith.constant 0 : i32
        %dma_start3A_170 = tpu.memref_slice %arg4[%add3A_167, %dma_start3A_168, %dma_start3A_169] : memref<5120x8x64xf32, #tpu.memory_space<hbm>> -> memref<1x8x64xf32, #tpu.memory_space<hbm>>
        %dma_start3A_171 = tpu.memref_squeeze %dma_start3A_170 : memref<1x8x64xf32, #tpu.memory_space<hbm>> -> memref<8x64xf32, #tpu.memory_space<hbm>>
        %dma_start3A_172 = arith.constant 0 : i32
        %dma_start3A_173 = arith.constant 0 : i32
        %dma_start3A_174 = tpu.memref_slice %arg4[%add3A_167, %dma_start3A_172, %dma_start3A_173] : memref<5120x8x64xf32, #tpu.memory_space<hbm>> -> memref<1x8x64xf32, #tpu.memory_space<hbm>>
        %dma_start3A_175 = tpu.memref_squeeze %dma_start3A_174 : memref<1x8x64xf32, #tpu.memory_space<hbm>> -> memref<8x64xf32, #tpu.memory_space<hbm>>
        tpu.enqueue_dma source(%dma_start3A_175 : memref<8x64xf32, #tpu.memory_space<hbm>>) target(%arg10 : memref<8x64xf32, #tpu.memory_space<vmem>>) target_semaphore(%arg17 : memref<!tpu.dma_semaphore, #tpu.memory_space<semaphore_mem>>)
      } else {
      }
    }
    %scan3A_46 = arith.constant 80 : i32
    %add3A_47 = arith.constant 316 : i32
    %add3A_48 = arith.addi %mul3A_2, %add3A_47 : i32
    %mul3A_49 = arith.constant 8 : i32
    %mul3A_50 = arith.muli %add3A_48, %mul3A_49 : i32
    %dma_wait3A = arith.constant 0 : i32
    %dma_wait3A_51 = tpu.memref_slice %arg5[%mul3A_50, %dma_wait3A] : memref<81920x128xf32, #tpu.memory_space<hbm>> -> memref<16x128xf32, #tpu.memory_space<hbm>>
    %dma_wait3A_52 = arith.constant 0 : i32
    %dma_wait3A_53 = tpu.memref_slice %arg5[%mul3A_50, %dma_wait3A_52] : memref<81920x128xf32, #tpu.memory_space<hbm>> -> memref<16x128xf32, #tpu.memory_space<hbm>>
    tpu.wait_dma2 semaphore(%arg18 : memref<!tpu.dma_semaphore, #tpu.memory_space<semaphore_mem>>) src(%arg11 : memref<16x128xf32, #tpu.memory_space<vmem>>) dst(%dma_wait3A_53 : memref<16x128xf32, #tpu.memory_space<hbm>>)
    %add3A_54 = arith.constant 318 : i32
    %add3A_55 = arith.addi %mul3A_2, %add3A_54 : i32
    %mul3A_56 = arith.constant 8 : i32
    %mul3A_57 = arith.muli %add3A_55, %mul3A_56 : i32
    %dma_wait3A_58 = arith.constant 0 : i32
    %dma_wait3A_59 = tpu.memref_slice %arg5[%mul3A_57, %dma_wait3A_58] : memref<81920x128xf32, #tpu.memory_space<hbm>> -> memref<16x128xf32, #tpu.memory_space<hbm>>
    %dma_wait3A_60 = arith.constant 0 : i32
    %dma_wait3A_61 = tpu.memref_slice %arg5[%mul3A_57, %dma_wait3A_60] : memref<81920x128xf32, #tpu.memory_space<hbm>> -> memref<16x128xf32, #tpu.memory_space<hbm>>
    tpu.wait_dma2 semaphore(%arg19 : memref<!tpu.dma_semaphore, #tpu.memory_space<semaphore_mem>>) src(%arg12 : memref<16x128xf32, #tpu.memory_space<vmem>>) dst(%dma_wait3A_61 : memref<16x128xf32, #tpu.memory_space<hbm>>)
    return
  }
}

module attributes {stable_mosaic.version = 14 : i64} {
  func.func @_scale_body(%arg0: i32, %arg1: memref<2048x32xi32, #tpu.memory_space<vmem>>, %arg2: memref<2048x256xf32, #tpu.memory_space<vmem>>) attributes {dimension_semantics = [#tpu.dimension_semantics<arbitrary>], iteration_bounds = array<i64: 5>, scalar_prefetch = 0 : i64, scratch_operands = 0 : i64, tpu.core_type = #tpu.core_type<tc>, window_params = [{transform_indices = @transform_0, window_bounds = array<i64: 2048, 32>}, {transform_indices = @transform_1, window_bounds = array<i64: 2048, 256>}]} {
    %get3A = arith.constant 0 : index
    %get3A_0 = arith.constant 0 : index
    %get3A_1 = vector.load %arg1[%get3A, %get3A_0] : memref<2048x32xi32, #tpu.memory_space<vmem>>, vector<2048x32xi32>
    %eq3A = arith.constant 0 : i32
    %eq3A_2 = vector.broadcast %eq3A : i32 to vector<2048x32xi32>
    %eq3A_3 = arith.cmpi eq, %get3A_1, %eq3A_2 : vector<2048x32xi32>
    %convert_element_type3A = arith.extui %eq3A_3 : vector<2048x32xi1> to vector<2048x32xi32>
    %convert_element_type3A_4 = arith.sitofp %convert_element_type3A : vector<2048x32xi32> to vector<2048x32xf32>
    %reduce_sum3A = arith.constant dense<0.000000e+00> : vector<2048xf32>
    %reduce_sum3A_5 = vector.multi_reduction <add>, %convert_element_type3A_4, %reduce_sum3A [1] : vector<2048x32xf32> to vector<2048xf32>
    %broadcast_in_dim3A = vector.shape_cast %reduce_sum3A_5 : vector<2048xf32> to vector<2048x1xf32>
    %max3A = arith.constant 1.000000e+00 : f32
    %max3A_6 = vector.broadcast %max3A : f32 to vector<2048x1xf32>
    %max3A_7 = arith.maximumf %broadcast_in_dim3A, %max3A_6 : vector<2048x1xf32>
    %div3A = vector.broadcast %max3A_7 : vector<2048x1xf32> to vector<2048x32xf32>
    %div3A_8 = arith.divf %convert_element_type3A_4, %div3A : vector<2048x32xf32>
    %eq3A_9 = arith.constant 1 : i32
    %eq3A_10 = vector.broadcast %eq3A_9 : i32 to vector<2048x32xi32>
    %eq3A_11 = arith.cmpi eq, %get3A_1, %eq3A_10 : vector<2048x32xi32>
    %convert_element_type3A_12 = arith.extui %eq3A_11 : vector<2048x32xi1> to vector<2048x32xi32>
    %convert_element_type3A_13 = arith.sitofp %convert_element_type3A_12 : vector<2048x32xi32> to vector<2048x32xf32>
    %reduce_sum3A_14 = arith.constant dense<0.000000e+00> : vector<2048xf32>
    %reduce_sum3A_15 = vector.multi_reduction <add>, %convert_element_type3A_13, %reduce_sum3A_14 [1] : vector<2048x32xf32> to vector<2048xf32>
    %broadcast_in_dim3A_16 = vector.shape_cast %reduce_sum3A_15 : vector<2048xf32> to vector<2048x1xf32>
    %max3A_17 = arith.constant 1.000000e+00 : f32
    %max3A_18 = vector.broadcast %max3A_17 : f32 to vector<2048x1xf32>
    %max3A_19 = arith.maximumf %broadcast_in_dim3A_16, %max3A_18 : vector<2048x1xf32>
    %div3A_20 = vector.broadcast %max3A_19 : vector<2048x1xf32> to vector<2048x32xf32>
    %div3A_21 = arith.divf %convert_element_type3A_13, %div3A_20 : vector<2048x32xf32>
    %eq3A_22 = arith.constant 2 : i32
    %eq3A_23 = vector.broadcast %eq3A_22 : i32 to vector<2048x32xi32>
    %eq3A_24 = arith.cmpi eq, %get3A_1, %eq3A_23 : vector<2048x32xi32>
    %convert_element_type3A_25 = arith.extui %eq3A_24 : vector<2048x32xi1> to vector<2048x32xi32>
    %convert_element_type3A_26 = arith.sitofp %convert_element_type3A_25 : vector<2048x32xi32> to vector<2048x32xf32>
    %reduce_sum3A_27 = arith.constant dense<0.000000e+00> : vector<2048xf32>
    %reduce_sum3A_28 = vector.multi_reduction <add>, %convert_element_type3A_26, %reduce_sum3A_27 [1] : vector<2048x32xf32> to vector<2048xf32>
    %broadcast_in_dim3A_29 = vector.shape_cast %reduce_sum3A_28 : vector<2048xf32> to vector<2048x1xf32>
    %max3A_30 = arith.constant 1.000000e+00 : f32
    %max3A_31 = vector.broadcast %max3A_30 : f32 to vector<2048x1xf32>
    %max3A_32 = arith.maximumf %broadcast_in_dim3A_29, %max3A_31 : vector<2048x1xf32>
    %div3A_33 = vector.broadcast %max3A_32 : vector<2048x1xf32> to vector<2048x32xf32>
    %div3A_34 = arith.divf %convert_element_type3A_26, %div3A_33 : vector<2048x32xf32>
    %eq3A_35 = arith.constant 3 : i32
    %eq3A_36 = vector.broadcast %eq3A_35 : i32 to vector<2048x32xi32>
    %eq3A_37 = arith.cmpi eq, %get3A_1, %eq3A_36 : vector<2048x32xi32>
    %convert_element_type3A_38 = arith.extui %eq3A_37 : vector<2048x32xi1> to vector<2048x32xi32>
    %convert_element_type3A_39 = arith.sitofp %convert_element_type3A_38 : vector<2048x32xi32> to vector<2048x32xf32>
    %reduce_sum3A_40 = arith.constant dense<0.000000e+00> : vector<2048xf32>
    %reduce_sum3A_41 = vector.multi_reduction <add>, %convert_element_type3A_39, %reduce_sum3A_40 [1] : vector<2048x32xf32> to vector<2048xf32>
    %broadcast_in_dim3A_42 = vector.shape_cast %reduce_sum3A_41 : vector<2048xf32> to vector<2048x1xf32>
    %max3A_43 = arith.constant 1.000000e+00 : f32
    %max3A_44 = vector.broadcast %max3A_43 : f32 to vector<2048x1xf32>
    %max3A_45 = arith.maximumf %broadcast_in_dim3A_42, %max3A_44 : vector<2048x1xf32>
    %div3A_46 = vector.broadcast %max3A_45 : vector<2048x1xf32> to vector<2048x32xf32>
    %div3A_47 = arith.divf %convert_element_type3A_39, %div3A_46 : vector<2048x32xf32>
    %eq3A_48 = arith.constant 4 : i32
    %eq3A_49 = vector.broadcast %eq3A_48 : i32 to vector<2048x32xi32>
    %eq3A_50 = arith.cmpi eq, %get3A_1, %eq3A_49 : vector<2048x32xi32>
    %convert_element_type3A_51 = arith.extui %eq3A_50 : vector<2048x32xi1> to vector<2048x32xi32>
    %convert_element_type3A_52 = arith.sitofp %convert_element_type3A_51 : vector<2048x32xi32> to vector<2048x32xf32>
    %reduce_sum3A_53 = arith.constant dense<0.000000e+00> : vector<2048xf32>
    %reduce_sum3A_54 = vector.multi_reduction <add>, %convert_element_type3A_52, %reduce_sum3A_53 [1] : vector<2048x32xf32> to vector<2048xf32>
    %broadcast_in_dim3A_55 = vector.shape_cast %reduce_sum3A_54 : vector<2048xf32> to vector<2048x1xf32>
    %max3A_56 = arith.constant 1.000000e+00 : f32
    %max3A_57 = vector.broadcast %max3A_56 : f32 to vector<2048x1xf32>
    %max3A_58 = arith.maximumf %broadcast_in_dim3A_55, %max3A_57 : vector<2048x1xf32>
    %div3A_59 = vector.broadcast %max3A_58 : vector<2048x1xf32> to vector<2048x32xf32>
    %div3A_60 = arith.divf %convert_element_type3A_52, %div3A_59 : vector<2048x32xf32>
    %eq3A_61 = arith.constant 5 : i32
    %eq3A_62 = vector.broadcast %eq3A_61 : i32 to vector<2048x32xi32>
    %eq3A_63 = arith.cmpi eq, %get3A_1, %eq3A_62 : vector<2048x32xi32>
    %convert_element_type3A_64 = arith.extui %eq3A_63 : vector<2048x32xi1> to vector<2048x32xi32>
    %convert_element_type3A_65 = arith.sitofp %convert_element_type3A_64 : vector<2048x32xi32> to vector<2048x32xf32>
    %reduce_sum3A_66 = arith.constant dense<0.000000e+00> : vector<2048xf32>
    %reduce_sum3A_67 = vector.multi_reduction <add>, %convert_element_type3A_65, %reduce_sum3A_66 [1] : vector<2048x32xf32> to vector<2048xf32>
    %broadcast_in_dim3A_68 = vector.shape_cast %reduce_sum3A_67 : vector<2048xf32> to vector<2048x1xf32>
    %max3A_69 = arith.constant 1.000000e+00 : f32
    %max3A_70 = vector.broadcast %max3A_69 : f32 to vector<2048x1xf32>
    %max3A_71 = arith.maximumf %broadcast_in_dim3A_68, %max3A_70 : vector<2048x1xf32>
    %div3A_72 = vector.broadcast %max3A_71 : vector<2048x1xf32> to vector<2048x32xf32>
    %div3A_73 = arith.divf %convert_element_type3A_65, %div3A_72 : vector<2048x32xf32>
    %eq3A_74 = arith.constant 6 : i32
    %eq3A_75 = vector.broadcast %eq3A_74 : i32 to vector<2048x32xi32>
    %eq3A_76 = arith.cmpi eq, %get3A_1, %eq3A_75 : vector<2048x32xi32>
    %convert_element_type3A_77 = arith.extui %eq3A_76 : vector<2048x32xi1> to vector<2048x32xi32>
    %convert_element_type3A_78 = arith.sitofp %convert_element_type3A_77 : vector<2048x32xi32> to vector<2048x32xf32>
    %reduce_sum3A_79 = arith.constant dense<0.000000e+00> : vector<2048xf32>
    %reduce_sum3A_80 = vector.multi_reduction <add>, %convert_element_type3A_78, %reduce_sum3A_79 [1] : vector<2048x32xf32> to vector<2048xf32>
    %broadcast_in_dim3A_81 = vector.shape_cast %reduce_sum3A_80 : vector<2048xf32> to vector<2048x1xf32>
    %max3A_82 = arith.constant 1.000000e+00 : f32
    %max3A_83 = vector.broadcast %max3A_82 : f32 to vector<2048x1xf32>
    %max3A_84 = arith.maximumf %broadcast_in_dim3A_81, %max3A_83 : vector<2048x1xf32>
    %div3A_85 = vector.broadcast %max3A_84 : vector<2048x1xf32> to vector<2048x32xf32>
    %div3A_86 = arith.divf %convert_element_type3A_78, %div3A_85 : vector<2048x32xf32>
    %eq3A_87 = arith.constant 7 : i32
    %eq3A_88 = vector.broadcast %eq3A_87 : i32 to vector<2048x32xi32>
    %eq3A_89 = arith.cmpi eq, %get3A_1, %eq3A_88 : vector<2048x32xi32>
    %convert_element_type3A_90 = arith.extui %eq3A_89 : vector<2048x32xi1> to vector<2048x32xi32>
    %convert_element_type3A_91 = arith.sitofp %convert_element_type3A_90 : vector<2048x32xi32> to vector<2048x32xf32>
    %reduce_sum3A_92 = arith.constant dense<0.000000e+00> : vector<2048xf32>
    %reduce_sum3A_93 = vector.multi_reduction <add>, %convert_element_type3A_91, %reduce_sum3A_92 [1] : vector<2048x32xf32> to vector<2048xf32>
    %broadcast_in_dim3A_94 = vector.shape_cast %reduce_sum3A_93 : vector<2048xf32> to vector<2048x1xf32>
    %max3A_95 = arith.constant 1.000000e+00 : f32
    %max3A_96 = vector.broadcast %max3A_95 : f32 to vector<2048x1xf32>
    %max3A_97 = arith.maximumf %broadcast_in_dim3A_94, %max3A_96 : vector<2048x1xf32>
    %div3A_98 = vector.broadcast %max3A_97 : vector<2048x1xf32> to vector<2048x32xf32>
    %div3A_99 = arith.divf %convert_element_type3A_91, %div3A_98 : vector<2048x32xf32>
    %concatenate3A = tpu.concatenate %div3A_8, %div3A_21, %div3A_34, %div3A_47, %div3A_60, %div3A_73, %div3A_86, %div3A_99 in 1 : vector<2048x32xf32>, vector<2048x32xf32>, vector<2048x32xf32>, vector<2048x32xf32>, vector<2048x32xf32>, vector<2048x32xf32>, vector<2048x32xf32>, vector<2048x32xf32> -> vector<2048x256xf32>
    %swap3A = arith.constant 0 : index
    %swap3A_100 = arith.constant 0 : index
    %swap3A_101 = vector.load %arg2[%swap3A, %swap3A_100] : memref<2048x256xf32, #tpu.memory_space<vmem>>, vector<2048x256xf32>
    tpu.vector_store %arg2[%swap3A, %swap3A_100], %concatenate3A {strides = array<i32>} : memref<2048x256xf32, #tpu.memory_space<vmem>>, vector<2048x256xf32>,
    return
  }
  func.func @transform_0(%arg0: i32) -> (i32, i32) {
    %c0_i32 = arith.constant 0 : i32
    %c0_i32_0 = arith.constant 0 : i32
    return %arg0, %c0_i32 : i32, i32
  }
  func.func @transform_1(%arg0: i32) -> (i32, i32) {
    %c0_i32 = arith.constant 0 : i32
    %c0_i32_0 = arith.constant 0 : i32
    return %arg0, %c0_i32 : i32, i32
  }
}

module attributes {stable_mosaic.version = 14 : i64} {
  func.func @_final_body(%arg0: i32, %arg1: memref<512x1024xf32, #tpu.memory_space<vmem>>, %arg2: memref<512x128xf32, #tpu.memory_space<vmem>>, %arg3: memref<1024x128xf32, #tpu.memory_space<vmem>>, %arg4: memref<128x128xf32, #tpu.memory_space<vmem>>, %arg5: memref<128xf32, #tpu.memory_space<vmem>>, %arg6: memref<512x128xf32, #tpu.memory_space<vmem>>) attributes {dimension_semantics = [#tpu.dimension_semantics<arbitrary>], iteration_bounds = array<i64: 20>, scalar_prefetch = 0 : i64, scratch_operands = 0 : i64, tpu.core_type = #tpu.core_type<tc>, window_params = [{transform_indices = @transform_0, window_bounds = array<i64: 512, 1024>}, {transform_indices = @transform_1, window_bounds = array<i64: 512, 128>}, {pipeline_mode = #tpu.pipeline_mode<synchronous>, transform_indices = @transform_2, window_bounds = array<i64: 1024, 128>}, {pipeline_mode = #tpu.pipeline_mode<synchronous>, transform_indices = @transform_3, window_bounds = array<i64: 128, 128>}, {pipeline_mode = #tpu.pipeline_mode<synchronous>, transform_indices = @transform_4, window_bounds = array<i64: 128>}, {transform_indices = @transform_5, window_bounds = array<i64: 512, 128>}]} {
    %get3A = arith.constant 0 : index
    %get3A_0 = arith.constant 0 : index
    %get3A_1 = vector.load %arg1[%get3A, %get3A_0] : memref<512x1024xf32, #tpu.memory_space<vmem>>, vector<512x1024xf32>
    %get3A_2 = arith.constant 0 : index
    %get3A_3 = arith.constant 0 : index
    %get3A_4 = vector.load %arg3[%get3A_2, %get3A_3] : memref<1024x128xf32, #tpu.memory_space<vmem>>, vector<1024x128xf32>
    %dot_general3A = arith.constant dense<0.000000e+00> : vector<512x128xf32>
    %dot_general3A_5 = tpu.matmul %get3A_1, %get3A_4, %dot_general3A {dimension_numbers = #tpu.dot_dimension_numbers<[1], [0], [0], [1], [0, 0, 1, 1], [], []>, transpose_lhs_hint = false} : vector<512x1024xf32>, vector<1024x128xf32>, vector<512x128xf32> -> vector<512x128xf32>
    %get3A_6 = arith.constant 0 : index
    %get3A_7 = arith.constant 0 : index
    %get3A_8 = vector.load %arg2[%get3A_6, %get3A_7] : memref<512x128xf32, #tpu.memory_space<vmem>>, vector<512x128xf32>
    %get3A_9 = arith.constant 0 : index
    %get3A_10 = arith.constant 0 : index
    %get3A_11 = vector.load %arg4[%get3A_9, %get3A_10] : memref<128x128xf32, #tpu.memory_space<vmem>>, vector<128x128xf32>
    %dot_general3A_12 = arith.constant dense<0.000000e+00> : vector<512x128xf32>
    %dot_general3A_13 = tpu.matmul %get3A_8, %get3A_11, %dot_general3A_12 {dimension_numbers = #tpu.dot_dimension_numbers<[1], [0], [0], [1], [0, 0, 1, 1], [], []>, transpose_lhs_hint = false} : vector<512x128xf32>, vector<128x128xf32>, vector<512x128xf32> -> vector<512x128xf32>
    %add3A = arith.addf %dot_general3A_5, %dot_general3A_13 : vector<512x128xf32>
    %get3A_14 = arith.constant 0 : index
    %get3A_15 = vector.load %arg5[%get3A_14] : memref<128xf32, #tpu.memory_space<vmem>>, vector<128xf32>
    %broadcast_in_dim3A = vector.shape_cast %get3A_15 : vector<128xf32> to vector<1x128xf32>
    %add3A_16 = vector.broadcast %broadcast_in_dim3A : vector<1x128xf32> to vector<512x128xf32>
    %add3A_17 = arith.addf %add3A, %add3A_16 : vector<512x128xf32>
    %swap3A = arith.constant 0 : index
    %swap3A_18 = arith.constant 0 : index
    %swap3A_19 = vector.load %arg6[%swap3A, %swap3A_18] : memref<512x128xf32, #tpu.memory_space<vmem>>, vector<512x128xf32>
    tpu.vector_store %arg6[%swap3A, %swap3A_18], %add3A_17 {strides = array<i32>} : memref<512x128xf32, #tpu.memory_space<vmem>>, vector<512x128xf32>,
    return
  }
  func.func @transform_0(%arg0: i32) -> (i32, i32) {
    %c0_i32 = arith.constant 0 : i32
    %c0_i32_0 = arith.constant 0 : i32
    return %arg0, %c0_i32 : i32, i32
  }
  func.func @transform_1(%arg0: i32) -> (i32, i32) {
    %c0_i32 = arith.constant 0 : i32
    %c0_i32_0 = arith.constant 0 : i32
    return %arg0, %c0_i32 : i32, i32
  }
  func.func @transform_2(%arg0: i32) -> (i32, i32) {
    %c0_i32 = arith.constant 0 : i32
    %c0_i32_0 = arith.constant 0 : i32
    %c0_i32_1 = arith.constant 0 : i32
    return %c0_i32, %c0_i32_0 : i32, i32
  }
  func.func @transform_3(%arg0: i32) -> (i32, i32) {
    %c0_i32 = arith.constant 0 : i32
    %c0_i32_0 = arith.constant 0 : i32
    %c0_i32_1 = arith.constant 0 : i32
    return %c0_i32, %c0_i32_0 : i32, i32
  }
  func.func @transform_4(%arg0: i32) -> i32 {
    %c0_i32 = arith.constant 0 : i32
    %c0_i32_0 = arith.constant 0 : i32
    return %c0_i32 : i32
  }
  func.func @transform_5(%arg0: i32) -> (i32, i32) {
    %c0_i32 = arith.constant 0 : i32
    %c0_i32_0 = arith.constant 0 : i32
    return %arg0, %c0_i32 : i32, i32
  }
}

</mosaic_0001>

<sc_bundles>
// kernel: kernel.5.cloned.1.call-start
scs
__scs_entry_jumppad:
0x0: {  	(pc) =	sbr.rel $0x88, $3  }
0x1: {  	(tag) =	ssettag $0x0;
	lr =	simm.s32 $0x1  }
0x2: {  	[smem:$0x3F9C] =	sst lr;
	_ =	strace $0xD0000000  }
0x3: {  	_ = 	snop  }
0x4: {  	_ = 	snop  }
0x5: {  	_ = 	snop  }
0x6: {  	_ = 	snop  }
0x7: {  	_ = 	snop  }
__scs_overlays_trampoline_lowered:
0x8: {  	[smem:$0x3FAB] =	sst s0  }
0x9: {  	[smem:$0x3FAC] =	sst s1  }
0xa: {  	[smem:$0x3FAD] =	sst s2  }
0xb: {  	[smem:$0x3FAE] =	sst s3  }
0xc: {  	[smem:$0x3FAF] =	sst s4  }
0xd: {  	[smem:$0x3FB0] =	sst s5  }
0xe: {  	[smem:$0x3FB1] =	sst s6  }
0xf: {  	[smem:$0x3FB2] =	sst s7  }
0x10: {  	[smem:$0x3FB3] =	sst s8  }
0x11: {  	[smem:$0x3FB4] =	sst s9;
	s0 =	simm.s32 @!p0 $0x0  }
0x12: {  	s1 =	sld [smem:$0x3F9A];
	s0 =	simm.s32 @p0 $0x1  }
0x13: {  	[smem:$0x3FB5] =	sst s0;
	s0 =	simm.s32 @!p1 $0x0  }
0x14: {  	s2 =	sld [smem:$0x3F99];
	s0 =	simm.s32 @p1 $0x1  }
0x15: {  	[smem:$0x3FB6] =	sst s0;
	s0 =	simm.s32 @!p2 $0x0  }
0x16: {  	s3 =	sld [smem:$0x3FDB];
	s0 =	simm.s32 @p2 $0x1  }
0x17: {  	s4 =	simm.s32 $0x1BF5;
	[smem:$0x3FB8] =	sst s0  }
0x18: {  	s0 =	sld [smem:$0x3F9B];
	_ =	swait.ge [sflag:s4], $0x0  }
0x19: {  	s7 =	sld [smem:$0x3F9C]  }
0x1a: {  	s8 =	sadd.s32 $0xFFFFE003, lr  }
0x1b: {  	s9 =	sadd.s32 $0xFFFFFEF7, lr;
	s5 =	simm.s32 $0xFFFFFFFF;
	p2 =	slt.u32 s8, $0xFFFFF086  }
0x1c: {  	p1 =	slt.u32 s9, $0xF7A;
	s5 =	simm.s32 @!p2 $0x0  }
0x1d: {  	s5 =	simm.s32 @p1 $0x1;
	p0 =	seq.s32 s7, s2  }
0x1e: {  	s7 =	smul.u32 @!p0 $0xF7A, s2;
	p2 =	seq.s32 @!p0 s5, $0x0  }
0x1f: {  	s9 =	smul.u32 $0xF7A, s1;
	s8 =	simm.s32 @!p0 $0x1BF5;
	p2 =	por !p2, p0  }
0x20: {  	[sflag:s8] =	ssyncset.s32 @!p0 $0xFFFFF086;
	s6 =	sadd.s32 @!p0 s3, s7;
	s7 =	simm.s32 @!p0 $0x108  }
0x21: {  	s3 =	sadd.s32 s3, s9;
	s6 =	sadd.s32 @!p0 $0x88, s6;
	s7 =	simm.s32 @p2 $0x1082  }
0x22: {  	[simem:s7], [sflag:s8] =	dma.local @!p0 [hbm:s6], $0xF7A  }
0x23: {  	s9 =	sor.u32 $0xD0000000, s2;
	s6 =	simm.s32 $0x108;
	_ =	swait.ge @!p0 [sflag:s8], $0x0  }
0x24: {  	s3 =	sadd.s32 $0x88, s3;
	s6 =	simm.s32 @!p1 $0x1082;
	[sflag:s4] =	ssyncset.s32 $0xFFFFF086  }
0x25: {  	[simem:s6], [sflag:s4] =	dma.local [hbm:s3], $0xF7A  }
0x26: {  	[smem:$0x3F9C] =	sst s1;
	(tag) =	ssettag s2;
	_ =	strace s9  }
0x27: {  	s1 =	sld [smem:$0x3FAC]  }
0x28: {  	s2 =	sld [smem:$0x3FAD]  }
0x29: {  	s4 =	sld [smem:$0x3FAF]  }
0x2a: {  	p0 =	seq.s32 s5, $0x0;
	s5 =	sld [smem:$0x3FB0]  }
0x2b: {  	s6 =	sld [smem:$0x3FB1]  }
0x2c: {  	s7 =	sld [smem:$0x3FB2]  }
0x2d: {  	s3 =	simm.s32 $0x108;
	s8 =	sld [smem:$0x3FB3]  }
0x2e: {  	s3 =	simm.s32 @!p0 $0x1082;
	s9 =	sld [smem:$0x3FB4]  }
0x2f: {  	lr =	sadd.s32 s0, s3;
	s0 =	sld [smem:$0x3FAB]  }
0x30: {  	s3 =	sld [smem:$0x3FAE]  }
0x31: {  	[smem:$0x3FB7] =	sst s10  }
0x32: {  	s10 =	sld [smem:$0x3FB5];
	_ =	sdelay $0x3  }
0x33: {  	p0 =	seq.s32 s10, $0x1;
	s10 =	sld [smem:$0x3FB7];
	_ =	sdelay $0x3  }
0x34: {  	[smem:$0x3FB7] =	sst s10  }
0x35: {  	s10 =	sld [smem:$0x3FB6];
	_ =	sdelay $0x3  }
0x36: {  	p1 =	seq.s32 s10, $0x1;
	s10 =	sld [smem:$0x3FB7];
	_ =	sdelay $0x3  }
0x37: {  	[smem:$0x3FB7] =	sst s10  }
0x38: {  	s10 =	sld [smem:$0x3FB8]  }
0x39: {  	_ = 	snop;
	(pc) =	sbr.ind lr, $3  }
0x3a: {  	_ = 	snop  }
0x3b: {  	_ = 	snop  }
0x3c: {  	p2 =	seq.s32 s10, $0x1;
	s10 =	sld [smem:$0x3FB7]  }
0x3d: {  	_ =	shalt  }
0x3e: {  	_ =	shalt  }
0x3f: {  	_ =	shalt  }
0x40: {  	_ =	shalt  }
0x41: {  	_ =	shalt  }
0x42: {  	_ =	shalt  }
0x43: {  	_ =	shalt  }
0x44: {  	_ =	shalt  }
0x45: {  	_ =	shalt  }
0x46: {  	_ =	shalt  }
0x47: {  	_ =	shalt  }
0x48: {  	_ =	shalt  }
0x49: {  	_ =	shalt  }
0x4a: {  	_ =	shalt  }
0x4b: {  	_ =	shalt  }
0x4c: {  	_ =	shalt  }
0x4d: {  	_ =	shalt  }
0x4e: {  	_ =	shalt  }
0x4f: {  	_ =	shalt  }
0x50: {  	_ =	shalt  }
0x51: {  	_ =	shalt  }
0x52: {  	_ =	shalt  }
0x53: {  	_ =	shalt  }
0x54: {  	_ =	shalt  }
0x55: {  	_ =	shalt  }
0x56: {  	_ =	shalt  }
0x57: {  	_ =	shalt  }
0x58: {  	_ =	shalt  }
0x59: {  	_ =	shalt  }
0x5a: {  	_ =	shalt  }
0x5b: {  	_ =	shalt  }
0x5c: {  	_ =	shalt  }
0x5d: {  	_ =	shalt  }
0x5e: {  	_ =	shalt  }
0x5f: {  	_ =	shalt  }
0x60: {  	_ =	shalt  }
0x61: {  	_ =	shalt  }
0x62: {  	_ =	shalt  }
0x63: {  	_ =	shalt  }
0x64: {  	_ =	shalt  }
0x65: {  	_ =	shalt  }
0x66: {  	_ =	shalt  }
0x67: {  	_ =	shalt  }
0x68: {  	_ =	shalt  }
0x69: {  	_ =	shalt  }
0x6a: {  	_ =	shalt  }
0x6b: {  	_ =	shalt  }
0x6c: {  	_ =	shalt  }
0x6d: {  	_ =	shalt  }
0x6e: {  	_ =	shalt  }
0x6f: {  	_ =	shalt  }
0x70: {  	_ =	shalt  }
0x71: {  	_ =	shalt  }
0x72: {  	_ =	shalt  }
0x73: {  	_ =	shalt  }
0x74: {  	_ =	shalt  }
0x75: {  	_ =	shalt  }
0x76: {  	_ =	shalt  }
0x77: {  	_ =	shalt  }
0x78: {  	_ =	shalt  }
0x79: {  	_ =	shalt  }
0x7a: {  	_ =	shalt  }
0x7b: {  	_ =	shalt  }
0x7c: {  	_ =	shalt  }
0x7d: {  	_ =	shalt  }
0x7e: {  	_ =	shalt  }
0x7f: {  	_ =	shalt  }
0x80: {  	_ =	shalt  }
0x81: {  	_ =	shalt  }
0x82: {  	_ =	shalt  }
0x83: {  	_ =	shalt  }
0x84: {  	_ =	shalt  }
0x85: {  	_ =	shalt  }
0x86: {  	_ =	shalt  }
0x87: {  	_ =	shalt  }
.Lfunc_end0:
.L_simem_size_0:
called_computation_lowered:
.L_overlay_start_0:
0x88: {  	s2 =	sld [smem:$0x3FD9]  }
0x89: {  	s3 =	sld [smem:$0x3FFE];
	_ =	sdelay $0x1  }
0x8a: {  	s1 =	srdreg.scid  }
0x8b: {  	s0 =	sand.u32 $0x1, s1  }
0x8c: {  	s17 =	sshll.u32 s0, $0xA;
	s2 =	sadd.s32 s3, s2  }
0x8d: {  	s2 =	sadd.s32 s2, s17  }
0x8e: {  	[smem:$0x3FC3] =	sst s2  }
0x8f: {  	_ = 	snop  }
0x90: {  	s2 =	sld [smem:$0x3FD0];
	(tm) =	ssettm $0x1  }
0x91: {  	s18 =	sld [smem:$0x3FFB];
	_ =	sdelay $0x3  }
0x92: {  	_ =	strace s18  }
0x93: {  	s3 =	sld [smem:$0x3FFC];
	_ =	sdelay $0x3  }
0x94: {  	_ =	strace s3  }
0x95: {  	s3 =	sld [smem:$0x3FFD];
	_ =	sdelay $0x3  }
0x96: {  	_ =	strace s3  }
0x97: {  	_ =	strace $0x8FFFFFFF  }
0x98: {  	s19 =	sld [smem:$0x3FDB];
	_ =	sdelay $0x1  }
0x99: {  	s4 =	simm.s32 $_scs_section_size  }
0x9a: {  	s5 =	simm.s32 $_size__tile_overlayer_lowered;
	s6 =	simm.s32 $_tile_overlayer_lowered  }
0x9b: {  	s22 =	simm.s32 $0x1BFF;
	s21 =	sshll.u32 s6, $0x1;
	s3 =	sadd.s32 s4, s19  }
0x9c: {  	s7 =	simm.s32 $0x0;
	s20 =	sshll.u32 s5, $0x1;
	s5 =	sadd.s32 s21, s3  }
0x9d: {  	[timem:s7], [sflag:s22] =	dma.local [hbm:s5], s20  }
0x9e: {  	_ =	swait.ge [sflag:s22], s20  }
0x9f: {  	s4 =	ssub.s32 $0x0, s20;
	[sflag:s22] =	ssyncset.done $0x0  }
0xa0: {  	[sflag:s22] =	ssyncadd.s32 s4;
	_ =	sdelay $0x1  }
0xa1: {  	s23 =	simm.s32 $0x1B8B  }
0xa2: {  	_ =	swait.ge [sflag:s23], $0x1  }
0xa3: {  	[sflag:s23] =	ssyncset.done $0x0  }
0xa4: {  	s25 =	simm.s32 $0x1B8E;
	s24 =	sld [smem:$0x3FFE];
	[sflag:s23] =	ssyncadd.s32 $0xFFFFFFFF  }
0xa5: {  	s26 =	simm.s32 $execute0_lowered;
	[smem:$0x3FD2] =	sst s25  }
0xa6: {  	s5 =	sshll.u32 s26, $0x1;
	_ =	strace $0x80000046;
	[dreg:$0x1] =	wrdreg $0xFFFFFFFF  }
0xa7: {  	s28 =	simm.s32 $_size_execute0_lowered;
	s3 =	sadd.s32 s3, s5;
	[dreg:$0x0] =	wrdreg $0x0  }
0xa8: {  	s5 =	sshll.u32 s28, $0x1;
	[dreg:$0x2] =	wrdreg s3  }
0xa9: {  	[dreg:$0x3] =	wrdreg s5  }
0xaa: {  	[dreg:$0x4] =	wrdreg $0xC0  }
0xab: {  	_ =	task [dreg:s7], $0x5FFFF  }
0xac: {  	[dreg:$0x1] =	wrdreg $0xFFFFFFFF  }
0xad: {  	[dreg:$0x0] =	wrdreg $0x60  }
0xae: {  	[dreg:$0x2] =	wrdreg s24  }
0xaf: {  	[dreg:$0x3] =	wrdreg s2  }
0xb0: {  	[dreg:$0x4] =	wrdreg $0x80000  }
0xb1: {  	[dreg:$0x5] =	wrdreg $0x9  }
0xb2: {  	_ =	task.clear_ibuf [dreg:s7], $0x6FFFF;
	_ =	strace $0x90000046  }
0xb3: {  	s29 =	simm.s32 $0x9;
	_ =	strace $0x80000048  }
0xb4: {  	_ =	swait.ge [sflag:s29], $0x1  }
0xb5: {  	[sflag:s29] =	ssyncadd.s32 $0xFFFFFFFF  }
0xb6: {  	_ =	strace $0x90000048  }
0xb7: {  	_ =	sfence  }
0xb8: {  	s30 =	sld [smem:$0x0];
	_ =	sdelay $0x2  }
0xb9: {  	s31 =	sshll.u32 s1, $0xD;
	s1 =	sshrl.u32 s1, $0x2  }
0xba: {  	s3 =	sand.u32 $0x4000, s31;
	s1 =	sadd.s32 s1, s30  }
0xbb: {  	s0 =	sor.u32 s3, s0;
	s1 =	sshll.u32 s1, $0x11  }
0xbc: {  	s0 =	sor.u32 s1, s0  }
0xbd: {  	s0 =	sadd.s32 $0x8F2B, s0  }
0xbe: {  	[sflag:s0] =	ssyncadd.remote.s32 $0x1  }
0xbf: {  	_ =	sfence.sel $0xFFFF  }
0xc0: {  	[dreg:$0x0] =	wrdreg $0xFFFFFFFF;
	(pc) =	sbr.abs _section_cstart, $3  }
0xc1: {  	[dreg:$0x1] =	wrdreg $0xFFFFFFFF  }
0xc2: {  	_ =	task.clear_ibuf [dreg:s7], $0x2FFFF;
	_ =	strace $0x9FFFFFFF  }
0xc3: {  	(tm) =	ssettm $0x7FFFFFFF  }
tec
execute0_lowered:
.L_overlay_start_1:
0x0: {  	(tag) =	ssettag $0x1  }
0x1: {  	s0 =	rddreg [dreg:$0x0]  }
0x2: {  	s1 =	rddreg [dreg:$0x1]  }
0x3: {  	s2 =	rddreg [dreg:$0x2];
	s3 =	simm.s32 $0x0;
	s11 =	stileid.u32  }
0x4: {  	s5 =	srdreg.scid;
	s16 =	simm.s32 $0x7;
	s17 =	simm.s32 $0x40  }
0x5: {  	s28 =	simm.s32 $0x7800;
	s29 =	simm.s32 $0x5;
	s30 =	simm.s32 $0x6  }
0x6: {  	s31 =	simm.s32 $0x0;
	[smem:$0x7FF] =	sst s3;
	s4 =	smul.u32 $0x2800, s11  }
0x7: {  	s7 =	sand.u32 $0x1, s5;
	s9 =	sshll.u32 s11, $0x1;
	s10 =	smul.u32 $0x50000, s11  }
0x8: {  	s5 =	sadd.s32 $0xC9A00, s0;
	s20 =	sshll.u32 s11, $0x6;
	_ =	strace $0x80000047  }
0x9: {  	s8 =	ssub.s32 $0x2, s7;
	s7 =	sor.u32 s7, s9;
	s22 =	sor.u32 $0x1C07, s20  }
0xa: {  	s20 =	simm.s32 $0x4800;
	s6 =	sadd.s32 s4, s0;
	s9 =	smul.u32 $0x500, s7  }
0xb: {  	s4 =	sadd.s32 $0x1A00, s0;
	s18 =	sshrl.u32 s8, $0x1;
	s21 =	smul.u32 $0x5000, s7  }
0xc: {  	s19 =	sshrl.u32 s10, $0x2;
	[dreg:$0x5] =	wrdreg s22;
	s23 =	smul.u32 $0xA000, s7  }
0xd: {  	s12 =	smul.u32 $0x50000, s7;
	s22 =	simm.s32 $0x1;
	s6 =	sadd.s32 $0xA1A00, s6  }
0xe: {  	s0 =	ssub.s32 s8, s18;
	s8 =	sadd.s32 s19, s2;
	[dreg:$0x4] =	wrdreg s6  }
0xf: {  	s1 =	sadd.s32 s1, s9;
	s9 =	smul.u32 $0xA0, s7;
	s10 =	sadd.s32 s4, s21  }
.Ltmp0:
0x10: {  	s25 =	sadd.s32 s23, s5;
	s0 =	smax.u32 s0, $0x1;
	(pc) =	sbr.rel .LBB2_1-.Ltmp0, $4  }
0x11: {  	s26 =	sshrl.u32 s8, $0x3;
	s21 =	simm.s32 $0x6C00;
	[dreg:$0x6] =	wrdreg s1  }
0x12: {  	s23 =	simm.s32 $0x3;
	s24 =	sadd.s32 $0x80, s10;
	[dreg:$0x8] =	wrdreg s0  }
0x13: {  	s14 =	sadd.s32 $0x100, s25;
	[dreg:$0x9] =	wrdreg s26;
	s25 =	simm.s32 $0x2  }
0x14: {  	s26 =	simm.s32 $0x4;
	[dreg:$0x7] =	wrdreg s24;
	s24 =	simm.s32 $0x7000  }
.LBB2_24:
0x15: {  	_ =	swait.ge [sflag:s29], $0x800  }
0x16: {  	[sflag:s29] =	ssyncset.done $0x0  }
0x17: {  	[sflag:s29] =	ssyncadd.s32 $0xFFFFF800  }
0x18: {  	_ =	swait.ge [sflag:s30], $0x800  }
0x19: {  	s31 =	sadd.s32 $0x1, s31;
	s0 =	rddreg [dreg:$0x8]  }
0x1a: {  	p0 =	sne.s32 s31, s0  }
.Ltmp1:
0x1b: {  	_ = 	snop;
	(pc) =	sbr.rel @!p0 .LBB2_25-.Ltmp1, $3  }
0x1c: {  	_ =	sdelay $0x1  }
0x1d: {  	[sflag:s30] =	ssyncset.done $0x0  }
0x1e: {  	[sflag:s30] =	ssyncadd.s32 $0xFFFFF800  }
.LBB2_1:
0x1f: {  	s0 =	rddreg [dreg:$0x4]  }
0x20: {  	s1 =	rddreg [dreg:$0x5]  }
0x21: {  	s6 =	rddreg [dreg:$0x9]  }
0x22: {  	[spmem:s6], [sflag:s1] =	dma.local [hbm:s0], $0x2800  }
0x23: {  	_ =	swait.ge [sflag:s16], $0x2800  }
0x24: {  	[sflag:s16] =	ssyncset.done $0x0  }
0x25: {  	[sflag:s16] =	ssyncadd.s32 $0xFFFFD800  }
0x26: {  	[bflag:$0x0] =	sbarrier.arrive $0xFFFF  }
0x27: {  	s13 =	rddreg [dreg:$0x6]  }
0x28: {  	[tilespmem:s3], [sflag:$0x7] =	stream.linear.gather [hbm4b:s13+s3], $0x2800, $0x38;
	[tilespmem:$0x1C000] =	vst v63  }
0x29: {  	_ =	swait.ge [sflag:s16], $0x2800  }
0x2a: {  	[sflag:s16] =	ssyncset.done $0x0  }
0x2b: {  	s15 =	simm.s32 $0x2800;
	[sflag:s16] =	ssyncadd.s32 $0xFFFFD800  }
0x2c: {  	[tilespmem:s15], [sflag:$0x1] =	stream.indirect.gather [spmem:s2], $0x80, s3, s17, $0xb8;
	[tilespmem:$0x1C000] =	vst v63  }
0x2d: {  	s18 =	simm.s32 $0x6800  }
0x2e: {  	[tilespmem:s18], [sflag:$0x3] =	stream.linear.gather [hbm4b:s10+s3], $0x400, $0x38;
	[tilespmem:$0x1C000] =	vst v63  }
0x2f: {  	_ = 	snop  }
0x30: {  	[tilespmem:s20], [sflag:$0x2] =	stream.indirect.gather [spmem:s2], $0x80, s17, s17, $0xb8;
	[tilespmem:$0x1C000] =	vst v63  }
0x31: {  	s0 =	simm.s32 $0x0;
	s19 =	rddreg [dreg:$0x7]  }
0x32: {  	[tilespmem:s21], [sflag:$0x4] =	stream.linear.gather [hbm4b:s19+s3], $0x400, $0x38;
	[tilespmem:$0x1C000] =	vst v63  }
.LBB2_2:
0x33: {  	p0 =	seq.s32 s0, $0x0  }
0x34: {  	s1 =	simm.s32 @!p0 $0x5  }
0x35: {  	_ =	swait.ge @!p0 [sflag:s1], $0x800  }
0x36: {  	[sflag:s1] =	ssyncset.done @!p0 $0x0  }
0x37: {  	[sflag:s1] =	ssyncadd.s32 @!p0 $0xFFFFF800  }
0x38: {  	_ =	swait.ge [sflag:s22], $0x2000  }
0x39: {  	[sflag:s22] =	ssyncset.done $0x0  }
0x3a: {  	[sflag:s22] =	ssyncadd.s32 $0xFFFFE000  }
0x3b: {  	_ =	swait.ge [sflag:s23], $0x400  }
0x3c: {  	s18 =	simm.s32 $0x0;
	p1 =	por $0x1, $0x1;
	[sflag:s23] =	ssyncset.done $0x0  }
0x3d: {  	s6 =	simm.s32 $0x0;
	s1 =	sshll.u32 s0, $0x1;
	[sflag:s23] =	ssyncadd.s32 $0xFFFFFC00  }
.LBB2_3:
0x3e: {  	v3 =	vmov s18  }
0x3f: {  	v11 =	vimm.f32 $0.0e+00;
	v43 =	vimm.f32 $0.0e+00;
	v9 =	vimm.f32 $0.0e+00  }
0x40: {  	s7 =	sshll.u32 s6, $0x5;
	v41 =	vimm.f32 $0.0e+00;
	v22 =	vimm.f32 $0.0e+00;
	v39 =	vimm.f32 $0.0e+00  }
0x41: {  	v40 =	vimm.f32 $0.0e+00;
	v23 =	vimm.f32 $0.0e+00;
	v38 =	vimm.f32 $0.0e+00;
	v0 =	vld [tilespmem:s7+$0x6800]  }
0x42: {  	v29 =	vimm.f32 $0.0e+00;
	v10 =	vimm.f32 $0.0e+00;
	v18 =	vimm.f32 $0.0e+00;
	v1 =	vld [tilespmem:s7+$0x6900]  }
0x43: {  	s8 =	sshll.u32 s6, $0xE;
	v4 =	vimm.f32 $0.0e+00;
	v14 =	vimm.f32 $0.0e+00;
	v5 =	vimm.f32 $0.0e+00;
	v2 =	vld [tilespmem:s7+$0x6980]  }
0x44: {  	v36 =	vimm.f32 $0.0e+00;
	v35 =	vimm.f32 $0.0e+00;
	v31 =	vimm.f32 $0.0e+00;
	v6 =	vld [tilespmem:s7+$0x6B80];
	s19 =	sshra.s32 s8, $0x2  }
0x45: {  	v34 =	vimm.f32 $0.0e+00;
	v33 =	vimm.f32 $0.0e+00;
	v7 =	vimm.f32 $0.0e+00;
	v8 =	vld [tilespmem:s7+$0x6B00];
	s8 =	sadd.s32 $0x2820, s19  }
0x46: {  	v30 =	vimm.f32 $0.0e+00;
	v28 =	vimm.f32 $0.0e+00;
	v3 =	vand.u32 $0xF, v3;
	v13 =	vld [tilespmem:s8+$0xFFFFFFE0]  }
0x47: {  	v15 =	vimm.f32 $0.0e+00;
	v19 =	vimm.f32 $0.0e+00;
	v27 =	vbroadcast v3, $0x0;
	v12 =	vld [tilespmem:s8+$0xFFFFFFF0]  }
0x48: {  	v26 =	vimm.f32 $0.0e+00;
	v16 =	vimm.f32 $0.0e+00;
	v24 =	vimm.f32 $0.0e+00;
	v42 =	vld [tilespmem:s7+$0x6880]  }
0x49: {  	v25 =	vimm.f32 $0.0e+00;
	v45 =	vld [tilespmem:s8+$0x0];
	v50 =	vperm.xlane v0, v27;
	v47 =	vperm.xlane v6, v27  }
0x4a: {  	v21 =	vimm.f32 $0.0e+00;
	v32 =	vld [tilespmem:s8+$0x10];
	v49 =	vperm.xlane v1, v27;
	v46 =	vperm.xlane v8, v27  }
0x4b: {  	v20 =	vimm.f32 $0.0e+00;
	v37 =	vld [tilespmem:s7+$0x6A00];
	v48 =	vperm.xlane v2, v27;
	v17 =	vmul.f32 v13, v50  }
0x4c: {  	p0 =	por p1, p1;
	s11 =	simm.s32 $0x1;
	v44 =	vld [tilespmem:s7+$0x6A80];
	v3 =	vimm.f32 $0.0e+00;
	v52 =	vmul.f32 v13, v49;
	v51 =	vmul.f32 v12, v47  }
.LBB2_4:
0x4d: {  	p1 =	sne.s32 s11, $0xF  }
0x4e: {  	v11 =	vadd.f32 v17, v11;
	v17 =	vmul.f32 v12, v50;
	v53 =	vmul.f32 v45, v49;
	s8 =	sadd.s32 $0x80, s8;
	s13 =	smov.u32 s11;
	s11 =	sadd.s32 $0x1, s11  }
0x4f: {  	v54 =	vmul.f32 v13, v47;
	v43 =	vadd.f32 v52, v43;
	v52 =	vmul.f32 v32, v49  }
0x50: {  	v55 =	vmul.f32 v45, v50;
	v9 =	vadd.f32 v53, v9;
	v53 =	vmul.f32 v12, v48  }
0x51: {  	v56 =	vmul.f32 v32, v47;
	v41 =	vadd.f32 v52, v41;
	v52 =	vmul.f32 v32, v48  }
0x52: {  	v50 =	vmul.f32 v32, v50;
	v39 =	vadd.f32 v51, v39;
	v22 =	vadd.f32 v53, v22  }
0x53: {  	v40 =	vadd.f32 v17, v40;
	v17 =	vmul.f32 v45, v48;
	v23 =	vadd.f32 v56, v23  }
0x54: {  	v51 =	vmul.f32 v12, v46;
	v38 =	vadd.f32 v55, v38;
	v29 =	vadd.f32 v54, v29  }
0x55: {  	v49 =	vmul.f32 v12, v49;
	v53 =	vperm.xlane v42, v27;
	v10 =	vadd.f32 v52, v10  }
0x56: {  	v47 =	vmul.f32 v45, v47;
	v18 =	vadd.f32 v50, v18;
	v52 =	vperm.xlane v44, v27  }
0x57: {  	v48 =	vmul.f32 v13, v48;
	v4 =	vadd.f32 v51, v4;
	v50 =	vmul.f32 v45, v46  }
0x58: {  	v54 =	vmul.f32 v32, v46;
	v3 =	vadd.f32 v47, v3;
	v51 =	vmul.f32 v12, v52  }
0x59: {  	v14 =	vadd.f32 v17, v14;
	v17 =	vmul.f32 v13, v46;
	v47 =	vmul.f32 v45, v53  }
0x5a: {  	v36 =	vadd.f32 v54, v36;
	v5 =	vadd.f32 v48, v5;
	v46 =	vmul.f32 v32, v53  }
0x5b: {  	v35 =	vadd.f32 v49, v35;
	v48 =	vperm.xlane v37, v27;
	v27 =	vmul.f32 v13, v53  }
0x5c: {  	v49 =	vmul.f32 v12, v53;
	v31 =	vadd.f32 v46, v31;
	v46 =	vmul.f32 v45, v52  }
0x5d: {  	v53 =	vmul.f32 v13, v52;
	v34 =	vadd.f32 v47, v34;
	v47 =	vmul.f32 v45, v48  }
0x5e: {  	v7 =	vadd.f32 v50, v7;
	v33 =	vadd.f32 v49, v33;
	v49 =	vmul.f32 v32, v52  }
0x5f: {  	v50 =	vmul.f32 v13, v48;
	v45 =	vmov s13;
	v30 =	vadd.f32 v27, v30  }
0x60: {  	v28 =	vadd.f32 v17, v28;
	v52 =	vmul.f32 v12, v48;
	v27 =	vand.u32 $0xF, v45;
	v13 =	vld [tilespmem:s8+$0xFFFFFFE0]  }
0x61: {  	v15 =	vadd.f32 v50, v15;
	v27 =	vbroadcast v27, $0x0;
	v19 =	vadd.f32 v46, v19;
	v12 =	vld [tilespmem:s8+$0xFFFFFFF0]  }
.Ltmp2:
0x62: {  	v54 =	vmul.f32 v32, v48;
	v26 =	vadd.f32 v47, v26;
	v16 =	vadd.f32 v49, v16;
	v45 =	vld [tilespmem:s8+$0x0];
	(pc) =	sbr.rel @p1 .LBB2_4-.Ltmp2, $4  }
0x63: {  	v24 =	vadd.f32 v52, v24;
	v50 =	vperm.xlane v0, v27;
	v47 =	vperm.xlane v6, v27;
	v32 =	vld [tilespmem:s8+$0x10]  }
0x64: {  	v25 =	vadd.f32 v51, v25;
	v49 =	vperm.xlane v1, v27;
	v46 =	vperm.xlane v8, v27  }
0x65: {  	v21 =	vadd.f32 v53, v21;
	v48 =	vperm.xlane v2, v27;
	v17 =	vmul.f32 v13, v50  }
0x66: {  	v20 =	vadd.f32 v54, v20;
	v52 =	vmul.f32 v13, v49;
	v51 =	vmul.f32 v12, v47  }
0x67: {  	v0 =	vmul.f32 v12, v50;
	v1 =	vmul.f32 v45, v49  }
0x68: {  	v62 =	vmul.f32 v13, v47;
	v63 =	vmul.f32 v45, v50  }
0x69: {  	v57 =	vmul.f32 v45, v48;
	v58 =	vmul.f32 v12, v46  }
0x6a: {  	v42 =	vperm.xlane v42, v27;
	v59 =	vmul.f32 v12, v49  }
0x6b: {  	v44 =	vperm.xlane v44, v27;
	v60 =	vmul.f32 v13, v48  }
0x6c: {  	v61 =	vmul.f32 v45, v46;
	v54 =	vperm.xlane v37, v27  }
0x6d: {  	v17 =	vadd.f32 v17, v11;
	v2 =	vmul.f32 v32, v49;
	v55 =	vmul.f32 v32, v48  }
0x6e: {  	v11 =	vadd.f32 v52, v43;
	v56 =	vmul.f32 v32, v50;
	v52 =	vmul.f32 v13, v46  }
0x6f: {  	v9 =	vadd.f32 v1, v9;
	v1 =	vmul.f32 v12, v48;
	v4 =	vadd.f32 v58, v4  }
0x70: {  	v14 =	vadd.f32 v57, v14;
	v53 =	vmul.f32 v32, v42;
	v57 =	vmul.f32 v45, v44  }
0x71: {  	s8 =	simm.s32 $0x0;
	v27 =	vadd.f32 v59, v35;
	v58 =	vmul.f32 v45, v54;
	v59 =	vmul.f32 v13, v44  }
0x72: {  	v7 =	vadd.f32 v61, v7;
	v61 =	vmov s8;
	v8 =	vadd.f32 v2, v41  }
0x73: {  	v2 =	vmul.f32 v32, v47;
	v10 =	vadd.f32 v55, v10;
	v6 =	vadd.f32 v1, v22  }
0x74: {  	v55 =	vmul.f32 v13, v42;
	v1 =	vadd.f32 v51, v39;
	v22 =	vadd.f32 v0, v40  }
0x75: {  	v37 =	vand.u32 $0xF, v61;
	v31 =	vadd.f32 v53, v31;
	v26 =	vadd.f32 v58, v26  }
0x76: {  	v43 =	vld [tilespmem:s7+$0x6990];
	v39 =	vbroadcast v37, $0x0;
	v0 =	vadd.f32 v2, v23;
	v2 =	vadd.f32 v62, v29  }
0x77: {  	v41 =	vld [tilespmem:s7+$0x6910];
	v29 =	vadd.f32 v56, v18;
	v18 =	vmul.f32 v45, v47;
	v47 =	vmul.f32 v12, v44  }
0x78: {  	v40 =	vld [tilespmem:s7+$0x6810];
	v23 =	vadd.f32 v63, v38;
	v62 =	vmul.f32 v32, v46;
	v63 =	vmul.f32 v45, v42  }
0x79: {  	v56 =	vmul.f32 v12, v42;
	v38 =	vadd.f32 v55, v30;
	v30 =	vmul.f32 v13, v54;
	v45 =	vld [tilespmem:s7+$0x6B10]  }
0x7a: {  	s11 =	sadd.s32 $0x3030, s19;
	v3 =	vadd.f32 v18, v3;
	v18 =	vadd.f32 v60, v5;
	v60 =	vmul.f32 v32, v44;
	v44 =	vld [tilespmem:s7+$0x6B90]  }
0x7b: {  	v13 =	vadd.f32 v52, v28;
	v5 =	vadd.f32 v62, v36;
	v62 =	vmul.f32 v12, v54;
	v12 =	vld [tilespmem:s11+$0xFFFFFFD0]  }
0x7c: {  	v48 =	vperm.xlane v43, v39;
	v28 =	vadd.f32 v30, v15;
	v15 =	vadd.f32 v57, v19;
	v19 =	vld [tilespmem:s11+$0xFFFFFFE0]  }
0x7d: {  	v46 =	vld [tilespmem:s7+$0x6890];
	v34 =	vadd.f32 v63, v34;
	v63 =	vmul.f32 v32, v54;
	v30 =	vadd.f32 v62, v24  }
0x7e: {  	v50 =	vperm.xlane v40, v39;
	v24 =	vadd.f32 v47, v25;
	v25 =	vadd.f32 v59, v21;
	v21 =	vld [tilespmem:s11+$0xFFFFFFF0]  }
0x7f: {  	v49 =	vperm.xlane v41, v39;
	v32 =	vadd.f32 v63, v20;
	v20 =	vld [tilespmem:s11+$0x0];
	v37 =	vperm.xlane v44, v39  }
0x80: {  	v35 =	vadd.f32 v56, v33;
	v36 =	vld [tilespmem:s7+$0x6A10];
	v42 =	vperm.xlane v45, v39;
	v52 =	vmul.f32 v12, v50  }
0x81: {  	s13 =	simm.s32 $0x1;
	s8 =	sor.u32 $0x10, s7;
	v33 =	vld [tilespmem:s7+$0x6A90];
	v16 =	vadd.f32 v60, v16;
	v51 =	vmul.f32 v12, v49;
	v47 =	vmul.f32 v19, v37  }
.LBB2_6:
0x82: {  	p1 =	sne.s32 s13, $0xF  }
0x83: {  	v17 =	vadd.f32 v52, v17;
	v52 =	vmul.f32 v19, v50;
	v53 =	vmul.f32 v21, v49;
	s11 =	sadd.s32 $0x80, s11;
	s15 =	smov.u32 s13;
	s13 =	sadd.s32 $0x1, s13  }
0x84: {  	v54 =	vmul.f32 v12, v37;
	v11 =	vadd.f32 v51, v11;
	v51 =	vmul.f32 v20, v49  }
0x85: {  	v55 =	vmul.f32 v21, v50;
	v9 =	vadd.f32 v53, v9;
	v53 =	vmul.f32 v19, v48  }
0x86: {  	v56 =	vmul.f32 v20, v37;
	v8 =	vadd.f32 v51, v8;
	v51 =	vmul.f32 v20, v48  }
0x87: {  	v50 =	vmul.f32 v20, v50;
	v1 =	vadd.f32 v47, v1;
	v6 =	vadd.f32 v53, v6  }
0x88: {  	v47 =	vmul.f32 v21, v48;
	v22 =	vadd.f32 v52, v22;
	v0 =	vadd.f32 v56, v0  }
0x89: {  	v23 =	vadd.f32 v55, v23;
	v52 =	vmul.f32 v19, v42;
	v2 =	vadd.f32 v54, v2  }
0x8a: {  	v49 =	vmul.f32 v19, v49;
	v53 =	vperm.xlane v46, v39;
	v10 =	vadd.f32 v51, v10  }
0x8b: {  	v37 =	vmul.f32 v21, v37;
	v29 =	vadd.f32 v50, v29;
	v51 =	vperm.xlane v33, v39  }
0x8c: {  	v48 =	vmul.f32 v12, v48;
	v50 =	vmul.f32 v21, v42;
	v4 =	vadd.f32 v52, v4  }
0x8d: {  	v54 =	vmul.f32 v20, v42;
	v3 =	vadd.f32 v37, v3;
	v52 =	vmul.f32 v19, v51  }
0x8e: {  	v14 =	vadd.f32 v47, v14;
	v42 =	vmul.f32 v12, v42;
	v37 =	vmul.f32 v21, v53  }
0x8f: {  	v5 =	vadd.f32 v54, v5;
	v18 =	vadd.f32 v48, v18;
	v47 =	vmul.f32 v20, v53  }
0x90: {  	v27 =	vadd.f32 v49, v27;
	v48 =	vperm.xlane v36, v39;
	v39 =	vmul.f32 v12, v53  }
0x91: {  	v49 =	vmul.f32 v19, v53;
	v31 =	vadd.f32 v47, v31;
	v47 =	vmul.f32 v21, v51  }
0x92: {  	v53 =	vmul.f32 v12, v51;
	v34 =	vadd.f32 v37, v34;
	v37 =	vmul.f32 v21, v48  }
0x93: {  	v7 =	vadd.f32 v50, v7;
	v35 =	vadd.f32 v49, v35;
	v49 =	vmul.f32 v20, v51  }
0x94: {  	v50 =	vmul.f32 v12, v48;
	v21 =	vmov s15;
	v38 =	vadd.f32 v39, v38  }
0x95: {  	v13 =	vadd.f32 v42, v13;
	v51 =	vmul.f32 v19, v48;
	v21 =	vand.u32 $0xF, v21;
	v12 =	vld [tilespmem:s11+$0xFFFFFFD0]  }
0x96: {  	v28 =	vadd.f32 v50, v28;
	v39 =	vbroadcast v21, $0x0;
	v15 =	vadd.f32 v47, v15;
	v19 =	vld [tilespmem:s11+$0xFFFFFFE0]  }
.Ltmp3:
0x97: {  	v54 =	vmul.f32 v20, v48;
	v26 =	vadd.f32 v37, v26;
	v16 =	vadd.f32 v49, v16;
	v21 =	vld [tilespmem:s11+$0xFFFFFFF0];
	(pc) =	sbr.rel @p1 .LBB2_6-.Ltmp3, $4  }
0x98: {  	v30 =	vadd.f32 v51, v30;
	v50 =	vperm.xlane v40, v39;
	v37 =	vperm.xlane v44, v39;
	v20 =	vld [tilespmem:s11+$0x0]  }
0x99: {  	v24 =	vadd.f32 v52, v24;
	v49 =	vperm.xlane v41, v39;
	v42 =	vperm.xlane v45, v39  }
0x9a: {  	v25 =	vadd.f32 v53, v25;
	v48 =	vperm.xlane v43, v39;
	v52 =	vmul.f32 v12, v50  }
0x9b: {  	v32 =	vadd.f32 v54, v32;
	v51 =	vmul.f32 v12, v49;
	v47 =	vmul.f32 v19, v37  }
0x9c: {  	v17 =	vadd.f32 v52, v17;
	s6 =	sshll.u32 s6, $0xA  }
0x9d: {  	v40 =	vmul.f32 v19, v50;
	s6 =	sand.u32 $0x3FFFFC00, s6;
	v11 =	vadd.f32 v51, v11  }
0x9e: {  	v41 =	vmul.f32 v21, v50;
	v43 =	vperm.xlane v46, v39;
	v1 =	vadd.f32 v47, v1;
	[tilespmem:s6+$0x7000] =	vst v17  }
0x9f: {  	v44 =	vmul.f32 v20, v50;
	v22 =	vadd.f32 v40, v22;
	[tilespmem:s6+$0x7100] =	vst v11  }
0xa0: {  	v23 =	vadd.f32 v41, v23;
	v63 =	vmul.f32 v12, v43;
	[tilespmem:s6+$0x7390] =	vst v1  }
0xa1: {  	v17 =	vadd.f32 v44, v29;
	v29 =	vmul.f32 v19, v43;
	[tilespmem:s6+$0x7010] =	vst v22  }
0xa2: {  	v11 =	vmul.f32 v19, v48;
	v38 =	vadd.f32 v63, v38;
	[tilespmem:s6+$0x7020] =	vst v23  }
0xa3: {  	v22 =	vmul.f32 v21, v43;
	v29 =	vadd.f32 v29, v35;
	[tilespmem:s6+$0x7030] =	vst v17  }
0xa4: {  	v23 =	vmul.f32 v20, v43;
	v6 =	vadd.f32 v11, v6;
	[tilespmem:s6+$0x7080] =	vst v38  }
0xa5: {  	v17 =	vadd.f32 v22, v34;
	v22 =	vmul.f32 v19, v49;
	[tilespmem:s6+$0x7090] =	vst v29  }
0xa6: {  	v23 =	vadd.f32 v23, v31;
	v29 =	vmul.f32 v21, v49;
	[tilespmem:s6+$0x7190] =	vst v6  }
0xa7: {  	[tilespmem:s6+$0x70A0] =	vst v17;
	v17 =	vmul.f32 v20, v49;
	v22 =	vadd.f32 v22, v27  }
0xa8: {  	[tilespmem:s6+$0x70B0] =	vst v23;
	v23 =	vmul.f32 v12, v48;
	v9 =	vadd.f32 v29, v9  }
0xa9: {  	v8 =	vadd.f32 v17, v8;
	[tilespmem:s6+$0x7110] =	vst v22;
	v17 =	vmul.f32 v21, v48;
	v22 =	vperm.xlane v36, v39  }
0xaa: {  	v18 =	vadd.f32 v23, v18;
	[tilespmem:s6+$0x7120] =	vst v9;
	v9 =	vmul.f32 v20, v48  }
0xab: {  	[tilespmem:s6+$0x7130] =	vst v8;
	v8 =	vadd.f32 v17, v14;
	v11 =	vmul.f32 v12, v22  }
0xac: {  	[tilespmem:s6+$0x7180] =	vst v18;
	v14 =	vmul.f32 v21, v22;
	v9 =	vadd.f32 v9, v10  }
0xad: {  	v6 =	vperm.xlane v33, v39;
	v10 =	vmul.f32 v19, v22;
	v11 =	vadd.f32 v11, v28;
	[tilespmem:s6+$0x71A0] =	vst v8  }
0xae: {  	v8 =	vmul.f32 v20, v22;
	v14 =	vadd.f32 v14, v26;
	[tilespmem:s6+$0x71B0] =	vst v9  }
0xaf: {  	v10 =	vadd.f32 v10, v30;
	v9 =	vmul.f32 v12, v6;
	[tilespmem:s6+$0x7200] =	vst v11  }
0xb0: {  	v11 =	vmul.f32 v19, v6;
	v8 =	vadd.f32 v8, v32;
	[tilespmem:s6+$0x7220] =	vst v14  }
0xb1: {  	[tilespmem:s6+$0x7210] =	vst v10;
	v10 =	vmul.f32 v21, v6;
	v9 =	vadd.f32 v9, v25  }
0xb2: {  	v6 =	vmul.f32 v20, v6;
	v11 =	vadd.f32 v11, v24;
	[tilespmem:s6+$0x7230] =	vst v8  }
0xb3: {  	v8 =	vmul.f32 v12, v42;
	v10 =	vadd.f32 v10, v15;
	[tilespmem:s6+$0x7280] =	vst v9  }
0xb4: {  	v9 =	vmul.f32 v19, v42;
	v6 =	vadd.f32 v6, v16;
	[tilespmem:s6+$0x7290] =	vst v11  }
0xb5: {  	v11 =	vmul.f32 v21, v42;
	v8 =	vadd.f32 v8, v13;
	[tilespmem:s6+$0x72A0] =	vst v10  }
0xb6: {  	v4 =	vadd.f32 v9, v4;
	v9 =	vmul.f32 v20, v42;
	[tilespmem:s6+$0x72B0] =	vst v6  }
0xb7: {  	v6 =	vmul.f32 v12, v37;
	v7 =	vadd.f32 v11, v7;
	[tilespmem:s6+$0x7300] =	vst v8  }
0xb8: {  	v5 =	vadd.f32 v9, v5;
	[tilespmem:s6+$0x7310] =	vst v4;
	v4 =	vmul.f32 v21, v37  }
0xb9: {  	v2 =	vadd.f32 v6, v2;
	v6 =	vmul.f32 v20, v37;
	[tilespmem:s6+$0x7320] =	vst v7  }
0xba: {  	[tilespmem:s6+$0x7330] =	vst v5;
	v3 =	vadd.f32 v4, v3  }
0xbb: {  	v41 =	vimm.f32 $0.0e+00;
	[tilespmem:s6+$0x7380] =	vst v2;
	v0 =	vadd.f32 v6, v0  }
0xbc: {  	v40 =	vimm.f32 $0.0e+00;
	v43 =	vimm.f32 $0.0e+00;
	v35 =	vimm.f32 $0.0e+00;
	[tilespmem:s6+$0x73A0] =	vst v3  }
0xbd: {  	v38 =	vimm.f32 $0.0e+00;
	v34 =	vimm.f32 $0.0e+00;
	v33 =	vimm.f32 $0.0e+00;
	[tilespmem:s6+$0x73B0] =	vst v0  }
0xbe: {  	v29 =	vimm.f32 $0.0e+00;
	v23 =	vimm.f32 $0.0e+00;
	v39 =	vimm.f32 $0.0e+00;
	v0 =	vld [tilespmem:s7+$0x6800]  }
0xbf: {  	v36 =	vimm.f32 $0.0e+00;
	v18 =	vimm.f32 $0.0e+00;
	v17 =	vimm.f32 $0.0e+00;
	v1 =	vld [tilespmem:s7+$0x6900]  }
0xc0: {  	v28 =	vimm.f32 $0.0e+00;
	v26 =	vimm.f32 $0.0e+00;
	v22 =	vimm.f32 $0.0e+00;
	v2 =	vld [tilespmem:s7+$0x6980]  }
0xc1: {  	s13 =	simm.s32 $0x0;
	v30 =	vimm.f32 $0.0e+00;
	v14 =	vimm.f32 $0.0e+00;
	v32 =	vimm.f32 $0.0e+00;
	v6 =	vld [tilespmem:s7+$0x6B80]  }
0xc2: {  	s11 =	sadd.s32 $0x2870, s19;
	v25 =	vimm.f32 $0.0e+00;
	v24 =	vimm.f32 $0.0e+00;
	v3 =	vmov s13;
	v8 =	vld [tilespmem:s7+$0x6B00]  }
0xc3: {  	v15 =	vimm.f32 $0.0e+00;
	v19 =	vimm.f32 $0.0e+00;
	v3 =	vand.u32 $0xF, v3;
	v13 =	vld [tilespmem:s11+$0xFFFFFFD0]  }
0xc4: {  	v10 =	vimm.f32 $0.0e+00;
	v11 =	vimm.f32 $0.0e+00;
	v12 =	vld [tilespmem:s11+$0xFFFFFFE0];
	v27 =	vbroadcast v3, $0x0  }
0xc5: {  	v9 =	vimm.f32 $0.0e+00;
	v21 =	vimm.f32 $0.0e+00;
	v20 =	vimm.f32 $0.0e+00;
	v42 =	vld [tilespmem:s7+$0x6880]  }
0xc6: {  	v7 =	vimm.f32 $0.0e+00;
	v45 =	vld [tilespmem:s11+$0xFFFFFFF0];
	v50 =	vperm.xlane v0, v27;
	v47 =	vperm.xlane v6, v27  }
0xc7: {  	v4 =	vimm.f32 $0.0e+00;
	v31 =	vld [tilespmem:s11+$0x0];
	v49 =	vperm.xlane v1, v27;
	v46 =	vperm.xlane v8, v27  }
0xc8: {  	v5 =	vimm.f32 $0.0e+00;
	v37 =	vld [tilespmem:s7+$0x6A00];
	v48 =	vperm.xlane v2, v27;
	v16 =	vmul.f32 v13, v50  }
0xc9: {  	v44 =	vld [tilespmem:s7+$0x6A80];
	s7 =	simm.s32 $0x1;
	v3 =	vimm.f32 $0.0e+00;
	v52 =	vmul.f32 v13, v49;
	v51 =	vmul.f32 v12, v47  }
.LBB2_8:
0xca: {  	p1 =	sne.s32 s7, $0xF  }
0xcb: {  	v11 =	vadd.f32 v16, v11;
	v16 =	vmul.f32 v12, v50;
	v53 =	vmul.f32 v45, v49;
	s11 =	sadd.s32 $0x80, s11;
	s13 =	smov.u32 s7;
	s7 =	sadd.s32 $0x1, s7  }
0xcc: {  	v54 =	vmul.f32 v13, v47;
	v43 =	vadd.f32 v52, v43;
	v52 =	vmul.f32 v31, v49  }
0xcd: {  	v55 =	vmul.f32 v45, v50;
	v9 =	vadd.f32 v53, v9;
	v53 =	vmul.f32 v12, v48  }
0xce: {  	v56 =	vmul.f32 v31, v47;
	v41 =	vadd.f32 v52, v41;
	v52 =	vmul.f32 v31, v48  }
0xcf: {  	v50 =	vmul.f32 v31, v50;
	v39 =	vadd.f32 v51, v39;
	v23 =	vadd.f32 v53, v23  }
0xd0: {  	v40 =	vadd.f32 v16, v40;
	v16 =	vmul.f32 v45, v48;
	v25 =	vadd.f32 v56, v25  }
0xd1: {  	v51 =	vmul.f32 v12, v46;
	v38 =	vadd.f32 v55, v38;
	v29 =	vadd.f32 v54, v29  }
0xd2: {  	v49 =	vmul.f32 v12, v49;
	v53 =	vperm.xlane v42, v27;
	v10 =	vadd.f32 v52, v10  }
0xd3: {  	v47 =	vmul.f32 v45, v47;
	v18 =	vadd.f32 v50, v18;
	v52 =	vperm.xlane v44, v27  }
0xd4: {  	v48 =	vmul.f32 v13, v48;
	v4 =	vadd.f32 v51, v4;
	v50 =	vmul.f32 v45, v46  }
0xd5: {  	v54 =	vmul.f32 v31, v46;
	v3 =	vadd.f32 v47, v3;
	v51 =	vmul.f32 v12, v52  }
0xd6: {  	v14 =	vadd.f32 v16, v14;
	v16 =	vmul.f32 v13, v46;
	v47 =	vmul.f32 v45, v53  }
0xd7: {  	v36 =	vadd.f32 v54, v36;
	v5 =	vadd.f32 v48, v5;
	v46 =	vmul.f32 v31, v53  }
0xd8: {  	v35 =	vadd.f32 v49, v35;
	v48 =	vperm.xlane v37, v27;
	v27 =	vmul.f32 v13, v53  }
0xd9: {  	v49 =	vmul.f32 v12, v53;
	v33 =	vadd.f32 v46, v33;
	v46 =	vmul.f32 v45, v52  }
0xda: {  	v53 =	vmul.f32 v13, v52;
	v34 =	vadd.f32 v47, v34;
	v47 =	vmul.f32 v45, v48  }
0xdb: {  	v7 =	vadd.f32 v50, v7;
	v32 =	vadd.f32 v49, v32;
	v49 =	vmul.f32 v31, v52  }
0xdc: {  	v50 =	vmul.f32 v13, v48;
	v45 =	vmov s13;
	v30 =	vadd.f32 v27, v30  }
0xdd: {  	v28 =	vadd.f32 v16, v28;
	v52 =	vmul.f32 v12, v48;
	v27 =	vand.u32 $0xF, v45;
	v13 =	vld [tilespmem:s11+$0xFFFFFFD0]  }
0xde: {  	v15 =	vadd.f32 v50, v15;
	v27 =	vbroadcast v27, $0x0;
	v19 =	vadd.f32 v46, v19;
	v12 =	vld [tilespmem:s11+$0xFFFFFFE0]  }
.Ltmp4:
0xdf: {  	v54 =	vmul.f32 v31, v48;
	v26 =	vadd.f32 v47, v26;
	v17 =	vadd.f32 v49, v17;
	v45 =	vld [tilespmem:s11+$0xFFFFFFF0];
	(pc) =	sbr.rel @p1 .LBB2_8-.Ltmp4, $4  }
0xe0: {  	v24 =	vadd.f32 v52, v24;
	v50 =	vperm.xlane v0, v27;
	v47 =	vperm.xlane v6, v27;
	v31 =	vld [tilespmem:s11+$0x0]  }
0xe1: {  	v22 =	vadd.f32 v51, v22;
	v49 =	vperm.xlane v1, v27;
	v46 =	vperm.xlane v8, v27  }
0xe2: {  	v21 =	vadd.f32 v53, v21;
	v48 =	vperm.xlane v2, v27;
	v16 =	vmul.f32 v13, v50  }
0xe3: {  	v20 =	vadd.f32 v54, v20;
	v52 =	vmul.f32 v13, v49;
	v51 =	vmul.f32 v12, v47  }
0xe4: {  	v0 =	vmul.f32 v12, v50  }
0xe5: {  	v1 =	vmul.f32 v45, v49;
	v62 =	vmul.f32 v13, v47  }
0xe6: {  	v63 =	vmul.f32 v45, v50;
	v57 =	vmul.f32 v45, v48  }
0xe7: {  	v58 =	vmul.f32 v12, v46;
	v59 =	vperm.xlane v42, v27  }
0xe8: {  	v60 =	vmul.f32 v12, v49;
	v44 =	vperm.xlane v44, v27  }
0xe9: {  	v16 =	vadd.f32 v16, v11;
	v61 =	vmul.f32 v13, v48;
	v53 =	vmul.f32 v13, v46  }
0xea: {  	v11 =	vadd.f32 v52, v43;
	v2 =	vmul.f32 v31, v49;
	v55 =	vmul.f32 v31, v48  }
0xeb: {  	v56 =	vmul.f32 v31, v50;
	v9 =	vadd.f32 v1, v9;
	v1 =	vmul.f32 v12, v48  }
0xec: {  	v4 =	vadd.f32 v58, v4;
	v52 =	vmul.f32 v45, v59;
	v14 =	vadd.f32 v57, v14  }
0xed: {  	v54 =	vmul.f32 v31, v59;
	v57 =	vmul.f32 v12, v59;
	v8 =	vadd.f32 v2, v41  }
0xee: {  	v10 =	vadd.f32 v55, v10;
	v55 =	vperm.xlane v37, v27;
	v27 =	vadd.f32 v60, v35  }
0xef: {  	v2 =	vmul.f32 v31, v47;
	v6 =	vadd.f32 v1, v23;
	v1 =	vadd.f32 v51, v39  }
0xf0: {  	v58 =	vmul.f32 v45, v44;
	v23 =	vadd.f32 v0, v40;
	v33 =	vadd.f32 v54, v33  }
0xf1: {  	v60 =	vmul.f32 v13, v44;
	v34 =	vadd.f32 v52, v34;
	v0 =	vadd.f32 v2, v25  }
0xf2: {  	v2 =	vadd.f32 v62, v29;
	v29 =	vadd.f32 v56, v18;
	v18 =	vmul.f32 v45, v47  }
0xf3: {  	v43 =	vld [tilespmem:s8+$0x6980];
	v35 =	vadd.f32 v57, v32;
	v62 =	vmul.f32 v45, v46;
	v47 =	vmul.f32 v12, v44  }
0xf4: {  	v41 =	vld [tilespmem:s8+$0x6900];
	v25 =	vadd.f32 v63, v38;
	v63 =	vmul.f32 v31, v46;
	v56 =	vmul.f32 v13, v59  }
0xf5: {  	v39 =	vld [tilespmem:s8+$0x6800];
	v59 =	vmul.f32 v45, v55;
	v3 =	vadd.f32 v18, v3;
	v18 =	vadd.f32 v61, v5  }
0xf6: {  	s11 =	simm.s32 $0x0;
	v45 =	vld [tilespmem:s8+$0x6B00];
	v5 =	vadd.f32 v63, v36;
	v61 =	vmul.f32 v31, v44;
	v7 =	vadd.f32 v62, v7  }
0xf7: {  	s7 =	sadd.s32 $0x3070, s19;
	v44 =	vld [tilespmem:s8+$0x6B80];
	v38 =	vadd.f32 v56, v30;
	v30 =	vmul.f32 v13, v55;
	v62 =	vmov s11  }
0xf8: {  	v63 =	vmul.f32 v12, v55;
	v13 =	vadd.f32 v53, v28;
	v12 =	vld [tilespmem:s7+$0xFFFFFFD0];
	v37 =	vand.u32 $0xF, v62  }
0xf9: {  	v28 =	vadd.f32 v30, v15;
	v15 =	vadd.f32 v58, v19;
	v40 =	vbroadcast v37, $0x0;
	v19 =	vld [tilespmem:s7+$0xFFFFFFE0]  }
0xfa: {  	v32 =	vld [tilespmem:s8+$0x6A80];
	v26 =	vadd.f32 v59, v26;
	v31 =	vmul.f32 v31, v55;
	v30 =	vadd.f32 v63, v24  }
0xfb: {  	v24 =	vadd.f32 v60, v21;
	v21 =	vld [tilespmem:s7+$0xFFFFFFF0];
	v50 =	vperm.xlane v39, v40;
	v49 =	vperm.xlane v41, v40  }
0xfc: {  	v31 =	vadd.f32 v31, v20;
	v20 =	vld [tilespmem:s7+$0x0];
	v42 =	vperm.xlane v45, v40;
	v37 =	vperm.xlane v44, v40  }
0xfd: {  	v46 =	vld [tilespmem:s8+$0x6880];
	v22 =	vadd.f32 v47, v22;
	v48 =	vperm.xlane v43, v40;
	v52 =	vmul.f32 v12, v50  }
0xfe: {  	v36 =	vld [tilespmem:s8+$0x6A00];
	s8 =	simm.s32 $0x1;
	v17 =	vadd.f32 v61, v17;
	v51 =	vmul.f32 v12, v49;
	v47 =	vmul.f32 v19, v37  }
.LBB2_10:
0xff: {  	p1 =	sne.s32 s8, $0xF  }
0x100: {  	v16 =	vadd.f32 v52, v16;
	v52 =	vmul.f32 v19, v50;
	v53 =	vmul.f32 v21, v49;
	s7 =	sadd.s32 $0x80, s7;
	s11 =	smov.u32 s8;
	s8 =	sadd.s32 $0x1, s8  }
0x101: {  	v54 =	vmul.f32 v12, v37;
	v11 =	vadd.f32 v51, v11;
	v51 =	vmul.f32 v20, v49  }
0x102: {  	v55 =	vmul.f32 v21, v50;
	v9 =	vadd.f32 v53, v9;
	v53 =	vmul.f32 v19, v48  }
0x103: {  	v56 =	vmul.f32 v20, v37;
	v8 =	vadd.f32 v51, v8;
	v51 =	vmul.f32 v20, v48  }
0x104: {  	v50 =	vmul.f32 v20, v50;
	v1 =	vadd.f32 v47, v1;
	v6 =	vadd.f32 v53, v6  }
0x105: {  	v47 =	vmul.f32 v21, v48;
	v23 =	vadd.f32 v52, v23;
	v0 =	vadd.f32 v56, v0  }
0x106: {  	v25 =	vadd.f32 v55, v25;
	v52 =	vmul.f32 v19, v42;
	v2 =	vadd.f32 v54, v2  }
0x107: {  	v49 =	vmul.f32 v19, v49;
	v53 =	vperm.xlane v46, v40;
	v10 =	vadd.f32 v51, v10  }
0x108: {  	v37 =	vmul.f32 v21, v37;
	v29 =	vadd.f32 v50, v29;
	v51 =	vperm.xlane v32, v40  }
0x109: {  	v48 =	vmul.f32 v12, v48;
	v50 =	vmul.f32 v21, v42;
	v4 =	vadd.f32 v52, v4  }
0x10a: {  	v54 =	vmul.f32 v20, v42;
	v3 =	vadd.f32 v37, v3;
	v52 =	vmul.f32 v19, v51  }
0x10b: {  	v14 =	vadd.f32 v47, v14;
	v42 =	vmul.f32 v12, v42;
	v37 =	vmul.f32 v21, v53  }
0x10c: {  	v5 =	vadd.f32 v54, v5;
	v18 =	vadd.f32 v48, v18;
	v47 =	vmul.f32 v20, v53  }
0x10d: {  	v27 =	vadd.f32 v49, v27;
	v48 =	vperm.xlane v36, v40;
	v40 =	vmul.f32 v12, v53  }
0x10e: {  	v49 =	vmul.f32 v19, v53;
	v33 =	vadd.f32 v47, v33;
	v47 =	vmul.f32 v21, v51  }
0x10f: {  	v53 =	vmul.f32 v12, v51;
	v34 =	vadd.f32 v37, v34;
	v37 =	vmul.f32 v21, v48  }
0x110: {  	v7 =	vadd.f32 v50, v7;
	v35 =	vadd.f32 v49, v35;
	v49 =	vmul.f32 v20, v51  }
0x111: {  	v50 =	vmul.f32 v12, v48;
	v21 =	vmov s11;
	v38 =	vadd.f32 v40, v38  }
0x112: {  	v13 =	vadd.f32 v42, v13;
	v51 =	vmul.f32 v19, v48;
	v21 =	vand.u32 $0xF, v21;
	v12 =	vld [tilespmem:s7+$0xFFFFFFD0]  }
0x113: {  	v28 =	vadd.f32 v50, v28;
	v40 =	vbroadcast v21, $0x0;
	v15 =	vadd.f32 v47, v15;
	v19 =	vld [tilespmem:s7+$0xFFFFFFE0]  }
.Ltmp5:
0x114: {  	v54 =	vmul.f32 v20, v48;
	v26 =	vadd.f32 v37, v26;
	v17 =	vadd.f32 v49, v17;
	v21 =	vld [tilespmem:s7+$0xFFFFFFF0];
	(pc) =	sbr.rel @p1 .LBB2_10-.Ltmp5, $4  }
0x115: {  	v30 =	vadd.f32 v51, v30;
	v50 =	vperm.xlane v39, v40;
	v37 =	vperm.xlane v44, v40;
	v20 =	vld [tilespmem:s7+$0x0]  }
0x116: {  	v22 =	vadd.f32 v52, v22;
	v49 =	vperm.xlane v41, v40;
	v42 =	vperm.xlane v45, v40  }
0x117: {  	v24 =	vadd.f32 v53, v24;
	v48 =	vperm.xlane v43, v40;
	v52 =	vmul.f32 v12, v50  }
0x118: {  	v31 =	vadd.f32 v54, v31;
	v51 =	vmul.f32 v12, v49;
	v47 =	vmul.f32 v19, v37  }
0x119: {  	v16 =	vadd.f32 v52, v16  }
0x11a: {  	v39 =	vmul.f32 v19, v50;
	v11 =	vadd.f32 v51, v11  }
0x11b: {  	v41 =	vmul.f32 v21, v50;
	v1 =	vadd.f32 v47, v1;
	[tilespmem:s6+$0x7040] =	vst v16  }
0x11c: {  	v43 =	vperm.xlane v46, v40;
	v58 =	vmul.f32 v19, v42;
	v23 =	vadd.f32 v39, v23;
	[tilespmem:s6+$0x7140] =	vst v11  }
0x11d: {  	v44 =	vmul.f32 v20, v50;
	v25 =	vadd.f32 v41, v25;
	[tilespmem:s6+$0x73D0] =	vst v1  }
0x11e: {  	v59 =	vmul.f32 v12, v43;
	v4 =	vadd.f32 v58, v4;
	[tilespmem:s6+$0x7050] =	vst v23  }
0x11f: {  	v61 =	vmul.f32 v19, v43;
	v60 =	vadd.f32 v44, v29;
	[tilespmem:s6+$0x7060] =	vst v25  }
0x120: {  	v62 =	vmul.f32 v21, v43;
	v38 =	vadd.f32 v59, v38;
	[tilespmem:s6+$0x7350] =	vst v4  }
0x121: {  	v63 =	vmul.f32 v20, v43;
	v29 =	vadd.f32 v61, v35;
	[tilespmem:s6+$0x7070] =	vst v60  }
0x122: {  	v39 =	vmul.f32 v20, v49;
	v34 =	vadd.f32 v62, v34;
	[tilespmem:s6+$0x70C0] =	vst v38  }
0x123: {  	v41 =	vmul.f32 v12, v48;
	v25 =	vadd.f32 v63, v33;
	[tilespmem:s6+$0x70D0] =	vst v29  }
0x124: {  	v45 =	vperm.xlane v36, v40;
	v43 =	vmul.f32 v19, v48;
	v8 =	vadd.f32 v39, v8;
	[tilespmem:s6+$0x70E0] =	vst v34  }
0x125: {  	v44 =	vmul.f32 v21, v48;
	v18 =	vadd.f32 v41, v18;
	[tilespmem:s6+$0x70F0] =	vst v25  }
0x126: {  	v52 =	vmul.f32 v21, v45;
	v6 =	vadd.f32 v43, v6;
	[tilespmem:s6+$0x7170] =	vst v8  }
0x127: {  	v46 =	vmul.f32 v20, v48;
	v35 =	vmul.f32 v19, v49;
	v48 =	vadd.f32 v44, v14;
	[tilespmem:s6+$0x71C0] =	vst v18  }
0x128: {  	v53 =	vmul.f32 v20, v45;
	v14 =	vadd.f32 v52, v26;
	[tilespmem:s6+$0x71D0] =	vst v6  }
0x129: {  	v59 =	vmul.f32 v21, v42;
	v23 =	vadd.f32 v35, v27;
	[tilespmem:s6+$0x71E0] =	vst v48  }
0x12a: {  	v61 =	vmul.f32 v12, v37;
	v8 =	vadd.f32 v53, v31;
	[tilespmem:s6+$0x7260] =	vst v14  }
0x12b: {  	v62 =	vmul.f32 v21, v37;
	v7 =	vadd.f32 v59, v7;
	[tilespmem:s6+$0x7150] =	vst v23  }
0x12c: {  	v63 =	vmul.f32 v20, v37;
	v2 =	vadd.f32 v61, v2;
	[tilespmem:s6+$0x7270] =	vst v8  }
0x12d: {  	v60 =	vmul.f32 v20, v42;
	v3 =	vadd.f32 v62, v3;
	[tilespmem:s6+$0x7360] =	vst v7  }
0x12e: {  	v51 =	vperm.xlane v32, v40;
	v38 =	vmul.f32 v21, v49;
	v0 =	vadd.f32 v63, v0;
	[tilespmem:s6+$0x73C0] =	vst v2  }
0x12f: {  	v49 =	vmul.f32 v12, v45;
	v5 =	vadd.f32 v60, v5;
	[tilespmem:s6+$0x73E0] =	vst v3  }
0x130: {  	v6 =	vmul.f32 v20, v51;
	v9 =	vadd.f32 v38, v9;
	[tilespmem:s6+$0x73F0] =	vst v0  }
0x131: {  	v57 =	vmul.f32 v12, v42;
	v11 =	vadd.f32 v49, v28;
	[tilespmem:s6+$0x7370] =	vst v5  }
0x132: {  	v6 =	vadd.f32 v6, v17;
	[tilespmem:s6+$0x7160] =	vst v9  }
0x133: {  	v50 =	vmul.f32 v19, v45;
	v8 =	vadd.f32 v57, v13;
	[tilespmem:s6+$0x7240] =	vst v11  }
0x134: {  	v55 =	vmul.f32 v19, v51;
	v9 =	vadd.f32 v46, v10;
	[tilespmem:s6+$0x72F0] =	vst v6  }
0x135: {  	v54 =	vmul.f32 v12, v51;
	v10 =	vadd.f32 v50, v30;
	[tilespmem:s6+$0x7340] =	vst v8  }
.Ltmp6:
0x136: {  	v56 =	vmul.f32 v21, v51;
	v11 =	vadd.f32 v55, v22;
	[tilespmem:s6+$0x71F0] =	vst v9;
	(pc) =	sbr.rel @p0 .LBB2_3-.Ltmp6, $4  }
0x137: {  	[tilespmem:s6+$0x7250] =	vst v10;
	v9 =	vadd.f32 v54, v24  }
0x138: {  	v10 =	vadd.f32 v56, v15;
	[tilespmem:s6+$0x72D0] =	vst v11  }
0x139: {  	[tilespmem:s6+$0x72C0] =	vst v9  }
0x13a: {  	p1 =	por $0x0, $0x0;
	[tilespmem:s6+$0x72E0] =	vst v10;
	s6 =	simm.s32 $0x1  }
0x13b: {  	s6 =	sshll.u32 s0, $0xC  }
0x13c: {  	s6 =	sadd.s32 s12, s6  }
0x13d: {  	s6 =	sshrl.u32 s6, $0x3  }
0x13e: {  	p0 =	seq.s32 s0, $0x4F;
	s6 =	sadd.s32 s5, s6  }
0x13f: {  	[hbm4b:s6+s3] =	stream.linear.scatter [tilespmem:s24], [sflag:$0x5], $0x800, $0x38;
	[tilespmem:$0x1C000] =	vst v63  }
0x140: {  	s8 =	simm.s32 @!p0 $0x40;
	s6 =	sadd.s32 @!p0 $0x2, s1  }
0x141: {  	s11 =	simm.s32 @!p0 $0x2800;
	s7 =	sshll.u32 @!p0 s6, $0x6;
	s6 =	sadd.s32 @!p0 s9, s6  }
0x142: {  	p1 =	seq.s32 @!p0 s0, $0x0;
	s7 =	sand.u32 @!p0 $0x3FFFFFC0, s7;
	s6 =	sshll.u32 @!p0 s6, $0x7  }
0x143: {  	[tilespmem:s11], [sflag:$0x1] =	stream.indirect.gather @!p0 [spmem:s2], $0x80, s7, s8, $0xb8;
	[tilespmem:$0x1C000] =	vst v63  }
0x144: {  	p1 =	por p0, !p1;
	s6 =	sand.u32 @!p0 $0x1FFFFF00, s6  }
0x145: {  	s7 =	simm.s32 @!p0 $0x0;
	s8 =	simm.s32 @!p0 $0x6800;
	s6 =	sadd.s32 @!p0 s4, s6  }
0x146: {  	[tilespmem:s8], [sflag:$0x3] =	stream.linear.gather @!p0 [hbm4b:s6+s7], $0x400, $0x38;
	[tilespmem:$0x1C000] =	vst v63  }
0x147: {  	_ =	swait.ge @p1 [sflag:s30], $0x800  }
0x148: {  	[sflag:s30] =	ssyncset.done @p1 $0x0  }
0x149: {  	[sflag:s30] =	ssyncadd.s32 @p1 $0xFFFFF800  }
0x14a: {  	_ =	swait.ge [sflag:s25], $0x2000  }
0x14b: {  	[sflag:s25] =	ssyncset.done $0x0  }
0x14c: {  	[sflag:s25] =	ssyncadd.s32 $0xFFFFE000  }
0x14d: {  	_ =	swait.ge [sflag:s26], $0x400  }
0x14e: {  	s18 =	simm.s32 $0x0;
	[sflag:s26] =	ssyncset.done $0x0  }
0x14f: {  	p2 =	por $0x1, $0x1;
	s6 =	simm.s32 $0x0;
	[sflag:s26] =	ssyncadd.s32 $0xFFFFFC00  }
.LBB2_13:
0x150: {  	v3 =	vmov s18  }
0x151: {  	v11 =	vimm.f32 $0.0e+00;
	v43 =	vimm.f32 $0.0e+00;
	v9 =	vimm.f32 $0.0e+00  }
0x152: {  	s7 =	sshll.u32 s6, $0x5;
	v41 =	vimm.f32 $0.0e+00;
	v22 =	vimm.f32 $0.0e+00;
	v39 =	vimm.f32 $0.0e+00  }
0x153: {  	v40 =	vimm.f32 $0.0e+00;
	v23 =	vimm.f32 $0.0e+00;
	v38 =	vimm.f32 $0.0e+00;
	v0 =	vld [tilespmem:s7+$0x6C00]  }
0x154: {  	v29 =	vimm.f32 $0.0e+00;
	v10 =	vimm.f32 $0.0e+00;
	v18 =	vimm.f32 $0.0e+00;
	v1 =	vld [tilespmem:s7+$0x6D00]  }
0x155: {  	s8 =	sshll.u32 s6, $0xE;
	v4 =	vimm.f32 $0.0e+00;
	v14 =	vimm.f32 $0.0e+00;
	v5 =	vimm.f32 $0.0e+00;
	v2 =	vld [tilespmem:s7+$0x6D80]  }
0x156: {  	v36 =	vimm.f32 $0.0e+00;
	v35 =	vimm.f32 $0.0e+00;
	v31 =	vimm.f32 $0.0e+00;
	v6 =	vld [tilespmem:s7+$0x6F80];
	s19 =	sshra.s32 s8, $0x2  }
0x157: {  	v34 =	vimm.f32 $0.0e+00;
	v33 =	vimm.f32 $0.0e+00;
	v7 =	vimm.f32 $0.0e+00;
	v8 =	vld [tilespmem:s7+$0x6F00];
	s8 =	sadd.s32 $0x4820, s19  }
0x158: {  	v30 =	vimm.f32 $0.0e+00;
	v28 =	vimm.f32 $0.0e+00;
	v3 =	vand.u32 $0xF, v3;
	v13 =	vld [tilespmem:s8+$0xFFFFFFE0]  }
0x159: {  	v15 =	vimm.f32 $0.0e+00;
	v19 =	vimm.f32 $0.0e+00;
	v27 =	vbroadcast v3, $0x0;
	v12 =	vld [tilespmem:s8+$0xFFFFFFF0]  }
0x15a: {  	v26 =	vimm.f32 $0.0e+00;
	v16 =	vimm.f32 $0.0e+00;
	v24 =	vimm.f32 $0.0e+00;
	v42 =	vld [tilespmem:s7+$0x6C80]  }
0x15b: {  	v25 =	vimm.f32 $0.0e+00;
	v45 =	vld [tilespmem:s8+$0x0];
	v50 =	vperm.xlane v0, v27;
	v47 =	vperm.xlane v6, v27  }
0x15c: {  	v21 =	vimm.f32 $0.0e+00;
	v32 =	vld [tilespmem:s8+$0x10];
	v49 =	vperm.xlane v1, v27;
	v46 =	vperm.xlane v8, v27  }
0x15d: {  	v20 =	vimm.f32 $0.0e+00;
	v37 =	vld [tilespmem:s7+$0x6E00];
	v48 =	vperm.xlane v2, v27;
	v17 =	vmul.f32 v13, v50  }
0x15e: {  	p1 =	por p2, p2;
	s11 =	simm.s32 $0x1;
	v44 =	vld [tilespmem:s7+$0x6E80];
	v3 =	vimm.f32 $0.0e+00;
	v52 =	vmul.f32 v13, v49;
	v51 =	vmul.f32 v12, v47  }
.LBB2_14:
0x15f: {  	p2 =	sne.s32 s11, $0xF  }
0x160: {  	v11 =	vadd.f32 v17, v11;
	v17 =	vmul.f32 v12, v50;
	v53 =	vmul.f32 v45, v49;
	s8 =	sadd.s32 $0x80, s8;
	s13 =	smov.u32 s11;
	s11 =	sadd.s32 $0x1, s11  }
0x161: {  	v54 =	vmul.f32 v13, v47;
	v43 =	vadd.f32 v52, v43;
	v52 =	vmul.f32 v32, v49  }
0x162: {  	v55 =	vmul.f32 v45, v50;
	v9 =	vadd.f32 v53, v9;
	v53 =	vmul.f32 v12, v48  }
0x163: {  	v56 =	vmul.f32 v32, v47;
	v41 =	vadd.f32 v52, v41;
	v52 =	vmul.f32 v32, v48  }
0x164: {  	v50 =	vmul.f32 v32, v50;
	v39 =	vadd.f32 v51, v39;
	v22 =	vadd.f32 v53, v22  }
0x165: {  	v40 =	vadd.f32 v17, v40;
	v17 =	vmul.f32 v45, v48;
	v23 =	vadd.f32 v56, v23  }
0x166: {  	v51 =	vmul.f32 v12, v46;
	v38 =	vadd.f32 v55, v38;
	v29 =	vadd.f32 v54, v29  }
0x167: {  	v49 =	vmul.f32 v12, v49;
	v53 =	vperm.xlane v42, v27;
	v10 =	vadd.f32 v52, v10  }
0x168: {  	v47 =	vmul.f32 v45, v47;
	v18 =	vadd.f32 v50, v18;
	v52 =	vperm.xlane v44, v27  }
0x169: {  	v48 =	vmul.f32 v13, v48;
	v4 =	vadd.f32 v51, v4;
	v50 =	vmul.f32 v45, v46  }
0x16a: {  	v54 =	vmul.f32 v32, v46;
	v3 =	vadd.f32 v47, v3;
	v51 =	vmul.f32 v12, v52  }
0x16b: {  	v14 =	vadd.f32 v17, v14;
	v17 =	vmul.f32 v13, v46;
	v47 =	vmul.f32 v45, v53  }
0x16c: {  	v36 =	vadd.f32 v54, v36;
	v5 =	vadd.f32 v48, v5;
	v46 =	vmul.f32 v32, v53  }
0x16d: {  	v35 =	vadd.f32 v49, v35;
	v48 =	vperm.xlane v37, v27;
	v27 =	vmul.f32 v13, v53  }
0x16e: {  	v49 =	vmul.f32 v12, v53;
	v31 =	vadd.f32 v46, v31;
	v46 =	vmul.f32 v45, v52  }
0x16f: {  	v53 =	vmul.f32 v13, v52;
	v34 =	vadd.f32 v47, v34;
	v47 =	vmul.f32 v45, v48  }
0x170: {  	v7 =	vadd.f32 v50, v7;
	v33 =	vadd.f32 v49, v33;
	v49 =	vmul.f32 v32, v52  }
0x171: {  	v50 =	vmul.f32 v13, v48;
	v45 =	vmov s13;
	v30 =	vadd.f32 v27, v30  }
0x172: {  	v28 =	vadd.f32 v17, v28;
	v52 =	vmul.f32 v12, v48;
	v27 =	vand.u32 $0xF, v45;
	v13 =	vld [tilespmem:s8+$0xFFFFFFE0]  }
0x173: {  	v15 =	vadd.f32 v50, v15;
	v27 =	vbroadcast v27, $0x0;
	v19 =	vadd.f32 v46, v19;
	v12 =	vld [tilespmem:s8+$0xFFFFFFF0]  }
.Ltmp7:
0x174: {  	v54 =	vmul.f32 v32, v48;
	v26 =	vadd.f32 v47, v26;
	v16 =	vadd.f32 v49, v16;
	v45 =	vld [tilespmem:s8+$0x0];
	(pc) =	sbr.rel @p2 .LBB2_14-.Ltmp7, $4  }
0x175: {  	v24 =	vadd.f32 v52, v24;
	v50 =	vperm.xlane v0, v27;
	v47 =	vperm.xlane v6, v27;
	v32 =	vld [tilespmem:s8+$0x10]  }
0x176: {  	v25 =	vadd.f32 v51, v25;
	v49 =	vperm.xlane v1, v27;
	v46 =	vperm.xlane v8, v27  }
0x177: {  	v21 =	vadd.f32 v53, v21;
	v48 =	vperm.xlane v2, v27;
	v17 =	vmul.f32 v13, v50  }
0x178: {  	v20 =	vadd.f32 v54, v20;
	v52 =	vmul.f32 v13, v49;
	v51 =	vmul.f32 v12, v47  }
0x179: {  	v0 =	vmul.f32 v12, v50;
	v1 =	vmul.f32 v45, v49  }
0x17a: {  	v62 =	vmul.f32 v13, v47;
	v63 =	vmul.f32 v45, v50  }
0x17b: {  	v57 =	vmul.f32 v45, v48;
	v58 =	vmul.f32 v12, v46  }
0x17c: {  	v42 =	vperm.xlane v42, v27;
	v59 =	vmul.f32 v12, v49  }
0x17d: {  	v44 =	vperm.xlane v44, v27;
	v60 =	vmul.f32 v13, v48  }
0x17e: {  	v61 =	vmul.f32 v45, v46;
	v54 =	vperm.xlane v37, v27  }
0x17f: {  	v17 =	vadd.f32 v17, v11;
	v2 =	vmul.f32 v32, v49;
	v55 =	vmul.f32 v32, v48  }
0x180: {  	v11 =	vadd.f32 v52, v43;
	v56 =	vmul.f32 v32, v50;
	v52 =	vmul.f32 v13, v46  }
0x181: {  	v9 =	vadd.f32 v1, v9;
	v1 =	vmul.f32 v12, v48;
	v4 =	vadd.f32 v58, v4  }
0x182: {  	v14 =	vadd.f32 v57, v14;
	v53 =	vmul.f32 v32, v42;
	v57 =	vmul.f32 v45, v44  }
0x183: {  	s8 =	simm.s32 $0x0;
	v27 =	vadd.f32 v59, v35;
	v58 =	vmul.f32 v45, v54;
	v59 =	vmul.f32 v13, v44  }
0x184: {  	v7 =	vadd.f32 v61, v7;
	v61 =	vmov s8;
	v8 =	vadd.f32 v2, v41  }
0x185: {  	v2 =	vmul.f32 v32, v47;
	v10 =	vadd.f32 v55, v10;
	v6 =	vadd.f32 v1, v22  }
0x186: {  	v55 =	vmul.f32 v13, v42;
	v1 =	vadd.f32 v51, v39;
	v22 =	vadd.f32 v0, v40  }
0x187: {  	v37 =	vand.u32 $0xF, v61;
	v31 =	vadd.f32 v53, v31;
	v26 =	vadd.f32 v58, v26  }
0x188: {  	v43 =	vld [tilespmem:s7+$0x6D90];
	v39 =	vbroadcast v37, $0x0;
	v0 =	vadd.f32 v2, v23;
	v2 =	vadd.f32 v62, v29  }
0x189: {  	v41 =	vld [tilespmem:s7+$0x6D10];
	v29 =	vadd.f32 v56, v18;
	v18 =	vmul.f32 v45, v47;
	v47 =	vmul.f32 v12, v44  }
0x18a: {  	v40 =	vld [tilespmem:s7+$0x6C10];
	v23 =	vadd.f32 v63, v38;
	v62 =	vmul.f32 v32, v46;
	v63 =	vmul.f32 v45, v42  }
0x18b: {  	v56 =	vmul.f32 v12, v42;
	v38 =	vadd.f32 v55, v30;
	v30 =	vmul.f32 v13, v54;
	v45 =	vld [tilespmem:s7+$0x6F10]  }
0x18c: {  	s11 =	sadd.s32 $0x5030, s19;
	v3 =	vadd.f32 v18, v3;
	v18 =	vadd.f32 v60, v5;
	v60 =	vmul.f32 v32, v44;
	v44 =	vld [tilespmem:s7+$0x6F90]  }
0x18d: {  	v13 =	vadd.f32 v52, v28;
	v5 =	vadd.f32 v62, v36;
	v62 =	vmul.f32 v12, v54;
	v12 =	vld [tilespmem:s11+$0xFFFFFFD0]  }
0x18e: {  	v48 =	vperm.xlane v43, v39;
	v28 =	vadd.f32 v30, v15;
	v15 =	vadd.f32 v57, v19;
	v19 =	vld [tilespmem:s11+$0xFFFFFFE0]  }
0x18f: {  	v46 =	vld [tilespmem:s7+$0x6C90];
	v34 =	vadd.f32 v63, v34;
	v63 =	vmul.f32 v32, v54;
	v30 =	vadd.f32 v62, v24  }
0x190: {  	v50 =	vperm.xlane v40, v39;
	v24 =	vadd.f32 v47, v25;
	v25 =	vadd.f32 v59, v21;
	v21 =	vld [tilespmem:s11+$0xFFFFFFF0]  }
0x191: {  	v49 =	vperm.xlane v41, v39;
	v32 =	vadd.f32 v63, v20;
	v20 =	vld [tilespmem:s11+$0x0];
	v37 =	vperm.xlane v44, v39  }
0x192: {  	v35 =	vadd.f32 v56, v33;
	v36 =	vld [tilespmem:s7+$0x6E10];
	v42 =	vperm.xlane v45, v39;
	v52 =	vmul.f32 v12, v50  }
0x193: {  	s13 =	simm.s32 $0x1;
	s8 =	sor.u32 $0x10, s7;
	v33 =	vld [tilespmem:s7+$0x6E90];
	v16 =	vadd.f32 v60, v16;
	v51 =	vmul.f32 v12, v49;
	v47 =	vmul.f32 v19, v37  }
.LBB2_16:
0x194: {  	p2 =	sne.s32 s13, $0xF  }
0x195: {  	v17 =	vadd.f32 v52, v17;
	v52 =	vmul.f32 v19, v50;
	v53 =	vmul.f32 v21, v49;
	s11 =	sadd.s32 $0x80, s11;
	s15 =	smov.u32 s13;
	s13 =	sadd.s32 $0x1, s13  }
0x196: {  	v54 =	vmul.f32 v12, v37;
	v11 =	vadd.f32 v51, v11;
	v51 =	vmul.f32 v20, v49  }
0x197: {  	v55 =	vmul.f32 v21, v50;
	v9 =	vadd.f32 v53, v9;
	v53 =	vmul.f32 v19, v48  }
0x198: {  	v56 =	vmul.f32 v20, v37;
	v8 =	vadd.f32 v51, v8;
	v51 =	vmul.f32 v20, v48  }
0x199: {  	v50 =	vmul.f32 v20, v50;
	v1 =	vadd.f32 v47, v1;
	v6 =	vadd.f32 v53, v6  }
0x19a: {  	v47 =	vmul.f32 v21, v48;
	v22 =	vadd.f32 v52, v22;
	v0 =	vadd.f32 v56, v0  }
0x19b: {  	v23 =	vadd.f32 v55, v23;
	v52 =	vmul.f32 v19, v42;
	v2 =	vadd.f32 v54, v2  }
0x19c: {  	v49 =	vmul.f32 v19, v49;
	v53 =	vperm.xlane v46, v39;
	v10 =	vadd.f32 v51, v10  }
0x19d: {  	v37 =	vmul.f32 v21, v37;
	v29 =	vadd.f32 v50, v29;
	v51 =	vperm.xlane v33, v39  }
0x19e: {  	v48 =	vmul.f32 v12, v48;
	v50 =	vmul.f32 v21, v42;
	v4 =	vadd.f32 v52, v4  }
0x19f: {  	v54 =	vmul.f32 v20, v42;
	v3 =	vadd.f32 v37, v3;
	v52 =	vmul.f32 v19, v51  }
0x1a0: {  	v14 =	vadd.f32 v47, v14;
	v42 =	vmul.f32 v12, v42;
	v37 =	vmul.f32 v21, v53  }
0x1a1: {  	v5 =	vadd.f32 v54, v5;
	v18 =	vadd.f32 v48, v18;
	v47 =	vmul.f32 v20, v53  }
0x1a2: {  	v27 =	vadd.f32 v49, v27;
	v48 =	vperm.xlane v36, v39;
	v39 =	vmul.f32 v12, v53  }
0x1a3: {  	v49 =	vmul.f32 v19, v53;
	v31 =	vadd.f32 v47, v31;
	v47 =	vmul.f32 v21, v51  }
0x1a4: {  	v53 =	vmul.f32 v12, v51;
	v34 =	vadd.f32 v37, v34;
	v37 =	vmul.f32 v21, v48  }
0x1a5: {  	v7 =	vadd.f32 v50, v7;
	v35 =	vadd.f32 v49, v35;
	v49 =	vmul.f32 v20, v51  }
0x1a6: {  	v50 =	vmul.f32 v12, v48;
	v21 =	vmov s15;
	v38 =	vadd.f32 v39, v38  }
0x1a7: {  	v13 =	vadd.f32 v42, v13;
	v51 =	vmul.f32 v19, v48;
	v21 =	vand.u32 $0xF, v21;
	v12 =	vld [tilespmem:s11+$0xFFFFFFD0]  }
0x1a8: {  	v28 =	vadd.f32 v50, v28;
	v39 =	vbroadcast v21, $0x0;
	v15 =	vadd.f32 v47, v15;
	v19 =	vld [tilespmem:s11+$0xFFFFFFE0]  }
.Ltmp8:
0x1a9: {  	v54 =	vmul.f32 v20, v48;
	v26 =	vadd.f32 v37, v26;
	v16 =	vadd.f32 v49, v16;
	v21 =	vld [tilespmem:s11+$0xFFFFFFF0];
	(pc) =	sbr.rel @p2 .LBB2_16-.Ltmp8, $4  }
0x1aa: {  	v30 =	vadd.f32 v51, v30;
	v50 =	vperm.xlane v40, v39;
	v37 =	vperm.xlane v44, v39;
	v20 =	vld [tilespmem:s11+$0x0]  }
0x1ab: {  	v24 =	vadd.f32 v52, v24;
	v49 =	vperm.xlane v41, v39;
	v42 =	vperm.xlane v45, v39  }
0x1ac: {  	v25 =	vadd.f32 v53, v25;
	v48 =	vperm.xlane v43, v39;
	v52 =	vmul.f32 v12, v50  }
0x1ad: {  	v32 =	vadd.f32 v54, v32;
	v51 =	vmul.f32 v12, v49;
	v47 =	vmul.f32 v19, v37  }
0x1ae: {  	v17 =	vadd.f32 v52, v17;
	s6 =	sshll.u32 s6, $0xA  }
0x1af: {  	v40 =	vmul.f32 v19, v50;
	s6 =	sand.u32 $0x3FFFFC00, s6;
	v11 =	vadd.f32 v51, v11  }
0x1b0: {  	v41 =	vmul.f32 v21, v50;
	v43 =	vperm.xlane v46, v39;
	v1 =	vadd.f32 v47, v1;
	[tilespmem:s6+$0x7800] =	vst v17  }
0x1b1: {  	v44 =	vmul.f32 v20, v50;
	v22 =	vadd.f32 v40, v22;
	[tilespmem:s6+$0x7900] =	vst v11  }
0x1b2: {  	v23 =	vadd.f32 v41, v23;
	v63 =	vmul.f32 v12, v43;
	[tilespmem:s6+$0x7B90] =	vst v1  }
0x1b3: {  	v17 =	vadd.f32 v44, v29;
	v29 =	vmul.f32 v19, v43;
	[tilespmem:s6+$0x7810] =	vst v22  }
0x1b4: {  	v11 =	vmul.f32 v19, v48;
	v38 =	vadd.f32 v63, v38;
	[tilespmem:s6+$0x7820] =	vst v23  }
0x1b5: {  	v22 =	vmul.f32 v21, v43;
	v29 =	vadd.f32 v29, v35;
	[tilespmem:s6+$0x7830] =	vst v17  }
0x1b6: {  	v23 =	vmul.f32 v20, v43;
	v6 =	vadd.f32 v11, v6;
	[tilespmem:s6+$0x7880] =	vst v38  }
0x1b7: {  	v17 =	vadd.f32 v22, v34;
	v22 =	vmul.f32 v19, v49;
	[tilespmem:s6+$0x7890] =	vst v29  }
0x1b8: {  	v23 =	vadd.f32 v23, v31;
	v29 =	vmul.f32 v21, v49;
	[tilespmem:s6+$0x7990] =	vst v6  }
0x1b9: {  	[tilespmem:s6+$0x78A0] =	vst v17;
	v17 =	vmul.f32 v20, v49;
	v22 =	vadd.f32 v22, v27  }
0x1ba: {  	[tilespmem:s6+$0x78B0] =	vst v23;
	v23 =	vmul.f32 v12, v48;
	v9 =	vadd.f32 v29, v9  }
0x1bb: {  	v8 =	vadd.f32 v17, v8;
	[tilespmem:s6+$0x7910] =	vst v22;
	v17 =	vmul.f32 v21, v48;
	v22 =	vperm.xlane v36, v39  }
0x1bc: {  	v18 =	vadd.f32 v23, v18;
	[tilespmem:s6+$0x7920] =	vst v9;
	v9 =	vmul.f32 v20, v48  }
0x1bd: {  	[tilespmem:s6+$0x7930] =	vst v8;
	v8 =	vadd.f32 v17, v14;
	v11 =	vmul.f32 v12, v22  }
0x1be: {  	[tilespmem:s6+$0x7980] =	vst v18;
	v14 =	vmul.f32 v21, v22;
	v9 =	vadd.f32 v9, v10  }
0x1bf: {  	v6 =	vperm.xlane v33, v39;
	v10 =	vmul.f32 v19, v22;
	v11 =	vadd.f32 v11, v28;
	[tilespmem:s6+$0x79A0] =	vst v8  }
0x1c0: {  	v8 =	vmul.f32 v20, v22;
	v14 =	vadd.f32 v14, v26;
	[tilespmem:s6+$0x79B0] =	vst v9  }
0x1c1: {  	v10 =	vadd.f32 v10, v30;
	v9 =	vmul.f32 v12, v6;
	[tilespmem:s6+$0x7A00] =	vst v11  }
0x1c2: {  	v11 =	vmul.f32 v19, v6;
	v8 =	vadd.f32 v8, v32;
	[tilespmem:s6+$0x7A20] =	vst v14  }
0x1c3: {  	[tilespmem:s6+$0x7A10] =	vst v10;
	v10 =	vmul.f32 v21, v6;
	v9 =	vadd.f32 v9, v25  }
0x1c4: {  	v6 =	vmul.f32 v20, v6;
	v11 =	vadd.f32 v11, v24;
	[tilespmem:s6+$0x7A30] =	vst v8  }
0x1c5: {  	v8 =	vmul.f32 v12, v42;
	v10 =	vadd.f32 v10, v15;
	[tilespmem:s6+$0x7A80] =	vst v9  }
0x1c6: {  	v9 =	vmul.f32 v19, v42;
	v6 =	vadd.f32 v6, v16;
	[tilespmem:s6+$0x7A90] =	vst v11  }
0x1c7: {  	v11 =	vmul.f32 v21, v42;
	v8 =	vadd.f32 v8, v13;
	[tilespmem:s6+$0x7AA0] =	vst v10  }
0x1c8: {  	v4 =	vadd.f32 v9, v4;
	v9 =	vmul.f32 v20, v42;
	[tilespmem:s6+$0x7AB0] =	vst v6  }
0x1c9: {  	v6 =	vmul.f32 v12, v37;
	v7 =	vadd.f32 v11, v7;
	[tilespmem:s6+$0x7B00] =	vst v8  }
0x1ca: {  	v5 =	vadd.f32 v9, v5;
	[tilespmem:s6+$0x7B10] =	vst v4;
	v4 =	vmul.f32 v21, v37  }
0x1cb: {  	v2 =	vadd.f32 v6, v2;
	v6 =	vmul.f32 v20, v37;
	[tilespmem:s6+$0x7B20] =	vst v7  }
0x1cc: {  	[tilespmem:s6+$0x7B30] =	vst v5;
	v3 =	vadd.f32 v4, v3  }
0x1cd: {  	v41 =	vimm.f32 $0.0e+00;
	[tilespmem:s6+$0x7B80] =	vst v2;
	v0 =	vadd.f32 v6, v0  }
0x1ce: {  	v40 =	vimm.f32 $0.0e+00;
	v43 =	vimm.f32 $0.0e+00;
	v35 =	vimm.f32 $0.0e+00;
	[tilespmem:s6+$0x7BA0] =	vst v3  }
0x1cf: {  	v38 =	vimm.f32 $0.0e+00;
	v34 =	vimm.f32 $0.0e+00;
	v33 =	vimm.f32 $0.0e+00;
	[tilespmem:s6+$0x7BB0] =	vst v0  }
0x1d0: {  	v29 =	vimm.f32 $0.0e+00;
	v23 =	vimm.f32 $0.0e+00;
	v39 =	vimm.f32 $0.0e+00;
	v0 =	vld [tilespmem:s7+$0x6C00]  }
0x1d1: {  	v36 =	vimm.f32 $0.0e+00;
	v18 =	vimm.f32 $0.0e+00;
	v17 =	vimm.f32 $0.0e+00;
	v1 =	vld [tilespmem:s7+$0x6D00]  }
0x1d2: {  	v28 =	vimm.f32 $0.0e+00;
	v26 =	vimm.f32 $0.0e+00;
	v22 =	vimm.f32 $0.0e+00;
	v2 =	vld [tilespmem:s7+$0x6D80]  }
0x1d3: {  	s13 =	simm.s32 $0x0;
	v30 =	vimm.f32 $0.0e+00;
	v14 =	vimm.f32 $0.0e+00;
	v32 =	vimm.f32 $0.0e+00;
	v6 =	vld [tilespmem:s7+$0x6F80]  }
0x1d4: {  	s11 =	sadd.s32 $0x4870, s19;
	v25 =	vimm.f32 $0.0e+00;
	v24 =	vimm.f32 $0.0e+00;
	v3 =	vmov s13;
	v8 =	vld [tilespmem:s7+$0x6F00]  }
0x1d5: {  	v15 =	vimm.f32 $0.0e+00;
	v19 =	vimm.f32 $0.0e+00;
	v3 =	vand.u32 $0xF, v3;
	v13 =	vld [tilespmem:s11+$0xFFFFFFD0]  }
0x1d6: {  	v10 =	vimm.f32 $0.0e+00;
	v11 =	vimm.f32 $0.0e+00;
	v12 =	vld [tilespmem:s11+$0xFFFFFFE0];
	v27 =	vbroadcast v3, $0x0  }
0x1d7: {  	v9 =	vimm.f32 $0.0e+00;
	v21 =	vimm.f32 $0.0e+00;
	v20 =	vimm.f32 $0.0e+00;
	v42 =	vld [tilespmem:s7+$0x6C80]  }
0x1d8: {  	v7 =	vimm.f32 $0.0e+00;
	v45 =	vld [tilespmem:s11+$0xFFFFFFF0];
	v50 =	vperm.xlane v0, v27;
	v47 =	vperm.xlane v6, v27  }
0x1d9: {  	v4 =	vimm.f32 $0.0e+00;
	v31 =	vld [tilespmem:s11+$0x0];
	v49 =	vperm.xlane v1, v27;
	v46 =	vperm.xlane v8, v27  }
0x1da: {  	v5 =	vimm.f32 $0.0e+00;
	v37 =	vld [tilespmem:s7+$0x6E00];
	v48 =	vperm.xlane v2, v27;
	v16 =	vmul.f32 v13, v50  }
0x1db: {  	v44 =	vld [tilespmem:s7+$0x6E80];
	s7 =	simm.s32 $0x1;
	v3 =	vimm.f32 $0.0e+00;
	v52 =	vmul.f32 v13, v49;
	v51 =	vmul.f32 v12, v47  }
.LBB2_18:
0x1dc: {  	p2 =	sne.s32 s7, $0xF  }
0x1dd: {  	v11 =	vadd.f32 v16, v11;
	v16 =	vmul.f32 v12, v50;
	v53 =	vmul.f32 v45, v49;
	s11 =	sadd.s32 $0x80, s11;
	s13 =	smov.u32 s7;
	s7 =	sadd.s32 $0x1, s7  }
0x1de: {  	v54 =	vmul.f32 v13, v47;
	v43 =	vadd.f32 v52, v43;
	v52 =	vmul.f32 v31, v49  }
0x1df: {  	v55 =	vmul.f32 v45, v50;
	v9 =	vadd.f32 v53, v9;
	v53 =	vmul.f32 v12, v48  }
0x1e0: {  	v56 =	vmul.f32 v31, v47;
	v41 =	vadd.f32 v52, v41;
	v52 =	vmul.f32 v31, v48  }
0x1e1: {  	v50 =	vmul.f32 v31, v50;
	v39 =	vadd.f32 v51, v39;
	v23 =	vadd.f32 v53, v23  }
0x1e2: {  	v40 =	vadd.f32 v16, v40;
	v16 =	vmul.f32 v45, v48;
	v25 =	vadd.f32 v56, v25  }
0x1e3: {  	v51 =	vmul.f32 v12, v46;
	v38 =	vadd.f32 v55, v38;
	v29 =	vadd.f32 v54, v29  }
0x1e4: {  	v49 =	vmul.f32 v12, v49;
	v53 =	vperm.xlane v42, v27;
	v10 =	vadd.f32 v52, v10  }
0x1e5: {  	v47 =	vmul.f32 v45, v47;
	v18 =	vadd.f32 v50, v18;
	v52 =	vperm.xlane v44, v27  }
0x1e6: {  	v48 =	vmul.f32 v13, v48;
	v4 =	vadd.f32 v51, v4;
	v50 =	vmul.f32 v45, v46  }
0x1e7: {  	v54 =	vmul.f32 v31, v46;
	v3 =	vadd.f32 v47, v3;
	v51 =	vmul.f32 v12, v52  }
0x1e8: {  	v14 =	vadd.f32 v16, v14;
	v16 =	vmul.f32 v13, v46;
	v47 =	vmul.f32 v45, v53  }
0x1e9: {  	v36 =	vadd.f32 v54, v36;
	v5 =	vadd.f32 v48, v5;
	v46 =	vmul.f32 v31, v53  }
0x1ea: {  	v35 =	vadd.f32 v49, v35;
	v48 =	vperm.xlane v37, v27;
	v27 =	vmul.f32 v13, v53  }
0x1eb: {  	v49 =	vmul.f32 v12, v53;
	v33 =	vadd.f32 v46, v33;
	v46 =	vmul.f32 v45, v52  }
0x1ec: {  	v53 =	vmul.f32 v13, v52;
	v34 =	vadd.f32 v47, v34;
	v47 =	vmul.f32 v45, v48  }
0x1ed: {  	v7 =	vadd.f32 v50, v7;
	v32 =	vadd.f32 v49, v32;
	v49 =	vmul.f32 v31, v52  }
0x1ee: {  	v50 =	vmul.f32 v13, v48;
	v45 =	vmov s13;
	v30 =	vadd.f32 v27, v30  }
0x1ef: {  	v28 =	vadd.f32 v16, v28;
	v52 =	vmul.f32 v12, v48;
	v27 =	vand.u32 $0xF, v45;
	v13 =	vld [tilespmem:s11+$0xFFFFFFD0]  }
0x1f0: {  	v15 =	vadd.f32 v50, v15;
	v27 =	vbroadcast v27, $0x0;
	v19 =	vadd.f32 v46, v19;
	v12 =	vld [tilespmem:s11+$0xFFFFFFE0]  }
.Ltmp9:
0x1f1: {  	v54 =	vmul.f32 v31, v48;
	v26 =	vadd.f32 v47, v26;
	v17 =	vadd.f32 v49, v17;
	v45 =	vld [tilespmem:s11+$0xFFFFFFF0];
	(pc) =	sbr.rel @p2 .LBB2_18-.Ltmp9, $4  }
0x1f2: {  	v24 =	vadd.f32 v52, v24;
	v50 =	vperm.xlane v0, v27;
	v47 =	vperm.xlane v6, v27;
	v31 =	vld [tilespmem:s11+$0x0]  }
0x1f3: {  	v22 =	vadd.f32 v51, v22;
	v49 =	vperm.xlane v1, v27;
	v46 =	vperm.xlane v8, v27  }
0x1f4: {  	v21 =	vadd.f32 v53, v21;
	v48 =	vperm.xlane v2, v27;
	v16 =	vmul.f32 v13, v50  }
0x1f5: {  	v20 =	vadd.f32 v54, v20;
	v52 =	vmul.f32 v13, v49;
	v51 =	vmul.f32 v12, v47  }
0x1f6: {  	v0 =	vmul.f32 v12, v50  }
0x1f7: {  	v1 =	vmul.f32 v45, v49;
	v62 =	vmul.f32 v13, v47  }
0x1f8: {  	v63 =	vmul.f32 v45, v50;
	v57 =	vmul.f32 v45, v48  }
0x1f9: {  	v58 =	vmul.f32 v12, v46;
	v59 =	vperm.xlane v42, v27  }
0x1fa: {  	v60 =	vmul.f32 v12, v49;
	v44 =	vperm.xlane v44, v27  }
0x1fb: {  	v16 =	vadd.f32 v16, v11;
	v61 =	vmul.f32 v13, v48;
	v53 =	vmul.f32 v13, v46  }
0x1fc: {  	v11 =	vadd.f32 v52, v43;
	v2 =	vmul.f32 v31, v49;
	v55 =	vmul.f32 v31, v48  }
0x1fd: {  	v56 =	vmul.f32 v31, v50;
	v9 =	vadd.f32 v1, v9;
	v1 =	vmul.f32 v12, v48  }
0x1fe: {  	v4 =	vadd.f32 v58, v4;
	v52 =	vmul.f32 v45, v59;
	v14 =	vadd.f32 v57, v14  }
0x1ff: {  	v54 =	vmul.f32 v31, v59;
	v57 =	vmul.f32 v12, v59;
	v8 =	vadd.f32 v2, v41  }
0x200: {  	v10 =	vadd.f32 v55, v10;
	v55 =	vperm.xlane v37, v27;
	v27 =	vadd.f32 v60, v35  }
0x201: {  	v2 =	vmul.f32 v31, v47;
	v6 =	vadd.f32 v1, v23;
	v1 =	vadd.f32 v51, v39  }
0x202: {  	v58 =	vmul.f32 v45, v44;
	v23 =	vadd.f32 v0, v40;
	v33 =	vadd.f32 v54, v33  }
0x203: {  	v60 =	vmul.f32 v13, v44;
	v34 =	vadd.f32 v52, v34;
	v0 =	vadd.f32 v2, v25  }
0x204: {  	v2 =	vadd.f32 v62, v29;
	v29 =	vadd.f32 v56, v18;
	v18 =	vmul.f32 v45, v47  }
0x205: {  	v43 =	vld [tilespmem:s8+$0x6D80];
	v35 =	vadd.f32 v57, v32;
	v62 =	vmul.f32 v45, v46;
	v47 =	vmul.f32 v12, v44  }
0x206: {  	v41 =	vld [tilespmem:s8+$0x6D00];
	v25 =	vadd.f32 v63, v38;
	v63 =	vmul.f32 v31, v46;
	v56 =	vmul.f32 v13, v59  }
0x207: {  	v39 =	vld [tilespmem:s8+$0x6C00];
	v59 =	vmul.f32 v45, v55;
	v3 =	vadd.f32 v18, v3;
	v18 =	vadd.f32 v61, v5  }
0x208: {  	s11 =	simm.s32 $0x0;
	v45 =	vld [tilespmem:s8+$0x6F00];
	v5 =	vadd.f32 v63, v36;
	v61 =	vmul.f32 v31, v44;
	v7 =	vadd.f32 v62, v7  }
0x209: {  	s7 =	sadd.s32 $0x5070, s19;
	v44 =	vld [tilespmem:s8+$0x6F80];
	v38 =	vadd.f32 v56, v30;
	v30 =	vmul.f32 v13, v55;
	v62 =	vmov s11  }
0x20a: {  	v63 =	vmul.f32 v12, v55;
	v13 =	vadd.f32 v53, v28;
	v12 =	vld [tilespmem:s7+$0xFFFFFFD0];
	v37 =	vand.u32 $0xF, v62  }
0x20b: {  	v28 =	vadd.f32 v30, v15;
	v15 =	vadd.f32 v58, v19;
	v40 =	vbroadcast v37, $0x0;
	v19 =	vld [tilespmem:s7+$0xFFFFFFE0]  }
0x20c: {  	v32 =	vld [tilespmem:s8+$0x6E80];
	v26 =	vadd.f32 v59, v26;
	v31 =	vmul.f32 v31, v55;
	v30 =	vadd.f32 v63, v24  }
0x20d: {  	v24 =	vadd.f32 v60, v21;
	v21 =	vld [tilespmem:s7+$0xFFFFFFF0];
	v50 =	vperm.xlane v39, v40;
	v49 =	vperm.xlane v41, v40  }
0x20e: {  	v31 =	vadd.f32 v31, v20;
	v20 =	vld [tilespmem:s7+$0x0];
	v42 =	vperm.xlane v45, v40;
	v37 =	vperm.xlane v44, v40  }
0x20f: {  	v46 =	vld [tilespmem:s8+$0x6C80];
	v22 =	vadd.f32 v47, v22;
	v48 =	vperm.xlane v43, v40;
	v52 =	vmul.f32 v12, v50  }
0x210: {  	v36 =	vld [tilespmem:s8+$0x6E00];
	s8 =	simm.s32 $0x1;
	v17 =	vadd.f32 v61, v17;
	v51 =	vmul.f32 v12, v49;
	v47 =	vmul.f32 v19, v37  }
.LBB2_20:
0x211: {  	p2 =	sne.s32 s8, $0xF  }
0x212: {  	v16 =	vadd.f32 v52, v16;
	v52 =	vmul.f32 v19, v50;
	v53 =	vmul.f32 v21, v49;
	s7 =	sadd.s32 $0x80, s7;
	s11 =	smov.u32 s8;
	s8 =	sadd.s32 $0x1, s8  }
0x213: {  	v54 =	vmul.f32 v12, v37;
	v11 =	vadd.f32 v51, v11;
	v51 =	vmul.f32 v20, v49  }
0x214: {  	v55 =	vmul.f32 v21, v50;
	v9 =	vadd.f32 v53, v9;
	v53 =	vmul.f32 v19, v48  }
0x215: {  	v56 =	vmul.f32 v20, v37;
	v8 =	vadd.f32 v51, v8;
	v51 =	vmul.f32 v20, v48  }
0x216: {  	v50 =	vmul.f32 v20, v50;
	v1 =	vadd.f32 v47, v1;
	v6 =	vadd.f32 v53, v6  }
0x217: {  	v47 =	vmul.f32 v21, v48;
	v23 =	vadd.f32 v52, v23;
	v0 =	vadd.f32 v56, v0  }
0x218: {  	v25 =	vadd.f32 v55, v25;
	v52 =	vmul.f32 v19, v42;
	v2 =	vadd.f32 v54, v2  }
0x219: {  	v49 =	vmul.f32 v19, v49;
	v53 =	vperm.xlane v46, v40;
	v10 =	vadd.f32 v51, v10  }
0x21a: {  	v37 =	vmul.f32 v21, v37;
	v29 =	vadd.f32 v50, v29;
	v51 =	vperm.xlane v32, v40  }
0x21b: {  	v48 =	vmul.f32 v12, v48;
	v50 =	vmul.f32 v21, v42;
	v4 =	vadd.f32 v52, v4  }
0x21c: {  	v54 =	vmul.f32 v20, v42;
	v3 =	vadd.f32 v37, v3;
	v52 =	vmul.f32 v19, v51  }
0x21d: {  	v14 =	vadd.f32 v47, v14;
	v42 =	vmul.f32 v12, v42;
	v37 =	vmul.f32 v21, v53  }
0x21e: {  	v5 =	vadd.f32 v54, v5;
	v18 =	vadd.f32 v48, v18;
	v47 =	vmul.f32 v20, v53  }
0x21f: {  	v27 =	vadd.f32 v49, v27;
	v48 =	vperm.xlane v36, v40;
	v40 =	vmul.f32 v12, v53  }
0x220: {  	v49 =	vmul.f32 v19, v53;
	v33 =	vadd.f32 v47, v33;
	v47 =	vmul.f32 v21, v51  }
0x221: {  	v53 =	vmul.f32 v12, v51;
	v34 =	vadd.f32 v37, v34;
	v37 =	vmul.f32 v21, v48  }
0x222: {  	v7 =	vadd.f32 v50, v7;
	v35 =	vadd.f32 v49, v35;
	v49 =	vmul.f32 v20, v51  }
0x223: {  	v50 =	vmul.f32 v12, v48;
	v21 =	vmov s11;
	v38 =	vadd.f32 v40, v38  }
0x224: {  	v13 =	vadd.f32 v42, v13;
	v51 =	vmul.f32 v19, v48;
	v21 =	vand.u32 $0xF, v21;
	v12 =	vld [tilespmem:s7+$0xFFFFFFD0]  }
0x225: {  	v28 =	vadd.f32 v50, v28;
	v40 =	vbroadcast v21, $0x0;
	v15 =	vadd.f32 v47, v15;
	v19 =	vld [tilespmem:s7+$0xFFFFFFE0]  }
.Ltmp10:
0x226: {  	v54 =	vmul.f32 v20, v48;
	v26 =	vadd.f32 v37, v26;
	v17 =	vadd.f32 v49, v17;
	v21 =	vld [tilespmem:s7+$0xFFFFFFF0];
	(pc) =	sbr.rel @p2 .LBB2_20-.Ltmp10, $4  }
0x227: {  	v30 =	vadd.f32 v51, v30;
	v50 =	vperm.xlane v39, v40;
	v37 =	vperm.xlane v44, v40;
	v20 =	vld [tilespmem:s7+$0x0]  }
0x228: {  	v22 =	vadd.f32 v52, v22;
	v49 =	vperm.xlane v41, v40;
	v42 =	vperm.xlane v45, v40  }
0x229: {  	v24 =	vadd.f32 v53, v24;
	v48 =	vperm.xlane v43, v40;
	v52 =	vmul.f32 v12, v50  }
0x22a: {  	v31 =	vadd.f32 v54, v31;
	v51 =	vmul.f32 v12, v49;
	v47 =	vmul.f32 v19, v37  }
0x22b: {  	v16 =	vadd.f32 v52, v16  }
0x22c: {  	v39 =	vmul.f32 v19, v50;
	v11 =	vadd.f32 v51, v11  }
0x22d: {  	v41 =	vmul.f32 v21, v50;
	v1 =	vadd.f32 v47, v1;
	[tilespmem:s6+$0x7840] =	vst v16  }
0x22e: {  	v43 =	vperm.xlane v46, v40;
	v58 =	vmul.f32 v19, v42;
	v23 =	vadd.f32 v39, v23;
	[tilespmem:s6+$0x7940] =	vst v11  }
0x22f: {  	v44 =	vmul.f32 v20, v50;
	v25 =	vadd.f32 v41, v25;
	[tilespmem:s6+$0x7BD0] =	vst v1  }
0x230: {  	v59 =	vmul.f32 v12, v43;
	v4 =	vadd.f32 v58, v4;
	[tilespmem:s6+$0x7850] =	vst v23  }
0x231: {  	v61 =	vmul.f32 v19, v43;
	v60 =	vadd.f32 v44, v29;
	[tilespmem:s6+$0x7860] =	vst v25  }
0x232: {  	v62 =	vmul.f32 v21, v43;
	v38 =	vadd.f32 v59, v38;
	[tilespmem:s6+$0x7B50] =	vst v4  }
0x233: {  	v63 =	vmul.f32 v20, v43;
	v29 =	vadd.f32 v61, v35;
	[tilespmem:s6+$0x7870] =	vst v60  }
0x234: {  	v39 =	vmul.f32 v20, v49;
	v34 =	vadd.f32 v62, v34;
	[tilespmem:s6+$0x78C0] =	vst v38  }
0x235: {  	v41 =	vmul.f32 v12, v48;
	v25 =	vadd.f32 v63, v33;
	[tilespmem:s6+$0x78D0] =	vst v29  }
0x236: {  	v45 =	vperm.xlane v36, v40;
	v43 =	vmul.f32 v19, v48;
	v8 =	vadd.f32 v39, v8;
	[tilespmem:s6+$0x78E0] =	vst v34  }
0x237: {  	v44 =	vmul.f32 v21, v48;
	v18 =	vadd.f32 v41, v18;
	[tilespmem:s6+$0x78F0] =	vst v25  }
0x238: {  	v52 =	vmul.f32 v21, v45;
	v6 =	vadd.f32 v43, v6;
	[tilespmem:s6+$0x7970] =	vst v8  }
0x239: {  	v46 =	vmul.f32 v20, v48;
	v35 =	vmul.f32 v19, v49;
	v48 =	vadd.f32 v44, v14;
	[tilespmem:s6+$0x79C0] =	vst v18  }
0x23a: {  	v53 =	vmul.f32 v20, v45;
	v14 =	vadd.f32 v52, v26;
	[tilespmem:s6+$0x79D0] =	vst v6  }
0x23b: {  	v59 =	vmul.f32 v21, v42;
	v23 =	vadd.f32 v35, v27;
	[tilespmem:s6+$0x79E0] =	vst v48  }
0x23c: {  	v61 =	vmul.f32 v12, v37;
	v8 =	vadd.f32 v53, v31;
	[tilespmem:s6+$0x7A60] =	vst v14  }
0x23d: {  	v62 =	vmul.f32 v21, v37;
	v7 =	vadd.f32 v59, v7;
	[tilespmem:s6+$0x7950] =	vst v23  }
0x23e: {  	v63 =	vmul.f32 v20, v37;
	v2 =	vadd.f32 v61, v2;
	[tilespmem:s6+$0x7A70] =	vst v8  }
0x23f: {  	v60 =	vmul.f32 v20, v42;
	v3 =	vadd.f32 v62, v3;
	[tilespmem:s6+$0x7B60] =	vst v7  }
0x240: {  	v51 =	vperm.xlane v32, v40;
	v38 =	vmul.f32 v21, v49;
	v0 =	vadd.f32 v63, v0;
	[tilespmem:s6+$0x7BC0] =	vst v2  }
0x241: {  	v49 =	vmul.f32 v12, v45;
	v5 =	vadd.f32 v60, v5;
	[tilespmem:s6+$0x7BE0] =	vst v3  }
0x242: {  	v6 =	vmul.f32 v20, v51;
	v9 =	vadd.f32 v38, v9;
	[tilespmem:s6+$0x7BF0] =	vst v0  }
0x243: {  	v57 =	vmul.f32 v12, v42;
	v11 =	vadd.f32 v49, v28;
	[tilespmem:s6+$0x7B70] =	vst v5  }
0x244: {  	v6 =	vadd.f32 v6, v17;
	[tilespmem:s6+$0x7960] =	vst v9  }
0x245: {  	v50 =	vmul.f32 v19, v45;
	v8 =	vadd.f32 v57, v13;
	[tilespmem:s6+$0x7A40] =	vst v11  }
0x246: {  	v55 =	vmul.f32 v19, v51;
	v9 =	vadd.f32 v46, v10;
	[tilespmem:s6+$0x7AF0] =	vst v6  }
0x247: {  	v54 =	vmul.f32 v12, v51;
	v10 =	vadd.f32 v50, v30;
	[tilespmem:s6+$0x7B40] =	vst v8  }
.Ltmp11:
0x248: {  	v56 =	vmul.f32 v21, v51;
	v11 =	vadd.f32 v55, v22;
	[tilespmem:s6+$0x79F0] =	vst v9;
	(pc) =	sbr.rel @p1 .LBB2_13-.Ltmp11, $4  }
0x249: {  	[tilespmem:s6+$0x7A50] =	vst v10;
	v9 =	vadd.f32 v54, v24  }
0x24a: {  	v10 =	vadd.f32 v56, v15;
	[tilespmem:s6+$0x7AD0] =	vst v11  }
0x24b: {  	[tilespmem:s6+$0x7AC0] =	vst v9  }
0x24c: {  	p2 =	por $0x0, $0x0;
	[tilespmem:s6+$0x7AE0] =	vst v10;
	s6 =	simm.s32 $0x1  }
.Ltmp12:
0x24d: {  	(pc) =	sbr.rel @p0 .LBB2_24-.Ltmp12, $4  }
0x24e: {  	_ = 	snop  }
0x24f: {  	s6 =	sshll.u32 s0, $0x9  }
0x250: {  	s6 =	sadd.s32 s14, s6  }
0x251: {  	[hbm4b:s6+s3] =	stream.linear.scatter [tilespmem:s28], [sflag:$0x6], $0x800, $0x38;
	[tilespmem:$0x1C000] =	vst v63  }
0x252: {  	s1 =	sadd.s32 $0x3, s1  }
0x253: {  	s6 =	sshll.u32 s1, $0x6;
	s1 =	sadd.s32 s9, s1  }
.Ltmp13:
0x254: {  	s6 =	sand.u32 $0x3FFFFFC0, s6;
	s1 =	sshll.u32 s1, $0x7;
	(pc) =	sbr.rel .LBB2_2-.Ltmp13, $4  }
0x255: {  	[tilespmem:s20], [sflag:$0x2] =	stream.indirect.gather [spmem:s2], $0x80, s6, s17, $0xb8;
	[tilespmem:$0x1C000] =	vst v63  }
0x256: {  	s1 =	sand.u32 $0x1FFFFF80, s1  }
0x257: {  	s0 =	sadd.s32 $0x1, s0;
	s1 =	sadd.s32 s4, s1  }
0x258: {  	[tilespmem:s21], [sflag:$0x4] =	stream.linear.gather [hbm4b:s1+s3], $0x400, $0x38;
	[tilespmem:$0x1C000] =	vst v63  }
.LBB2_25:
0x259: {  	_ =	sfence.sel $0x180000  }
0x25a: {  	[bflag:$0x0] =	sbarrier.arrive $0xFFFF  }
0x25b: {  	_ =	strace $0x90000047  }
0x25c: {  	s0 =	stileid.u32;
	[bflag:$0x2] =	sbarrier.arrive $0xFFFF  }
0x25d: {  	p0 =	sne.s32 s0, $0x0;
	s0 =	rddreg [dreg:$0x3]  }
0x25e: {  	s0 =	sadd.s32 @!p0 $0x100000, s0  }
0x25f: {  	[sflag:s0] =	ssyncadd.tile.s32 @!p0 $0x1;
	_ =	shalt  }
.Lfunc_end2:
_tile_overlayer_lowered:
.L_overlay_start_2:
0x260: {  	(tag) =	ssettag $0x2  }
0x261: {  	s0 =	rddreg [dreg:$0x0];
	s2 =	stileid.u32  }
0x262: {  	s1 =	rddreg [dreg:$0x1];
	p0 =	sne.s32 s2, $0x0  }
0x263: {  	s3 =	rddreg [dreg:$0x2];
	[bflag:$0x3] =	sbarrier.arrive $0xFFFF;
	s2 =	simm.s32 @!p0 $0x1C07  }
0x264: {  	[timem:s3], [sflag:s2] =	dma.local @!p0 [hbm:s0], s1  }
0x265: {  	s0 =	simm.s32 @!p0 $0x7  }
0x266: {  	_ =	swait.ge @!p0 [sflag:s0], s1  }
0x267: {  	s1 =	ssub.s32 @!p0 $0x0, s1;
	[sflag:s0] =	ssyncset.done @!p0 $0x0  }
0x268: {  	[sflag:s0] =	ssyncadd.s32 @!p0 s1  }
0x269: {  	[bflag:$0x3] =	sbarrier.arrive $0xFFFF  }
0x26a: {  	_ =	shalt  }

</sc_bundles>
